<compile_context>
chip_gen: v7x
topology: tpu7x:2x2x1
jax: 0.10.2.dev20260603
libtpu: 0.0.44.dev20260713+nightly
codegen_flags: <defaults>
</compile_context>

<pallas_src>
import functools

import jax
import jax.numpy as jnp
from jax import lax
from jax.experimental import pallas as pl
from jax.experimental.pallas import tpu as pltpu
from jax.experimental.pallas import tpu_sc as plsc

N = 10000
E = 320000
D = 128
H = D // 2
P = 2500

NT = 16
EPT = 20480
CH = 128
NCH = EPT // CH
AGG_ROWS = 10240
EPAD = NT * EPT - E

PW = 16
PPW = N // PW
PCH = 125
PNCH = PPW // PCH
PACC_ROWS = 2560


def _zero_fill(ref, nrows, ncols):
    z = jnp.zeros((16,), jnp.float32)

    def body(k, _):
        for j in range(ncols // 16):
            ref[k, pl.ds(j * 16, 16)] = z
        return 0

    lax.fori_loop(0, nrows, body, 0, unroll=2)


def _make_spmm(with_deg):
    mesh = plsc.VectorSubcoreMesh(core_axis_name="c", subcore_axis_name="s")
    out_type = [jax.ShapeDtypeStruct((N, H), jnp.float32),
                jax.ShapeDtypeStruct((N, H), jnp.float32)]
    if with_deg:
        out_type.append(jax.ShapeDtypeStruct((N, 16), jnp.float32))
    scratch = [
        pltpu.VMEM((NCH, CH), jnp.int32),
        pltpu.VMEM((NCH, CH), jnp.int32),
        pltpu.VMEM((2, CH, 16), jnp.float32),
        pltpu.VMEM((2, CH, H), jnp.float32),
        pltpu.VMEM((CH, 16), jnp.float32),
        pltpu.VMEM_SHARED((AGG_ROWS, H), jnp.float32),
        pltpu.VMEM_SHARED((AGG_ROWS, 16), jnp.float32),
        pltpu.SemaphoreType.DMA,
        pltpu.SemaphoreType.DMA,
    ]

    def body(x_lo, x_hi, dst3, src3, adj16, *rest):
        if with_deg:
            agg_lo, agg_hi, deg_o = rest[:3]
            rest = rest[3:]
        else:
            agg_lo, agg_hi = rest[:2]
            rest = rest[2:]
        (dst_v, src_v, adj_v, rows_v, ones_v, agg_sh, deg_sh,
         sem0, sem1) = rest
        sems = (sem0, sem1)
        xs = (x_lo, x_hi)
        outs = (agg_lo, agg_hi)

        c = lax.axis_index("c")
        s = lax.axis_index("s")

        pltpu.sync_copy(dst3.at[s], dst_v)
        pltpu.sync_copy(src3.at[s], src_v)

        _zero_fill(rows_v.at[0], CH, H)
        rows0 = AGG_ROWS // NT
        for k in range(rows0 // CH):
            pltpu.sync_copy(rows_v.at[0],
                            agg_sh.at[pl.ds(s * rows0 + k * CH, CH)])
        if with_deg:
            @pl.when(c == 0)
            def _():
                _zero_fill(ones_v, CH, 16)
                for k in range(rows0 // CH):
                    pltpu.sync_copy(
                        ones_v, deg_sh.at[pl.ds(s * rows0 + k * CH, CH)])
                one = jnp.ones((16,), jnp.float32)

                def ones_body(k, _):
                    ones_v[k, pl.ds(0, 16)] = one
                    return 0

                lax.fori_loop(0, CH, ones_body, 0, unroll=4)

        plsc.subcore_barrier()

        for cc in range(2):
            @pl.when(c == cc)
            def _(cc=cc):
                x_hbm = xs[cc]
                tile_deg = with_deg and cc == 0

                def start_gather(ch, b):
                    pltpu.async_copy(x_hbm.at[dst_v.at[ch]], rows_v.at[b],
                                     sems[b])
                    pltpu.async_copy(adj16.at[s, ch], adj_v.at[b], sems[b])

                def wait_gather(ch, b):
                    pltpu.make_async_copy(x_hbm.at[dst_v.at[ch]],
                                          rows_v.at[b], sems[b]).wait()
                    pltpu.make_async_copy(adj16.at[s, ch], adj_v.at[b],
                                          sems[b]).wait()

                start_gather(0, 0)
                start_gather(1, 1)

                def chunk_body(it, _):
                    for b in range(2):
                        ch = it * 2 + b
                        wait_gather(ch, b)

                        def scale_body(k, _):
                            sc = adj_v[b, k, pl.ds(0, 16)]
                            for j in range(H // 16):
                                sl = pl.ds(j * 16, 16)
                                rows_v[b, k, sl] = rows_v[b, k, sl] * sc
                            return 0

                        lax.fori_loop(0, CH, scale_body, 0, unroll=2)

                        pltpu.sync_copy(rows_v.at[b],
                                        agg_sh.at[src_v.at[ch]], add=True)
                        if tile_deg:
                            pltpu.sync_copy(ones_v,
                                            deg_sh.at[src_v.at[ch]],
                                            add=True)

                        @pl.when(it < (NCH // 2) - 1)
                        def _():
                            start_gather(ch + 2, b)
                    return 0

                lax.fori_loop(0, NCH // 2, chunk_body, 0)

        plsc.subcore_barrier()

        for cc in range(2):
            @pl.when(c == cc)
            def _(cc=cc):
                @pl.when(s < NT - 1)
                def _():
                    pltpu.sync_copy(agg_sh.at[pl.ds(s * rows0, rows0)],
                                    outs[cc].at[pl.ds(s * rows0, rows0)])
                    if with_deg and cc == 0:
                        pltpu.sync_copy(deg_sh.at[pl.ds(s * rows0, rows0)],
                                        deg_o.at[pl.ds(s * rows0, rows0)])

                @pl.when(s == NT - 1)
                def _():
                    last = N - (NT - 1) * rows0
                    pltpu.sync_copy(
                        agg_sh.at[pl.ds((NT - 1) * rows0, last)],
                        outs[cc].at[pl.ds((NT - 1) * rows0, last)])
                    if with_deg and cc == 0:
                        pltpu.sync_copy(
                            deg_sh.at[pl.ds((NT - 1) * rows0, last)],
                            deg_o.at[pl.ds((NT - 1) * rows0, last)])

    return pl.kernel(body, out_type=tuple(out_type), mesh=mesh,
                     scratch_types=scratch,
                     compiler_params=pltpu.CompilerParams(
                         use_tc_tiling_on_sc=False),
                     name="spmm_deg" if with_deg else "spmm")


_spmm_deg = _make_spmm(True)
_spmm = _make_spmm(False)


def _pool_body(z_hbm, cols3, rows3, val16, out, cols_v, rows_v, val_v,
               zrows_v, pacc_sh, sem0):
    c = lax.axis_index("c")
    s = lax.axis_index("s")

    @pl.when(c == 0)
    def _():
        pltpu.sync_copy(cols3.at[s], cols_v)
        pltpu.sync_copy(rows3.at[s], rows_v)

        _zero_fill(zrows_v, PCH, D)
        rows0 = PACC_ROWS // 16
        pltpu.sync_copy(zrows_v.at[pl.ds(0, 80)],
                        pacc_sh.at[pl.ds(s * rows0, 80)])
        pltpu.sync_copy(zrows_v.at[pl.ds(0, 80)],
                        pacc_sh.at[pl.ds(s * rows0 + 80, 80)])

        plsc.subcore_barrier()

        def chunk(ch, _):
            pltpu.async_copy(z_hbm.at[cols_v.at[ch]], zrows_v, sem0)
            pltpu.sync_copy(val16.at[s, ch], val_v)
            pltpu.make_async_copy(z_hbm.at[cols_v.at[ch]], zrows_v,
                                  sem0).wait()

            def scale_body(k, _):
                sc = val_v[k, pl.ds(0, 16)]
                for j in range(D // 16):
                    sl = pl.ds(j * 16, 16)
                    zrows_v[k, sl] = zrows_v[k, sl] * sc
                return 0

            lax.fori_loop(0, PCH, scale_body, 0, unroll=2)
            pltpu.sync_copy(zrows_v, pacc_sh.at[rows_v.at[ch]], add=True)
            return 0

        lax.fori_loop(0, PNCH, chunk, 0)

        plsc.subcore_barrier()

        @pl.when(s < 9)
        def _():
            pltpu.sync_copy(pacc_sh.at[pl.ds(s * 256, 256)],
                            out.at[pl.ds(s * 256, 256)])

        @pl.when(s == 9)
        def _():
            pltpu.sync_copy(pacc_sh.at[pl.ds(9 * 256, P - 9 * 256)],
                            out.at[pl.ds(9 * 256, P - 9 * 256)])


_pool = pl.kernel(
    _pool_body,
    out_type=jax.ShapeDtypeStruct((P, D), jnp.float32),
    mesh=plsc.VectorSubcoreMesh(core_axis_name="c", subcore_axis_name="s"),
    scratch_types=[
        pltpu.VMEM((PNCH, PCH), jnp.int32),
        pltpu.VMEM((PNCH, PCH), jnp.int32),
        pltpu.VMEM((PCH, 16), jnp.float32),
        pltpu.VMEM((PCH, D), jnp.float32),
        pltpu.VMEM_SHARED((PACC_ROWS, D), jnp.float32),
        pltpu.SemaphoreType.DMA,
    ],
    compiler_params=pltpu.CompilerParams(use_tc_tiling_on_sc=False),
    name="pool")



def _mm_bias_kernel(x_ref, w_ref, b_ref, o_ref):
    o_ref[...] = (
        jnp.dot(x_ref[...], w_ref[...], preferred_element_type=jnp.float32)
        + b_ref[...]
    )


def _mm_bias(x2, W, b, block=2000):
    n, din = x2.shape
    dout = W.shape[1]
    return pl.pallas_call(
        _mm_bias_kernel,
        grid=(n // block,),
        in_specs=[
            pl.BlockSpec((block, din), lambda i: (i, 0)),
            pl.BlockSpec((din, dout), lambda i: (0, 0)),
            pl.BlockSpec((1, dout), lambda i: (0, 0)),
        ],
        out_specs=pl.BlockSpec((block, dout), lambda i: (i, 0)),
        out_shape=jax.ShapeDtypeStruct((n, dout), jnp.float32),
    )(x2, W, b.reshape(1, dout))


def _mix_kernel(s_ref, al_ref, ah_ref, d_ref, w_ref, ol_ref, oh_ref):
    agg = jnp.concatenate([al_ref[...], ah_ref[...]], axis=1)
    inv = 1.0 / jnp.maximum(d_ref[:, 0:1], 1e-6)
    v = s_ref[...] + jnp.dot(agg * inv, w_ref[...],
                             preferred_element_type=jnp.float32)
    v = jnp.where(v >= 0, v, 0.2 * v)
    ol_ref[...] = v[:, :H]
    oh_ref[...] = v[:, H:]


def _mix(selfp, agg_lo, agg_hi, deg, W_nbr, block=2000):
    n = selfp.shape[0]
    return pl.pallas_call(
        _mix_kernel,
        grid=(n // block,),
        in_specs=[
            pl.BlockSpec((block, D), lambda i: (i, 0)),
            pl.BlockSpec((block, H), lambda i: (i, 0)),
            pl.BlockSpec((block, H), lambda i: (i, 0)),
            pl.BlockSpec((block, 16), lambda i: (i, 0)),
            pl.BlockSpec((D, D), lambda i: (0, 0)),
        ],
        out_specs=[
            pl.BlockSpec((block, H), lambda i: (i, 0)),
            pl.BlockSpec((block, H), lambda i: (i, 0)),
        ],
        out_shape=[
            jax.ShapeDtypeStruct((n, H), jnp.float32),
            jax.ShapeDtypeStruct((n, H), jnp.float32),
        ],
    )(selfp, agg_lo, agg_hi, deg, W_nbr)


def _final_kernel(hl_ref, hh_ref, ws_ref, r_ref, b_ref, al_ref, ah_ref,
                  d_ref, wn_ref, o_ref):
    h = jnp.concatenate([hl_ref[...], hh_ref[...]], axis=1)
    agg = jnp.concatenate([al_ref[...], ah_ref[...]], axis=1)
    inv = 1.0 / jnp.maximum(d_ref[:, 0:1], 1e-6)
    o_ref[...] = (
        jnp.dot(h, ws_ref[...], preferred_element_type=jnp.float32)
        + jnp.dot(agg * inv, wn_ref[...], preferred_element_type=jnp.float32)
        + r_ref[...] + b_ref[...]
    )


def _final(h_lo, h_hi, W_self, r, b, agg_lo, agg_hi, deg, W_nbr,
           block=2000):
    n = h_lo.shape[0]
    return pl.pallas_call(
        _final_kernel,
        grid=(n // block,),
        in_specs=[
            pl.BlockSpec((block, H), lambda i: (i, 0)),
            pl.BlockSpec((block, H), lambda i: (i, 0)),
            pl.BlockSpec((D, D), lambda i: (0, 0)),
            pl.BlockSpec((block, D), lambda i: (i, 0)),
            pl.BlockSpec((1, D), lambda i: (0, 0)),
            pl.BlockSpec((block, H), lambda i: (i, 0)),
            pl.BlockSpec((block, H), lambda i: (i, 0)),
            pl.BlockSpec((block, 16), lambda i: (i, 0)),
            pl.BlockSpec((D, D), lambda i: (0, 0)),
        ],
        out_specs=pl.BlockSpec((block, D), lambda i: (i, 0)),
        out_shape=jax.ShapeDtypeStruct((n, D), jnp.float32),
    )(h_lo, h_hi, W_self, r, b.reshape(1, D), agg_lo, agg_hi, deg, W_nbr)


def kernel(x, W_res, b_res, W_self0, W_nbr0, b0, W_self1, W_nbr1, b1,
           adj_value, edge_one, pool_val, edge_src, edge_dst, pool_idx):
    x2 = x[0]
    x_lo = x2[:, :H]
    x_hi = x2[:, H:]

    dst3 = jnp.concatenate(
        [edge_dst, jnp.zeros((EPAD,), jnp.int32)]).reshape(NT, NCH, CH)
    src3 = jnp.concatenate(
        [edge_src, jnp.full((EPAD,), N, jnp.int32)]).reshape(NT, NCH, CH)
    adj16 = jnp.broadcast_to(
        jnp.concatenate([adj_value, jnp.zeros((EPAD,), jnp.float32)])[:, None],
        (NT * EPT, 16)).reshape(NT, NCH, CH, 16)

    cols3 = pool_idx[1].reshape(PW, PNCH, PCH)
    rows3 = pool_idx[0].reshape(PW, PNCH, PCH)
    val16 = jnp.broadcast_to(
        pool_val[:, None], (N, 16)).reshape(PW, PNCH, PCH, 16)

    agg0l, agg0h, deg = _spmm_deg(x_lo, x_hi, dst3, src3, adj16)
    Wcat = jnp.concatenate([W_res.T, W_self0], axis=1)
    bcat = jnp.concatenate([b_res, b0])
    Y = _mm_bias(x2, Wcat, bcat)
    residual = Y[:, :D]
    self0 = Y[:, D:]

    h_lo, h_hi = _mix(self0, agg0l, agg0h, deg, W_nbr0)

    agg1l, agg1h = _spmm(h_lo, h_hi, dst3, src3, adj16)

    z = _final(h_lo, h_hi, W_self1, residual, b1, agg1l, agg1h, deg, W_nbr1)

    return _pool(z, cols3, rows3, val16)[None]

# --- scband reference (transcript-rebuilt; emitter-appended) ---
"""Pipeline reference for scband-first-block-discriminator-60627758350827 (READ-ONLY COPY).

The authoritative reference and input builder live on the scoring server;
editing this copy changes nothing except your own understanding.
"""

import jax, jax.numpy as jnp
import numpy as np

B = 1
N = 10000
E = 320000
D_IN = 128
D_OUT = 128
NEXT_DIM = 2500


def setup_inputs(seed: int = 0) -> dict:
    key = jax.random.key(seed)
    ks = jax.random.split(key, 12)
    x = jax.random.normal(ks[0], (B, N, D_IN), dtype=jnp.float32)
    edge_src = jax.random.randint(ks[1], (E,), 0, N, dtype=jnp.int32)
    edge_dst = jax.random.randint(ks[2], (E,), 0, N, dtype=jnp.int32)
    adj_value = jax.random.uniform(ks[3], (E,), dtype=jnp.float32)
    edge_one = jnp.ones((E,), dtype=jnp.float32)
    pool_rows = jax.random.randint(ks[4], (N,), 0, NEXT_DIM, dtype=jnp.int32)
    pool_idx = jnp.stack([pool_rows, jnp.arange(N, dtype=jnp.int32)], axis=0)
    pool_val = jnp.full((N,), 0.25, dtype=jnp.float32)
    s_in = 1.0 / np.sqrt(D_IN)
    s_out = 1.0 / np.sqrt(D_OUT)
    W_res = jax.random.normal(ks[5], (D_OUT, D_IN), dtype=jnp.float32) * s_in
    b_res = jnp.zeros((D_OUT,), dtype=jnp.float32)
    W_self0 = jax.random.normal(ks[6], (D_IN, D_OUT), dtype=jnp.float32) * s_in
    W_nbr0 = jax.random.normal(ks[7], (D_IN, D_OUT), dtype=jnp.float32) * s_in
    b0 = jnp.zeros((D_OUT,), dtype=jnp.float32)
    W_self1 = jax.random.normal(ks[8], (D_OUT, D_OUT), dtype=jnp.float32) * s_out
    W_nbr1 = jax.random.normal(ks[9], (D_OUT, D_OUT), dtype=jnp.float32) * s_out
    b1 = jnp.zeros((D_OUT,), dtype=jnp.float32)
    return {"x": x, "W_res": W_res, "b_res": b_res,
            "W_self0": W_self0, "W_nbr0": W_nbr0, "b0": b0,
            "W_self1": W_self1, "W_nbr1": W_nbr1, "b1": b1,
            "adj_value": adj_value, "edge_one": edge_one, "pool_val": pool_val,
            "edge_src": edge_src, "edge_dst": edge_dst, "pool_idx": pool_idx}


def _ecc(x, W_self, W_nbr, b, edge_src, edge_dst, adj_value, edge_one):
    # Edge-conditioned conv: gather end-node features per edge (E_end @ x),
    # weight by adjValue, scatter-add back to start nodes (E_start^T @ .),
    # normalize by degree computed from edgeOne, then linear mix.
    msg = x[:, edge_dst, :] * adj_value[None, :, None]  # [B, E, d] gather
    agg = jnp.zeros((x.shape[0], N, x.shape[2]), dtype=x.dtype).at[:, edge_src, :].add(msg)
    deg = jnp.zeros((N,), dtype=x.dtype).at[edge_src].add(edge_one)
    deg = jnp.clip(deg, 1e-6, None)
    agg = agg / deg[None, :, None]
    return x @ W_self + agg @ W_nbr + b


def _batch_spmm(idx, val, m, dense):
    # sparse [m, n] (COO idx=[2,nnz], values=val) @ dense [B, n, d] -> [B, m, d]
    rows = idx[0]
    cols = idx[1]
    gathered = dense[:, cols, :] * val[None, :, None]
    return jnp.zeros((dense.shape[0], m, dense.shape[2]), dtype=dense.dtype).at[:, rows, :].add(gathered)


def reference(x, W_res, b_res, W_self0, W_nbr0, b0, W_self1, W_nbr1, b1,
              adj_value, edge_one, pool_val, edge_src, edge_dst, pool_idx):
    # conv_res is Conv1d(kernel=1) over channel dim == per-node linear
    residual = x @ W_res.T + b_res
    residual = _batch_spmm(pool_idx, pool_val, NEXT_DIM, residual)
    out = _ecc(x, W_self0, W_nbr0, b0, edge_src, edge_dst, adj_value, edge_one)
    out = jax.nn.leaky_relu(out, 0.2)
    out = _ecc(out, W_self1, W_nbr1, b1, edge_src, edge_dst, adj_value, edge_one)
    out = _batch_spmm(pool_idx, pool_val, NEXT_DIM, out)
    return out + residual

if __name__ == "__main__":
    import jax
    _d = setup_inputs()
    print(jax.jit(kernel)(*tuple(_d.values())))

</pallas_src>

<mosaic_0001>
#map = affine_map<(d0, d1) -> (0, 0)>
#map1 = affine_map<(d0, d1) -> (0, 0, 0)>
#map2 = affine_map<(d0, d1) -> (0, 0, 0, 0)>
module attributes {stable_mosaic.version = 14 : i64} {
  func.func @spmm_deg(%arg0: i32, %arg1: i32, %arg2: memref<10000x64xf32, #tpu.memory_space<hbm>>, %arg3: memref<10000x64xf32, #tpu.memory_space<hbm>>, %arg4: memref<16x160x128xi32, #tpu.memory_space<hbm>>, %arg5: memref<16x160x128xi32, #tpu.memory_space<hbm>>, %arg6: memref<16x160x128x16xf32, #tpu.memory_space<hbm>>, %arg7: memref<10000x64xf32, #tpu.memory_space<hbm>>, %arg8: memref<10000x64xf32, #tpu.memory_space<hbm>>, %arg9: memref<10000x16xf32, #tpu.memory_space<hbm>>, %arg10: memref<160x128xi32, #tpu.memory_space<vmem>>, %arg11: memref<160x128xi32, #tpu.memory_space<vmem>>, %arg12: memref<2x128x16xf32, #tpu.memory_space<vmem>>, %arg13: memref<2x128x64xf32, #tpu.memory_space<vmem>>, %arg14: memref<128x16xf32, #tpu.memory_space<vmem>>, %arg15: memref<10240x64xf32, #tpu.memory_space<vmem_shared>>, %arg16: memref<10240x16xf32, #tpu.memory_space<vmem_shared>>, %arg17: memref<!tpu.dma_semaphore, #tpu.memory_space<semaphore_mem>>, %arg18: memref<!tpu.dma_semaphore, #tpu.memory_space<semaphore_mem>>) attributes {dimension_semantics = [#tpu.dimension_semantics<core_parallel>, #tpu.dimension_semantics<subcore_parallel>], iteration_bounds = array<i64: 2, 16>, scalar_prefetch = 0 : i64, scratch_operands = 9 : i64, tpu.core_type = #tpu.core_type<sc_vector_subcore>, window_params = [{transform_indices = #map}, {transform_indices = #map}, {transform_indices = #map1}, {transform_indices = #map1}, {transform_indices = #map2}, {transform_indices = #map}, {transform_indices = #map}, {transform_indices = #map}]} {
    "tpu.region"() ({
      %run_scoped3A_53 = tpu.sem_alloc : memref<!tpu.dma_semaphore, #tpu.memory_space<semaphore_mem>>
      %dma_start3A = arith.constant 0 : i32
      %dma_start3A_54 = arith.constant 0 : i32
      %dma_start3A_55 = tpu.memref_slice %arg4[%arg1, %dma_start3A, %dma_start3A_54] : memref<16x160x128xi32, #tpu.memory_space<hbm>> -> memref<1x160x128xi32, #tpu.memory_space<hbm>>
      %dma_start3A_56 = tpu.memref_squeeze %dma_start3A_55 : memref<1x160x128xi32, #tpu.memory_space<hbm>> -> memref<160x128xi32, #tpu.memory_space<hbm>>
      %dma_start3A_57 = arith.constant 0 : i32
      %dma_start3A_58 = arith.constant 0 : i32
      %dma_start3A_59 = tpu.memref_slice %arg4[%arg1, %dma_start3A_57, %dma_start3A_58] : memref<16x160x128xi32, #tpu.memory_space<hbm>> -> memref<1x160x128xi32, #tpu.memory_space<hbm>>
      %dma_start3A_60 = tpu.memref_squeeze %dma_start3A_59 : memref<1x160x128xi32, #tpu.memory_space<hbm>> -> memref<160x128xi32, #tpu.memory_space<hbm>>
      tpu.enqueue_dma source(%dma_start3A_60 : memref<160x128xi32, #tpu.memory_space<hbm>>) target(%arg10 : memref<160x128xi32, #tpu.memory_space<vmem>>) target_semaphore(%run_scoped3A_53 : memref<!tpu.dma_semaphore, #tpu.memory_space<semaphore_mem>>)
      %dma_wait3A = arith.constant 0 : i32
      %dma_wait3A_61 = arith.constant 0 : i32
      %dma_wait3A_62 = tpu.memref_slice %arg4[%arg1, %dma_wait3A, %dma_wait3A_61] : memref<16x160x128xi32, #tpu.memory_space<hbm>> -> memref<1x160x128xi32, #tpu.memory_space<hbm>>
      %dma_wait3A_63 = tpu.memref_squeeze %dma_wait3A_62 : memref<1x160x128xi32, #tpu.memory_space<hbm>> -> memref<160x128xi32, #tpu.memory_space<hbm>>
      %dma_wait3A_64 = arith.constant 0 : i32
      %dma_wait3A_65 = arith.constant 0 : i32
      %dma_wait3A_66 = tpu.memref_slice %arg4[%arg1, %dma_wait3A_64, %dma_wait3A_65] : memref<16x160x128xi32, #tpu.memory_space<hbm>> -> memref<1x160x128xi32, #tpu.memory_space<hbm>>
      %dma_wait3A_67 = tpu.memref_squeeze %dma_wait3A_66 : memref<1x160x128xi32, #tpu.memory_space<hbm>> -> memref<160x128xi32, #tpu.memory_space<hbm>>
      tpu.wait_dma2 semaphore(%run_scoped3A_53 : memref<!tpu.dma_semaphore, #tpu.memory_space<semaphore_mem>>) src(%dma_wait3A_67 : memref<160x128xi32, #tpu.memory_space<hbm>>) dst(%arg10 : memref<160x128xi32, #tpu.memory_space<vmem>>)
      tpu.yield
    }) : () -> ()
    "tpu.region"() ({
      %run_scoped3A_53 = tpu.sem_alloc : memref<!tpu.dma_semaphore, #tpu.memory_space<semaphore_mem>>
      %dma_start3A = arith.constant 0 : i32
      %dma_start3A_54 = arith.constant 0 : i32
      %dma_start3A_55 = tpu.memref_slice %arg5[%arg1, %dma_start3A, %dma_start3A_54] : memref<16x160x128xi32, #tpu.memory_space<hbm>> -> memref<1x160x128xi32, #tpu.memory_space<hbm>>
      %dma_start3A_56 = tpu.memref_squeeze %dma_start3A_55 : memref<1x160x128xi32, #tpu.memory_space<hbm>> -> memref<160x128xi32, #tpu.memory_space<hbm>>
      %dma_start3A_57 = arith.constant 0 : i32
      %dma_start3A_58 = arith.constant 0 : i32
      %dma_start3A_59 = tpu.memref_slice %arg5[%arg1, %dma_start3A_57, %dma_start3A_58] : memref<16x160x128xi32, #tpu.memory_space<hbm>> -> memref<1x160x128xi32, #tpu.memory_space<hbm>>
      %dma_start3A_60 = tpu.memref_squeeze %dma_start3A_59 : memref<1x160x128xi32, #tpu.memory_space<hbm>> -> memref<160x128xi32, #tpu.memory_space<hbm>>
      tpu.enqueue_dma source(%dma_start3A_60 : memref<160x128xi32, #tpu.memory_space<hbm>>) target(%arg11 : memref<160x128xi32, #tpu.memory_space<vmem>>) target_semaphore(%run_scoped3A_53 : memref<!tpu.dma_semaphore, #tpu.memory_space<semaphore_mem>>)
      %dma_wait3A = arith.constant 0 : i32
      %dma_wait3A_61 = arith.constant 0 : i32
      %dma_wait3A_62 = tpu.memref_slice %arg5[%arg1, %dma_wait3A, %dma_wait3A_61] : memref<16x160x128xi32, #tpu.memory_space<hbm>> -> memref<1x160x128xi32, #tpu.memory_space<hbm>>
      %dma_wait3A_63 = tpu.memref_squeeze %dma_wait3A_62 : memref<1x160x128xi32, #tpu.memory_space<hbm>> -> memref<160x128xi32, #tpu.memory_space<hbm>>
      %dma_wait3A_64 = arith.constant 0 : i32
      %dma_wait3A_65 = arith.constant 0 : i32
      %dma_wait3A_66 = tpu.memref_slice %arg5[%arg1, %dma_wait3A_64, %dma_wait3A_65] : memref<16x160x128xi32, #tpu.memory_space<hbm>> -> memref<1x160x128xi32, #tpu.memory_space<hbm>>
      %dma_wait3A_67 = tpu.memref_squeeze %dma_wait3A_66 : memref<1x160x128xi32, #tpu.memory_space<hbm>> -> memref<160x128xi32, #tpu.memory_space<hbm>>
      tpu.wait_dma2 semaphore(%run_scoped3A_53 : memref<!tpu.dma_semaphore, #tpu.memory_space<semaphore_mem>>) src(%dma_wait3A_67 : memref<160x128xi32, #tpu.memory_space<hbm>>) dst(%arg11 : memref<160x128xi32, #tpu.memory_space<vmem>>)
      tpu.yield
    }) : () -> ()
    %broadcast_in_dim3A = arith.constant 0.000000e+00 : f32
    %broadcast_in_dim3A_0 = vector.broadcast %broadcast_in_dim3A : f32 to vector<16xf32>
    %scan3A = arith.constant 0 : i32
    %scan3A_1 = arith.constant 0 : i32
    %scan3A_2 = arith.constant 0 : i32
    %scan3A_3 = arith.constant 128 : i32
    %scan3A_4 = arith.addi %scan3A_2, %scan3A_3 : i32
    %scan3A_5 = arith.constant 2 : i32
    %scan3A_6 = scf.for %scan3A_53 = %scan3A_2 to %scan3A_4 step %scan3A_5 iter_args(%scan3A_54 = %scan3A_1) -> (i32)  : i32 {
      %swap3A = arith.constant 0 : i32
      %swap3A_55 = arith.constant 0 : i32
      %swap3A_56 = tpu.memref_slice %arg13[%scan3A, %swap3A, %swap3A_55] : memref<2x128x64xf32, #tpu.memory_space<vmem>> -> memref<1x128x64xf32, #tpu.memory_space<vmem>>
      %swap3A_57 = tpu.memref_squeeze %swap3A_56 : memref<1x128x64xf32, #tpu.memory_space<vmem>> -> memref<128x64xf32, #tpu.memory_space<vmem>>
      %swap3A_58 = arith.index_cast %scan3A_53 : i32 to index
      %swap3A_59 = arith.constant 0 : index
      %swap3A_60 = tpu.vector_load %swap3A_57[%swap3A_58, %swap3A_59] {strides = array<i32>} : memref<128x64xf32, #tpu.memory_space<vmem>>, vector<1x16xf32>,
      %swap3A_61 = vector.shape_cast %swap3A_60 : vector<1x16xf32> to vector<16xf32>
      %swap3A_62 = vector.shape_cast %broadcast_in_dim3A_0 : vector<16xf32> to vector<1x16xf32>
      tpu.vector_store %swap3A_57[%swap3A_58, %swap3A_59], %swap3A_62 {strides = array<i32>} : memref<128x64xf32, #tpu.memory_space<vmem>>, vector<1x16xf32>,
      %swap3A_63 = arith.constant 0 : i32
      %swap3A_64 = arith.constant 0 : i32
      %swap3A_65 = tpu.memref_slice %arg13[%scan3A, %swap3A_63, %swap3A_64] : memref<2x128x64xf32, #tpu.memory_space<vmem>> -> memref<1x128x64xf32, #tpu.memory_space<vmem>>
      %swap3A_66 = tpu.memref_squeeze %swap3A_65 : memref<1x128x64xf32, #tpu.memory_space<vmem>> -> memref<128x64xf32, #tpu.memory_space<vmem>>
      %swap3A_67 = arith.index_cast %scan3A_53 : i32 to index
      %swap3A_68 = arith.constant 16 : index
      %swap3A_69 = tpu.vector_load %swap3A_66[%swap3A_67, %swap3A_68] {strides = array<i32>} : memref<128x64xf32, #tpu.memory_space<vmem>>, vector<1x16xf32>,
      %swap3A_70 = vector.shape_cast %swap3A_69 : vector<1x16xf32> to vector<16xf32>
      %swap3A_71 = vector.shape_cast %broadcast_in_dim3A_0 : vector<16xf32> to vector<1x16xf32>
      tpu.vector_store %swap3A_66[%swap3A_67, %swap3A_68], %swap3A_71 {strides = array<i32>} : memref<128x64xf32, #tpu.memory_space<vmem>>, vector<1x16xf32>,
      %swap3A_72 = arith.constant 0 : i32
      %swap3A_73 = arith.constant 0 : i32
      %swap3A_74 = tpu.memref_slice %arg13[%scan3A, %swap3A_72, %swap3A_73] : memref<2x128x64xf32, #tpu.memory_space<vmem>> -> memref<1x128x64xf32, #tpu.memory_space<vmem>>
      %swap3A_75 = tpu.memref_squeeze %swap3A_74 : memref<1x128x64xf32, #tpu.memory_space<vmem>> -> memref<128x64xf32, #tpu.memory_space<vmem>>
      %swap3A_76 = arith.index_cast %scan3A_53 : i32 to index
      %swap3A_77 = arith.constant 32 : index
      %swap3A_78 = tpu.vector_load %swap3A_75[%swap3A_76, %swap3A_77] {strides = array<i32>} : memref<128x64xf32, #tpu.memory_space<vmem>>, vector<1x16xf32>,
      %swap3A_79 = vector.shape_cast %swap3A_78 : vector<1x16xf32> to vector<16xf32>
      %swap3A_80 = vector.shape_cast %broadcast_in_dim3A_0 : vector<16xf32> to vector<1x16xf32>
      tpu.vector_store %swap3A_75[%swap3A_76, %swap3A_77], %swap3A_80 {strides = array<i32>} : memref<128x64xf32, #tpu.memory_space<vmem>>, vector<1x16xf32>,
      %swap3A_81 = arith.constant 0 : i32
      %swap3A_82 = arith.constant 0 : i32
      %swap3A_83 = tpu.memref_slice %arg13[%scan3A, %swap3A_81, %swap3A_82] : memref<2x128x64xf32, #tpu.memory_space<vmem>> -> memref<1x128x64xf32, #tpu.memory_space<vmem>>
      %swap3A_84 = tpu.memref_squeeze %swap3A_83 : memref<1x128x64xf32, #tpu.memory_space<vmem>> -> memref<128x64xf32, #tpu.memory_space<vmem>>
      %swap3A_85 = arith.index_cast %scan3A_53 : i32 to index
      %swap3A_86 = arith.constant 48 : index
      %swap3A_87 = tpu.vector_load %swap3A_84[%swap3A_85, %swap3A_86] {strides = array<i32>} : memref<128x64xf32, #tpu.memory_space<vmem>>, vector<1x16xf32>,
      %swap3A_88 = vector.shape_cast %swap3A_87 : vector<1x16xf32> to vector<16xf32>
      %swap3A_89 = vector.shape_cast %broadcast_in_dim3A_0 : vector<16xf32> to vector<1x16xf32>
      tpu.vector_store %swap3A_84[%swap3A_85, %swap3A_86], %swap3A_89 {strides = array<i32>} : memref<128x64xf32, #tpu.memory_space<vmem>>, vector<1x16xf32>,
      %scan3A_90 = arith.constant 0 : i32
      %scan3A_91 = arith.constant 1 : i32
      %scan3A_92 = arith.addi %scan3A_53, %scan3A_91 : i32
      %swap3A_93 = arith.constant 0 : i32
      %swap3A_94 = arith.constant 0 : i32
      %swap3A_95 = tpu.memref_slice %arg13[%scan3A, %swap3A_93, %swap3A_94] : memref<2x128x64xf32, #tpu.memory_space<vmem>> -> memref<1x128x64xf32, #tpu.memory_space<vmem>>
      %swap3A_96 = tpu.memref_squeeze %swap3A_95 : memref<1x128x64xf32, #tpu.memory_space<vmem>> -> memref<128x64xf32, #tpu.memory_space<vmem>>
      %swap3A_97 = arith.index_cast %scan3A_92 : i32 to index
      %swap3A_98 = arith.constant 0 : index
      %swap3A_99 = tpu.vector_load %swap3A_96[%swap3A_97, %swap3A_98] {strides = array<i32>} : memref<128x64xf32, #tpu.memory_space<vmem>>, vector<1x16xf32>,
      %swap3A_100 = vector.shape_cast %swap3A_99 : vector<1x16xf32> to vector<16xf32>
      %swap3A_101 = vector.shape_cast %broadcast_in_dim3A_0 : vector<16xf32> to vector<1x16xf32>
      tpu.vector_store %swap3A_96[%swap3A_97, %swap3A_98], %swap3A_101 {strides = array<i32>} : memref<128x64xf32, #tpu.memory_space<vmem>>, vector<1x16xf32>,
      %swap3A_102 = arith.constant 0 : i32
      %swap3A_103 = arith.constant 0 : i32
      %swap3A_104 = tpu.memref_slice %arg13[%scan3A, %swap3A_102, %swap3A_103] : memref<2x128x64xf32, #tpu.memory_space<vmem>> -> memref<1x128x64xf32, #tpu.memory_space<vmem>>
      %swap3A_105 = tpu.memref_squeeze %swap3A_104 : memref<1x128x64xf32, #tpu.memory_space<vmem>> -> memref<128x64xf32, #tpu.memory_space<vmem>>
      %swap3A_106 = arith.index_cast %scan3A_92 : i32 to index
      %swap3A_107 = arith.constant 16 : index
      %swap3A_108 = tpu.vector_load %swap3A_105[%swap3A_106, %swap3A_107] {strides = array<i32>} : memref<128x64xf32, #tpu.memory_space<vmem>>, vector<1x16xf32>,
      %swap3A_109 = vector.shape_cast %swap3A_108 : vector<1x16xf32> to vector<16xf32>
      %swap3A_110 = vector.shape_cast %broadcast_in_dim3A_0 : vector<16xf32> to vector<1x16xf32>
      tpu.vector_store %swap3A_105[%swap3A_106, %swap3A_107], %swap3A_110 {strides = array<i32>} : memref<128x64xf32, #tpu.memory_space<vmem>>, vector<1x16xf32>,
      %swap3A_111 = arith.constant 0 : i32
      %swap3A_112 = arith.constant 0 : i32
      %swap3A_113 = tpu.memref_slice %arg13[%scan3A, %swap3A_111, %swap3A_112] : memref<2x128x64xf32, #tpu.memory_space<vmem>> -> memref<1x128x64xf32, #tpu.memory_space<vmem>>
      %swap3A_114 = tpu.memref_squeeze %swap3A_113 : memref<1x128x64xf32, #tpu.memory_space<vmem>> -> memref<128x64xf32, #tpu.memory_space<vmem>>
      %swap3A_115 = arith.index_cast %scan3A_92 : i32 to index
      %swap3A_116 = arith.constant 32 : index
      %swap3A_117 = tpu.vector_load %swap3A_114[%swap3A_115, %swap3A_116] {strides = array<i32>} : memref<128x64xf32, #tpu.memory_space<vmem>>, vector<1x16xf32>,
      %swap3A_118 = vector.shape_cast %swap3A_117 : vector<1x16xf32> to vector<16xf32>
      %swap3A_119 = vector.shape_cast %broadcast_in_dim3A_0 : vector<16xf32> to vector<1x16xf32>
      tpu.vector_store %swap3A_114[%swap3A_115, %swap3A_116], %swap3A_119 {strides = array<i32>} : memref<128x64xf32, #tpu.memory_space<vmem>>, vector<1x16xf32>,
      %swap3A_120 = arith.constant 0 : i32
      %swap3A_121 = arith.constant 0 : i32
      %swap3A_122 = tpu.memref_slice %arg13[%scan3A, %swap3A_120, %swap3A_121] : memref<2x128x64xf32, #tpu.memory_space<vmem>> -> memref<1x128x64xf32, #tpu.memory_space<vmem>>
      %swap3A_123 = tpu.memref_squeeze %swap3A_122 : memref<1x128x64xf32, #tpu.memory_space<vmem>> -> memref<128x64xf32, #tpu.memory_space<vmem>>
      %swap3A_124 = arith.index_cast %scan3A_92 : i32 to index
      %swap3A_125 = arith.constant 48 : index
      %swap3A_126 = tpu.vector_load %swap3A_123[%swap3A_124, %swap3A_125] {strides = array<i32>} : memref<128x64xf32, #tpu.memory_space<vmem>>, vector<1x16xf32>,
      %swap3A_127 = vector.shape_cast %swap3A_126 : vector<1x16xf32> to vector<16xf32>
      %swap3A_128 = vector.shape_cast %broadcast_in_dim3A_0 : vector<16xf32> to vector<1x16xf32>
      tpu.vector_store %swap3A_123[%swap3A_124, %swap3A_125], %swap3A_128 {strides = array<i32>} : memref<128x64xf32, #tpu.memory_space<vmem>>, vector<1x16xf32>,
      %scan3A_129 = arith.constant 0 : i32
      scf.yield %scan3A_129 : i32
    }
    %scan3A_7 = arith.constant 128 : i32
    %mul3A = arith.constant 640 : i32
    %mul3A_8 = arith.muli %arg1, %mul3A : i32
    %add3A = arith.constant 0 : i32
    %add3A_9 = arith.addi %mul3A_8, %add3A : i32
    %run_scoped3A = arith.constant 0 : i32
    "tpu.region"() ({
      %run_scoped3A_53 = tpu.sem_alloc : memref<!tpu.dma_semaphore, #tpu.memory_space<semaphore_mem>>
      %dma_start3A = arith.constant 0 : i32
      %dma_start3A_54 = arith.constant 0 : i32
      %dma_start3A_55 = tpu.memref_slice %arg13[%run_scoped3A, %dma_start3A, %dma_start3A_54] : memref<2x128x64xf32, #tpu.memory_space<vmem>> -> memref<1x128x64xf32, #tpu.memory_space<vmem>>
      %dma_start3A_56 = tpu.memref_squeeze %dma_start3A_55 : memref<1x128x64xf32, #tpu.memory_space<vmem>> -> memref<128x64xf32, #tpu.memory_space<vmem>>
      %dma_start3A_57 = arith.constant 0 : i32
      %dma_start3A_58 = tpu.memref_slice %arg15[%add3A_9, %dma_start3A_57] : memref<10240x64xf32, #tpu.memory_space<vmem_shared>> -> memref<128x64xf32, #tpu.memory_space<vmem_shared>>
      %dma_start3A_59 = arith.constant 0 : i32
      %dma_start3A_60 = tpu.memref_slice %arg15[%add3A_9, %dma_start3A_59] : memref<10240x64xf32, #tpu.memory_space<vmem_shared>> -> memref<128x64xf32, #tpu.memory_space<vmem_shared>>
      %dma_start3A_61 = arith.constant 0 : i32
      %dma_start3A_62 = arith.constant 0 : i32
      %dma_start3A_63 = tpu.memref_slice %arg13[%run_scoped3A, %dma_start3A_61, %dma_start3A_62] : memref<2x128x64xf32, #tpu.memory_space<vmem>> -> memref<1x128x64xf32, #tpu.memory_space<vmem>>
      %dma_start3A_64 = tpu.memref_squeeze %dma_start3A_63 : memref<1x128x64xf32, #tpu.memory_space<vmem>> -> memref<128x64xf32, #tpu.memory_space<vmem>>
      tpu.enqueue_dma source(%dma_start3A_64 : memref<128x64xf32, #tpu.memory_space<vmem>>) target(%dma_start3A_60 : memref<128x64xf32, #tpu.memory_space<vmem_shared>>) target_semaphore(%run_scoped3A_53 : memref<!tpu.dma_semaphore, #tpu.memory_space<semaphore_mem>>)
      %dma_wait3A = arith.constant 0 : i32
      %dma_wait3A_65 = arith.constant 0 : i32
      %dma_wait3A_66 = tpu.memref_slice %arg13[%run_scoped3A, %dma_wait3A, %dma_wait3A_65] : memref<2x128x64xf32, #tpu.memory_space<vmem>> -> memref<1x128x64xf32, #tpu.memory_space<vmem>>
      %dma_wait3A_67 = tpu.memref_squeeze %dma_wait3A_66 : memref<1x128x64xf32, #tpu.memory_space<vmem>> -> memref<128x64xf32, #tpu.memory_space<vmem>>
      %dma_wait3A_68 = arith.constant 0 : i32
      %dma_wait3A_69 = tpu.memref_slice %arg15[%add3A_9, %dma_wait3A_68] : memref<10240x64xf32, #tpu.memory_space<vmem_shared>> -> memref<128x64xf32, #tpu.memory_space<vmem_shared>>
      %dma_wait3A_70 = arith.constant 0 : i32
      %dma_wait3A_71 = tpu.memref_slice %arg15[%add3A_9, %dma_wait3A_70] : memref<10240x64xf32, #tpu.memory_space<vmem_shared>> -> memref<128x64xf32, #tpu.memory_space<vmem_shared>>
      %dma_wait3A_72 = arith.constant 0 : i32
      %dma_wait3A_73 = arith.constant 0 : i32
      %dma_wait3A_74 = tpu.memref_slice %arg13[%run_scoped3A, %dma_wait3A_72, %dma_wait3A_73] : memref<2x128x64xf32, #tpu.memory_space<vmem>> -> memref<1x128x64xf32, #tpu.memory_space<vmem>>
      %dma_wait3A_75 = tpu.memref_squeeze %dma_wait3A_74 : memref<1x128x64xf32, #tpu.memory_space<vmem>> -> memref<128x64xf32, #tpu.memory_space<vmem>>
      tpu.wait_dma2 semaphore(%run_scoped3A_53 : memref<!tpu.dma_semaphore, #tpu.memory_space<semaphore_mem>>) src(%dma_wait3A_75 : memref<128x64xf32, #tpu.memory_space<vmem>>) dst(%dma_wait3A_71 : memref<128x64xf32, #tpu.memory_space<vmem_shared>>)
      tpu.yield
    }) : () -> ()
    %mul3A_10 = arith.constant 640 : i32
    %mul3A_11 = arith.muli %arg1, %mul3A_10 : i32
    %add3A_12 = arith.constant 128 : i32
    %add3A_13 = arith.addi %mul3A_11, %add3A_12 : i32
    %run_scoped3A_14 = arith.constant 0 : i32
    "tpu.region"() ({
      %run_scoped3A_53 = tpu.sem_alloc : memref<!tpu.dma_semaphore, #tpu.memory_space<semaphore_mem>>
      %dma_start3A = arith.constant 0 : i32
      %dma_start3A_54 = arith.constant 0 : i32
      %dma_start3A_55 = tpu.memref_slice %arg13[%run_scoped3A_14, %dma_start3A, %dma_start3A_54] : memref<2x128x64xf32, #tpu.memory_space<vmem>> -> memref<1x128x64xf32, #tpu.memory_space<vmem>>
      %dma_start3A_56 = tpu.memref_squeeze %dma_start3A_55 : memref<1x128x64xf32, #tpu.memory_space<vmem>> -> memref<128x64xf32, #tpu.memory_space<vmem>>
      %dma_start3A_57 = arith.constant 0 : i32
      %dma_start3A_58 = tpu.memref_slice %arg15[%add3A_13, %dma_start3A_57] : memref<10240x64xf32, #tpu.memory_space<vmem_shared>> -> memref<128x64xf32, #tpu.memory_space<vmem_shared>>
      %dma_start3A_59 = arith.constant 0 : i32
      %dma_start3A_60 = tpu.memref_slice %arg15[%add3A_13, %dma_start3A_59] : memref<10240x64xf32, #tpu.memory_space<vmem_shared>> -> memref<128x64xf32, #tpu.memory_space<vmem_shared>>
      %dma_start3A_61 = arith.constant 0 : i32
      %dma_start3A_62 = arith.constant 0 : i32
      %dma_start3A_63 = tpu.memref_slice %arg13[%run_scoped3A_14, %dma_start3A_61, %dma_start3A_62] : memref<2x128x64xf32, #tpu.memory_space<vmem>> -> memref<1x128x64xf32, #tpu.memory_space<vmem>>
      %dma_start3A_64 = tpu.memref_squeeze %dma_start3A_63 : memref<1x128x64xf32, #tpu.memory_space<vmem>> -> memref<128x64xf32, #tpu.memory_space<vmem>>
      tpu.enqueue_dma source(%dma_start3A_64 : memref<128x64xf32, #tpu.memory_space<vmem>>) target(%dma_start3A_60 : memref<128x64xf32, #tpu.memory_space<vmem_shared>>) target_semaphore(%run_scoped3A_53 : memref<!tpu.dma_semaphore, #tpu.memory_space<semaphore_mem>>)
      %dma_wait3A = arith.constant 0 : i32
      %dma_wait3A_65 = arith.constant 0 : i32
      %dma_wait3A_66 = tpu.memref_slice %arg13[%run_scoped3A_14, %dma_wait3A, %dma_wait3A_65] : memref<2x128x64xf32, #tpu.memory_space<vmem>> -> memref<1x128x64xf32, #tpu.memory_space<vmem>>
      %dma_wait3A_67 = tpu.memref_squeeze %dma_wait3A_66 : memref<1x128x64xf32, #tpu.memory_space<vmem>> -> memref<128x64xf32, #tpu.memory_space<vmem>>
      %dma_wait3A_68 = arith.constant 0 : i32
      %dma_wait3A_69 = tpu.memref_slice %arg15[%add3A_13, %dma_wait3A_68] : memref<10240x64xf32, #tpu.memory_space<vmem_shared>> -> memref<128x64xf32, #tpu.memory_space<vmem_shared>>
      %dma_wait3A_70 = arith.constant 0 : i32
      %dma_wait3A_71 = tpu.memref_slice %arg15[%add3A_13, %dma_wait3A_70] : memref<10240x64xf32, #tpu.memory_space<vmem_shared>> -> memref<128x64xf32, #tpu.memory_space<vmem_shared>>
      %dma_wait3A_72 = arith.constant 0 : i32
      %dma_wait3A_73 = arith.constant 0 : i32
      %dma_wait3A_74 = tpu.memref_slice %arg13[%run_scoped3A_14, %dma_wait3A_72, %dma_wait3A_73] : memref<2x128x64xf32, #tpu.memory_space<vmem>> -> memref<1x128x64xf32, #tpu.memory_space<vmem>>
      %dma_wait3A_75 = tpu.memref_squeeze %dma_wait3A_74 : memref<1x128x64xf32, #tpu.memory_space<vmem>> -> memref<128x64xf32, #tpu.memory_space<vmem>>
      tpu.wait_dma2 semaphore(%run_scoped3A_53 : memref<!tpu.dma_semaphore, #tpu.memory_space<semaphore_mem>>) src(%dma_wait3A_75 : memref<128x64xf32, #tpu.memory_space<vmem>>) dst(%dma_wait3A_71 : memref<128x64xf32, #tpu.memory_space<vmem_shared>>)
      tpu.yield
    }) : () -> ()
    %mul3A_15 = arith.constant 640 : i32
    %mul3A_16 = arith.muli %arg1, %mul3A_15 : i32
    %add3A_17 = arith.constant 256 : i32
    %add3A_18 = arith.addi %mul3A_16, %add3A_17 : i32
    %run_scoped3A_19 = arith.constant 0 : i32
    "tpu.region"() ({
      %run_scoped3A_53 = tpu.sem_alloc : memref<!tpu.dma_semaphore, #tpu.memory_space<semaphore_mem>>
      %dma_start3A = arith.constant 0 : i32
      %dma_start3A_54 = arith.constant 0 : i32
      %dma_start3A_55 = tpu.memref_slice %arg13[%run_scoped3A_19, %dma_start3A, %dma_start3A_54] : memref<2x128x64xf32, #tpu.memory_space<vmem>> -> memref<1x128x64xf32, #tpu.memory_space<vmem>>
      %dma_start3A_56 = tpu.memref_squeeze %dma_start3A_55 : memref<1x128x64xf32, #tpu.memory_space<vmem>> -> memref<128x64xf32, #tpu.memory_space<vmem>>
      %dma_start3A_57 = arith.constant 0 : i32
      %dma_start3A_58 = tpu.memref_slice %arg15[%add3A_18, %dma_start3A_57] : memref<10240x64xf32, #tpu.memory_space<vmem_shared>> -> memref<128x64xf32, #tpu.memory_space<vmem_shared>>
      %dma_start3A_59 = arith.constant 0 : i32
      %dma_start3A_60 = tpu.memref_slice %arg15[%add3A_18, %dma_start3A_59] : memref<10240x64xf32, #tpu.memory_space<vmem_shared>> -> memref<128x64xf32, #tpu.memory_space<vmem_shared>>
      %dma_start3A_61 = arith.constant 0 : i32
      %dma_start3A_62 = arith.constant 0 : i32
      %dma_start3A_63 = tpu.memref_slice %arg13[%run_scoped3A_19, %dma_start3A_61, %dma_start3A_62] : memref<2x128x64xf32, #tpu.memory_space<vmem>> -> memref<1x128x64xf32, #tpu.memory_space<vmem>>
      %dma_start3A_64 = tpu.memref_squeeze %dma_start3A_63 : memref<1x128x64xf32, #tpu.memory_space<vmem>> -> memref<128x64xf32, #tpu.memory_space<vmem>>
      tpu.enqueue_dma source(%dma_start3A_64 : memref<128x64xf32, #tpu.memory_space<vmem>>) target(%dma_start3A_60 : memref<128x64xf32, #tpu.memory_space<vmem_shared>>) target_semaphore(%run_scoped3A_53 : memref<!tpu.dma_semaphore, #tpu.memory_space<semaphore_mem>>)
      %dma_wait3A = arith.constant 0 : i32
      %dma_wait3A_65 = arith.constant 0 : i32
      %dma_wait3A_66 = tpu.memref_slice %arg13[%run_scoped3A_19, %dma_wait3A, %dma_wait3A_65] : memref<2x128x64xf32, #tpu.memory_space<vmem>> -> memref<1x128x64xf32, #tpu.memory_space<vmem>>
      %dma_wait3A_67 = tpu.memref_squeeze %dma_wait3A_66 : memref<1x128x64xf32, #tpu.memory_space<vmem>> -> memref<128x64xf32, #tpu.memory_space<vmem>>
      %dma_wait3A_68 = arith.constant 0 : i32
      %dma_wait3A_69 = tpu.memref_slice %arg15[%add3A_18, %dma_wait3A_68] : memref<10240x64xf32, #tpu.memory_space<vmem_shared>> -> memref<128x64xf32, #tpu.memory_space<vmem_shared>>
      %dma_wait3A_70 = arith.constant 0 : i32
      %dma_wait3A_71 = tpu.memref_slice %arg15[%add3A_18, %dma_wait3A_70] : memref<10240x64xf32, #tpu.memory_space<vmem_shared>> -> memref<128x64xf32, #tpu.memory_space<vmem_shared>>
      %dma_wait3A_72 = arith.constant 0 : i32
      %dma_wait3A_73 = arith.constant 0 : i32
      %dma_wait3A_74 = tpu.memref_slice %arg13[%run_scoped3A_19, %dma_wait3A_72, %dma_wait3A_73] : memref<2x128x64xf32, #tpu.memory_space<vmem>> -> memref<1x128x64xf32, #tpu.memory_space<vmem>>
      %dma_wait3A_75 = tpu.memref_squeeze %dma_wait3A_74 : memref<1x128x64xf32, #tpu.memory_space<vmem>> -> memref<128x64xf32, #tpu.memory_space<vmem>>
      tpu.wait_dma2 semaphore(%run_scoped3A_53 : memref<!tpu.dma_semaphore, #tpu.memory_space<semaphore_mem>>) src(%dma_wait3A_75 : memref<128x64xf32, #tpu.memory_space<vmem>>) dst(%dma_wait3A_71 : memref<128x64xf32, #tpu.memory_space<vmem_shared>>)
      tpu.yield
    }) : () -> ()
    %mul3A_20 = arith.constant 640 : i32
    %mul3A_21 = arith.muli %arg1, %mul3A_20 : i32
    %add3A_22 = arith.constant 384 : i32
    %add3A_23 = arith.addi %mul3A_21, %add3A_22 : i32
    %run_scoped3A_24 = arith.constant 0 : i32
    "tpu.region"() ({
      %run_scoped3A_53 = tpu.sem_alloc : memref<!tpu.dma_semaphore, #tpu.memory_space<semaphore_mem>>
      %dma_start3A = arith.constant 0 : i32
      %dma_start3A_54 = arith.constant 0 : i32
      %dma_start3A_55 = tpu.memref_slice %arg13[%run_scoped3A_24, %dma_start3A, %dma_start3A_54] : memref<2x128x64xf32, #tpu.memory_space<vmem>> -> memref<1x128x64xf32, #tpu.memory_space<vmem>>
      %dma_start3A_56 = tpu.memref_squeeze %dma_start3A_55 : memref<1x128x64xf32, #tpu.memory_space<vmem>> -> memref<128x64xf32, #tpu.memory_space<vmem>>
      %dma_start3A_57 = arith.constant 0 : i32
      %dma_start3A_58 = tpu.memref_slice %arg15[%add3A_23, %dma_start3A_57] : memref<10240x64xf32, #tpu.memory_space<vmem_shared>> -> memref<128x64xf32, #tpu.memory_space<vmem_shared>>
      %dma_start3A_59 = arith.constant 0 : i32
      %dma_start3A_60 = tpu.memref_slice %arg15[%add3A_23, %dma_start3A_59] : memref<10240x64xf32, #tpu.memory_space<vmem_shared>> -> memref<128x64xf32, #tpu.memory_space<vmem_shared>>
      %dma_start3A_61 = arith.constant 0 : i32
      %dma_start3A_62 = arith.constant 0 : i32
      %dma_start3A_63 = tpu.memref_slice %arg13[%run_scoped3A_24, %dma_start3A_61, %dma_start3A_62] : memref<2x128x64xf32, #tpu.memory_space<vmem>> -> memref<1x128x64xf32, #tpu.memory_space<vmem>>
      %dma_start3A_64 = tpu.memref_squeeze %dma_start3A_63 : memref<1x128x64xf32, #tpu.memory_space<vmem>> -> memref<128x64xf32, #tpu.memory_space<vmem>>
      tpu.enqueue_dma source(%dma_start3A_64 : memref<128x64xf32, #tpu.memory_space<vmem>>) target(%dma_start3A_60 : memref<128x64xf32, #tpu.memory_space<vmem_shared>>) target_semaphore(%run_scoped3A_53 : memref<!tpu.dma_semaphore, #tpu.memory_space<semaphore_mem>>)
      %dma_wait3A = arith.constant 0 : i32
      %dma_wait3A_65 = arith.constant 0 : i32
      %dma_wait3A_66 = tpu.memref_slice %arg13[%run_scoped3A_24, %dma_wait3A, %dma_wait3A_65] : memref<2x128x64xf32, #tpu.memory_space<vmem>> -> memref<1x128x64xf32, #tpu.memory_space<vmem>>
      %dma_wait3A_67 = tpu.memref_squeeze %dma_wait3A_66 : memref<1x128x64xf32, #tpu.memory_space<vmem>> -> memref<128x64xf32, #tpu.memory_space<vmem>>
      %dma_wait3A_68 = arith.constant 0 : i32
      %dma_wait3A_69 = tpu.memref_slice %arg15[%add3A_23, %dma_wait3A_68] : memref<10240x64xf32, #tpu.memory_space<vmem_shared>> -> memref<128x64xf32, #tpu.memory_space<vmem_shared>>
      %dma_wait3A_70 = arith.constant 0 : i32
      %dma_wait3A_71 = tpu.memref_slice %arg15[%add3A_23, %dma_wait3A_70] : memref<10240x64xf32, #tpu.memory_space<vmem_shared>> -> memref<128x64xf32, #tpu.memory_space<vmem_shared>>
      %dma_wait3A_72 = arith.constant 0 : i32
      %dma_wait3A_73 = arith.constant 0 : i32
      %dma_wait3A_74 = tpu.memref_slice %arg13[%run_scoped3A_24, %dma_wait3A_72, %dma_wait3A_73] : memref<2x128x64xf32, #tpu.memory_space<vmem>> -> memref<1x128x64xf32, #tpu.memory_space<vmem>>
      %dma_wait3A_75 = tpu.memref_squeeze %dma_wait3A_74 : memref<1x128x64xf32, #tpu.memory_space<vmem>> -> memref<128x64xf32, #tpu.memory_space<vmem>>
      tpu.wait_dma2 semaphore(%run_scoped3A_53 : memref<!tpu.dma_semaphore, #tpu.memory_space<semaphore_mem>>) src(%dma_wait3A_75 : memref<128x64xf32, #tpu.memory_space<vmem>>) dst(%dma_wait3A_71 : memref<128x64xf32, #tpu.memory_space<vmem_shared>>)
      tpu.yield
    }) : () -> ()
    %mul3A_25 = arith.constant 640 : i32
    %mul3A_26 = arith.muli %arg1, %mul3A_25 : i32
    %add3A_27 = arith.constant 512 : i32
    %add3A_28 = arith.addi %mul3A_26, %add3A_27 : i32
    %run_scoped3A_29 = arith.constant 0 : i32
    "tpu.region"() ({
      %run_scoped3A_53 = tpu.sem_alloc : memref<!tpu.dma_semaphore, #tpu.memory_space<semaphore_mem>>
      %dma_start3A = arith.constant 0 : i32
      %dma_start3A_54 = arith.constant 0 : i32
      %dma_start3A_55 = tpu.memref_slice %arg13[%run_scoped3A_29, %dma_start3A, %dma_start3A_54] : memref<2x128x64xf32, #tpu.memory_space<vmem>> -> memref<1x128x64xf32, #tpu.memory_space<vmem>>
      %dma_start3A_56 = tpu.memref_squeeze %dma_start3A_55 : memref<1x128x64xf32, #tpu.memory_space<vmem>> -> memref<128x64xf32, #tpu.memory_space<vmem>>
      %dma_start3A_57 = arith.constant 0 : i32
      %dma_start3A_58 = tpu.memref_slice %arg15[%add3A_28, %dma_start3A_57] : memref<10240x64xf32, #tpu.memory_space<vmem_shared>> -> memref<128x64xf32, #tpu.memory_space<vmem_shared>>
      %dma_start3A_59 = arith.constant 0 : i32
      %dma_start3A_60 = tpu.memref_slice %arg15[%add3A_28, %dma_start3A_59] : memref<10240x64xf32, #tpu.memory_space<vmem_shared>> -> memref<128x64xf32, #tpu.memory_space<vmem_shared>>
      %dma_start3A_61 = arith.constant 0 : i32
      %dma_start3A_62 = arith.constant 0 : i32
      %dma_start3A_63 = tpu.memref_slice %arg13[%run_scoped3A_29, %dma_start3A_61, %dma_start3A_62] : memref<2x128x64xf32, #tpu.memory_space<vmem>> -> memref<1x128x64xf32, #tpu.memory_space<vmem>>
      %dma_start3A_64 = tpu.memref_squeeze %dma_start3A_63 : memref<1x128x64xf32, #tpu.memory_space<vmem>> -> memref<128x64xf32, #tpu.memory_space<vmem>>
      tpu.enqueue_dma source(%dma_start3A_64 : memref<128x64xf32, #tpu.memory_space<vmem>>) target(%dma_start3A_60 : memref<128x64xf32, #tpu.memory_space<vmem_shared>>) target_semaphore(%run_scoped3A_53 : memref<!tpu.dma_semaphore, #tpu.memory_space<semaphore_mem>>)
      %dma_wait3A = arith.constant 0 : i32
      %dma_wait3A_65 = arith.constant 0 : i32
      %dma_wait3A_66 = tpu.memref_slice %arg13[%run_scoped3A_29, %dma_wait3A, %dma_wait3A_65] : memref<2x128x64xf32, #tpu.memory_space<vmem>> -> memref<1x128x64xf32, #tpu.memory_space<vmem>>
      %dma_wait3A_67 = tpu.memref_squeeze %dma_wait3A_66 : memref<1x128x64xf32, #tpu.memory_space<vmem>> -> memref<128x64xf32, #tpu.memory_space<vmem>>
      %dma_wait3A_68 = arith.constant 0 : i32
      %dma_wait3A_69 = tpu.memref_slice %arg15[%add3A_28, %dma_wait3A_68] : memref<10240x64xf32, #tpu.memory_space<vmem_shared>> -> memref<128x64xf32, #tpu.memory_space<vmem_shared>>
      %dma_wait3A_70 = arith.constant 0 : i32
      %dma_wait3A_71 = tpu.memref_slice %arg15[%add3A_28, %dma_wait3A_70] : memref<10240x64xf32, #tpu.memory_space<vmem_shared>> -> memref<128x64xf32, #tpu.memory_space<vmem_shared>>
      %dma_wait3A_72 = arith.constant 0 : i32
      %dma_wait3A_73 = arith.constant 0 : i32
      %dma_wait3A_74 = tpu.memref_slice %arg13[%run_scoped3A_29, %dma_wait3A_72, %dma_wait3A_73] : memref<2x128x64xf32, #tpu.memory_space<vmem>> -> memref<1x128x64xf32, #tpu.memory_space<vmem>>
      %dma_wait3A_75 = tpu.memref_squeeze %dma_wait3A_74 : memref<1x128x64xf32, #tpu.memory_space<vmem>> -> memref<128x64xf32, #tpu.memory_space<vmem>>
      tpu.wait_dma2 semaphore(%run_scoped3A_53 : memref<!tpu.dma_semaphore, #tpu.memory_space<semaphore_mem>>) src(%dma_wait3A_75 : memref<128x64xf32, #tpu.memory_space<vmem>>) dst(%dma_wait3A_71 : memref<128x64xf32, #tpu.memory_space<vmem_shared>>)
      tpu.yield
    }) : () -> ()
    %eq3A = arith.constant 0 : i32
    %eq3A_30 = arith.cmpi eq, %arg0, %eq3A : i32
    %convert_element_type3A = arith.extui %eq3A_30 : i1 to i32
    %cond3A = arith.constant 0 : i32
    %cond3A_31 = arith.cmpi ne, %convert_element_type3A, %cond3A : i32
    scf.if %cond3A_31 {
      %broadcast_in_dim3A_53 = arith.constant 0.000000e+00 : f32
      %broadcast_in_dim3A_54 = vector.broadcast %broadcast_in_dim3A_53 : f32 to vector<16xf32>
      %scan3A_55 = arith.constant 0 : i32
      %scan3A_56 = arith.constant 0 : i32
      %scan3A_57 = arith.constant 128 : i32
      %scan3A_58 = arith.addi %scan3A_56, %scan3A_57 : i32
      %scan3A_59 = arith.constant 2 : i32
      %scan3A_60 = scf.for %scan3A_91 = %scan3A_56 to %scan3A_58 step %scan3A_59 iter_args(%scan3A_92 = %scan3A_55) -> (i32)  : i32 {
        %swap3A = arith.index_cast %scan3A_91 : i32 to index
        %swap3A_93 = arith.constant 0 : index
        %swap3A_94 = tpu.vector_load %arg14[%swap3A, %swap3A_93] {strides = array<i32>} : memref<128x16xf32, #tpu.memory_space<vmem>>, vector<1x16xf32>,
        %swap3A_95 = vector.shape_cast %swap3A_94 : vector<1x16xf32> to vector<16xf32>
        %swap3A_96 = vector.shape_cast %broadcast_in_dim3A_54 : vector<16xf32> to vector<1x16xf32>
        tpu.vector_store %arg14[%swap3A, %swap3A_93], %swap3A_96 {strides = array<i32>} : memref<128x16xf32, #tpu.memory_space<vmem>>, vector<1x16xf32>,
        %scan3A_97 = arith.constant 0 : i32
        %scan3A_98 = arith.constant 1 : i32
        %scan3A_99 = arith.addi %scan3A_91, %scan3A_98 : i32
        %swap3A_100 = arith.index_cast %scan3A_99 : i32 to index
        %swap3A_101 = arith.constant 0 : index
        %swap3A_102 = tpu.vector_load %arg14[%swap3A_100, %swap3A_101] {strides = array<i32>} : memref<128x16xf32, #tpu.memory_space<vmem>>, vector<1x16xf32>,
        %swap3A_103 = vector.shape_cast %swap3A_102 : vector<1x16xf32> to vector<16xf32>
        %swap3A_104 = vector.shape_cast %broadcast_in_dim3A_54 : vector<16xf32> to vector<1x16xf32>
        tpu.vector_store %arg14[%swap3A_100, %swap3A_101], %swap3A_104 {strides = array<i32>} : memref<128x16xf32, #tpu.memory_space<vmem>>, vector<1x16xf32>,
        %scan3A_105 = arith.constant 0 : i32
        scf.yield %scan3A_105 : i32
      }
      %scan3A_61 = arith.constant 128 : i32
      %mul3A_62 = arith.constant 640 : i32
      %mul3A_63 = arith.muli %arg1, %mul3A_62 : i32
      %add3A_64 = arith.constant 0 : i32
      %add3A_65 = arith.addi %mul3A_63, %add3A_64 : i32
      "tpu.region"() ({
        %run_scoped3A_91 = tpu.sem_alloc : memref<!tpu.dma_semaphore, #tpu.memory_space<semaphore_mem>>
        %dma_start3A = arith.constant 0 : i32
        %dma_start3A_92 = tpu.memref_slice %arg16[%add3A_65, %dma_start3A] : memref<10240x16xf32, #tpu.memory_space<vmem_shared>> -> memref<128x16xf32, #tpu.memory_space<vmem_shared>>
        %dma_start3A_93 = arith.constant 0 : i32
        %dma_start3A_94 = tpu.memref_slice %arg16[%add3A_65, %dma_start3A_93] : memref<10240x16xf32, #tpu.memory_space<vmem_shared>> -> memref<128x16xf32, #tpu.memory_space<vmem_shared>>
        tpu.enqueue_dma source(%arg14 : memref<128x16xf32, #tpu.memory_space<vmem>>) target(%dma_start3A_94 : memref<128x16xf32, #tpu.memory_space<vmem_shared>>) target_semaphore(%run_scoped3A_91 : memref<!tpu.dma_semaphore, #tpu.memory_space<semaphore_mem>>)
        %dma_wait3A = arith.constant 0 : i32
        %dma_wait3A_95 = tpu.memref_slice %arg16[%add3A_65, %dma_wait3A] : memref<10240x16xf32, #tpu.memory_space<vmem_shared>> -> memref<128x16xf32, #tpu.memory_space<vmem_shared>>
        %dma_wait3A_96 = arith.constant 0 : i32
        %dma_wait3A_97 = tpu.memref_slice %arg16[%add3A_65, %dma_wait3A_96] : memref<10240x16xf32, #tpu.memory_space<vmem_shared>> -> memref<128x16xf32, #tpu.memory_space<vmem_shared>>
        tpu.wait_dma2 semaphore(%run_scoped3A_91 : memref<!tpu.dma_semaphore, #tpu.memory_space<semaphore_mem>>) src(%arg14 : memref<128x16xf32, #tpu.memory_space<vmem>>) dst(%dma_wait3A_97 : memref<128x16xf32, #tpu.memory_space<vmem_shared>>)
        tpu.yield
      }) : () -> ()
      %mul3A_66 = arith.constant 640 : i32
      %mul3A_67 = arith.muli %arg1, %mul3A_66 : i32
      %add3A_68 = arith.constant 128 : i32
      %add3A_69 = arith.addi %mul3A_67, %add3A_68 : i32
      "tpu.region"() ({
        %run_scoped3A_91 = tpu.sem_alloc : memref<!tpu.dma_semaphore, #tpu.memory_space<semaphore_mem>>
        %dma_start3A = arith.constant 0 : i32
        %dma_start3A_92 = tpu.memref_slice %arg16[%add3A_69, %dma_start3A] : memref<10240x16xf32, #tpu.memory_space<vmem_shared>> -> memref<128x16xf32, #tpu.memory_space<vmem_shared>>
        %dma_start3A_93 = arith.constant 0 : i32
        %dma_start3A_94 = tpu.memref_slice %arg16[%add3A_69, %dma_start3A_93] : memref<10240x16xf32, #tpu.memory_space<vmem_shared>> -> memref<128x16xf32, #tpu.memory_space<vmem_shared>>
        tpu.enqueue_dma source(%arg14 : memref<128x16xf32, #tpu.memory_space<vmem>>) target(%dma_start3A_94 : memref<128x16xf32, #tpu.memory_space<vmem_shared>>) target_semaphore(%run_scoped3A_91 : memref<!tpu.dma_semaphore, #tpu.memory_space<semaphore_mem>>)
        %dma_wait3A = arith.constant 0 : i32
        %dma_wait3A_95 = tpu.memref_slice %arg16[%add3A_69, %dma_wait3A] : memref<10240x16xf32, #tpu.memory_space<vmem_shared>> -> memref<128x16xf32, #tpu.memory_space<vmem_shared>>
        %dma_wait3A_96 = arith.constant 0 : i32
        %dma_wait3A_97 = tpu.memref_slice %arg16[%add3A_69, %dma_wait3A_96] : memref<10240x16xf32, #tpu.memory_space<vmem_shared>> -> memref<128x16xf32, #tpu.memory_space<vmem_shared>>
        tpu.wait_dma2 semaphore(%run_scoped3A_91 : memref<!tpu.dma_semaphore, #tpu.memory_space<semaphore_mem>>) src(%arg14 : memref<128x16xf32, #tpu.memory_space<vmem>>) dst(%dma_wait3A_97 : memref<128x16xf32, #tpu.memory_space<vmem_shared>>)
        tpu.yield
      }) : () -> ()
      %mul3A_70 = arith.constant 640 : i32
      %mul3A_71 = arith.muli %arg1, %mul3A_70 : i32
      %add3A_72 = arith.constant 256 : i32
      %add3A_73 = arith.addi %mul3A_71, %add3A_72 : i32
      "tpu.region"() ({
        %run_scoped3A_91 = tpu.sem_alloc : memref<!tpu.dma_semaphore, #tpu.memory_space<semaphore_mem>>
        %dma_start3A = arith.constant 0 : i32
        %dma_start3A_92 = tpu.memref_slice %arg16[%add3A_73, %dma_start3A] : memref<10240x16xf32, #tpu.memory_space<vmem_shared>> -> memref<128x16xf32, #tpu.memory_space<vmem_shared>>
        %dma_start3A_93 = arith.constant 0 : i32
        %dma_start3A_94 = tpu.memref_slice %arg16[%add3A_73, %dma_start3A_93] : memref<10240x16xf32, #tpu.memory_space<vmem_shared>> -> memref<128x16xf32, #tpu.memory_space<vmem_shared>>
        tpu.enqueue_dma source(%arg14 : memref<128x16xf32, #tpu.memory_space<vmem>>) target(%dma_start3A_94 : memref<128x16xf32, #tpu.memory_space<vmem_shared>>) target_semaphore(%run_scoped3A_91 : memref<!tpu.dma_semaphore, #tpu.memory_space<semaphore_mem>>)
        %dma_wait3A = arith.constant 0 : i32
        %dma_wait3A_95 = tpu.memref_slice %arg16[%add3A_73, %dma_wait3A] : memref<10240x16xf32, #tpu.memory_space<vmem_shared>> -> memref<128x16xf32, #tpu.memory_space<vmem_shared>>
        %dma_wait3A_96 = arith.constant 0 : i32
        %dma_wait3A_97 = tpu.memref_slice %arg16[%add3A_73, %dma_wait3A_96] : memref<10240x16xf32, #tpu.memory_space<vmem_shared>> -> memref<128x16xf32, #tpu.memory_space<vmem_shared>>
        tpu.wait_dma2 semaphore(%run_scoped3A_91 : memref<!tpu.dma_semaphore, #tpu.memory_space<semaphore_mem>>) src(%arg14 : memref<128x16xf32, #tpu.memory_space<vmem>>) dst(%dma_wait3A_97 : memref<128x16xf32, #tpu.memory_space<vmem_shared>>)
        tpu.yield
      }) : () -> ()
      %mul3A_74 = arith.constant 640 : i32
      %mul3A_75 = arith.muli %arg1, %mul3A_74 : i32
      %add3A_76 = arith.constant 384 : i32
      %add3A_77 = arith.addi %mul3A_75, %add3A_76 : i32
      "tpu.region"() ({
        %run_scoped3A_91 = tpu.sem_alloc : memref<!tpu.dma_semaphore, #tpu.memory_space<semaphore_mem>>
        %dma_start3A = arith.constant 0 : i32
        %dma_start3A_92 = tpu.memref_slice %arg16[%add3A_77, %dma_start3A] : memref<10240x16xf32, #tpu.memory_space<vmem_shared>> -> memref<128x16xf32, #tpu.memory_space<vmem_shared>>
        %dma_start3A_93 = arith.constant 0 : i32
        %dma_start3A_94 = tpu.memref_slice %arg16[%add3A_77, %dma_start3A_93] : memref<10240x16xf32, #tpu.memory_space<vmem_shared>> -> memref<128x16xf32, #tpu.memory_space<vmem_shared>>
        tpu.enqueue_dma source(%arg14 : memref<128x16xf32, #tpu.memory_space<vmem>>) target(%dma_start3A_94 : memref<128x16xf32, #tpu.memory_space<vmem_shared>>) target_semaphore(%run_scoped3A_91 : memref<!tpu.dma_semaphore, #tpu.memory_space<semaphore_mem>>)
        %dma_wait3A = arith.constant 0 : i32
        %dma_wait3A_95 = tpu.memref_slice %arg16[%add3A_77, %dma_wait3A] : memref<10240x16xf32, #tpu.memory_space<vmem_shared>> -> memref<128x16xf32, #tpu.memory_space<vmem_shared>>
        %dma_wait3A_96 = arith.constant 0 : i32
        %dma_wait3A_97 = tpu.memref_slice %arg16[%add3A_77, %dma_wait3A_96] : memref<10240x16xf32, #tpu.memory_space<vmem_shared>> -> memref<128x16xf32, #tpu.memory_space<vmem_shared>>
        tpu.wait_dma2 semaphore(%run_scoped3A_91 : memref<!tpu.dma_semaphore, #tpu.memory_space<semaphore_mem>>) src(%arg14 : memref<128x16xf32, #tpu.memory_space<vmem>>) dst(%dma_wait3A_97 : memref<128x16xf32, #tpu.memory_space<vmem_shared>>)
        tpu.yield
      }) : () -> ()
      %mul3A_78 = arith.constant 640 : i32
      %mul3A_79 = arith.muli %arg1, %mul3A_78 : i32
      %add3A_80 = arith.constant 512 : i32
      %add3A_81 = arith.addi %mul3A_79, %add3A_80 : i32
      "tpu.region"() ({
        %run_scoped3A_91 = tpu.sem_alloc : memref<!tpu.dma_semaphore, #tpu.memory_space<semaphore_mem>>
        %dma_start3A = arith.constant 0 : i32
        %dma_start3A_92 = tpu.memref_slice %arg16[%add3A_81, %dma_start3A] : memref<10240x16xf32, #tpu.memory_space<vmem_shared>> -> memref<128x16xf32, #tpu.memory_space<vmem_shared>>
        %dma_start3A_93 = arith.constant 0 : i32
        %dma_start3A_94 = tpu.memref_slice %arg16[%add3A_81, %dma_start3A_93] : memref<10240x16xf32, #tpu.memory_space<vmem_shared>> -> memref<128x16xf32, #tpu.memory_space<vmem_shared>>
        tpu.enqueue_dma source(%arg14 : memref<128x16xf32, #tpu.memory_space<vmem>>) target(%dma_start3A_94 : memref<128x16xf32, #tpu.memory_space<vmem_shared>>) target_semaphore(%run_scoped3A_91 : memref<!tpu.dma_semaphore, #tpu.memory_space<semaphore_mem>>)
        %dma_wait3A = arith.constant 0 : i32
        %dma_wait3A_95 = tpu.memref_slice %arg16[%add3A_81, %dma_wait3A] : memref<10240x16xf32, #tpu.memory_space<vmem_shared>> -> memref<128x16xf32, #tpu.memory_space<vmem_shared>>
        %dma_wait3A_96 = arith.constant 0 : i32
        %dma_wait3A_97 = tpu.memref_slice %arg16[%add3A_81, %dma_wait3A_96] : memref<10240x16xf32, #tpu.memory_space<vmem_shared>> -> memref<128x16xf32, #tpu.memory_space<vmem_shared>>
        tpu.wait_dma2 semaphore(%run_scoped3A_91 : memref<!tpu.dma_semaphore, #tpu.memory_space<semaphore_mem>>) src(%arg14 : memref<128x16xf32, #tpu.memory_space<vmem>>) dst(%dma_wait3A_97 : memref<128x16xf32, #tpu.memory_space<vmem_shared>>)
        tpu.yield
      }) : () -> ()
      %broadcast_in_dim3A_82 = arith.constant 1.000000e+00 : f32
      %broadcast_in_dim3A_83 = vector.broadcast %broadcast_in_dim3A_82 : f32 to vector<16xf32>
      %scan3A_84 = arith.constant 0 : i32
      %scan3A_85 = arith.constant 0 : i32
      %scan3A_86 = arith.constant 128 : i32
      %scan3A_87 = arith.addi %scan3A_85, %scan3A_86 : i32
      %scan3A_88 = arith.constant 4 : i32
      %scan3A_89 = scf.for %scan3A_91 = %scan3A_85 to %scan3A_87 step %scan3A_88 iter_args(%scan3A_92 = %scan3A_84) -> (i32)  : i32 {
        %swap3A = arith.index_cast %scan3A_91 : i32 to index
        %swap3A_93 = arith.constant 0 : index
        %swap3A_94 = tpu.vector_load %arg14[%swap3A, %swap3A_93] {strides = array<i32>} : memref<128x16xf32, #tpu.memory_space<vmem>>, vector<1x16xf32>,
        %swap3A_95 = vector.shape_cast %swap3A_94 : vector<1x16xf32> to vector<16xf32>
        %swap3A_96 = vector.shape_cast %broadcast_in_dim3A_83 : vector<16xf32> to vector<1x16xf32>
        tpu.vector_store %arg14[%swap3A, %swap3A_93], %swap3A_96 {strides = array<i32>} : memref<128x16xf32, #tpu.memory_space<vmem>>, vector<1x16xf32>,
        %scan3A_97 = arith.constant 0 : i32
        %scan3A_98 = arith.constant 1 : i32
        %scan3A_99 = arith.addi %scan3A_91, %scan3A_98 : i32
        %swap3A_100 = arith.index_cast %scan3A_99 : i32 to index
        %swap3A_101 = arith.constant 0 : index
        %swap3A_102 = tpu.vector_load %arg14[%swap3A_100, %swap3A_101] {strides = array<i32>} : memref<128x16xf32, #tpu.memory_space<vmem>>, vector<1x16xf32>,
        %swap3A_103 = vector.shape_cast %swap3A_102 : vector<1x16xf32> to vector<16xf32>
        %swap3A_104 = vector.shape_cast %broadcast_in_dim3A_83 : vector<16xf32> to vector<1x16xf32>
        tpu.vector_store %arg14[%swap3A_100, %swap3A_101], %swap3A_104 {strides = array<i32>} : memref<128x16xf32, #tpu.memory_space<vmem>>, vector<1x16xf32>,
        %scan3A_105 = arith.constant 0 : i32
        %scan3A_106 = arith.constant 2 : i32
        %scan3A_107 = arith.addi %scan3A_91, %scan3A_106 : i32
        %swap3A_108 = arith.index_cast %scan3A_107 : i32 to index
        %swap3A_109 = arith.constant 0 : index
        %swap3A_110 = tpu.vector_load %arg14[%swap3A_108, %swap3A_109] {strides = array<i32>} : memref<128x16xf32, #tpu.memory_space<vmem>>, vector<1x16xf32>,
        %swap3A_111 = vector.shape_cast %swap3A_110 : vector<1x16xf32> to vector<16xf32>
        %swap3A_112 = vector.shape_cast %broadcast_in_dim3A_83 : vector<16xf32> to vector<1x16xf32>
        tpu.vector_store %arg14[%swap3A_108, %swap3A_109], %swap3A_112 {strides = array<i32>} : memref<128x16xf32, #tpu.memory_space<vmem>>, vector<1x16xf32>,
        %scan3A_113 = arith.constant 0 : i32
        %scan3A_114 = arith.constant 3 : i32
        %scan3A_115 = arith.addi %scan3A_91, %scan3A_114 : i32
        %swap3A_116 = arith.index_cast %scan3A_115 : i32 to index
        %swap3A_117 = arith.constant 0 : index
        %swap3A_118 = tpu.vector_load %arg14[%swap3A_116, %swap3A_117] {strides = array<i32>} : memref<128x16xf32, #tpu.memory_space<vmem>>, vector<1x16xf32>,
        %swap3A_119 = vector.shape_cast %swap3A_118 : vector<1x16xf32> to vector<16xf32>
        %swap3A_120 = vector.shape_cast %broadcast_in_dim3A_83 : vector<16xf32> to vector<1x16xf32>
        tpu.vector_store %arg14[%swap3A_116, %swap3A_117], %swap3A_120 {strides = array<i32>} : memref<128x16xf32, #tpu.memory_space<vmem>>, vector<1x16xf32>,
        %scan3A_121 = arith.constant 0 : i32
        scf.yield %scan3A_121 : i32
      }
      %scan3A_90 = arith.constant 128 : i32
    } else {
    }
    %barrier3A = arith.constant 0 : index
    tpu.barrier barrier_id(%barrier3A)
    %eq3A_32 = arith.constant 0 : i32
    %eq3A_33 = arith.cmpi eq, %arg0, %eq3A_32 : i32
    %convert_element_type3A_34 = arith.extui %eq3A_33 : i1 to i32
    %cond3A_35 = arith.constant 0 : i32
    %cond3A_36 = arith.cmpi ne, %convert_element_type3A_34, %cond3A_35 : i32
    scf.if %cond3A_36 {
      %dma_start3A = arith.constant 0 : i32
      %dma_start3A_53 = arith.constant 0 : i32
      %dma_start3A_54 = arith.constant 0 : i32
      %dma_start3A_55 = arith.constant 0 : i32
      %dma_start3A_56 = tpu.memref_slice %arg13[%dma_start3A_53, %dma_start3A_54, %dma_start3A_55] : memref<2x128x64xf32, #tpu.memory_space<vmem>> -> memref<1x128x64xf32, #tpu.memory_space<vmem>>
      %dma_start3A_57 = tpu.memref_squeeze %dma_start3A_56 : memref<1x128x64xf32, #tpu.memory_space<vmem>> -> memref<128x64xf32, #tpu.memory_space<vmem>>
      %dma_start3A_58 = arith.constant 0 : i32
      %dma_start3A_59 = tpu.memref_slice %arg10[%dma_start3A, %dma_start3A_58] : memref<160x128xi32, #tpu.memory_space<vmem>> -> memref<1x128xi32, #tpu.memory_space<vmem>>
      %dma_start3A_60 = tpu.memref_squeeze %dma_start3A_59 : memref<1x128xi32, #tpu.memory_space<vmem>> -> memref<128xi32, #tpu.memory_space<vmem>>
      %dma_start3A_61 = arith.constant 0 : i32
      %dma_start3A_62 = arith.constant 0 : i32
      %dma_start3A_63 = tpu.memref_slice %arg2[%dma_start3A_61, %dma_start3A_62] : memref<10000x64xf32, #tpu.memory_space<hbm>> -> memref<10000x64xf32, #tpu.memory_space<hbm>>
      tpu.enqueue_indirect_dma source(%dma_start3A_63 : memref<10000x64xf32, #tpu.memory_space<hbm>>) target(%dma_start3A_57 : memref<128x64xf32, #tpu.memory_space<vmem>>) offsets(%dma_start3A_60 : memref<128xi32, #tpu.memory_space<vmem>>) semaphore(%arg17 : memref<!tpu.dma_semaphore, #tpu.memory_space<semaphore_mem>>)
      %dma_start3A_64 = arith.constant 0 : i32
      %dma_start3A_65 = arith.constant 0 : i32
      %dma_start3A_66 = arith.constant 0 : i32
      %dma_start3A_67 = arith.constant 0 : i32
      %dma_start3A_68 = tpu.memref_slice %arg12[%dma_start3A_65, %dma_start3A_66, %dma_start3A_67] : memref<2x128x16xf32, #tpu.memory_space<vmem>> -> memref<1x128x16xf32, #tpu.memory_space<vmem>>
      %dma_start3A_69 = tpu.memref_squeeze %dma_start3A_68 : memref<1x128x16xf32, #tpu.memory_space<vmem>> -> memref<128x16xf32, #tpu.memory_space<vmem>>
      %dma_start3A_70 = arith.constant 0 : i32
      %dma_start3A_71 = arith.constant 0 : i32
      %dma_start3A_72 = tpu.memref_slice %arg6[%arg1, %dma_start3A_64, %dma_start3A_70, %dma_start3A_71] : memref<16x160x128x16xf32, #tpu.memory_space<hbm>> -> memref<1x1x128x16xf32, #tpu.memory_space<hbm>>
      %dma_start3A_73 = tpu.memref_squeeze %dma_start3A_72 : memref<1x1x128x16xf32, #tpu.memory_space<hbm>> -> memref<128x16xf32, #tpu.memory_space<hbm>>
      %dma_start3A_74 = arith.constant 0 : i32
      %dma_start3A_75 = arith.constant 0 : i32
      %dma_start3A_76 = tpu.memref_slice %arg12[%dma_start3A_65, %dma_start3A_74, %dma_start3A_75] : memref<2x128x16xf32, #tpu.memory_space<vmem>> -> memref<1x128x16xf32, #tpu.memory_space<vmem>>
      %dma_start3A_77 = tpu.memref_squeeze %dma_start3A_76 : memref<1x128x16xf32, #tpu.memory_space<vmem>> -> memref<128x16xf32, #tpu.memory_space<vmem>>
      %dma_start3A_78 = arith.constant 0 : i32
      %dma_start3A_79 = arith.constant 0 : i32
      %dma_start3A_80 = tpu.memref_slice %arg6[%arg1, %dma_start3A_64, %dma_start3A_78, %dma_start3A_79] : memref<16x160x128x16xf32, #tpu.memory_space<hbm>> -> memref<1x1x128x16xf32, #tpu.memory_space<hbm>>
      %dma_start3A_81 = tpu.memref_squeeze %dma_start3A_80 : memref<1x1x128x16xf32, #tpu.memory_space<hbm>> -> memref<128x16xf32, #tpu.memory_space<hbm>>
      tpu.enqueue_dma source(%dma_start3A_81 : memref<128x16xf32, #tpu.memory_space<hbm>>) target(%dma_start3A_77 : memref<128x16xf32, #tpu.memory_space<vmem>>) target_semaphore(%arg17 : memref<!tpu.dma_semaphore, #tpu.memory_space<semaphore_mem>>)
      %dma_start3A_82 = arith.constant 1 : i32
      %dma_start3A_83 = arith.constant 1 : i32
      %dma_start3A_84 = arith.constant 0 : i32
      %dma_start3A_85 = arith.constant 0 : i32
      %dma_start3A_86 = tpu.memref_slice %arg13[%dma_start3A_83, %dma_start3A_84, %dma_start3A_85] : memref<2x128x64xf32, #tpu.memory_space<vmem>> -> memref<1x128x64xf32, #tpu.memory_space<vmem>>
      %dma_start3A_87 = tpu.memref_squeeze %dma_start3A_86 : memref<1x128x64xf32, #tpu.memory_space<vmem>> -> memref<128x64xf32, #tpu.memory_space<vmem>>
      %dma_start3A_88 = arith.constant 0 : i32
      %dma_start3A_89 = tpu.memref_slice %arg10[%dma_start3A_82, %dma_start3A_88] : memref<160x128xi32, #tpu.memory_space<vmem>> -> memref<1x128xi32, #tpu.memory_space<vmem>>
      %dma_start3A_90 = tpu.memref_squeeze %dma_start3A_89 : memref<1x128xi32, #tpu.memory_space<vmem>> -> memref<128xi32, #tpu.memory_space<vmem>>
      %dma_start3A_91 = arith.constant 0 : i32
      %dma_start3A_92 = arith.constant 0 : i32
      %dma_start3A_93 = tpu.memref_slice %arg2[%dma_start3A_91, %dma_start3A_92] : memref<10000x64xf32, #tpu.memory_space<hbm>> -> memref<10000x64xf32, #tpu.memory_space<hbm>>
      tpu.enqueue_indirect_dma source(%dma_start3A_93 : memref<10000x64xf32, #tpu.memory_space<hbm>>) target(%dma_start3A_87 : memref<128x64xf32, #tpu.memory_space<vmem>>) offsets(%dma_start3A_90 : memref<128xi32, #tpu.memory_space<vmem>>) semaphore(%arg18 : memref<!tpu.dma_semaphore, #tpu.memory_space<semaphore_mem>>)
      %dma_start3A_94 = arith.constant 1 : i32
      %dma_start3A_95 = arith.constant 1 : i32
      %dma_start3A_96 = arith.constant 0 : i32
      %dma_start3A_97 = arith.constant 0 : i32
      %dma_start3A_98 = tpu.memref_slice %arg12[%dma_start3A_95, %dma_start3A_96, %dma_start3A_97] : memref<2x128x16xf32, #tpu.memory_space<vmem>> -> memref<1x128x16xf32, #tpu.memory_space<vmem>>
      %dma_start3A_99 = tpu.memref_squeeze %dma_start3A_98 : memref<1x128x16xf32, #tpu.memory_space<vmem>> -> memref<128x16xf32, #tpu.memory_space<vmem>>
      %dma_start3A_100 = arith.constant 0 : i32
      %dma_start3A_101 = arith.constant 0 : i32
      %dma_start3A_102 = tpu.memref_slice %arg6[%arg1, %dma_start3A_94, %dma_start3A_100, %dma_start3A_101] : memref<16x160x128x16xf32, #tpu.memory_space<hbm>> -> memref<1x1x128x16xf32, #tpu.memory_space<hbm>>
      %dma_start3A_103 = tpu.memref_squeeze %dma_start3A_102 : memref<1x1x128x16xf32, #tpu.memory_space<hbm>> -> memref<128x16xf32, #tpu.memory_space<hbm>>
      %dma_start3A_104 = arith.constant 0 : i32
      %dma_start3A_105 = arith.constant 0 : i32
      %dma_start3A_106 = tpu.memref_slice %arg12[%dma_start3A_95, %dma_start3A_104, %dma_start3A_105] : memref<2x128x16xf32, #tpu.memory_space<vmem>> -> memref<1x128x16xf32, #tpu.memory_space<vmem>>
      %dma_start3A_107 = tpu.memref_squeeze %dma_start3A_106 : memref<1x128x16xf32, #tpu.memory_space<vmem>> -> memref<128x16xf32, #tpu.memory_space<vmem>>
      %dma_start3A_108 = arith.constant 0 : i32
      %dma_start3A_109 = arith.constant 0 : i32
      %dma_start3A_110 = tpu.memref_slice %arg6[%arg1, %dma_start3A_94, %dma_start3A_108, %dma_start3A_109] : memref<16x160x128x16xf32, #tpu.memory_space<hbm>> -> memref<1x1x128x16xf32, #tpu.memory_space<hbm>>
      %dma_start3A_111 = tpu.memref_squeeze %dma_start3A_110 : memref<1x1x128x16xf32, #tpu.memory_space<hbm>> -> memref<128x16xf32, #tpu.memory_space<hbm>>
      tpu.enqueue_dma source(%dma_start3A_111 : memref<128x16xf32, #tpu.memory_space<hbm>>) target(%dma_start3A_107 : memref<128x16xf32, #tpu.memory_space<vmem>>) target_semaphore(%arg18 : memref<!tpu.dma_semaphore, #tpu.memory_space<semaphore_mem>>)
      %scan3A_112 = arith.constant 0 : i32
      %scan3A_113 = arith.constant 0 : i32
      %scan3A_114 = arith.constant 80 : i32
      %scan3A_115 = arith.addi %scan3A_113, %scan3A_114 : i32
      %scan3A_116 = arith.constant 1 : i32
      %scan3A_117 = scf.for %scan3A_119 = %scan3A_113 to %scan3A_115 step %scan3A_116 iter_args(%scan3A_120 = %scan3A_112) -> (i32)  : i32 {
        %mul3A_121 = arith.constant 2 : i32
        %mul3A_122 = arith.muli %scan3A_119, %mul3A_121 : i32
        %add3A_123 = arith.constant 0 : i32
        %add3A_124 = arith.addi %mul3A_122, %add3A_123 : i32
        %dma_wait3A = arith.constant 0 : i32
        %dma_wait3A_125 = arith.constant 0 : i32
        %dma_wait3A_126 = arith.constant 0 : i32
        %dma_wait3A_127 = tpu.memref_slice %arg13[%dma_wait3A, %dma_wait3A_125, %dma_wait3A_126] : memref<2x128x64xf32, #tpu.memory_space<vmem>> -> memref<1x128x64xf32, #tpu.memory_space<vmem>>
        %dma_wait3A_128 = tpu.memref_squeeze %dma_wait3A_127 : memref<1x128x64xf32, #tpu.memory_space<vmem>> -> memref<128x64xf32, #tpu.memory_space<vmem>>
        %dma_wait3A_129 = arith.constant 0 : i32
        %dma_wait3A_130 = tpu.memref_slice %arg10[%add3A_124, %dma_wait3A_129] : memref<160x128xi32, #tpu.memory_space<vmem>> -> memref<1x128xi32, #tpu.memory_space<vmem>>
        %dma_wait3A_131 = tpu.memref_squeeze %dma_wait3A_130 : memref<1x128xi32, #tpu.memory_space<vmem>> -> memref<128xi32, #tpu.memory_space<vmem>>
        %dma_wait3A_132 = arith.constant 0 : i32
        %dma_wait3A_133 = arith.constant 0 : i32
        %dma_wait3A_134 = tpu.memref_slice %arg2[%dma_wait3A_132, %dma_wait3A_133] : memref<10000x64xf32, #tpu.memory_space<hbm>> -> memref<10000x64xf32, #tpu.memory_space<hbm>>
        tpu.wait_indirect_dma semaphore(%arg17 : memref<!tpu.dma_semaphore, #tpu.memory_space<semaphore_mem>>) src(%dma_wait3A_134 : memref<10000x64xf32, #tpu.memory_space<hbm>>) dst(%dma_wait3A_128 : memref<128x64xf32, #tpu.memory_space<vmem>>)
        %dma_wait3A_135 = arith.constant 0 : i32
        %dma_wait3A_136 = arith.constant 0 : i32
        %dma_wait3A_137 = arith.constant 0 : i32
        %dma_wait3A_138 = tpu.memref_slice %arg12[%dma_wait3A_135, %dma_wait3A_136, %dma_wait3A_137] : memref<2x128x16xf32, #tpu.memory_space<vmem>> -> memref<1x128x16xf32, #tpu.memory_space<vmem>>
        %dma_wait3A_139 = tpu.memref_squeeze %dma_wait3A_138 : memref<1x128x16xf32, #tpu.memory_space<vmem>> -> memref<128x16xf32, #tpu.memory_space<vmem>>
        %dma_wait3A_140 = arith.constant 0 : i32
        %dma_wait3A_141 = arith.constant 0 : i32
        %dma_wait3A_142 = tpu.memref_slice %arg6[%arg1, %add3A_124, %dma_wait3A_140, %dma_wait3A_141] : memref<16x160x128x16xf32, #tpu.memory_space<hbm>> -> memref<1x1x128x16xf32, #tpu.memory_space<hbm>>
        %dma_wait3A_143 = tpu.memref_squeeze %dma_wait3A_142 : memref<1x1x128x16xf32, #tpu.memory_space<hbm>> -> memref<128x16xf32, #tpu.memory_space<hbm>>
        %dma_wait3A_144 = arith.constant 0 : i32
        %dma_wait3A_145 = arith.constant 0 : i32
        %dma_wait3A_146 = tpu.memref_slice %arg12[%dma_wait3A_135, %dma_wait3A_144, %dma_wait3A_145] : memref<2x128x16xf32, #tpu.memory_space<vmem>> -> memref<1x128x16xf32, #tpu.memory_space<vmem>>
        %dma_wait3A_147 = tpu.memref_squeeze %dma_wait3A_146 : memref<1x128x16xf32, #tpu.memory_space<vmem>> -> memref<128x16xf32, #tpu.memory_space<vmem>>
        %dma_wait3A_148 = arith.constant 0 : i32
        %dma_wait3A_149 = arith.constant 0 : i32
        %dma_wait3A_150 = tpu.memref_slice %arg6[%arg1, %add3A_124, %dma_wait3A_148, %dma_wait3A_149] : memref<16x160x128x16xf32, #tpu.memory_space<hbm>> -> memref<1x1x128x16xf32, #tpu.memory_space<hbm>>
        %dma_wait3A_151 = tpu.memref_squeeze %dma_wait3A_150 : memref<1x1x128x16xf32, #tpu.memory_space<hbm>> -> memref<128x16xf32, #tpu.memory_space<hbm>>
        tpu.wait_dma2 semaphore(%arg17 : memref<!tpu.dma_semaphore, #tpu.memory_space<semaphore_mem>>) src(%dma_wait3A_151 : memref<128x16xf32, #tpu.memory_space<hbm>>) dst(%dma_wait3A_147 : memref<128x16xf32, #tpu.memory_space<vmem>>)
        %scan3A_152 = arith.constant 0 : i32
        %scan3A_153 = arith.constant 0 : i32
        %scan3A_154 = arith.constant 128 : i32
        %scan3A_155 = arith.addi %scan3A_153, %scan3A_154 : i32
        %scan3A_156 = arith.constant 2 : i32
        %scan3A_157 = scf.for %scan3A_210 = %scan3A_153 to %scan3A_155 step %scan3A_156 iter_args(%scan3A_211 = %scan3A_152) -> (i32)  : i32 {
          %get3A = arith.constant 0 : i32
          %get3A_212 = arith.index_cast %get3A : i32 to index
          %get3A_213 = arith.index_cast %scan3A_210 : i32 to index
          %get3A_214 = arith.constant 0 : index
          %get3A_215 = tpu.vector_load %arg12[%get3A_212, %get3A_213, %get3A_214] {strides = array<i32>} : memref<2x128x16xf32, #tpu.memory_space<vmem>>, vector<1x1x16xf32>,
          %get3A_216 = vector.shape_cast %get3A_215 : vector<1x1x16xf32> to vector<16xf32>
          %get3A_217 = arith.constant 0 : i32
          %get3A_218 = arith.index_cast %get3A_217 : i32 to index
          %get3A_219 = arith.index_cast %scan3A_210 : i32 to index
          %get3A_220 = arith.constant 0 : index
          %get3A_221 = tpu.vector_load %arg13[%get3A_218, %get3A_219, %get3A_220] {strides = array<i32>} : memref<2x128x64xf32, #tpu.memory_space<vmem>>, vector<1x1x16xf32>,
          %get3A_222 = vector.shape_cast %get3A_221 : vector<1x1x16xf32> to vector<16xf32>
          %mul3A_223 = arith.mulf %get3A_222, %get3A_216 : vector<16xf32>
          %swap3A = arith.constant 0 : i32
          %swap3A_224 = arith.index_cast %swap3A : i32 to index
          %swap3A_225 = arith.index_cast %scan3A_210 : i32 to index
          %swap3A_226 = arith.constant 0 : index
          %swap3A_227 = tpu.vector_load %arg13[%swap3A_224, %swap3A_225, %swap3A_226] {strides = array<i32>} : memref<2x128x64xf32, #tpu.memory_space<vmem>>, vector<1x1x16xf32>,
          %swap3A_228 = vector.shape_cast %swap3A_227 : vector<1x1x16xf32> to vector<16xf32>
          %swap3A_229 = vector.shape_cast %mul3A_223 : vector<16xf32> to vector<1x1x16xf32>
          tpu.vector_store %arg13[%swap3A_224, %swap3A_225, %swap3A_226], %swap3A_229 {strides = array<i32>} : memref<2x128x64xf32, #tpu.memory_space<vmem>>, vector<1x1x16xf32>,
          %get3A_230 = arith.constant 0 : i32
          %get3A_231 = arith.index_cast %get3A_230 : i32 to index
          %get3A_232 = arith.index_cast %scan3A_210 : i32 to index
          %get3A_233 = arith.constant 16 : index
          %get3A_234 = tpu.vector_load %arg13[%get3A_231, %get3A_232, %get3A_233] {strides = array<i32>} : memref<2x128x64xf32, #tpu.memory_space<vmem>>, vector<1x1x16xf32>,
          %get3A_235 = vector.shape_cast %get3A_234 : vector<1x1x16xf32> to vector<16xf32>
          %mul3A_236 = arith.mulf %get3A_235, %get3A_216 : vector<16xf32>
          %swap3A_237 = arith.constant 0 : i32
          %swap3A_238 = arith.index_cast %swap3A_237 : i32 to index
          %swap3A_239 = arith.index_cast %scan3A_210 : i32 to index
          %swap3A_240 = arith.constant 16 : index
          %swap3A_241 = tpu.vector_load %arg13[%swap3A_238, %swap3A_239, %swap3A_240] {strides = array<i32>} : memref<2x128x64xf32, #tpu.memory_space<vmem>>, vector<1x1x16xf32>,
          %swap3A_242 = vector.shape_cast %swap3A_241 : vector<1x1x16xf32> to vector<16xf32>
          %swap3A_243 = vector.shape_cast %mul3A_236 : vector<16xf32> to vector<1x1x16xf32>
          tpu.vector_store %arg13[%swap3A_238, %swap3A_239, %swap3A_240], %swap3A_243 {strides = array<i32>} : memref<2x128x64xf32, #tpu.memory_space<vmem>>, vector<1x1x16xf32>,
          %get3A_244 = arith.constant 0 : i32
          %get3A_245 = arith.index_cast %get3A_244 : i32 to index
          %get3A_246 = arith.index_cast %scan3A_210 : i32 to index
          %get3A_247 = arith.constant 32 : index
          %get3A_248 = tpu.vector_load %arg13[%get3A_245, %get3A_246, %get3A_247] {strides = array<i32>} : memref<2x128x64xf32, #tpu.memory_space<vmem>>, vector<1x1x16xf32>,
          %get3A_249 = vector.shape_cast %get3A_248 : vector<1x1x16xf32> to vector<16xf32>
          %mul3A_250 = arith.mulf %get3A_249, %get3A_216 : vector<16xf32>
          %swap3A_251 = arith.constant 0 : i32
          %swap3A_252 = arith.index_cast %swap3A_251 : i32 to index
          %swap3A_253 = arith.index_cast %scan3A_210 : i32 to index
          %swap3A_254 = arith.constant 32 : index
          %swap3A_255 = tpu.vector_load %arg13[%swap3A_252, %swap3A_253, %swap3A_254] {strides = array<i32>} : memref<2x128x64xf32, #tpu.memory_space<vmem>>, vector<1x1x16xf32>,
          %swap3A_256 = vector.shape_cast %swap3A_255 : vector<1x1x16xf32> to vector<16xf32>
          %swap3A_257 = vector.shape_cast %mul3A_250 : vector<16xf32> to vector<1x1x16xf32>
          tpu.vector_store %arg13[%swap3A_252, %swap3A_253, %swap3A_254], %swap3A_257 {strides = array<i32>} : memref<2x128x64xf32, #tpu.memory_space<vmem>>, vector<1x1x16xf32>,
          %get3A_258 = arith.constant 0 : i32
          %get3A_259 = arith.index_cast %get3A_258 : i32 to index
          %get3A_260 = arith.index_cast %scan3A_210 : i32 to index
          %get3A_261 = arith.constant 48 : index
          %get3A_262 = tpu.vector_load %arg13[%get3A_259, %get3A_260, %get3A_261] {strides = array<i32>} : memref<2x128x64xf32, #tpu.memory_space<vmem>>, vector<1x1x16xf32>,
          %get3A_263 = vector.shape_cast %get3A_262 : vector<1x1x16xf32> to vector<16xf32>
          %mul3A_264 = arith.mulf %get3A_263, %get3A_216 : vector<16xf32>
          %swap3A_265 = arith.constant 0 : i32
          %swap3A_266 = arith.index_cast %swap3A_265 : i32 to index
          %swap3A_267 = arith.index_cast %scan3A_210 : i32 to index
          %swap3A_268 = arith.constant 48 : index
          %swap3A_269 = tpu.vector_load %arg13[%swap3A_266, %swap3A_267, %swap3A_268] {strides = array<i32>} : memref<2x128x64xf32, #tpu.memory_space<vmem>>, vector<1x1x16xf32>,
          %swap3A_270 = vector.shape_cast %swap3A_269 : vector<1x1x16xf32> to vector<16xf32>
          %swap3A_271 = vector.shape_cast %mul3A_264 : vector<16xf32> to vector<1x1x16xf32>
          tpu.vector_store %arg13[%swap3A_266, %swap3A_267, %swap3A_268], %swap3A_271 {strides = array<i32>} : memref<2x128x64xf32, #tpu.memory_space<vmem>>, vector<1x1x16xf32>,
          %scan3A_272 = arith.constant 0 : i32
          %scan3A_273 = arith.constant 1 : i32
          %scan3A_274 = arith.addi %scan3A_210, %scan3A_273 : i32
          %get3A_275 = arith.constant 0 : i32
          %get3A_276 = arith.index_cast %get3A_275 : i32 to index
          %get3A_277 = arith.index_cast %scan3A_274 : i32 to index
          %get3A_278 = arith.constant 0 : index
          %get3A_279 = tpu.vector_load %arg12[%get3A_276, %get3A_277, %get3A_278] {strides = array<i32>} : memref<2x128x16xf32, #tpu.memory_space<vmem>>, vector<1x1x16xf32>,
          %get3A_280 = vector.shape_cast %get3A_279 : vector<1x1x16xf32> to vector<16xf32>
          %get3A_281 = arith.constant 0 : i32
          %get3A_282 = arith.index_cast %get3A_281 : i32 to index
          %get3A_283 = arith.index_cast %scan3A_274 : i32 to index
          %get3A_284 = arith.constant 0 : index
          %get3A_285 = tpu.vector_load %arg13[%get3A_282, %get3A_283, %get3A_284] {strides = array<i32>} : memref<2x128x64xf32, #tpu.memory_space<vmem>>, vector<1x1x16xf32>,
          %get3A_286 = vector.shape_cast %get3A_285 : vector<1x1x16xf32> to vector<16xf32>
          %mul3A_287 = arith.mulf %get3A_286, %get3A_280 : vector<16xf32>
          %swap3A_288 = arith.constant 0 : i32
          %swap3A_289 = arith.index_cast %swap3A_288 : i32 to index
          %swap3A_290 = arith.index_cast %scan3A_274 : i32 to index
          %swap3A_291 = arith.constant 0 : index
          %swap3A_292 = tpu.vector_load %arg13[%swap3A_289, %swap3A_290, %swap3A_291] {strides = array<i32>} : memref<2x128x64xf32, #tpu.memory_space<vmem>>, vector<1x1x16xf32>,
          %swap3A_293 = vector.shape_cast %swap3A_292 : vector<1x1x16xf32> to vector<16xf32>
          %swap3A_294 = vector.shape_cast %mul3A_287 : vector<16xf32> to vector<1x1x16xf32>
          tpu.vector_store %arg13[%swap3A_289, %swap3A_290, %swap3A_291], %swap3A_294 {strides = array<i32>} : memref<2x128x64xf32, #tpu.memory_space<vmem>>, vector<1x1x16xf32>,
          %get3A_295 = arith.constant 0 : i32
          %get3A_296 = arith.index_cast %get3A_295 : i32 to index
          %get3A_297 = arith.index_cast %scan3A_274 : i32 to index
          %get3A_298 = arith.constant 16 : index
          %get3A_299 = tpu.vector_load %arg13[%get3A_296, %get3A_297, %get3A_298] {strides = array<i32>} : memref<2x128x64xf32, #tpu.memory_space<vmem>>, vector<1x1x16xf32>,
          %get3A_300 = vector.shape_cast %get3A_299 : vector<1x1x16xf32> to vector<16xf32>
          %mul3A_301 = arith.mulf %get3A_300, %get3A_280 : vector<16xf32>
          %swap3A_302 = arith.constant 0 : i32
          %swap3A_303 = arith.index_cast %swap3A_302 : i32 to index
          %swap3A_304 = arith.index_cast %scan3A_274 : i32 to index
          %swap3A_305 = arith.constant 16 : index
          %swap3A_306 = tpu.vector_load %arg13[%swap3A_303, %swap3A_304, %swap3A_305] {strides = array<i32>} : memref<2x128x64xf32, #tpu.memory_space<vmem>>, vector<1x1x16xf32>,
          %swap3A_307 = vector.shape_cast %swap3A_306 : vector<1x1x16xf32> to vector<16xf32>
          %swap3A_308 = vector.shape_cast %mul3A_301 : vector<16xf32> to vector<1x1x16xf32>
          tpu.vector_store %arg13[%swap3A_303, %swap3A_304, %swap3A_305], %swap3A_308 {strides = array<i32>} : memref<2x128x64xf32, #tpu.memory_space<vmem>>, vector<1x1x16xf32>,
          %get3A_309 = arith.constant 0 : i32
          %get3A_310 = arith.index_cast %get3A_309 : i32 to index
          %get3A_311 = arith.index_cast %scan3A_274 : i32 to index
          %get3A_312 = arith.constant 32 : index
          %get3A_313 = tpu.vector_load %arg13[%get3A_310, %get3A_311, %get3A_312] {strides = array<i32>} : memref<2x128x64xf32, #tpu.memory_space<vmem>>, vector<1x1x16xf32>,
          %get3A_314 = vector.shape_cast %get3A_313 : vector<1x1x16xf32> to vector<16xf32>
          %mul3A_315 = arith.mulf %get3A_314, %get3A_280 : vector<16xf32>
          %swap3A_316 = arith.constant 0 : i32
          %swap3A_317 = arith.index_cast %swap3A_316 : i32 to index
          %swap3A_318 = arith.index_cast %scan3A_274 : i32 to index
          %swap3A_319 = arith.constant 32 : index
          %swap3A_320 = tpu.vector_load %arg13[%swap3A_317, %swap3A_318, %swap3A_319] {strides = array<i32>} : memref<2x128x64xf32, #tpu.memory_space<vmem>>, vector<1x1x16xf32>,
          %swap3A_321 = vector.shape_cast %swap3A_320 : vector<1x1x16xf32> to vector<16xf32>
          %swap3A_322 = vector.shape_cast %mul3A_315 : vector<16xf32> to vector<1x1x16xf32>
          tpu.vector_store %arg13[%swap3A_317, %swap3A_318, %swap3A_319], %swap3A_322 {strides = array<i32>} : memref<2x128x64xf32, #tpu.memory_space<vmem>>, vector<1x1x16xf32>,
          %get3A_323 = arith.constant 0 : i32
          %get3A_324 = arith.index_cast %get3A_323 : i32 to index
          %get3A_325 = arith.index_cast %scan3A_274 : i32 to index
          %get3A_326 = arith.constant 48 : index
          %get3A_327 = tpu.vector_load %arg13[%get3A_324, %get3A_325, %get3A_326] {strides = array<i32>} : memref<2x128x64xf32, #tpu.memory_space<vmem>>, vector<1x1x16xf32>,
          %get3A_328 = vector.shape_cast %get3A_327 : vector<1x1x16xf32> to vector<16xf32>
          %mul3A_329 = arith.mulf %get3A_328, %get3A_280 : vector<16xf32>
          %swap3A_330 = arith.constant 0 : i32
          %swap3A_331 = arith.index_cast %swap3A_330 : i32 to index
          %swap3A_332 = arith.index_cast %scan3A_274 : i32 to index
          %swap3A_333 = arith.constant 48 : index
          %swap3A_334 = tpu.vector_load %arg13[%swap3A_331, %swap3A_332, %swap3A_333] {strides = array<i32>} : memref<2x128x64xf32, #tpu.memory_space<vmem>>, vector<1x1x16xf32>,
          %swap3A_335 = vector.shape_cast %swap3A_334 : vector<1x1x16xf32> to vector<16xf32>
          %swap3A_336 = vector.shape_cast %mul3A_329 : vector<16xf32> to vector<1x1x16xf32>
          tpu.vector_store %arg13[%swap3A_331, %swap3A_332, %swap3A_333], %swap3A_336 {strides = array<i32>} : memref<2x128x64xf32, #tpu.memory_space<vmem>>, vector<1x1x16xf32>,
          %scan3A_337 = arith.constant 0 : i32
          scf.yield %scan3A_337 : i32
        }
        %scan3A_158 = arith.constant 128 : i32
        %run_scoped3A_159 = arith.constant 0 : i32
        "tpu.region"() ({
          %run_scoped3A_210 = tpu.sem_alloc : memref<!tpu.dma_semaphore, #tpu.memory_space<semaphore_mem>>
          %dma_start3A_211 = arith.constant 0 : i32
          %dma_start3A_212 = arith.constant 0 : i32
          %dma_start3A_213 = tpu.memref_slice %arg13[%run_scoped3A_159, %dma_start3A_211, %dma_start3A_212] : memref<2x128x64xf32, #tpu.memory_space<vmem>> -> memref<1x128x64xf32, #tpu.memory_space<vmem>>
          %dma_start3A_214 = tpu.memref_squeeze %dma_start3A_213 : memref<1x128x64xf32, #tpu.memory_space<vmem>> -> memref<128x64xf32, #tpu.memory_space<vmem>>
          %dma_start3A_215 = arith.constant 0 : i32
          %dma_start3A_216 = tpu.memref_slice %arg11[%add3A_124, %dma_start3A_215] : memref<160x128xi32, #tpu.memory_space<vmem>> -> memref<1x128xi32, #tpu.memory_space<vmem>>
          %dma_start3A_217 = tpu.memref_squeeze %dma_start3A_216 : memref<1x128xi32, #tpu.memory_space<vmem>> -> memref<128xi32, #tpu.memory_space<vmem>>
          %dma_start3A_218 = arith.constant 0 : i32
          %dma_start3A_219 = arith.constant 0 : i32
          %dma_start3A_220 = tpu.memref_slice %arg15[%dma_start3A_218, %dma_start3A_219] : memref<10240x64xf32, #tpu.memory_space<vmem_shared>> -> memref<10240x64xf32, #tpu.memory_space<vmem_shared>>
          tpu.enqueue_indirect_dma source(%dma_start3A_214 : memref<128x64xf32, #tpu.memory_space<vmem>>) target(%dma_start3A_220 : memref<10240x64xf32, #tpu.memory_space<vmem_shared>>) offsets(%dma_start3A_217 : memref<128xi32, #tpu.memory_space<vmem>>) semaphore(%run_scoped3A_210 : memref<!tpu.dma_semaphore, #tpu.memory_space<semaphore_mem>>) {add = true}
          %dma_wait3A_221 = arith.constant 0 : i32
          %dma_wait3A_222 = arith.constant 0 : i32
          %dma_wait3A_223 = tpu.memref_slice %arg13[%run_scoped3A_159, %dma_wait3A_221, %dma_wait3A_222] : memref<2x128x64xf32, #tpu.memory_space<vmem>> -> memref<1x128x64xf32, #tpu.memory_space<vmem>>
          %dma_wait3A_224 = tpu.memref_squeeze %dma_wait3A_223 : memref<1x128x64xf32, #tpu.memory_space<vmem>> -> memref<128x64xf32, #tpu.memory_space<vmem>>
          %dma_wait3A_225 = arith.constant 0 : i32
          %dma_wait3A_226 = tpu.memref_slice %arg11[%add3A_124, %dma_wait3A_225] : memref<160x128xi32, #tpu.memory_space<vmem>> -> memref<1x128xi32, #tpu.memory_space<vmem>>
          %dma_wait3A_227 = tpu.memref_squeeze %dma_wait3A_226 : memref<1x128xi32, #tpu.memory_space<vmem>> -> memref<128xi32, #tpu.memory_space<vmem>>
          %dma_wait3A_228 = arith.constant 0 : i32
          %dma_wait3A_229 = arith.constant 0 : i32
          %dma_wait3A_230 = tpu.memref_slice %arg15[%dma_wait3A_228, %dma_wait3A_229] : memref<10240x64xf32, #tpu.memory_space<vmem_shared>> -> memref<10240x64xf32, #tpu.memory_space<vmem_shared>>
          tpu.wait_indirect_dma semaphore(%run_scoped3A_210 : memref<!tpu.dma_semaphore, #tpu.memory_space<semaphore_mem>>) src(%dma_wait3A_224 : memref<128x64xf32, #tpu.memory_space<vmem>>) dst(%dma_wait3A_230 : memref<10240x64xf32, #tpu.memory_space<vmem_shared>>)
          tpu.yield
        }) : () -> ()
        "tpu.region"() ({
          %run_scoped3A_210 = tpu.sem_alloc : memref<!tpu.dma_semaphore, #tpu.memory_space<semaphore_mem>>
          %dma_start3A_211 = arith.constant 0 : i32
          %dma_start3A_212 = tpu.memref_slice %arg11[%add3A_124, %dma_start3A_211] : memref<160x128xi32, #tpu.memory_space<vmem>> -> memref<1x128xi32, #tpu.memory_space<vmem>>
          %dma_start3A_213 = tpu.memref_squeeze %dma_start3A_212 : memref<1x128xi32, #tpu.memory_space<vmem>> -> memref<128xi32, #tpu.memory_space<vmem>>
          %dma_start3A_214 = arith.constant 0 : i32
          %dma_start3A_215 = arith.constant 0 : i32
          %dma_start3A_216 = tpu.memref_slice %arg16[%dma_start3A_214, %dma_start3A_215] : memref<10240x16xf32, #tpu.memory_space<vmem_shared>> -> memref<10240x16xf32, #tpu.memory_space<vmem_shared>>
          tpu.enqueue_indirect_dma source(%arg14 : memref<128x16xf32, #tpu.memory_space<vmem>>) target(%dma_start3A_216 : memref<10240x16xf32, #tpu.memory_space<vmem_shared>>) offsets(%dma_start3A_213 : memref<128xi32, #tpu.memory_space<vmem>>) semaphore(%run_scoped3A_210 : memref<!tpu.dma_semaphore, #tpu.memory_space<semaphore_mem>>) {add = true}
          %dma_wait3A_217 = arith.constant 0 : i32
          %dma_wait3A_218 = tpu.memref_slice %arg11[%add3A_124, %dma_wait3A_217] : memref<160x128xi32, #tpu.memory_space<vmem>> -> memref<1x128xi32, #tpu.memory_space<vmem>>
          %dma_wait3A_219 = tpu.memref_squeeze %dma_wait3A_218 : memref<1x128xi32, #tpu.memory_space<vmem>> -> memref<128xi32, #tpu.memory_space<vmem>>
          %dma_wait3A_220 = arith.constant 0 : i32
          %dma_wait3A_221 = arith.constant 0 : i32
          %dma_wait3A_222 = tpu.memref_slice %arg16[%dma_wait3A_220, %dma_wait3A_221] : memref<10240x16xf32, #tpu.memory_space<vmem_shared>> -> memref<10240x16xf32, #tpu.memory_space<vmem_shared>>
          tpu.wait_indirect_dma semaphore(%run_scoped3A_210 : memref<!tpu.dma_semaphore, #tpu.memory_space<semaphore_mem>>) src(%arg14 : memref<128x16xf32, #tpu.memory_space<vmem>>) dst(%dma_wait3A_222 : memref<10240x16xf32, #tpu.memory_space<vmem_shared>>)
          tpu.yield
        }) : () -> ()
        %lt3A = arith.constant 79 : i32
        %lt3A_160 = arith.cmpi slt, %scan3A_119, %lt3A : i32
        %convert_element_type3A_161 = arith.extui %lt3A_160 : i1 to i32
        %cond3A_162 = arith.constant 0 : i32
        %cond3A_163 = arith.cmpi ne, %convert_element_type3A_161, %cond3A_162 : i32
        scf.if %cond3A_163 {
          %add3A_210 = arith.constant 2 : i32
          %add3A_211 = arith.addi %add3A_124, %add3A_210 : i32
          %dma_start3A_212 = arith.constant 0 : i32
          %dma_start3A_213 = arith.constant 0 : i32
          %dma_start3A_214 = arith.constant 0 : i32
          %dma_start3A_215 = tpu.memref_slice %arg13[%dma_start3A_212, %dma_start3A_213, %dma_start3A_214] : memref<2x128x64xf32, #tpu.memory_space<vmem>> -> memref<1x128x64xf32, #tpu.memory_space<vmem>>
          %dma_start3A_216 = tpu.memref_squeeze %dma_start3A_215 : memref<1x128x64xf32, #tpu.memory_space<vmem>> -> memref<128x64xf32, #tpu.memory_space<vmem>>
          %dma_start3A_217 = arith.constant 0 : i32
          %dma_start3A_218 = tpu.memref_slice %arg10[%add3A_211, %dma_start3A_217] : memref<160x128xi32, #tpu.memory_space<vmem>> -> memref<1x128xi32, #tpu.memory_space<vmem>>
          %dma_start3A_219 = tpu.memref_squeeze %dma_start3A_218 : memref<1x128xi32, #tpu.memory_space<vmem>> -> memref<128xi32, #tpu.memory_space<vmem>>
          %dma_start3A_220 = arith.constant 0 : i32
          %dma_start3A_221 = arith.constant 0 : i32
          %dma_start3A_222 = tpu.memref_slice %arg2[%dma_start3A_220, %dma_start3A_221] : memref<10000x64xf32, #tpu.memory_space<hbm>> -> memref<10000x64xf32, #tpu.memory_space<hbm>>
          tpu.enqueue_indirect_dma source(%dma_start3A_222 : memref<10000x64xf32, #tpu.memory_space<hbm>>) target(%dma_start3A_216 : memref<128x64xf32, #tpu.memory_space<vmem>>) offsets(%dma_start3A_219 : memref<128xi32, #tpu.memory_space<vmem>>) semaphore(%arg17 : memref<!tpu.dma_semaphore, #tpu.memory_space<semaphore_mem>>)
          %dma_start3A_223 = arith.constant 0 : i32
          %dma_start3A_224 = arith.constant 0 : i32
          %dma_start3A_225 = arith.constant 0 : i32
          %dma_start3A_226 = tpu.memref_slice %arg12[%dma_start3A_223, %dma_start3A_224, %dma_start3A_225] : memref<2x128x16xf32, #tpu.memory_space<vmem>> -> memref<1x128x16xf32, #tpu.memory_space<vmem>>
          %dma_start3A_227 = tpu.memref_squeeze %dma_start3A_226 : memref<1x128x16xf32, #tpu.memory_space<vmem>> -> memref<128x16xf32, #tpu.memory_space<vmem>>
          %dma_start3A_228 = arith.constant 0 : i32
          %dma_start3A_229 = arith.constant 0 : i32
          %dma_start3A_230 = tpu.memref_slice %arg6[%arg1, %add3A_211, %dma_start3A_228, %dma_start3A_229] : memref<16x160x128x16xf32, #tpu.memory_space<hbm>> -> memref<1x1x128x16xf32, #tpu.memory_space<hbm>>
          %dma_start3A_231 = tpu.memref_squeeze %dma_start3A_230 : memref<1x1x128x16xf32, #tpu.memory_space<hbm>> -> memref<128x16xf32, #tpu.memory_space<hbm>>
          %dma_start3A_232 = arith.constant 0 : i32
          %dma_start3A_233 = arith.constant 0 : i32
          %dma_start3A_234 = tpu.memref_slice %arg12[%dma_start3A_223, %dma_start3A_232, %dma_start3A_233] : memref<2x128x16xf32, #tpu.memory_space<vmem>> -> memref<1x128x16xf32, #tpu.memory_space<vmem>>
          %dma_start3A_235 = tpu.memref_squeeze %dma_start3A_234 : memref<1x128x16xf32, #tpu.memory_space<vmem>> -> memref<128x16xf32, #tpu.memory_space<vmem>>
          %dma_start3A_236 = arith.constant 0 : i32
          %dma_start3A_237 = arith.constant 0 : i32
          %dma_start3A_238 = tpu.memref_slice %arg6[%arg1, %add3A_211, %dma_start3A_236, %dma_start3A_237] : memref<16x160x128x16xf32, #tpu.memory_space<hbm>> -> memref<1x1x128x16xf32, #tpu.memory_space<hbm>>
          %dma_start3A_239 = tpu.memref_squeeze %dma_start3A_238 : memref<1x1x128x16xf32, #tpu.memory_space<hbm>> -> memref<128x16xf32, #tpu.memory_space<hbm>>
          tpu.enqueue_dma source(%dma_start3A_239 : memref<128x16xf32, #tpu.memory_space<hbm>>) target(%dma_start3A_235 : memref<128x16xf32, #tpu.memory_space<vmem>>) target_semaphore(%arg17 : memref<!tpu.dma_semaphore, #tpu.memory_space<semaphore_mem>>)
        } else {
        }
        %mul3A_164 = arith.constant 2 : i32
        %mul3A_165 = arith.muli %scan3A_119, %mul3A_164 : i32
        %add3A_166 = arith.constant 1 : i32
        %add3A_167 = arith.addi %mul3A_165, %add3A_166 : i32
        %dma_wait3A_168 = arith.constant 1 : i32
        %dma_wait3A_169 = arith.constant 0 : i32
        %dma_wait3A_170 = arith.constant 0 : i32
        %dma_wait3A_171 = tpu.memref_slice %arg13[%dma_wait3A_168, %dma_wait3A_169, %dma_wait3A_170] : memref<2x128x64xf32, #tpu.memory_space<vmem>> -> memref<1x128x64xf32, #tpu.memory_space<vmem>>
        %dma_wait3A_172 = tpu.memref_squeeze %dma_wait3A_171 : memref<1x128x64xf32, #tpu.memory_space<vmem>> -> memref<128x64xf32, #tpu.memory_space<vmem>>
        %dma_wait3A_173 = arith.constant 0 : i32
        %dma_wait3A_174 = tpu.memref_slice %arg10[%add3A_167, %dma_wait3A_173] : memref<160x128xi32, #tpu.memory_space<vmem>> -> memref<1x128xi32, #tpu.memory_space<vmem>>
        %dma_wait3A_175 = tpu.memref_squeeze %dma_wait3A_174 : memref<1x128xi32, #tpu.memory_space<vmem>> -> memref<128xi32, #tpu.memory_space<vmem>>
        %dma_wait3A_176 = arith.constant 0 : i32
        %dma_wait3A_177 = arith.constant 0 : i32
        %dma_wait3A_178 = tpu.memref_slice %arg2[%dma_wait3A_176, %dma_wait3A_177] : memref<10000x64xf32, #tpu.memory_space<hbm>> -> memref<10000x64xf32, #tpu.memory_space<hbm>>
        tpu.wait_indirect_dma semaphore(%arg18 : memref<!tpu.dma_semaphore, #tpu.memory_space<semaphore_mem>>) src(%dma_wait3A_178 : memref<10000x64xf32, #tpu.memory_space<hbm>>) dst(%dma_wait3A_172 : memref<128x64xf32, #tpu.memory_space<vmem>>)
        %dma_wait3A_179 = arith.constant 1 : i32
        %dma_wait3A_180 = arith.constant 0 : i32
        %dma_wait3A_181 = arith.constant 0 : i32
        %dma_wait3A_182 = tpu.memref_slice %arg12[%dma_wait3A_179, %dma_wait3A_180, %dma_wait3A_181] : memref<2x128x16xf32, #tpu.memory_space<vmem>> -> memref<1x128x16xf32, #tpu.memory_space<vmem>>
        %dma_wait3A_183 = tpu.memref_squeeze %dma_wait3A_182 : memref<1x128x16xf32, #tpu.memory_space<vmem>> -> memref<128x16xf32, #tpu.memory_space<vmem>>
        %dma_wait3A_184 = arith.constant 0 : i32
        %dma_wait3A_185 = arith.constant 0 : i32
        %dma_wait3A_186 = tpu.memref_slice %arg6[%arg1, %add3A_167, %dma_wait3A_184, %dma_wait3A_185] : memref<16x160x128x16xf32, #tpu.memory_space<hbm>> -> memref<1x1x128x16xf32, #tpu.memory_space<hbm>>
        %dma_wait3A_187 = tpu.memref_squeeze %dma_wait3A_186 : memref<1x1x128x16xf32, #tpu.memory_space<hbm>> -> memref<128x16xf32, #tpu.memory_space<hbm>>
        %dma_wait3A_188 = arith.constant 0 : i32
        %dma_wait3A_189 = arith.constant 0 : i32
        %dma_wait3A_190 = tpu.memref_slice %arg12[%dma_wait3A_179, %dma_wait3A_188, %dma_wait3A_189] : memref<2x128x16xf32, #tpu.memory_space<vmem>> -> memref<1x128x16xf32, #tpu.memory_space<vmem>>
        %dma_wait3A_191 = tpu.memref_squeeze %dma_wait3A_190 : memref<1x128x16xf32, #tpu.memory_space<vmem>> -> memref<128x16xf32, #tpu.memory_space<vmem>>
        %dma_wait3A_192 = arith.constant 0 : i32
        %dma_wait3A_193 = arith.constant 0 : i32
        %dma_wait3A_194 = tpu.memref_slice %arg6[%arg1, %add3A_167, %dma_wait3A_192, %dma_wait3A_193] : memref<16x160x128x16xf32, #tpu.memory_space<hbm>> -> memref<1x1x128x16xf32, #tpu.memory_space<hbm>>
        %dma_wait3A_195 = tpu.memref_squeeze %dma_wait3A_194 : memref<1x1x128x16xf32, #tpu.memory_space<hbm>> -> memref<128x16xf32, #tpu.memory_space<hbm>>
        tpu.wait_dma2 semaphore(%arg18 : memref<!tpu.dma_semaphore, #tpu.memory_space<semaphore_mem>>) src(%dma_wait3A_195 : memref<128x16xf32, #tpu.memory_space<hbm>>) dst(%dma_wait3A_191 : memref<128x16xf32, #tpu.memory_space<vmem>>)
        %scan3A_196 = arith.constant 0 : i32
        %scan3A_197 = arith.constant 0 : i32
        %scan3A_198 = arith.constant 128 : i32
        %scan3A_199 = arith.addi %scan3A_197, %scan3A_198 : i32
        %scan3A_200 = arith.constant 2 : i32
        %scan3A_201 = scf.for %scan3A_210 = %scan3A_197 to %scan3A_199 step %scan3A_200 iter_args(%scan3A_211 = %scan3A_196) -> (i32)  : i32 {
          %get3A = arith.constant 1 : i32
          %get3A_212 = arith.index_cast %get3A : i32 to index
          %get3A_213 = arith.index_cast %scan3A_210 : i32 to index
          %get3A_214 = arith.constant 0 : index
          %get3A_215 = tpu.vector_load %arg12[%get3A_212, %get3A_213, %get3A_214] {strides = array<i32>} : memref<2x128x16xf32, #tpu.memory_space<vmem>>, vector<1x1x16xf32>,
          %get3A_216 = vector.shape_cast %get3A_215 : vector<1x1x16xf32> to vector<16xf32>
          %get3A_217 = arith.constant 1 : i32
          %get3A_218 = arith.index_cast %get3A_217 : i32 to index
          %get3A_219 = arith.index_cast %scan3A_210 : i32 to index
          %get3A_220 = arith.constant 0 : index
          %get3A_221 = tpu.vector_load %arg13[%get3A_218, %get3A_219, %get3A_220] {strides = array<i32>} : memref<2x128x64xf32, #tpu.memory_space<vmem>>, vector<1x1x16xf32>,
          %get3A_222 = vector.shape_cast %get3A_221 : vector<1x1x16xf32> to vector<16xf32>
          %mul3A_223 = arith.mulf %get3A_222, %get3A_216 : vector<16xf32>
          %swap3A = arith.constant 1 : i32
          %swap3A_224 = arith.index_cast %swap3A : i32 to index
          %swap3A_225 = arith.index_cast %scan3A_210 : i32 to index
          %swap3A_226 = arith.constant 0 : index
          %swap3A_227 = tpu.vector_load %arg13[%swap3A_224, %swap3A_225, %swap3A_226] {strides = array<i32>} : memref<2x128x64xf32, #tpu.memory_space<vmem>>, vector<1x1x16xf32>,
          %swap3A_228 = vector.shape_cast %swap3A_227 : vector<1x1x16xf32> to vector<16xf32>
          %swap3A_229 = vector.shape_cast %mul3A_223 : vector<16xf32> to vector<1x1x16xf32>
          tpu.vector_store %arg13[%swap3A_224, %swap3A_225, %swap3A_226], %swap3A_229 {strides = array<i32>} : memref<2x128x64xf32, #tpu.memory_space<vmem>>, vector<1x1x16xf32>,
          %get3A_230 = arith.constant 1 : i32
          %get3A_231 = arith.index_cast %get3A_230 : i32 to index
          %get3A_232 = arith.index_cast %scan3A_210 : i32 to index
          %get3A_233 = arith.constant 16 : index
          %get3A_234 = tpu.vector_load %arg13[%get3A_231, %get3A_232, %get3A_233] {strides = array<i32>} : memref<2x128x64xf32, #tpu.memory_space<vmem>>, vector<1x1x16xf32>,
          %get3A_235 = vector.shape_cast %get3A_234 : vector<1x1x16xf32> to vector<16xf32>
          %mul3A_236 = arith.mulf %get3A_235, %get3A_216 : vector<16xf32>
          %swap3A_237 = arith.constant 1 : i32
          %swap3A_238 = arith.index_cast %swap3A_237 : i32 to index
          %swap3A_239 = arith.index_cast %scan3A_210 : i32 to index
          %swap3A_240 = arith.constant 16 : index
          %swap3A_241 = tpu.vector_load %arg13[%swap3A_238, %swap3A_239, %swap3A_240] {strides = array<i32>} : memref<2x128x64xf32, #tpu.memory_space<vmem>>, vector<1x1x16xf32>,
          %swap3A_242 = vector.shape_cast %swap3A_241 : vector<1x1x16xf32> to vector<16xf32>
          %swap3A_243 = vector.shape_cast %mul3A_236 : vector<16xf32> to vector<1x1x16xf32>
          tpu.vector_store %arg13[%swap3A_238, %swap3A_239, %swap3A_240], %swap3A_243 {strides = array<i32>} : memref<2x128x64xf32, #tpu.memory_space<vmem>>, vector<1x1x16xf32>,
          %get3A_244 = arith.constant 1 : i32
          %get3A_245 = arith.index_cast %get3A_244 : i32 to index
          %get3A_246 = arith.index_cast %scan3A_210 : i32 to index
          %get3A_247 = arith.constant 32 : index
          %get3A_248 = tpu.vector_load %arg13[%get3A_245, %get3A_246, %get3A_247] {strides = array<i32>} : memref<2x128x64xf32, #tpu.memory_space<vmem>>, vector<1x1x16xf32>,
          %get3A_249 = vector.shape_cast %get3A_248 : vector<1x1x16xf32> to vector<16xf32>
          %mul3A_250 = arith.mulf %get3A_249, %get3A_216 : vector<16xf32>
          %swap3A_251 = arith.constant 1 : i32
          %swap3A_252 = arith.index_cast %swap3A_251 : i32 to index
          %swap3A_253 = arith.index_cast %scan3A_210 : i32 to index
          %swap3A_254 = arith.constant 32 : index
          %swap3A_255 = tpu.vector_load %arg13[%swap3A_252, %swap3A_253, %swap3A_254] {strides = array<i32>} : memref<2x128x64xf32, #tpu.memory_space<vmem>>, vector<1x1x16xf32>,
          %swap3A_256 = vector.shape_cast %swap3A_255 : vector<1x1x16xf32> to vector<16xf32>
          %swap3A_257 = vector.shape_cast %mul3A_250 : vector<16xf32> to vector<1x1x16xf32>
          tpu.vector_store %arg13[%swap3A_252, %swap3A_253, %swap3A_254], %swap3A_257 {strides = array<i32>} : memref<2x128x64xf32, #tpu.memory_space<vmem>>, vector<1x1x16xf32>,
          %get3A_258 = arith.constant 1 : i32
          %get3A_259 = arith.index_cast %get3A_258 : i32 to index
          %get3A_260 = arith.index_cast %scan3A_210 : i32 to index
          %get3A_261 = arith.constant 48 : index
          %get3A_262 = tpu.vector_load %arg13[%get3A_259, %get3A_260, %get3A_261] {strides = array<i32>} : memref<2x128x64xf32, #tpu.memory_space<vmem>>, vector<1x1x16xf32>,
          %get3A_263 = vector.shape_cast %get3A_262 : vector<1x1x16xf32> to vector<16xf32>
          %mul3A_264 = arith.mulf %get3A_263, %get3A_216 : vector<16xf32>
          %swap3A_265 = arith.constant 1 : i32
          %swap3A_266 = arith.index_cast %swap3A_265 : i32 to index
          %swap3A_267 = arith.index_cast %scan3A_210 : i32 to index
          %swap3A_268 = arith.constant 48 : index
          %swap3A_269 = tpu.vector_load %arg13[%swap3A_266, %swap3A_267, %swap3A_268] {strides = array<i32>} : memref<2x128x64xf32, #tpu.memory_space<vmem>>, vector<1x1x16xf32>,
          %swap3A_270 = vector.shape_cast %swap3A_269 : vector<1x1x16xf32> to vector<16xf32>
          %swap3A_271 = vector.shape_cast %mul3A_264 : vector<16xf32> to vector<1x1x16xf32>
          tpu.vector_store %arg13[%swap3A_266, %swap3A_267, %swap3A_268], %swap3A_271 {strides = array<i32>} : memref<2x128x64xf32, #tpu.memory_space<vmem>>, vector<1x1x16xf32>,
          %scan3A_272 = arith.constant 0 : i32
          %scan3A_273 = arith.constant 1 : i32
          %scan3A_274 = arith.addi %scan3A_210, %scan3A_273 : i32
          %get3A_275 = arith.constant 1 : i32
          %get3A_276 = arith.index_cast %get3A_275 : i32 to index
          %get3A_277 = arith.index_cast %scan3A_274 : i32 to index
          %get3A_278 = arith.constant 0 : index
          %get3A_279 = tpu.vector_load %arg12[%get3A_276, %get3A_277, %get3A_278] {strides = array<i32>} : memref<2x128x16xf32, #tpu.memory_space<vmem>>, vector<1x1x16xf32>,
          %get3A_280 = vector.shape_cast %get3A_279 : vector<1x1x16xf32> to vector<16xf32>
          %get3A_281 = arith.constant 1 : i32
          %get3A_282 = arith.index_cast %get3A_281 : i32 to index
          %get3A_283 = arith.index_cast %scan3A_274 : i32 to index
          %get3A_284 = arith.constant 0 : index
          %get3A_285 = tpu.vector_load %arg13[%get3A_282, %get3A_283, %get3A_284] {strides = array<i32>} : memref<2x128x64xf32, #tpu.memory_space<vmem>>, vector<1x1x16xf32>,
          %get3A_286 = vector.shape_cast %get3A_285 : vector<1x1x16xf32> to vector<16xf32>
          %mul3A_287 = arith.mulf %get3A_286, %get3A_280 : vector<16xf32>
          %swap3A_288 = arith.constant 1 : i32
          %swap3A_289 = arith.index_cast %swap3A_288 : i32 to index
          %swap3A_290 = arith.index_cast %scan3A_274 : i32 to index
          %swap3A_291 = arith.constant 0 : index
          %swap3A_292 = tpu.vector_load %arg13[%swap3A_289, %swap3A_290, %swap3A_291] {strides = array<i32>} : memref<2x128x64xf32, #tpu.memory_space<vmem>>, vector<1x1x16xf32>,
          %swap3A_293 = vector.shape_cast %swap3A_292 : vector<1x1x16xf32> to vector<16xf32>
          %swap3A_294 = vector.shape_cast %mul3A_287 : vector<16xf32> to vector<1x1x16xf32>
          tpu.vector_store %arg13[%swap3A_289, %swap3A_290, %swap3A_291], %swap3A_294 {strides = array<i32>} : memref<2x128x64xf32, #tpu.memory_space<vmem>>, vector<1x1x16xf32>,
          %get3A_295 = arith.constant 1 : i32
          %get3A_296 = arith.index_cast %get3A_295 : i32 to index
          %get3A_297 = arith.index_cast %scan3A_274 : i32 to index
          %get3A_298 = arith.constant 16 : index
          %get3A_299 = tpu.vector_load %arg13[%get3A_296, %get3A_297, %get3A_298] {strides = array<i32>} : memref<2x128x64xf32, #tpu.memory_space<vmem>>, vector<1x1x16xf32>,
          %get3A_300 = vector.shape_cast %get3A_299 : vector<1x1x16xf32> to vector<16xf32>
          %mul3A_301 = arith.mulf %get3A_300, %get3A_280 : vector<16xf32>
          %swap3A_302 = arith.constant 1 : i32
          %swap3A_303 = arith.index_cast %swap3A_302 : i32 to index
          %swap3A_304 = arith.index_cast %scan3A_274 : i32 to index
          %swap3A_305 = arith.constant 16 : index
          %swap3A_306 = tpu.vector_load %arg13[%swap3A_303, %swap3A_304, %swap3A_305] {strides = array<i32>} : memref<2x128x64xf32, #tpu.memory_space<vmem>>, vector<1x1x16xf32>,
          %swap3A_307 = vector.shape_cast %swap3A_306 : vector<1x1x16xf32> to vector<16xf32>
          %swap3A_308 = vector.shape_cast %mul3A_301 : vector<16xf32> to vector<1x1x16xf32>
          tpu.vector_store %arg13[%swap3A_303, %swap3A_304, %swap3A_305], %swap3A_308 {strides = array<i32>} : memref<2x128x64xf32, #tpu.memory_space<vmem>>, vector<1x1x16xf32>,
          %get3A_309 = arith.constant 1 : i32
          %get3A_310 = arith.index_cast %get3A_309 : i32 to index
          %get3A_311 = arith.index_cast %scan3A_274 : i32 to index
          %get3A_312 = arith.constant 32 : index
          %get3A_313 = tpu.vector_load %arg13[%get3A_310, %get3A_311, %get3A_312] {strides = array<i32>} : memref<2x128x64xf32, #tpu.memory_space<vmem>>, vector<1x1x16xf32>,
          %get3A_314 = vector.shape_cast %get3A_313 : vector<1x1x16xf32> to vector<16xf32>
          %mul3A_315 = arith.mulf %get3A_314, %get3A_280 : vector<16xf32>
          %swap3A_316 = arith.constant 1 : i32
          %swap3A_317 = arith.index_cast %swap3A_316 : i32 to index
          %swap3A_318 = arith.index_cast %scan3A_274 : i32 to index
          %swap3A_319 = arith.constant 32 : index
          %swap3A_320 = tpu.vector_load %arg13[%swap3A_317, %swap3A_318, %swap3A_319] {strides = array<i32>} : memref<2x128x64xf32, #tpu.memory_space<vmem>>, vector<1x1x16xf32>,
          %swap3A_321 = vector.shape_cast %swap3A_320 : vector<1x1x16xf32> to vector<16xf32>
          %swap3A_322 = vector.shape_cast %mul3A_315 : vector<16xf32> to vector<1x1x16xf32>
          tpu.vector_store %arg13[%swap3A_317, %swap3A_318, %swap3A_319], %swap3A_322 {strides = array<i32>} : memref<2x128x64xf32, #tpu.memory_space<vmem>>, vector<1x1x16xf32>,
          %get3A_323 = arith.constant 1 : i32
          %get3A_324 = arith.index_cast %get3A_323 : i32 to index
          %get3A_325 = arith.index_cast %scan3A_274 : i32 to index
          %get3A_326 = arith.constant 48 : index
          %get3A_327 = tpu.vector_load %arg13[%get3A_324, %get3A_325, %get3A_326] {strides = array<i32>} : memref<2x128x64xf32, #tpu.memory_space<vmem>>, vector<1x1x16xf32>,
          %get3A_328 = vector.shape_cast %get3A_327 : vector<1x1x16xf32> to vector<16xf32>
          %mul3A_329 = arith.mulf %get3A_328, %get3A_280 : vector<16xf32>
          %swap3A_330 = arith.constant 1 : i32
          %swap3A_331 = arith.index_cast %swap3A_330 : i32 to index
          %swap3A_332 = arith.index_cast %scan3A_274 : i32 to index
          %swap3A_333 = arith.constant 48 : index
          %swap3A_334 = tpu.vector_load %arg13[%swap3A_331, %swap3A_332, %swap3A_333] {strides = array<i32>} : memref<2x128x64xf32, #tpu.memory_space<vmem>>, vector<1x1x16xf32>,
          %swap3A_335 = vector.shape_cast %swap3A_334 : vector<1x1x16xf32> to vector<16xf32>
          %swap3A_336 = vector.shape_cast %mul3A_329 : vector<16xf32> to vector<1x1x16xf32>
          tpu.vector_store %arg13[%swap3A_331, %swap3A_332, %swap3A_333], %swap3A_336 {strides = array<i32>} : memref<2x128x64xf32, #tpu.memory_space<vmem>>, vector<1x1x16xf32>,
          %scan3A_337 = arith.constant 0 : i32
          scf.yield %scan3A_337 : i32
        }
        %scan3A_202 = arith.constant 128 : i32
        %run_scoped3A_203 = arith.constant 1 : i32
        "tpu.region"() ({
          %run_scoped3A_210 = tpu.sem_alloc : memref<!tpu.dma_semaphore, #tpu.memory_space<semaphore_mem>>
          %dma_start3A_211 = arith.constant 0 : i32
          %dma_start3A_212 = arith.constant 0 : i32
          %dma_start3A_213 = tpu.memref_slice %arg13[%run_scoped3A_203, %dma_start3A_211, %dma_start3A_212] : memref<2x128x64xf32, #tpu.memory_space<vmem>> -> memref<1x128x64xf32, #tpu.memory_space<vmem>>
          %dma_start3A_214 = tpu.memref_squeeze %dma_start3A_213 : memref<1x128x64xf32, #tpu.memory_space<vmem>> -> memref<128x64xf32, #tpu.memory_space<vmem>>
          %dma_start3A_215 = arith.constant 0 : i32
          %dma_start3A_216 = tpu.memref_slice %arg11[%add3A_167, %dma_start3A_215] : memref<160x128xi32, #tpu.memory_space<vmem>> -> memref<1x128xi32, #tpu.memory_space<vmem>>
          %dma_start3A_217 = tpu.memref_squeeze %dma_start3A_216 : memref<1x128xi32, #tpu.memory_space<vmem>> -> memref<128xi32, #tpu.memory_space<vmem>>
          %dma_start3A_218 = arith.constant 0 : i32
          %dma_start3A_219 = arith.constant 0 : i32
          %dma_start3A_220 = tpu.memref_slice %arg15[%dma_start3A_218, %dma_start3A_219] : memref<10240x64xf32, #tpu.memory_space<vmem_shared>> -> memref<10240x64xf32, #tpu.memory_space<vmem_shared>>
          tpu.enqueue_indirect_dma source(%dma_start3A_214 : memref<128x64xf32, #tpu.memory_space<vmem>>) target(%dma_start3A_220 : memref<10240x64xf32, #tpu.memory_space<vmem_shared>>) offsets(%dma_start3A_217 : memref<128xi32, #tpu.memory_space<vmem>>) semaphore(%run_scoped3A_210 : memref<!tpu.dma_semaphore, #tpu.memory_space<semaphore_mem>>) {add = true}
          %dma_wait3A_221 = arith.constant 0 : i32
          %dma_wait3A_222 = arith.constant 0 : i32
          %dma_wait3A_223 = tpu.memref_slice %arg13[%run_scoped3A_203, %dma_wait3A_221, %dma_wait3A_222] : memref<2x128x64xf32, #tpu.memory_space<vmem>> -> memref<1x128x64xf32, #tpu.memory_space<vmem>>
          %dma_wait3A_224 = tpu.memref_squeeze %dma_wait3A_223 : memref<1x128x64xf32, #tpu.memory_space<vmem>> -> memref<128x64xf32, #tpu.memory_space<vmem>>
          %dma_wait3A_225 = arith.constant 0 : i32
          %dma_wait3A_226 = tpu.memref_slice %arg11[%add3A_167, %dma_wait3A_225] : memref<160x128xi32, #tpu.memory_space<vmem>> -> memref<1x128xi32, #tpu.memory_space<vmem>>
          %dma_wait3A_227 = tpu.memref_squeeze %dma_wait3A_226 : memref<1x128xi32, #tpu.memory_space<vmem>> -> memref<128xi32, #tpu.memory_space<vmem>>
          %dma_wait3A_228 = arith.constant 0 : i32
          %dma_wait3A_229 = arith.constant 0 : i32
          %dma_wait3A_230 = tpu.memref_slice %arg15[%dma_wait3A_228, %dma_wait3A_229] : memref<10240x64xf32, #tpu.memory_space<vmem_shared>> -> memref<10240x64xf32, #tpu.memory_space<vmem_shared>>
          tpu.wait_indirect_dma semaphore(%run_scoped3A_210 : memref<!tpu.dma_semaphore, #tpu.memory_space<semaphore_mem>>) src(%dma_wait3A_224 : memref<128x64xf32, #tpu.memory_space<vmem>>) dst(%dma_wait3A_230 : memref<10240x64xf32, #tpu.memory_space<vmem_shared>>)
          tpu.yield
        }) : () -> ()
        "tpu.region"() ({
          %run_scoped3A_210 = tpu.sem_alloc : memref<!tpu.dma_semaphore, #tpu.memory_space<semaphore_mem>>
          %dma_start3A_211 = arith.constant 0 : i32
          %dma_start3A_212 = tpu.memref_slice %arg11[%add3A_167, %dma_start3A_211] : memref<160x128xi32, #tpu.memory_space<vmem>> -> memref<1x128xi32, #tpu.memory_space<vmem>>
          %dma_start3A_213 = tpu.memref_squeeze %dma_start3A_212 : memref<1x128xi32, #tpu.memory_space<vmem>> -> memref<128xi32, #tpu.memory_space<vmem>>
          %dma_start3A_214 = arith.constant 0 : i32
          %dma_start3A_215 = arith.constant 0 : i32
          %dma_start3A_216 = tpu.memref_slice %arg16[%dma_start3A_214, %dma_start3A_215] : memref<10240x16xf32, #tpu.memory_space<vmem_shared>> -> memref<10240x16xf32, #tpu.memory_space<vmem_shared>>
          tpu.enqueue_indirect_dma source(%arg14 : memref<128x16xf32, #tpu.memory_space<vmem>>) target(%dma_start3A_216 : memref<10240x16xf32, #tpu.memory_space<vmem_shared>>) offsets(%dma_start3A_213 : memref<128xi32, #tpu.memory_space<vmem>>) semaphore(%run_scoped3A_210 : memref<!tpu.dma_semaphore, #tpu.memory_space<semaphore_mem>>) {add = true}
          %dma_wait3A_217 = arith.constant 0 : i32
          %dma_wait3A_218 = tpu.memref_slice %arg11[%add3A_167, %dma_wait3A_217] : memref<160x128xi32, #tpu.memory_space<vmem>> -> memref<1x128xi32, #tpu.memory_space<vmem>>
          %dma_wait3A_219 = tpu.memref_squeeze %dma_wait3A_218 : memref<1x128xi32, #tpu.memory_space<vmem>> -> memref<128xi32, #tpu.memory_space<vmem>>
          %dma_wait3A_220 = arith.constant 0 : i32
          %dma_wait3A_221 = arith.constant 0 : i32
          %dma_wait3A_222 = tpu.memref_slice %arg16[%dma_wait3A_220, %dma_wait3A_221] : memref<10240x16xf32, #tpu.memory_space<vmem_shared>> -> memref<10240x16xf32, #tpu.memory_space<vmem_shared>>
          tpu.wait_indirect_dma semaphore(%run_scoped3A_210 : memref<!tpu.dma_semaphore, #tpu.memory_space<semaphore_mem>>) src(%arg14 : memref<128x16xf32, #tpu.memory_space<vmem>>) dst(%dma_wait3A_222 : memref<10240x16xf32, #tpu.memory_space<vmem_shared>>)
          tpu.yield
        }) : () -> ()
        %lt3A_204 = arith.constant 79 : i32
        %lt3A_205 = arith.cmpi slt, %scan3A_119, %lt3A_204 : i32
        %convert_element_type3A_206 = arith.extui %lt3A_205 : i1 to i32
        %cond3A_207 = arith.constant 0 : i32
        %cond3A_208 = arith.cmpi ne, %convert_element_type3A_206, %cond3A_207 : i32
        scf.if %cond3A_208 {
          %add3A_210 = arith.constant 2 : i32
          %add3A_211 = arith.addi %add3A_167, %add3A_210 : i32
          %dma_start3A_212 = arith.constant 1 : i32
          %dma_start3A_213 = arith.constant 0 : i32
          %dma_start3A_214 = arith.constant 0 : i32
          %dma_start3A_215 = tpu.memref_slice %arg13[%dma_start3A_212, %dma_start3A_213, %dma_start3A_214] : memref<2x128x64xf32, #tpu.memory_space<vmem>> -> memref<1x128x64xf32, #tpu.memory_space<vmem>>
          %dma_start3A_216 = tpu.memref_squeeze %dma_start3A_215 : memref<1x128x64xf32, #tpu.memory_space<vmem>> -> memref<128x64xf32, #tpu.memory_space<vmem>>
          %dma_start3A_217 = arith.constant 0 : i32
          %dma_start3A_218 = tpu.memref_slice %arg10[%add3A_211, %dma_start3A_217] : memref<160x128xi32, #tpu.memory_space<vmem>> -> memref<1x128xi32, #tpu.memory_space<vmem>>
          %dma_start3A_219 = tpu.memref_squeeze %dma_start3A_218 : memref<1x128xi32, #tpu.memory_space<vmem>> -> memref<128xi32, #tpu.memory_space<vmem>>
          %dma_start3A_220 = arith.constant 0 : i32
          %dma_start3A_221 = arith.constant 0 : i32
          %dma_start3A_222 = tpu.memref_slice %arg2[%dma_start3A_220, %dma_start3A_221] : memref<10000x64xf32, #tpu.memory_space<hbm>> -> memref<10000x64xf32, #tpu.memory_space<hbm>>
          tpu.enqueue_indirect_dma source(%dma_start3A_222 : memref<10000x64xf32, #tpu.memory_space<hbm>>) target(%dma_start3A_216 : memref<128x64xf32, #tpu.memory_space<vmem>>) offsets(%dma_start3A_219 : memref<128xi32, #tpu.memory_space<vmem>>) semaphore(%arg18 : memref<!tpu.dma_semaphore, #tpu.memory_space<semaphore_mem>>)
          %dma_start3A_223 = arith.constant 1 : i32
          %dma_start3A_224 = arith.constant 0 : i32
          %dma_start3A_225 = arith.constant 0 : i32
          %dma_start3A_226 = tpu.memref_slice %arg12[%dma_start3A_223, %dma_start3A_224, %dma_start3A_225] : memref<2x128x16xf32, #tpu.memory_space<vmem>> -> memref<1x128x16xf32, #tpu.memory_space<vmem>>
          %dma_start3A_227 = tpu.memref_squeeze %dma_start3A_226 : memref<1x128x16xf32, #tpu.memory_space<vmem>> -> memref<128x16xf32, #tpu.memory_space<vmem>>
          %dma_start3A_228 = arith.constant 0 : i32
          %dma_start3A_229 = arith.constant 0 : i32
          %dma_start3A_230 = tpu.memref_slice %arg6[%arg1, %add3A_211, %dma_start3A_228, %dma_start3A_229] : memref<16x160x128x16xf32, #tpu.memory_space<hbm>> -> memref<1x1x128x16xf32, #tpu.memory_space<hbm>>
          %dma_start3A_231 = tpu.memref_squeeze %dma_start3A_230 : memref<1x1x128x16xf32, #tpu.memory_space<hbm>> -> memref<128x16xf32, #tpu.memory_space<hbm>>
          %dma_start3A_232 = arith.constant 0 : i32
          %dma_start3A_233 = arith.constant 0 : i32
          %dma_start3A_234 = tpu.memref_slice %arg12[%dma_start3A_223, %dma_start3A_232, %dma_start3A_233] : memref<2x128x16xf32, #tpu.memory_space<vmem>> -> memref<1x128x16xf32, #tpu.memory_space<vmem>>
          %dma_start3A_235 = tpu.memref_squeeze %dma_start3A_234 : memref<1x128x16xf32, #tpu.memory_space<vmem>> -> memref<128x16xf32, #tpu.memory_space<vmem>>
          %dma_start3A_236 = arith.constant 0 : i32
          %dma_start3A_237 = arith.constant 0 : i32
          %dma_start3A_238 = tpu.memref_slice %arg6[%arg1, %add3A_211, %dma_start3A_236, %dma_start3A_237] : memref<16x160x128x16xf32, #tpu.memory_space<hbm>> -> memref<1x1x128x16xf32, #tpu.memory_space<hbm>>
          %dma_start3A_239 = tpu.memref_squeeze %dma_start3A_238 : memref<1x1x128x16xf32, #tpu.memory_space<hbm>> -> memref<128x16xf32, #tpu.memory_space<hbm>>
          tpu.enqueue_dma source(%dma_start3A_239 : memref<128x16xf32, #tpu.memory_space<hbm>>) target(%dma_start3A_235 : memref<128x16xf32, #tpu.memory_space<vmem>>) target_semaphore(%arg18 : memref<!tpu.dma_semaphore, #tpu.memory_space<semaphore_mem>>)
        } else {
        }
        %scan3A_209 = arith.constant 0 : i32
        scf.yield %scan3A_209 : i32
      }
      %scan3A_118 = arith.constant 80 : i32
    } else {
    }
    %eq3A_37 = arith.constant 1 : i32
    %eq3A_38 = arith.cmpi eq, %arg0, %eq3A_37 : i32
    %convert_element_type3A_39 = arith.extui %eq3A_38 : i1 to i32
    %cond3A_40 = arith.constant 0 : i32
    %cond3A_41 = arith.cmpi ne, %convert_element_type3A_39, %cond3A_40 : i32
    scf.if %cond3A_41 {
      %dma_start3A = arith.constant 0 : i32
      %dma_start3A_53 = arith.constant 0 : i32
      %dma_start3A_54 = arith.constant 0 : i32
      %dma_start3A_55 = arith.constant 0 : i32
      %dma_start3A_56 = tpu.memref_slice %arg13[%dma_start3A_53, %dma_start3A_54, %dma_start3A_55] : memref<2x128x64xf32, #tpu.memory_space<vmem>> -> memref<1x128x64xf32, #tpu.memory_space<vmem>>
      %dma_start3A_57 = tpu.memref_squeeze %dma_start3A_56 : memref<1x128x64xf32, #tpu.memory_space<vmem>> -> memref<128x64xf32, #tpu.memory_space<vmem>>
      %dma_start3A_58 = arith.constant 0 : i32
      %dma_start3A_59 = tpu.memref_slice %arg10[%dma_start3A, %dma_start3A_58] : memref<160x128xi32, #tpu.memory_space<vmem>> -> memref<1x128xi32, #tpu.memory_space<vmem>>
      %dma_start3A_60 = tpu.memref_squeeze %dma_start3A_59 : memref<1x128xi32, #tpu.memory_space<vmem>> -> memref<128xi32, #tpu.memory_space<vmem>>
      %dma_start3A_61 = arith.constant 0 : i32
      %dma_start3A_62 = arith.constant 0 : i32
      %dma_start3A_63 = tpu.memref_slice %arg3[%dma_start3A_61, %dma_start3A_62] : memref<10000x64xf32, #tpu.memory_space<hbm>> -> memref<10000x64xf32, #tpu.memory_space<hbm>>
      tpu.enqueue_indirect_dma source(%dma_start3A_63 : memref<10000x64xf32, #tpu.memory_space<hbm>>) target(%dma_start3A_57 : memref<128x64xf32, #tpu.memory_space<vmem>>) offsets(%dma_start3A_60 : memref<128xi32, #tpu.memory_space<vmem>>) semaphore(%arg17 : memref<!tpu.dma_semaphore, #tpu.memory_space<semaphore_mem>>)
      %dma_start3A_64 = arith.constant 0 : i32
      %dma_start3A_65 = arith.constant 0 : i32
      %dma_start3A_66 = arith.constant 0 : i32
      %dma_start3A_67 = arith.constant 0 : i32
      %dma_start3A_68 = tpu.memref_slice %arg12[%dma_start3A_65, %dma_start3A_66, %dma_start3A_67] : memref<2x128x16xf32, #tpu.memory_space<vmem>> -> memref<1x128x16xf32, #tpu.memory_space<vmem>>
      %dma_start3A_69 = tpu.memref_squeeze %dma_start3A_68 : memref<1x128x16xf32, #tpu.memory_space<vmem>> -> memref<128x16xf32, #tpu.memory_space<vmem>>
      %dma_start3A_70 = arith.constant 0 : i32
      %dma_start3A_71 = arith.constant 0 : i32
      %dma_start3A_72 = tpu.memref_slice %arg6[%arg1, %dma_start3A_64, %dma_start3A_70, %dma_start3A_71] : memref<16x160x128x16xf32, #tpu.memory_space<hbm>> -> memref<1x1x128x16xf32, #tpu.memory_space<hbm>>
      %dma_start3A_73 = tpu.memref_squeeze %dma_start3A_72 : memref<1x1x128x16xf32, #tpu.memory_space<hbm>> -> memref<128x16xf32, #tpu.memory_space<hbm>>
      %dma_start3A_74 = arith.constant 0 : i32
      %dma_start3A_75 = arith.constant 0 : i32
      %dma_start3A_76 = tpu.memref_slice %arg12[%dma_start3A_65, %dma_start3A_74, %dma_start3A_75] : memref<2x128x16xf32, #tpu.memory_space<vmem>> -> memref<1x128x16xf32, #tpu.memory_space<vmem>>
      %dma_start3A_77 = tpu.memref_squeeze %dma_start3A_76 : memref<1x128x16xf32, #tpu.memory_space<vmem>> -> memref<128x16xf32, #tpu.memory_space<vmem>>
      %dma_start3A_78 = arith.constant 0 : i32
      %dma_start3A_79 = arith.constant 0 : i32
      %dma_start3A_80 = tpu.memref_slice %arg6[%arg1, %dma_start3A_64, %dma_start3A_78, %dma_start3A_79] : memref<16x160x128x16xf32, #tpu.memory_space<hbm>> -> memref<1x1x128x16xf32, #tpu.memory_space<hbm>>
      %dma_start3A_81 = tpu.memref_squeeze %dma_start3A_80 : memref<1x1x128x16xf32, #tpu.memory_space<hbm>> -> memref<128x16xf32, #tpu.memory_space<hbm>>
      tpu.enqueue_dma source(%dma_start3A_81 : memref<128x16xf32, #tpu.memory_space<hbm>>) target(%dma_start3A_77 : memref<128x16xf32, #tpu.memory_space<vmem>>) target_semaphore(%arg17 : memref<!tpu.dma_semaphore, #tpu.memory_space<semaphore_mem>>)
      %dma_start3A_82 = arith.constant 1 : i32
      %dma_start3A_83 = arith.constant 1 : i32
      %dma_start3A_84 = arith.constant 0 : i32
      %dma_start3A_85 = arith.constant 0 : i32
      %dma_start3A_86 = tpu.memref_slice %arg13[%dma_start3A_83, %dma_start3A_84, %dma_start3A_85] : memref<2x128x64xf32, #tpu.memory_space<vmem>> -> memref<1x128x64xf32, #tpu.memory_space<vmem>>
      %dma_start3A_87 = tpu.memref_squeeze %dma_start3A_86 : memref<1x128x64xf32, #tpu.memory_space<vmem>> -> memref<128x64xf32, #tpu.memory_space<vmem>>
      %dma_start3A_88 = arith.constant 0 : i32
      %dma_start3A_89 = tpu.memref_slice %arg10[%dma_start3A_82, %dma_start3A_88] : memref<160x128xi32, #tpu.memory_space<vmem>> -> memref<1x128xi32, #tpu.memory_space<vmem>>
      %dma_start3A_90 = tpu.memref_squeeze %dma_start3A_89 : memref<1x128xi32, #tpu.memory_space<vmem>> -> memref<128xi32, #tpu.memory_space<vmem>>
      %dma_start3A_91 = arith.constant 0 : i32
      %dma_start3A_92 = arith.constant 0 : i32
      %dma_start3A_93 = tpu.memref_slice %arg3[%dma_start3A_91, %dma_start3A_92] : memref<10000x64xf32, #tpu.memory_space<hbm>> -> memref<10000x64xf32, #tpu.memory_space<hbm>>
      tpu.enqueue_indirect_dma source(%dma_start3A_93 : memref<10000x64xf32, #tpu.memory_space<hbm>>) target(%dma_start3A_87 : memref<128x64xf32, #tpu.memory_space<vmem>>) offsets(%dma_start3A_90 : memref<128xi32, #tpu.memory_space<vmem>>) semaphore(%arg18 : memref<!tpu.dma_semaphore, #tpu.memory_space<semaphore_mem>>)
      %dma_start3A_94 = arith.constant 1 : i32
      %dma_start3A_95 = arith.constant 1 : i32
      %dma_start3A_96 = arith.constant 0 : i32
      %dma_start3A_97 = arith.constant 0 : i32
      %dma_start3A_98 = tpu.memref_slice %arg12[%dma_start3A_95, %dma_start3A_96, %dma_start3A_97] : memref<2x128x16xf32, #tpu.memory_space<vmem>> -> memref<1x128x16xf32, #tpu.memory_space<vmem>>
      %dma_start3A_99 = tpu.memref_squeeze %dma_start3A_98 : memref<1x128x16xf32, #tpu.memory_space<vmem>> -> memref<128x16xf32, #tpu.memory_space<vmem>>
      %dma_start3A_100 = arith.constant 0 : i32
      %dma_start3A_101 = arith.constant 0 : i32
      %dma_start3A_102 = tpu.memref_slice %arg6[%arg1, %dma_start3A_94, %dma_start3A_100, %dma_start3A_101] : memref<16x160x128x16xf32, #tpu.memory_space<hbm>> -> memref<1x1x128x16xf32, #tpu.memory_space<hbm>>
      %dma_start3A_103 = tpu.memref_squeeze %dma_start3A_102 : memref<1x1x128x16xf32, #tpu.memory_space<hbm>> -> memref<128x16xf32, #tpu.memory_space<hbm>>
      %dma_start3A_104 = arith.constant 0 : i32
      %dma_start3A_105 = arith.constant 0 : i32
      %dma_start3A_106 = tpu.memref_slice %arg12[%dma_start3A_95, %dma_start3A_104, %dma_start3A_105] : memref<2x128x16xf32, #tpu.memory_space<vmem>> -> memref<1x128x16xf32, #tpu.memory_space<vmem>>
      %dma_start3A_107 = tpu.memref_squeeze %dma_start3A_106 : memref<1x128x16xf32, #tpu.memory_space<vmem>> -> memref<128x16xf32, #tpu.memory_space<vmem>>
      %dma_start3A_108 = arith.constant 0 : i32
      %dma_start3A_109 = arith.constant 0 : i32
      %dma_start3A_110 = tpu.memref_slice %arg6[%arg1, %dma_start3A_94, %dma_start3A_108, %dma_start3A_109] : memref<16x160x128x16xf32, #tpu.memory_space<hbm>> -> memref<1x1x128x16xf32, #tpu.memory_space<hbm>>
      %dma_start3A_111 = tpu.memref_squeeze %dma_start3A_110 : memref<1x1x128x16xf32, #tpu.memory_space<hbm>> -> memref<128x16xf32, #tpu.memory_space<hbm>>
      tpu.enqueue_dma source(%dma_start3A_111 : memref<128x16xf32, #tpu.memory_space<hbm>>) target(%dma_start3A_107 : memref<128x16xf32, #tpu.memory_space<vmem>>) target_semaphore(%arg18 : memref<!tpu.dma_semaphore, #tpu.memory_space<semaphore_mem>>)
      %scan3A_112 = arith.constant 0 : i32
      %scan3A_113 = arith.constant 0 : i32
      %scan3A_114 = arith.constant 80 : i32
      %scan3A_115 = arith.addi %scan3A_113, %scan3A_114 : i32
      %scan3A_116 = arith.constant 1 : i32
      %scan3A_117 = scf.for %scan3A_119 = %scan3A_113 to %scan3A_115 step %scan3A_116 iter_args(%scan3A_120 = %scan3A_112) -> (i32)  : i32 {
        %mul3A_121 = arith.constant 2 : i32
        %mul3A_122 = arith.muli %scan3A_119, %mul3A_121 : i32
        %add3A_123 = arith.constant 0 : i32
        %add3A_124 = arith.addi %mul3A_122, %add3A_123 : i32
        %dma_wait3A = arith.constant 0 : i32
        %dma_wait3A_125 = arith.constant 0 : i32
        %dma_wait3A_126 = arith.constant 0 : i32
        %dma_wait3A_127 = tpu.memref_slice %arg13[%dma_wait3A, %dma_wait3A_125, %dma_wait3A_126] : memref<2x128x64xf32, #tpu.memory_space<vmem>> -> memref<1x128x64xf32, #tpu.memory_space<vmem>>
        %dma_wait3A_128 = tpu.memref_squeeze %dma_wait3A_127 : memref<1x128x64xf32, #tpu.memory_space<vmem>> -> memref<128x64xf32, #tpu.memory_space<vmem>>
        %dma_wait3A_129 = arith.constant 0 : i32
        %dma_wait3A_130 = tpu.memref_slice %arg10[%add3A_124, %dma_wait3A_129] : memref<160x128xi32, #tpu.memory_space<vmem>> -> memref<1x128xi32, #tpu.memory_space<vmem>>
        %dma_wait3A_131 = tpu.memref_squeeze %dma_wait3A_130 : memref<1x128xi32, #tpu.memory_space<vmem>> -> memref<128xi32, #tpu.memory_space<vmem>>
        %dma_wait3A_132 = arith.constant 0 : i32
        %dma_wait3A_133 = arith.constant 0 : i32
        %dma_wait3A_134 = tpu.memref_slice %arg3[%dma_wait3A_132, %dma_wait3A_133] : memref<10000x64xf32, #tpu.memory_space<hbm>> -> memref<10000x64xf32, #tpu.memory_space<hbm>>
        tpu.wait_indirect_dma semaphore(%arg17 : memref<!tpu.dma_semaphore, #tpu.memory_space<semaphore_mem>>) src(%dma_wait3A_134 : memref<10000x64xf32, #tpu.memory_space<hbm>>) dst(%dma_wait3A_128 : memref<128x64xf32, #tpu.memory_space<vmem>>)
        %dma_wait3A_135 = arith.constant 0 : i32
        %dma_wait3A_136 = arith.constant 0 : i32
        %dma_wait3A_137 = arith.constant 0 : i32
        %dma_wait3A_138 = tpu.memref_slice %arg12[%dma_wait3A_135, %dma_wait3A_136, %dma_wait3A_137] : memref<2x128x16xf32, #tpu.memory_space<vmem>> -> memref<1x128x16xf32, #tpu.memory_space<vmem>>
        %dma_wait3A_139 = tpu.memref_squeeze %dma_wait3A_138 : memref<1x128x16xf32, #tpu.memory_space<vmem>> -> memref<128x16xf32, #tpu.memory_space<vmem>>
        %dma_wait3A_140 = arith.constant 0 : i32
        %dma_wait3A_141 = arith.constant 0 : i32
        %dma_wait3A_142 = tpu.memref_slice %arg6[%arg1, %add3A_124, %dma_wait3A_140, %dma_wait3A_141] : memref<16x160x128x16xf32, #tpu.memory_space<hbm>> -> memref<1x1x128x16xf32, #tpu.memory_space<hbm>>
        %dma_wait3A_143 = tpu.memref_squeeze %dma_wait3A_142 : memref<1x1x128x16xf32, #tpu.memory_space<hbm>> -> memref<128x16xf32, #tpu.memory_space<hbm>>
        %dma_wait3A_144 = arith.constant 0 : i32
        %dma_wait3A_145 = arith.constant 0 : i32
        %dma_wait3A_146 = tpu.memref_slice %arg12[%dma_wait3A_135, %dma_wait3A_144, %dma_wait3A_145] : memref<2x128x16xf32, #tpu.memory_space<vmem>> -> memref<1x128x16xf32, #tpu.memory_space<vmem>>
        %dma_wait3A_147 = tpu.memref_squeeze %dma_wait3A_146 : memref<1x128x16xf32, #tpu.memory_space<vmem>> -> memref<128x16xf32, #tpu.memory_space<vmem>>
        %dma_wait3A_148 = arith.constant 0 : i32
        %dma_wait3A_149 = arith.constant 0 : i32
        %dma_wait3A_150 = tpu.memref_slice %arg6[%arg1, %add3A_124, %dma_wait3A_148, %dma_wait3A_149] : memref<16x160x128x16xf32, #tpu.memory_space<hbm>> -> memref<1x1x128x16xf32, #tpu.memory_space<hbm>>
        %dma_wait3A_151 = tpu.memref_squeeze %dma_wait3A_150 : memref<1x1x128x16xf32, #tpu.memory_space<hbm>> -> memref<128x16xf32, #tpu.memory_space<hbm>>
        tpu.wait_dma2 semaphore(%arg17 : memref<!tpu.dma_semaphore, #tpu.memory_space<semaphore_mem>>) src(%dma_wait3A_151 : memref<128x16xf32, #tpu.memory_space<hbm>>) dst(%dma_wait3A_147 : memref<128x16xf32, #tpu.memory_space<vmem>>)
        %scan3A_152 = arith.constant 0 : i32
        %scan3A_153 = arith.constant 0 : i32
        %scan3A_154 = arith.constant 128 : i32
        %scan3A_155 = arith.addi %scan3A_153, %scan3A_154 : i32
        %scan3A_156 = arith.constant 2 : i32
        %scan3A_157 = scf.for %scan3A_210 = %scan3A_153 to %scan3A_155 step %scan3A_156 iter_args(%scan3A_211 = %scan3A_152) -> (i32)  : i32 {
          %get3A = arith.constant 0 : i32
          %get3A_212 = arith.index_cast %get3A : i32 to index
          %get3A_213 = arith.index_cast %scan3A_210 : i32 to index
          %get3A_214 = arith.constant 0 : index
          %get3A_215 = tpu.vector_load %arg12[%get3A_212, %get3A_213, %get3A_214] {strides = array<i32>} : memref<2x128x16xf32, #tpu.memory_space<vmem>>, vector<1x1x16xf32>,
          %get3A_216 = vector.shape_cast %get3A_215 : vector<1x1x16xf32> to vector<16xf32>
          %get3A_217 = arith.constant 0 : i32
          %get3A_218 = arith.index_cast %get3A_217 : i32 to index
          %get3A_219 = arith.index_cast %scan3A_210 : i32 to index
          %get3A_220 = arith.constant 0 : index
          %get3A_221 = tpu.vector_load %arg13[%get3A_218, %get3A_219, %get3A_220] {strides = array<i32>} : memref<2x128x64xf32, #tpu.memory_space<vmem>>, vector<1x1x16xf32>,
          %get3A_222 = vector.shape_cast %get3A_221 : vector<1x1x16xf32> to vector<16xf32>
          %mul3A_223 = arith.mulf %get3A_222, %get3A_216 : vector<16xf32>
          %swap3A = arith.constant 0 : i32
          %swap3A_224 = arith.index_cast %swap3A : i32 to index
          %swap3A_225 = arith.index_cast %scan3A_210 : i32 to index
          %swap3A_226 = arith.constant 0 : index
          %swap3A_227 = tpu.vector_load %arg13[%swap3A_224, %swap3A_225, %swap3A_226] {strides = array<i32>} : memref<2x128x64xf32, #tpu.memory_space<vmem>>, vector<1x1x16xf32>,
          %swap3A_228 = vector.shape_cast %swap3A_227 : vector<1x1x16xf32> to vector<16xf32>
          %swap3A_229 = vector.shape_cast %mul3A_223 : vector<16xf32> to vector<1x1x16xf32>
          tpu.vector_store %arg13[%swap3A_224, %swap3A_225, %swap3A_226], %swap3A_229 {strides = array<i32>} : memref<2x128x64xf32, #tpu.memory_space<vmem>>, vector<1x1x16xf32>,
          %get3A_230 = arith.constant 0 : i32
          %get3A_231 = arith.index_cast %get3A_230 : i32 to index
          %get3A_232 = arith.index_cast %scan3A_210 : i32 to index
          %get3A_233 = arith.constant 16 : index
          %get3A_234 = tpu.vector_load %arg13[%get3A_231, %get3A_232, %get3A_233] {strides = array<i32>} : memref<2x128x64xf32, #tpu.memory_space<vmem>>, vector<1x1x16xf32>,
          %get3A_235 = vector.shape_cast %get3A_234 : vector<1x1x16xf32> to vector<16xf32>
          %mul3A_236 = arith.mulf %get3A_235, %get3A_216 : vector<16xf32>
          %swap3A_237 = arith.constant 0 : i32
          %swap3A_238 = arith.index_cast %swap3A_237 : i32 to index
          %swap3A_239 = arith.index_cast %scan3A_210 : i32 to index
          %swap3A_240 = arith.constant 16 : index
          %swap3A_241 = tpu.vector_load %arg13[%swap3A_238, %swap3A_239, %swap3A_240] {strides = array<i32>} : memref<2x128x64xf32, #tpu.memory_space<vmem>>, vector<1x1x16xf32>,
          %swap3A_242 = vector.shape_cast %swap3A_241 : vector<1x1x16xf32> to vector<16xf32>
          %swap3A_243 = vector.shape_cast %mul3A_236 : vector<16xf32> to vector<1x1x16xf32>
          tpu.vector_store %arg13[%swap3A_238, %swap3A_239, %swap3A_240], %swap3A_243 {strides = array<i32>} : memref<2x128x64xf32, #tpu.memory_space<vmem>>, vector<1x1x16xf32>,
          %get3A_244 = arith.constant 0 : i32
          %get3A_245 = arith.index_cast %get3A_244 : i32 to index
          %get3A_246 = arith.index_cast %scan3A_210 : i32 to index
          %get3A_247 = arith.constant 32 : index
          %get3A_248 = tpu.vector_load %arg13[%get3A_245, %get3A_246, %get3A_247] {strides = array<i32>} : memref<2x128x64xf32, #tpu.memory_space<vmem>>, vector<1x1x16xf32>,
          %get3A_249 = vector.shape_cast %get3A_248 : vector<1x1x16xf32> to vector<16xf32>
          %mul3A_250 = arith.mulf %get3A_249, %get3A_216 : vector<16xf32>
          %swap3A_251 = arith.constant 0 : i32
          %swap3A_252 = arith.index_cast %swap3A_251 : i32 to index
          %swap3A_253 = arith.index_cast %scan3A_210 : i32 to index
          %swap3A_254 = arith.constant 32 : index
          %swap3A_255 = tpu.vector_load %arg13[%swap3A_252, %swap3A_253, %swap3A_254] {strides = array<i32>} : memref<2x128x64xf32, #tpu.memory_space<vmem>>, vector<1x1x16xf32>,
          %swap3A_256 = vector.shape_cast %swap3A_255 : vector<1x1x16xf32> to vector<16xf32>
          %swap3A_257 = vector.shape_cast %mul3A_250 : vector<16xf32> to vector<1x1x16xf32>
          tpu.vector_store %arg13[%swap3A_252, %swap3A_253, %swap3A_254], %swap3A_257 {strides = array<i32>} : memref<2x128x64xf32, #tpu.memory_space<vmem>>, vector<1x1x16xf32>,
          %get3A_258 = arith.constant 0 : i32
          %get3A_259 = arith.index_cast %get3A_258 : i32 to index
          %get3A_260 = arith.index_cast %scan3A_210 : i32 to index
          %get3A_261 = arith.constant 48 : index
          %get3A_262 = tpu.vector_load %arg13[%get3A_259, %get3A_260, %get3A_261] {strides = array<i32>} : memref<2x128x64xf32, #tpu.memory_space<vmem>>, vector<1x1x16xf32>,
          %get3A_263 = vector.shape_cast %get3A_262 : vector<1x1x16xf32> to vector<16xf32>
          %mul3A_264 = arith.mulf %get3A_263, %get3A_216 : vector<16xf32>
          %swap3A_265 = arith.constant 0 : i32
          %swap3A_266 = arith.index_cast %swap3A_265 : i32 to index
          %swap3A_267 = arith.index_cast %scan3A_210 : i32 to index
          %swap3A_268 = arith.constant 48 : index
          %swap3A_269 = tpu.vector_load %arg13[%swap3A_266, %swap3A_267, %swap3A_268] {strides = array<i32>} : memref<2x128x64xf32, #tpu.memory_space<vmem>>, vector<1x1x16xf32>,
          %swap3A_270 = vector.shape_cast %swap3A_269 : vector<1x1x16xf32> to vector<16xf32>
          %swap3A_271 = vector.shape_cast %mul3A_264 : vector<16xf32> to vector<1x1x16xf32>
          tpu.vector_store %arg13[%swap3A_266, %swap3A_267, %swap3A_268], %swap3A_271 {strides = array<i32>} : memref<2x128x64xf32, #tpu.memory_space<vmem>>, vector<1x1x16xf32>,
          %scan3A_272 = arith.constant 0 : i32
          %scan3A_273 = arith.constant 1 : i32
          %scan3A_274 = arith.addi %scan3A_210, %scan3A_273 : i32
          %get3A_275 = arith.constant 0 : i32
          %get3A_276 = arith.index_cast %get3A_275 : i32 to index
          %get3A_277 = arith.index_cast %scan3A_274 : i32 to index
          %get3A_278 = arith.constant 0 : index
          %get3A_279 = tpu.vector_load %arg12[%get3A_276, %get3A_277, %get3A_278] {strides = array<i32>} : memref<2x128x16xf32, #tpu.memory_space<vmem>>, vector<1x1x16xf32>,
          %get3A_280 = vector.shape_cast %get3A_279 : vector<1x1x16xf32> to vector<16xf32>
          %get3A_281 = arith.constant 0 : i32
          %get3A_282 = arith.index_cast %get3A_281 : i32 to index
          %get3A_283 = arith.index_cast %scan3A_274 : i32 to index
          %get3A_284 = arith.constant 0 : index
          %get3A_285 = tpu.vector_load %arg13[%get3A_282, %get3A_283, %get3A_284] {strides = array<i32>} : memref<2x128x64xf32, #tpu.memory_space<vmem>>, vector<1x1x16xf32>,
          %get3A_286 = vector.shape_cast %get3A_285 : vector<1x1x16xf32> to vector<16xf32>
          %mul3A_287 = arith.mulf %get3A_286, %get3A_280 : vector<16xf32>
          %swap3A_288 = arith.constant 0 : i32
          %swap3A_289 = arith.index_cast %swap3A_288 : i32 to index
          %swap3A_290 = arith.index_cast %scan3A_274 : i32 to index
          %swap3A_291 = arith.constant 0 : index
          %swap3A_292 = tpu.vector_load %arg13[%swap3A_289, %swap3A_290, %swap3A_291] {strides = array<i32>} : memref<2x128x64xf32, #tpu.memory_space<vmem>>, vector<1x1x16xf32>,
          %swap3A_293 = vector.shape_cast %swap3A_292 : vector<1x1x16xf32> to vector<16xf32>
          %swap3A_294 = vector.shape_cast %mul3A_287 : vector<16xf32> to vector<1x1x16xf32>
          tpu.vector_store %arg13[%swap3A_289, %swap3A_290, %swap3A_291], %swap3A_294 {strides = array<i32>} : memref<2x128x64xf32, #tpu.memory_space<vmem>>, vector<1x1x16xf32>,
          %get3A_295 = arith.constant 0 : i32
          %get3A_296 = arith.index_cast %get3A_295 : i32 to index
          %get3A_297 = arith.index_cast %scan3A_274 : i32 to index
          %get3A_298 = arith.constant 16 : index
          %get3A_299 = tpu.vector_load %arg13[%get3A_296, %get3A_297, %get3A_298] {strides = array<i32>} : memref<2x128x64xf32, #tpu.memory_space<vmem>>, vector<1x1x16xf32>,
          %get3A_300 = vector.shape_cast %get3A_299 : vector<1x1x16xf32> to vector<16xf32>
          %mul3A_301 = arith.mulf %get3A_300, %get3A_280 : vector<16xf32>
          %swap3A_302 = arith.constant 0 : i32
          %swap3A_303 = arith.index_cast %swap3A_302 : i32 to index
          %swap3A_304 = arith.index_cast %scan3A_274 : i32 to index
          %swap3A_305 = arith.constant 16 : index
          %swap3A_306 = tpu.vector_load %arg13[%swap3A_303, %swap3A_304, %swap3A_305] {strides = array<i32>} : memref<2x128x64xf32, #tpu.memory_space<vmem>>, vector<1x1x16xf32>,
          %swap3A_307 = vector.shape_cast %swap3A_306 : vector<1x1x16xf32> to vector<16xf32>
          %swap3A_308 = vector.shape_cast %mul3A_301 : vector<16xf32> to vector<1x1x16xf32>
          tpu.vector_store %arg13[%swap3A_303, %swap3A_304, %swap3A_305], %swap3A_308 {strides = array<i32>} : memref<2x128x64xf32, #tpu.memory_space<vmem>>, vector<1x1x16xf32>,
          %get3A_309 = arith.constant 0 : i32
          %get3A_310 = arith.index_cast %get3A_309 : i32 to index
          %get3A_311 = arith.index_cast %scan3A_274 : i32 to index
          %get3A_312 = arith.constant 32 : index
          %get3A_313 = tpu.vector_load %arg13[%get3A_310, %get3A_311, %get3A_312] {strides = array<i32>} : memref<2x128x64xf32, #tpu.memory_space<vmem>>, vector<1x1x16xf32>,
          %get3A_314 = vector.shape_cast %get3A_313 : vector<1x1x16xf32> to vector<16xf32>
          %mul3A_315 = arith.mulf %get3A_314, %get3A_280 : vector<16xf32>
          %swap3A_316 = arith.constant 0 : i32
          %swap3A_317 = arith.index_cast %swap3A_316 : i32 to index
          %swap3A_318 = arith.index_cast %scan3A_274 : i32 to index
          %swap3A_319 = arith.constant 32 : index
          %swap3A_320 = tpu.vector_load %arg13[%swap3A_317, %swap3A_318, %swap3A_319] {strides = array<i32>} : memref<2x128x64xf32, #tpu.memory_space<vmem>>, vector<1x1x16xf32>,
          %swap3A_321 = vector.shape_cast %swap3A_320 : vector<1x1x16xf32> to vector<16xf32>
          %swap3A_322 = vector.shape_cast %mul3A_315 : vector<16xf32> to vector<1x1x16xf32>
          tpu.vector_store %arg13[%swap3A_317, %swap3A_318, %swap3A_319], %swap3A_322 {strides = array<i32>} : memref<2x128x64xf32, #tpu.memory_space<vmem>>, vector<1x1x16xf32>,
          %get3A_323 = arith.constant 0 : i32
          %get3A_324 = arith.index_cast %get3A_323 : i32 to index
          %get3A_325 = arith.index_cast %scan3A_274 : i32 to index
          %get3A_326 = arith.constant 48 : index
          %get3A_327 = tpu.vector_load %arg13[%get3A_324, %get3A_325, %get3A_326] {strides = array<i32>} : memref<2x128x64xf32, #tpu.memory_space<vmem>>, vector<1x1x16xf32>,
          %get3A_328 = vector.shape_cast %get3A_327 : vector<1x1x16xf32> to vector<16xf32>
          %mul3A_329 = arith.mulf %get3A_328, %get3A_280 : vector<16xf32>
          %swap3A_330 = arith.constant 0 : i32
          %swap3A_331 = arith.index_cast %swap3A_330 : i32 to index
          %swap3A_332 = arith.index_cast %scan3A_274 : i32 to index
          %swap3A_333 = arith.constant 48 : index
          %swap3A_334 = tpu.vector_load %arg13[%swap3A_331, %swap3A_332, %swap3A_333] {strides = array<i32>} : memref<2x128x64xf32, #tpu.memory_space<vmem>>, vector<1x1x16xf32>,
          %swap3A_335 = vector.shape_cast %swap3A_334 : vector<1x1x16xf32> to vector<16xf32>
          %swap3A_336 = vector.shape_cast %mul3A_329 : vector<16xf32> to vector<1x1x16xf32>
          tpu.vector_store %arg13[%swap3A_331, %swap3A_332, %swap3A_333], %swap3A_336 {strides = array<i32>} : memref<2x128x64xf32, #tpu.memory_space<vmem>>, vector<1x1x16xf32>,
          %scan3A_337 = arith.constant 0 : i32
          scf.yield %scan3A_337 : i32
        }
        %scan3A_158 = arith.constant 128 : i32
        %run_scoped3A_159 = arith.constant 0 : i32
        "tpu.region"() ({
          %run_scoped3A_210 = tpu.sem_alloc : memref<!tpu.dma_semaphore, #tpu.memory_space<semaphore_mem>>
          %dma_start3A_211 = arith.constant 0 : i32
          %dma_start3A_212 = arith.constant 0 : i32
          %dma_start3A_213 = tpu.memref_slice %arg13[%run_scoped3A_159, %dma_start3A_211, %dma_start3A_212] : memref<2x128x64xf32, #tpu.memory_space<vmem>> -> memref<1x128x64xf32, #tpu.memory_space<vmem>>
          %dma_start3A_214 = tpu.memref_squeeze %dma_start3A_213 : memref<1x128x64xf32, #tpu.memory_space<vmem>> -> memref<128x64xf32, #tpu.memory_space<vmem>>
          %dma_start3A_215 = arith.constant 0 : i32
          %dma_start3A_216 = tpu.memref_slice %arg11[%add3A_124, %dma_start3A_215] : memref<160x128xi32, #tpu.memory_space<vmem>> -> memref<1x128xi32, #tpu.memory_space<vmem>>
          %dma_start3A_217 = tpu.memref_squeeze %dma_start3A_216 : memref<1x128xi32, #tpu.memory_space<vmem>> -> memref<128xi32, #tpu.memory_space<vmem>>
          %dma_start3A_218 = arith.constant 0 : i32
          %dma_start3A_219 = arith.constant 0 : i32
          %dma_start3A_220 = tpu.memref_slice %arg15[%dma_start3A_218, %dma_start3A_219] : memref<10240x64xf32, #tpu.memory_space<vmem_shared>> -> memref<10240x64xf32, #tpu.memory_space<vmem_shared>>
          tpu.enqueue_indirect_dma source(%dma_start3A_214 : memref<128x64xf32, #tpu.memory_space<vmem>>) target(%dma_start3A_220 : memref<10240x64xf32, #tpu.memory_space<vmem_shared>>) offsets(%dma_start3A_217 : memref<128xi32, #tpu.memory_space<vmem>>) semaphore(%run_scoped3A_210 : memref<!tpu.dma_semaphore, #tpu.memory_space<semaphore_mem>>) {add = true}
          %dma_wait3A_221 = arith.constant 0 : i32
          %dma_wait3A_222 = arith.constant 0 : i32
          %dma_wait3A_223 = tpu.memref_slice %arg13[%run_scoped3A_159, %dma_wait3A_221, %dma_wait3A_222] : memref<2x128x64xf32, #tpu.memory_space<vmem>> -> memref<1x128x64xf32, #tpu.memory_space<vmem>>
          %dma_wait3A_224 = tpu.memref_squeeze %dma_wait3A_223 : memref<1x128x64xf32, #tpu.memory_space<vmem>> -> memref<128x64xf32, #tpu.memory_space<vmem>>
          %dma_wait3A_225 = arith.constant 0 : i32
          %dma_wait3A_226 = tpu.memref_slice %arg11[%add3A_124, %dma_wait3A_225] : memref<160x128xi32, #tpu.memory_space<vmem>> -> memref<1x128xi32, #tpu.memory_space<vmem>>
          %dma_wait3A_227 = tpu.memref_squeeze %dma_wait3A_226 : memref<1x128xi32, #tpu.memory_space<vmem>> -> memref<128xi32, #tpu.memory_space<vmem>>
          %dma_wait3A_228 = arith.constant 0 : i32
          %dma_wait3A_229 = arith.constant 0 : i32
          %dma_wait3A_230 = tpu.memref_slice %arg15[%dma_wait3A_228, %dma_wait3A_229] : memref<10240x64xf32, #tpu.memory_space<vmem_shared>> -> memref<10240x64xf32, #tpu.memory_space<vmem_shared>>
          tpu.wait_indirect_dma semaphore(%run_scoped3A_210 : memref<!tpu.dma_semaphore, #tpu.memory_space<semaphore_mem>>) src(%dma_wait3A_224 : memref<128x64xf32, #tpu.memory_space<vmem>>) dst(%dma_wait3A_230 : memref<10240x64xf32, #tpu.memory_space<vmem_shared>>)
          tpu.yield
        }) : () -> ()
        %lt3A = arith.constant 79 : i32
        %lt3A_160 = arith.cmpi slt, %scan3A_119, %lt3A : i32
        %convert_element_type3A_161 = arith.extui %lt3A_160 : i1 to i32
        %cond3A_162 = arith.constant 0 : i32
        %cond3A_163 = arith.cmpi ne, %convert_element_type3A_161, %cond3A_162 : i32
        scf.if %cond3A_163 {
          %add3A_210 = arith.constant 2 : i32
          %add3A_211 = arith.addi %add3A_124, %add3A_210 : i32
          %dma_start3A_212 = arith.constant 0 : i32
          %dma_start3A_213 = arith.constant 0 : i32
          %dma_start3A_214 = arith.constant 0 : i32
          %dma_start3A_215 = tpu.memref_slice %arg13[%dma_start3A_212, %dma_start3A_213, %dma_start3A_214] : memref<2x128x64xf32, #tpu.memory_space<vmem>> -> memref<1x128x64xf32, #tpu.memory_space<vmem>>
          %dma_start3A_216 = tpu.memref_squeeze %dma_start3A_215 : memref<1x128x64xf32, #tpu.memory_space<vmem>> -> memref<128x64xf32, #tpu.memory_space<vmem>>
          %dma_start3A_217 = arith.constant 0 : i32
          %dma_start3A_218 = tpu.memref_slice %arg10[%add3A_211, %dma_start3A_217] : memref<160x128xi32, #tpu.memory_space<vmem>> -> memref<1x128xi32, #tpu.memory_space<vmem>>
          %dma_start3A_219 = tpu.memref_squeeze %dma_start3A_218 : memref<1x128xi32, #tpu.memory_space<vmem>> -> memref<128xi32, #tpu.memory_space<vmem>>
          %dma_start3A_220 = arith.constant 0 : i32
          %dma_start3A_221 = arith.constant 0 : i32
          %dma_start3A_222 = tpu.memref_slice %arg3[%dma_start3A_220, %dma_start3A_221] : memref<10000x64xf32, #tpu.memory_space<hbm>> -> memref<10000x64xf32, #tpu.memory_space<hbm>>
          tpu.enqueue_indirect_dma source(%dma_start3A_222 : memref<10000x64xf32, #tpu.memory_space<hbm>>) target(%dma_start3A_216 : memref<128x64xf32, #tpu.memory_space<vmem>>) offsets(%dma_start3A_219 : memref<128xi32, #tpu.memory_space<vmem>>) semaphore(%arg17 : memref<!tpu.dma_semaphore, #tpu.memory_space<semaphore_mem>>)
          %dma_start3A_223 = arith.constant 0 : i32
          %dma_start3A_224 = arith.constant 0 : i32
          %dma_start3A_225 = arith.constant 0 : i32
          %dma_start3A_226 = tpu.memref_slice %arg12[%dma_start3A_223, %dma_start3A_224, %dma_start3A_225] : memref<2x128x16xf32, #tpu.memory_space<vmem>> -> memref<1x128x16xf32, #tpu.memory_space<vmem>>
          %dma_start3A_227 = tpu.memref_squeeze %dma_start3A_226 : memref<1x128x16xf32, #tpu.memory_space<vmem>> -> memref<128x16xf32, #tpu.memory_space<vmem>>
          %dma_start3A_228 = arith.constant 0 : i32
          %dma_start3A_229 = arith.constant 0 : i32
          %dma_start3A_230 = tpu.memref_slice %arg6[%arg1, %add3A_211, %dma_start3A_228, %dma_start3A_229] : memref<16x160x128x16xf32, #tpu.memory_space<hbm>> -> memref<1x1x128x16xf32, #tpu.memory_space<hbm>>
          %dma_start3A_231 = tpu.memref_squeeze %dma_start3A_230 : memref<1x1x128x16xf32, #tpu.memory_space<hbm>> -> memref<128x16xf32, #tpu.memory_space<hbm>>
          %dma_start3A_232 = arith.constant 0 : i32
          %dma_start3A_233 = arith.constant 0 : i32
          %dma_start3A_234 = tpu.memref_slice %arg12[%dma_start3A_223, %dma_start3A_232, %dma_start3A_233] : memref<2x128x16xf32, #tpu.memory_space<vmem>> -> memref<1x128x16xf32, #tpu.memory_space<vmem>>
          %dma_start3A_235 = tpu.memref_squeeze %dma_start3A_234 : memref<1x128x16xf32, #tpu.memory_space<vmem>> -> memref<128x16xf32, #tpu.memory_space<vmem>>
          %dma_start3A_236 = arith.constant 0 : i32
          %dma_start3A_237 = arith.constant 0 : i32
          %dma_start3A_238 = tpu.memref_slice %arg6[%arg1, %add3A_211, %dma_start3A_236, %dma_start3A_237] : memref<16x160x128x16xf32, #tpu.memory_space<hbm>> -> memref<1x1x128x16xf32, #tpu.memory_space<hbm>>
          %dma_start3A_239 = tpu.memref_squeeze %dma_start3A_238 : memref<1x1x128x16xf32, #tpu.memory_space<hbm>> -> memref<128x16xf32, #tpu.memory_space<hbm>>
          tpu.enqueue_dma source(%dma_start3A_239 : memref<128x16xf32, #tpu.memory_space<hbm>>) target(%dma_start3A_235 : memref<128x16xf32, #tpu.memory_space<vmem>>) target_semaphore(%arg17 : memref<!tpu.dma_semaphore, #tpu.memory_space<semaphore_mem>>)
        } else {
        }
        %mul3A_164 = arith.constant 2 : i32
        %mul3A_165 = arith.muli %scan3A_119, %mul3A_164 : i32
        %add3A_166 = arith.constant 1 : i32
        %add3A_167 = arith.addi %mul3A_165, %add3A_166 : i32
        %dma_wait3A_168 = arith.constant 1 : i32
        %dma_wait3A_169 = arith.constant 0 : i32
        %dma_wait3A_170 = arith.constant 0 : i32
        %dma_wait3A_171 = tpu.memref_slice %arg13[%dma_wait3A_168, %dma_wait3A_169, %dma_wait3A_170] : memref<2x128x64xf32, #tpu.memory_space<vmem>> -> memref<1x128x64xf32, #tpu.memory_space<vmem>>
        %dma_wait3A_172 = tpu.memref_squeeze %dma_wait3A_171 : memref<1x128x64xf32, #tpu.memory_space<vmem>> -> memref<128x64xf32, #tpu.memory_space<vmem>>
        %dma_wait3A_173 = arith.constant 0 : i32
        %dma_wait3A_174 = tpu.memref_slice %arg10[%add3A_167, %dma_wait3A_173] : memref<160x128xi32, #tpu.memory_space<vmem>> -> memref<1x128xi32, #tpu.memory_space<vmem>>
        %dma_wait3A_175 = tpu.memref_squeeze %dma_wait3A_174 : memref<1x128xi32, #tpu.memory_space<vmem>> -> memref<128xi32, #tpu.memory_space<vmem>>
        %dma_wait3A_176 = arith.constant 0 : i32
        %dma_wait3A_177 = arith.constant 0 : i32
        %dma_wait3A_178 = tpu.memref_slice %arg3[%dma_wait3A_176, %dma_wait3A_177] : memref<10000x64xf32, #tpu.memory_space<hbm>> -> memref<10000x64xf32, #tpu.memory_space<hbm>>
        tpu.wait_indirect_dma semaphore(%arg18 : memref<!tpu.dma_semaphore, #tpu.memory_space<semaphore_mem>>) src(%dma_wait3A_178 : memref<10000x64xf32, #tpu.memory_space<hbm>>) dst(%dma_wait3A_172 : memref<128x64xf32, #tpu.memory_space<vmem>>)
        %dma_wait3A_179 = arith.constant 1 : i32
        %dma_wait3A_180 = arith.constant 0 : i32
        %dma_wait3A_181 = arith.constant 0 : i32
        %dma_wait3A_182 = tpu.memref_slice %arg12[%dma_wait3A_179, %dma_wait3A_180, %dma_wait3A_181] : memref<2x128x16xf32, #tpu.memory_space<vmem>> -> memref<1x128x16xf32, #tpu.memory_space<vmem>>
        %dma_wait3A_183 = tpu.memref_squeeze %dma_wait3A_182 : memref<1x128x16xf32, #tpu.memory_space<vmem>> -> memref<128x16xf32, #tpu.memory_space<vmem>>
        %dma_wait3A_184 = arith.constant 0 : i32
        %dma_wait3A_185 = arith.constant 0 : i32
        %dma_wait3A_186 = tpu.memref_slice %arg6[%arg1, %add3A_167, %dma_wait3A_184, %dma_wait3A_185] : memref<16x160x128x16xf32, #tpu.memory_space<hbm>> -> memref<1x1x128x16xf32, #tpu.memory_space<hbm>>
        %dma_wait3A_187 = tpu.memref_squeeze %dma_wait3A_186 : memref<1x1x128x16xf32, #tpu.memory_space<hbm>> -> memref<128x16xf32, #tpu.memory_space<hbm>>
        %dma_wait3A_188 = arith.constant 0 : i32
        %dma_wait3A_189 = arith.constant 0 : i32
        %dma_wait3A_190 = tpu.memref_slice %arg12[%dma_wait3A_179, %dma_wait3A_188, %dma_wait3A_189] : memref<2x128x16xf32, #tpu.memory_space<vmem>> -> memref<1x128x16xf32, #tpu.memory_space<vmem>>
        %dma_wait3A_191 = tpu.memref_squeeze %dma_wait3A_190 : memref<1x128x16xf32, #tpu.memory_space<vmem>> -> memref<128x16xf32, #tpu.memory_space<vmem>>
        %dma_wait3A_192 = arith.constant 0 : i32
        %dma_wait3A_193 = arith.constant 0 : i32
        %dma_wait3A_194 = tpu.memref_slice %arg6[%arg1, %add3A_167, %dma_wait3A_192, %dma_wait3A_193] : memref<16x160x128x16xf32, #tpu.memory_space<hbm>> -> memref<1x1x128x16xf32, #tpu.memory_space<hbm>>
        %dma_wait3A_195 = tpu.memref_squeeze %dma_wait3A_194 : memref<1x1x128x16xf32, #tpu.memory_space<hbm>> -> memref<128x16xf32, #tpu.memory_space<hbm>>
        tpu.wait_dma2 semaphore(%arg18 : memref<!tpu.dma_semaphore, #tpu.memory_space<semaphore_mem>>) src(%dma_wait3A_195 : memref<128x16xf32, #tpu.memory_space<hbm>>) dst(%dma_wait3A_191 : memref<128x16xf32, #tpu.memory_space<vmem>>)
        %scan3A_196 = arith.constant 0 : i32
        %scan3A_197 = arith.constant 0 : i32
        %scan3A_198 = arith.constant 128 : i32
        %scan3A_199 = arith.addi %scan3A_197, %scan3A_198 : i32
        %scan3A_200 = arith.constant 2 : i32
        %scan3A_201 = scf.for %scan3A_210 = %scan3A_197 to %scan3A_199 step %scan3A_200 iter_args(%scan3A_211 = %scan3A_196) -> (i32)  : i32 {
          %get3A = arith.constant 1 : i32
          %get3A_212 = arith.index_cast %get3A : i32 to index
          %get3A_213 = arith.index_cast %scan3A_210 : i32 to index
          %get3A_214 = arith.constant 0 : index
          %get3A_215 = tpu.vector_load %arg12[%get3A_212, %get3A_213, %get3A_214] {strides = array<i32>} : memref<2x128x16xf32, #tpu.memory_space<vmem>>, vector<1x1x16xf32>,
          %get3A_216 = vector.shape_cast %get3A_215 : vector<1x1x16xf32> to vector<16xf32>
          %get3A_217 = arith.constant 1 : i32
          %get3A_218 = arith.index_cast %get3A_217 : i32 to index
          %get3A_219 = arith.index_cast %scan3A_210 : i32 to index
          %get3A_220 = arith.constant 0 : index
          %get3A_221 = tpu.vector_load %arg13[%get3A_218, %get3A_219, %get3A_220] {strides = array<i32>} : memref<2x128x64xf32, #tpu.memory_space<vmem>>, vector<1x1x16xf32>,
          %get3A_222 = vector.shape_cast %get3A_221 : vector<1x1x16xf32> to vector<16xf32>
          %mul3A_223 = arith.mulf %get3A_222, %get3A_216 : vector<16xf32>
          %swap3A = arith.constant 1 : i32
          %swap3A_224 = arith.index_cast %swap3A : i32 to index
          %swap3A_225 = arith.index_cast %scan3A_210 : i32 to index
          %swap3A_226 = arith.constant 0 : index
          %swap3A_227 = tpu.vector_load %arg13[%swap3A_224, %swap3A_225, %swap3A_226] {strides = array<i32>} : memref<2x128x64xf32, #tpu.memory_space<vmem>>, vector<1x1x16xf32>,
          %swap3A_228 = vector.shape_cast %swap3A_227 : vector<1x1x16xf32> to vector<16xf32>
          %swap3A_229 = vector.shape_cast %mul3A_223 : vector<16xf32> to vector<1x1x16xf32>
          tpu.vector_store %arg13[%swap3A_224, %swap3A_225, %swap3A_226], %swap3A_229 {strides = array<i32>} : memref<2x128x64xf32, #tpu.memory_space<vmem>>, vector<1x1x16xf32>,
          %get3A_230 = arith.constant 1 : i32
          %get3A_231 = arith.index_cast %get3A_230 : i32 to index
          %get3A_232 = arith.index_cast %scan3A_210 : i32 to index
          %get3A_233 = arith.constant 16 : index
          %get3A_234 = tpu.vector_load %arg13[%get3A_231, %get3A_232, %get3A_233] {strides = array<i32>} : memref<2x128x64xf32, #tpu.memory_space<vmem>>, vector<1x1x16xf32>,
          %get3A_235 = vector.shape_cast %get3A_234 : vector<1x1x16xf32> to vector<16xf32>
          %mul3A_236 = arith.mulf %get3A_235, %get3A_216 : vector<16xf32>
          %swap3A_237 = arith.constant 1 : i32
          %swap3A_238 = arith.index_cast %swap3A_237 : i32 to index
          %swap3A_239 = arith.index_cast %scan3A_210 : i32 to index
          %swap3A_240 = arith.constant 16 : index
          %swap3A_241 = tpu.vector_load %arg13[%swap3A_238, %swap3A_239, %swap3A_240] {strides = array<i32>} : memref<2x128x64xf32, #tpu.memory_space<vmem>>, vector<1x1x16xf32>,
          %swap3A_242 = vector.shape_cast %swap3A_241 : vector<1x1x16xf32> to vector<16xf32>
          %swap3A_243 = vector.shape_cast %mul3A_236 : vector<16xf32> to vector<1x1x16xf32>
          tpu.vector_store %arg13[%swap3A_238, %swap3A_239, %swap3A_240], %swap3A_243 {strides = array<i32>} : memref<2x128x64xf32, #tpu.memory_space<vmem>>, vector<1x1x16xf32>,
          %get3A_244 = arith.constant 1 : i32
          %get3A_245 = arith.index_cast %get3A_244 : i32 to index
          %get3A_246 = arith.index_cast %scan3A_210 : i32 to index
          %get3A_247 = arith.constant 32 : index
          %get3A_248 = tpu.vector_load %arg13[%get3A_245, %get3A_246, %get3A_247] {strides = array<i32>} : memref<2x128x64xf32, #tpu.memory_space<vmem>>, vector<1x1x16xf32>,
          %get3A_249 = vector.shape_cast %get3A_248 : vector<1x1x16xf32> to vector<16xf32>
          %mul3A_250 = arith.mulf %get3A_249, %get3A_216 : vector<16xf32>
          %swap3A_251 = arith.constant 1 : i32
          %swap3A_252 = arith.index_cast %swap3A_251 : i32 to index
          %swap3A_253 = arith.index_cast %scan3A_210 : i32 to index
          %swap3A_254 = arith.constant 32 : index
          %swap3A_255 = tpu.vector_load %arg13[%swap3A_252, %swap3A_253, %swap3A_254] {strides = array<i32>} : memref<2x128x64xf32, #tpu.memory_space<vmem>>, vector<1x1x16xf32>,
          %swap3A_256 = vector.shape_cast %swap3A_255 : vector<1x1x16xf32> to vector<16xf32>
          %swap3A_257 = vector.shape_cast %mul3A_250 : vector<16xf32> to vector<1x1x16xf32>
          tpu.vector_store %arg13[%swap3A_252, %swap3A_253, %swap3A_254], %swap3A_257 {strides = array<i32>} : memref<2x128x64xf32, #tpu.memory_space<vmem>>, vector<1x1x16xf32>,
          %get3A_258 = arith.constant 1 : i32
          %get3A_259 = arith.index_cast %get3A_258 : i32 to index
          %get3A_260 = arith.index_cast %scan3A_210 : i32 to index
          %get3A_261 = arith.constant 48 : index
          %get3A_262 = tpu.vector_load %arg13[%get3A_259, %get3A_260, %get3A_261] {strides = array<i32>} : memref<2x128x64xf32, #tpu.memory_space<vmem>>, vector<1x1x16xf32>,
          %get3A_263 = vector.shape_cast %get3A_262 : vector<1x1x16xf32> to vector<16xf32>
          %mul3A_264 = arith.mulf %get3A_263, %get3A_216 : vector<16xf32>
          %swap3A_265 = arith.constant 1 : i32
          %swap3A_266 = arith.index_cast %swap3A_265 : i32 to index
          %swap3A_267 = arith.index_cast %scan3A_210 : i32 to index
          %swap3A_268 = arith.constant 48 : index
          %swap3A_269 = tpu.vector_load %arg13[%swap3A_266, %swap3A_267, %swap3A_268] {strides = array<i32>} : memref<2x128x64xf32, #tpu.memory_space<vmem>>, vector<1x1x16xf32>,
          %swap3A_270 = vector.shape_cast %swap3A_269 : vector<1x1x16xf32> to vector<16xf32>
          %swap3A_271 = vector.shape_cast %mul3A_264 : vector<16xf32> to vector<1x1x16xf32>
          tpu.vector_store %arg13[%swap3A_266, %swap3A_267, %swap3A_268], %swap3A_271 {strides = array<i32>} : memref<2x128x64xf32, #tpu.memory_space<vmem>>, vector<1x1x16xf32>,
          %scan3A_272 = arith.constant 0 : i32
          %scan3A_273 = arith.constant 1 : i32
          %scan3A_274 = arith.addi %scan3A_210, %scan3A_273 : i32
          %get3A_275 = arith.constant 1 : i32
          %get3A_276 = arith.index_cast %get3A_275 : i32 to index
          %get3A_277 = arith.index_cast %scan3A_274 : i32 to index
          %get3A_278 = arith.constant 0 : index
          %get3A_279 = tpu.vector_load %arg12[%get3A_276, %get3A_277, %get3A_278] {strides = array<i32>} : memref<2x128x16xf32, #tpu.memory_space<vmem>>, vector<1x1x16xf32>,
          %get3A_280 = vector.shape_cast %get3A_279 : vector<1x1x16xf32> to vector<16xf32>
          %get3A_281 = arith.constant 1 : i32
          %get3A_282 = arith.index_cast %get3A_281 : i32 to index
          %get3A_283 = arith.index_cast %scan3A_274 : i32 to index
          %get3A_284 = arith.constant 0 : index
          %get3A_285 = tpu.vector_load %arg13[%get3A_282, %get3A_283, %get3A_284] {strides = array<i32>} : memref<2x128x64xf32, #tpu.memory_space<vmem>>, vector<1x1x16xf32>,
          %get3A_286 = vector.shape_cast %get3A_285 : vector<1x1x16xf32> to vector<16xf32>
          %mul3A_287 = arith.mulf %get3A_286, %get3A_280 : vector<16xf32>
          %swap3A_288 = arith.constant 1 : i32
          %swap3A_289 = arith.index_cast %swap3A_288 : i32 to index
          %swap3A_290 = arith.index_cast %scan3A_274 : i32 to index
          %swap3A_291 = arith.constant 0 : index
          %swap3A_292 = tpu.vector_load %arg13[%swap3A_289, %swap3A_290, %swap3A_291] {strides = array<i32>} : memref<2x128x64xf32, #tpu.memory_space<vmem>>, vector<1x1x16xf32>,
          %swap3A_293 = vector.shape_cast %swap3A_292 : vector<1x1x16xf32> to vector<16xf32>
          %swap3A_294 = vector.shape_cast %mul3A_287 : vector<16xf32> to vector<1x1x16xf32>
          tpu.vector_store %arg13[%swap3A_289, %swap3A_290, %swap3A_291], %swap3A_294 {strides = array<i32>} : memref<2x128x64xf32, #tpu.memory_space<vmem>>, vector<1x1x16xf32>,
          %get3A_295 = arith.constant 1 : i32
          %get3A_296 = arith.index_cast %get3A_295 : i32 to index
          %get3A_297 = arith.index_cast %scan3A_274 : i32 to index
          %get3A_298 = arith.constant 16 : index
          %get3A_299 = tpu.vector_load %arg13[%get3A_296, %get3A_297, %get3A_298] {strides = array<i32>} : memref<2x128x64xf32, #tpu.memory_space<vmem>>, vector<1x1x16xf32>,
          %get3A_300 = vector.shape_cast %get3A_299 : vector<1x1x16xf32> to vector<16xf32>
          %mul3A_301 = arith.mulf %get3A_300, %get3A_280 : vector<16xf32>
          %swap3A_302 = arith.constant 1 : i32
          %swap3A_303 = arith.index_cast %swap3A_302 : i32 to index
          %swap3A_304 = arith.index_cast %scan3A_274 : i32 to index
          %swap3A_305 = arith.constant 16 : index
          %swap3A_306 = tpu.vector_load %arg13[%swap3A_303, %swap3A_304, %swap3A_305] {strides = array<i32>} : memref<2x128x64xf32, #tpu.memory_space<vmem>>, vector<1x1x16xf32>,
          %swap3A_307 = vector.shape_cast %swap3A_306 : vector<1x1x16xf32> to vector<16xf32>
          %swap3A_308 = vector.shape_cast %mul3A_301 : vector<16xf32> to vector<1x1x16xf32>
          tpu.vector_store %arg13[%swap3A_303, %swap3A_304, %swap3A_305], %swap3A_308 {strides = array<i32>} : memref<2x128x64xf32, #tpu.memory_space<vmem>>, vector<1x1x16xf32>,
          %get3A_309 = arith.constant 1 : i32
          %get3A_310 = arith.index_cast %get3A_309 : i32 to index
          %get3A_311 = arith.index_cast %scan3A_274 : i32 to index
          %get3A_312 = arith.constant 32 : index
          %get3A_313 = tpu.vector_load %arg13[%get3A_310, %get3A_311, %get3A_312] {strides = array<i32>} : memref<2x128x64xf32, #tpu.memory_space<vmem>>, vector<1x1x16xf32>,
          %get3A_314 = vector.shape_cast %get3A_313 : vector<1x1x16xf32> to vector<16xf32>
          %mul3A_315 = arith.mulf %get3A_314, %get3A_280 : vector<16xf32>
          %swap3A_316 = arith.constant 1 : i32
          %swap3A_317 = arith.index_cast %swap3A_316 : i32 to index
          %swap3A_318 = arith.index_cast %scan3A_274 : i32 to index
          %swap3A_319 = arith.constant 32 : index
          %swap3A_320 = tpu.vector_load %arg13[%swap3A_317, %swap3A_318, %swap3A_319] {strides = array<i32>} : memref<2x128x64xf32, #tpu.memory_space<vmem>>, vector<1x1x16xf32>,
          %swap3A_321 = vector.shape_cast %swap3A_320 : vector<1x1x16xf32> to vector<16xf32>
          %swap3A_322 = vector.shape_cast %mul3A_315 : vector<16xf32> to vector<1x1x16xf32>
          tpu.vector_store %arg13[%swap3A_317, %swap3A_318, %swap3A_319], %swap3A_322 {strides = array<i32>} : memref<2x128x64xf32, #tpu.memory_space<vmem>>, vector<1x1x16xf32>,
          %get3A_323 = arith.constant 1 : i32
          %get3A_324 = arith.index_cast %get3A_323 : i32 to index
          %get3A_325 = arith.index_cast %scan3A_274 : i32 to index
          %get3A_326 = arith.constant 48 : index
          %get3A_327 = tpu.vector_load %arg13[%get3A_324, %get3A_325, %get3A_326] {strides = array<i32>} : memref<2x128x64xf32, #tpu.memory_space<vmem>>, vector<1x1x16xf32>,
          %get3A_328 = vector.shape_cast %get3A_327 : vector<1x1x16xf32> to vector<16xf32>
          %mul3A_329 = arith.mulf %get3A_328, %get3A_280 : vector<16xf32>
          %swap3A_330 = arith.constant 1 : i32
          %swap3A_331 = arith.index_cast %swap3A_330 : i32 to index
          %swap3A_332 = arith.index_cast %scan3A_274 : i32 to index
          %swap3A_333 = arith.constant 48 : index
          %swap3A_334 = tpu.vector_load %arg13[%swap3A_331, %swap3A_332, %swap3A_333] {strides = array<i32>} : memref<2x128x64xf32, #tpu.memory_space<vmem>>, vector<1x1x16xf32>,
          %swap3A_335 = vector.shape_cast %swap3A_334 : vector<1x1x16xf32> to vector<16xf32>
          %swap3A_336 = vector.shape_cast %mul3A_329 : vector<16xf32> to vector<1x1x16xf32>
          tpu.vector_store %arg13[%swap3A_331, %swap3A_332, %swap3A_333], %swap3A_336 {strides = array<i32>} : memref<2x128x64xf32, #tpu.memory_space<vmem>>, vector<1x1x16xf32>,
          %scan3A_337 = arith.constant 0 : i32
          scf.yield %scan3A_337 : i32
        }
        %scan3A_202 = arith.constant 128 : i32
        %run_scoped3A_203 = arith.constant 1 : i32
        "tpu.region"() ({
          %run_scoped3A_210 = tpu.sem_alloc : memref<!tpu.dma_semaphore, #tpu.memory_space<semaphore_mem>>
          %dma_start3A_211 = arith.constant 0 : i32
          %dma_start3A_212 = arith.constant 0 : i32
          %dma_start3A_213 = tpu.memref_slice %arg13[%run_scoped3A_203, %dma_start3A_211, %dma_start3A_212] : memref<2x128x64xf32, #tpu.memory_space<vmem>> -> memref<1x128x64xf32, #tpu.memory_space<vmem>>
          %dma_start3A_214 = tpu.memref_squeeze %dma_start3A_213 : memref<1x128x64xf32, #tpu.memory_space<vmem>> -> memref<128x64xf32, #tpu.memory_space<vmem>>
          %dma_start3A_215 = arith.constant 0 : i32
          %dma_start3A_216 = tpu.memref_slice %arg11[%add3A_167, %dma_start3A_215] : memref<160x128xi32, #tpu.memory_space<vmem>> -> memref<1x128xi32, #tpu.memory_space<vmem>>
          %dma_start3A_217 = tpu.memref_squeeze %dma_start3A_216 : memref<1x128xi32, #tpu.memory_space<vmem>> -> memref<128xi32, #tpu.memory_space<vmem>>
          %dma_start3A_218 = arith.constant 0 : i32
          %dma_start3A_219 = arith.constant 0 : i32
          %dma_start3A_220 = tpu.memref_slice %arg15[%dma_start3A_218, %dma_start3A_219] : memref<10240x64xf32, #tpu.memory_space<vmem_shared>> -> memref<10240x64xf32, #tpu.memory_space<vmem_shared>>
          tpu.enqueue_indirect_dma source(%dma_start3A_214 : memref<128x64xf32, #tpu.memory_space<vmem>>) target(%dma_start3A_220 : memref<10240x64xf32, #tpu.memory_space<vmem_shared>>) offsets(%dma_start3A_217 : memref<128xi32, #tpu.memory_space<vmem>>) semaphore(%run_scoped3A_210 : memref<!tpu.dma_semaphore, #tpu.memory_space<semaphore_mem>>) {add = true}
          %dma_wait3A_221 = arith.constant 0 : i32
          %dma_wait3A_222 = arith.constant 0 : i32
          %dma_wait3A_223 = tpu.memref_slice %arg13[%run_scoped3A_203, %dma_wait3A_221, %dma_wait3A_222] : memref<2x128x64xf32, #tpu.memory_space<vmem>> -> memref<1x128x64xf32, #tpu.memory_space<vmem>>
          %dma_wait3A_224 = tpu.memref_squeeze %dma_wait3A_223 : memref<1x128x64xf32, #tpu.memory_space<vmem>> -> memref<128x64xf32, #tpu.memory_space<vmem>>
          %dma_wait3A_225 = arith.constant 0 : i32
          %dma_wait3A_226 = tpu.memref_slice %arg11[%add3A_167, %dma_wait3A_225] : memref<160x128xi32, #tpu.memory_space<vmem>> -> memref<1x128xi32, #tpu.memory_space<vmem>>
          %dma_wait3A_227 = tpu.memref_squeeze %dma_wait3A_226 : memref<1x128xi32, #tpu.memory_space<vmem>> -> memref<128xi32, #tpu.memory_space<vmem>>
          %dma_wait3A_228 = arith.constant 0 : i32
          %dma_wait3A_229 = arith.constant 0 : i32
          %dma_wait3A_230 = tpu.memref_slice %arg15[%dma_wait3A_228, %dma_wait3A_229] : memref<10240x64xf32, #tpu.memory_space<vmem_shared>> -> memref<10240x64xf32, #tpu.memory_space<vmem_shared>>
          tpu.wait_indirect_dma semaphore(%run_scoped3A_210 : memref<!tpu.dma_semaphore, #tpu.memory_space<semaphore_mem>>) src(%dma_wait3A_224 : memref<128x64xf32, #tpu.memory_space<vmem>>) dst(%dma_wait3A_230 : memref<10240x64xf32, #tpu.memory_space<vmem_shared>>)
          tpu.yield
        }) : () -> ()
        %lt3A_204 = arith.constant 79 : i32
        %lt3A_205 = arith.cmpi slt, %scan3A_119, %lt3A_204 : i32
        %convert_element_type3A_206 = arith.extui %lt3A_205 : i1 to i32
        %cond3A_207 = arith.constant 0 : i32
        %cond3A_208 = arith.cmpi ne, %convert_element_type3A_206, %cond3A_207 : i32
        scf.if %cond3A_208 {
          %add3A_210 = arith.constant 2 : i32
          %add3A_211 = arith.addi %add3A_167, %add3A_210 : i32
          %dma_start3A_212 = arith.constant 1 : i32
          %dma_start3A_213 = arith.constant 0 : i32
          %dma_start3A_214 = arith.constant 0 : i32
          %dma_start3A_215 = tpu.memref_slice %arg13[%dma_start3A_212, %dma_start3A_213, %dma_start3A_214] : memref<2x128x64xf32, #tpu.memory_space<vmem>> -> memref<1x128x64xf32, #tpu.memory_space<vmem>>
          %dma_start3A_216 = tpu.memref_squeeze %dma_start3A_215 : memref<1x128x64xf32, #tpu.memory_space<vmem>> -> memref<128x64xf32, #tpu.memory_space<vmem>>
          %dma_start3A_217 = arith.constant 0 : i32
          %dma_start3A_218 = tpu.memref_slice %arg10[%add3A_211, %dma_start3A_217] : memref<160x128xi32, #tpu.memory_space<vmem>> -> memref<1x128xi32, #tpu.memory_space<vmem>>
          %dma_start3A_219 = tpu.memref_squeeze %dma_start3A_218 : memref<1x128xi32, #tpu.memory_space<vmem>> -> memref<128xi32, #tpu.memory_space<vmem>>
          %dma_start3A_220 = arith.constant 0 : i32
          %dma_start3A_221 = arith.constant 0 : i32
          %dma_start3A_222 = tpu.memref_slice %arg3[%dma_start3A_220, %dma_start3A_221] : memref<10000x64xf32, #tpu.memory_space<hbm>> -> memref<10000x64xf32, #tpu.memory_space<hbm>>
          tpu.enqueue_indirect_dma source(%dma_start3A_222 : memref<10000x64xf32, #tpu.memory_space<hbm>>) target(%dma_start3A_216 : memref<128x64xf32, #tpu.memory_space<vmem>>) offsets(%dma_start3A_219 : memref<128xi32, #tpu.memory_space<vmem>>) semaphore(%arg18 : memref<!tpu.dma_semaphore, #tpu.memory_space<semaphore_mem>>)
          %dma_start3A_223 = arith.constant 1 : i32
          %dma_start3A_224 = arith.constant 0 : i32
          %dma_start3A_225 = arith.constant 0 : i32
          %dma_start3A_226 = tpu.memref_slice %arg12[%dma_start3A_223, %dma_start3A_224, %dma_start3A_225] : memref<2x128x16xf32, #tpu.memory_space<vmem>> -> memref<1x128x16xf32, #tpu.memory_space<vmem>>
          %dma_start3A_227 = tpu.memref_squeeze %dma_start3A_226 : memref<1x128x16xf32, #tpu.memory_space<vmem>> -> memref<128x16xf32, #tpu.memory_space<vmem>>
          %dma_start3A_228 = arith.constant 0 : i32
          %dma_start3A_229 = arith.constant 0 : i32
          %dma_start3A_230 = tpu.memref_slice %arg6[%arg1, %add3A_211, %dma_start3A_228, %dma_start3A_229] : memref<16x160x128x16xf32, #tpu.memory_space<hbm>> -> memref<1x1x128x16xf32, #tpu.memory_space<hbm>>
          %dma_start3A_231 = tpu.memref_squeeze %dma_start3A_230 : memref<1x1x128x16xf32, #tpu.memory_space<hbm>> -> memref<128x16xf32, #tpu.memory_space<hbm>>
          %dma_start3A_232 = arith.constant 0 : i32
          %dma_start3A_233 = arith.constant 0 : i32
          %dma_start3A_234 = tpu.memref_slice %arg12[%dma_start3A_223, %dma_start3A_232, %dma_start3A_233] : memref<2x128x16xf32, #tpu.memory_space<vmem>> -> memref<1x128x16xf32, #tpu.memory_space<vmem>>
          %dma_start3A_235 = tpu.memref_squeeze %dma_start3A_234 : memref<1x128x16xf32, #tpu.memory_space<vmem>> -> memref<128x16xf32, #tpu.memory_space<vmem>>
          %dma_start3A_236 = arith.constant 0 : i32
          %dma_start3A_237 = arith.constant 0 : i32
          %dma_start3A_238 = tpu.memref_slice %arg6[%arg1, %add3A_211, %dma_start3A_236, %dma_start3A_237] : memref<16x160x128x16xf32, #tpu.memory_space<hbm>> -> memref<1x1x128x16xf32, #tpu.memory_space<hbm>>
          %dma_start3A_239 = tpu.memref_squeeze %dma_start3A_238 : memref<1x1x128x16xf32, #tpu.memory_space<hbm>> -> memref<128x16xf32, #tpu.memory_space<hbm>>
          tpu.enqueue_dma source(%dma_start3A_239 : memref<128x16xf32, #tpu.memory_space<hbm>>) target(%dma_start3A_235 : memref<128x16xf32, #tpu.memory_space<vmem>>) target_semaphore(%arg18 : memref<!tpu.dma_semaphore, #tpu.memory_space<semaphore_mem>>)
        } else {
        }
        %scan3A_209 = arith.constant 0 : i32
        scf.yield %scan3A_209 : i32
      }
      %scan3A_118 = arith.constant 80 : i32
    } else {
    }
    %barrier3A_42 = arith.constant 0 : index
    tpu.barrier barrier_id(%barrier3A_42)
    %eq3A_43 = arith.constant 0 : i32
    %eq3A_44 = arith.cmpi eq, %arg0, %eq3A_43 : i32
    %convert_element_type3A_45 = arith.extui %eq3A_44 : i1 to i32
    %cond3A_46 = arith.constant 0 : i32
    %cond3A_47 = arith.cmpi ne, %convert_element_type3A_45, %cond3A_46 : i32
    scf.if %cond3A_47 {
      %lt3A = arith.constant 15 : i32
      %lt3A_53 = arith.cmpi slt, %arg1, %lt3A : i32
      %convert_element_type3A_54 = arith.extui %lt3A_53 : i1 to i32
      %cond3A_55 = arith.constant 0 : i32
      %cond3A_56 = arith.cmpi ne, %convert_element_type3A_54, %cond3A_55 : i32
      scf.if %cond3A_56 {
        %mul3A_62 = arith.constant 640 : i32
        %mul3A_63 = arith.muli %arg1, %mul3A_62 : i32
        %mul3A_64 = arith.constant 640 : i32
        %mul3A_65 = arith.muli %arg1, %mul3A_64 : i32
        "tpu.region"() ({
          %run_scoped3A_70 = tpu.sem_alloc : memref<!tpu.dma_semaphore, #tpu.memory_space<semaphore_mem>>
          %dma_start3A = arith.constant 0 : i32
          %dma_start3A_71 = tpu.memref_slice %arg7[%mul3A_65, %dma_start3A] : memref<10000x64xf32, #tpu.memory_space<hbm>> -> memref<640x64xf32, #tpu.memory_space<hbm>>
          %dma_start3A_72 = arith.constant 0 : i32
          %dma_start3A_73 = tpu.memref_slice %arg15[%mul3A_63, %dma_start3A_72] : memref<10240x64xf32, #tpu.memory_space<vmem_shared>> -> memref<640x64xf32, #tpu.memory_space<vmem_shared>>
          tpu.enqueue_dma source(%dma_start3A_73 : memref<640x64xf32, #tpu.memory_space<vmem_shared>>) target(%dma_start3A_71 : memref<640x64xf32, #tpu.memory_space<hbm>>) target_semaphore(%run_scoped3A_70 : memref<!tpu.dma_semaphore, #tpu.memory_space<semaphore_mem>>)
          %dma_wait3A = arith.constant 0 : i32
          %dma_wait3A_74 = tpu.memref_slice %arg7[%mul3A_65, %dma_wait3A] : memref<10000x64xf32, #tpu.memory_space<hbm>> -> memref<640x64xf32, #tpu.memory_space<hbm>>
          %dma_wait3A_75 = arith.constant 0 : i32
          %dma_wait3A_76 = tpu.memref_slice %arg15[%mul3A_63, %dma_wait3A_75] : memref<10240x64xf32, #tpu.memory_space<vmem_shared>> -> memref<640x64xf32, #tpu.memory_space<vmem_shared>>
          tpu.wait_dma2 semaphore(%run_scoped3A_70 : memref<!tpu.dma_semaphore, #tpu.memory_space<semaphore_mem>>) src(%dma_wait3A_76 : memref<640x64xf32, #tpu.memory_space<vmem_shared>>) dst(%dma_wait3A_74 : memref<640x64xf32, #tpu.memory_space<hbm>>)
          tpu.yield
        }) : () -> ()
        %mul3A_66 = arith.constant 640 : i32
        %mul3A_67 = arith.muli %arg1, %mul3A_66 : i32
        %mul3A_68 = arith.constant 640 : i32
        %mul3A_69 = arith.muli %arg1, %mul3A_68 : i32
        "tpu.region"() ({
          %run_scoped3A_70 = tpu.sem_alloc : memref<!tpu.dma_semaphore, #tpu.memory_space<semaphore_mem>>
          %dma_start3A = arith.constant 0 : i32
          %dma_start3A_71 = tpu.memref_slice %arg9[%mul3A_69, %dma_start3A] : memref<10000x16xf32, #tpu.memory_space<hbm>> -> memref<640x16xf32, #tpu.memory_space<hbm>>
          %dma_start3A_72 = arith.constant 0 : i32
          %dma_start3A_73 = tpu.memref_slice %arg16[%mul3A_67, %dma_start3A_72] : memref<10240x16xf32, #tpu.memory_space<vmem_shared>> -> memref<640x16xf32, #tpu.memory_space<vmem_shared>>
          tpu.enqueue_dma source(%dma_start3A_73 : memref<640x16xf32, #tpu.memory_space<vmem_shared>>) target(%dma_start3A_71 : memref<640x16xf32, #tpu.memory_space<hbm>>) target_semaphore(%run_scoped3A_70 : memref<!tpu.dma_semaphore, #tpu.memory_space<semaphore_mem>>)
          %dma_wait3A = arith.constant 0 : i32
          %dma_wait3A_74 = tpu.memref_slice %arg9[%mul3A_69, %dma_wait3A] : memref<10000x16xf32, #tpu.memory_space<hbm>> -> memref<640x16xf32, #tpu.memory_space<hbm>>
          %dma_wait3A_75 = arith.constant 0 : i32
          %dma_wait3A_76 = tpu.memref_slice %arg16[%mul3A_67, %dma_wait3A_75] : memref<10240x16xf32, #tpu.memory_space<vmem_shared>> -> memref<640x16xf32, #tpu.memory_space<vmem_shared>>
          tpu.wait_dma2 semaphore(%run_scoped3A_70 : memref<!tpu.dma_semaphore, #tpu.memory_space<semaphore_mem>>) src(%dma_wait3A_76 : memref<640x16xf32, #tpu.memory_space<vmem_shared>>) dst(%dma_wait3A_74 : memref<640x16xf32, #tpu.memory_space<hbm>>)
          tpu.yield
        }) : () -> ()
      } else {
      }
      %eq3A_57 = arith.constant 15 : i32
      %eq3A_58 = arith.cmpi eq, %arg1, %eq3A_57 : i32
      %convert_element_type3A_59 = arith.extui %eq3A_58 : i1 to i32
      %cond3A_60 = arith.constant 0 : i32
      %cond3A_61 = arith.cmpi ne, %convert_element_type3A_59, %cond3A_60 : i32
      scf.if %cond3A_61 {
        "tpu.region"() ({
          %run_scoped3A_62 = tpu.sem_alloc : memref<!tpu.dma_semaphore, #tpu.memory_space<semaphore_mem>>
          %dma_start3A = arith.constant 9600 : i32
          %dma_start3A_63 = arith.constant 0 : i32
          %dma_start3A_64 = tpu.memref_slice %arg7[%dma_start3A, %dma_start3A_63] : memref<10000x64xf32, #tpu.memory_space<hbm>> -> memref<400x64xf32, #tpu.memory_space<hbm>>
          %dma_start3A_65 = arith.constant 9600 : i32
          %dma_start3A_66 = arith.constant 0 : i32
          %dma_start3A_67 = tpu.memref_slice %arg15[%dma_start3A_65, %dma_start3A_66] : memref<10240x64xf32, #tpu.memory_space<vmem_shared>> -> memref<400x64xf32, #tpu.memory_space<vmem_shared>>
          tpu.enqueue_dma source(%dma_start3A_67 : memref<400x64xf32, #tpu.memory_space<vmem_shared>>) target(%dma_start3A_64 : memref<400x64xf32, #tpu.memory_space<hbm>>) target_semaphore(%run_scoped3A_62 : memref<!tpu.dma_semaphore, #tpu.memory_space<semaphore_mem>>)
          %dma_wait3A = arith.constant 9600 : i32
          %dma_wait3A_68 = arith.constant 0 : i32
          %dma_wait3A_69 = tpu.memref_slice %arg7[%dma_wait3A, %dma_wait3A_68] : memref<10000x64xf32, #tpu.memory_space<hbm>> -> memref<400x64xf32, #tpu.memory_space<hbm>>
          %dma_wait3A_70 = arith.constant 9600 : i32
          %dma_wait3A_71 = arith.constant 0 : i32
          %dma_wait3A_72 = tpu.memref_slice %arg15[%dma_wait3A_70, %dma_wait3A_71] : memref<10240x64xf32, #tpu.memory_space<vmem_shared>> -> memref<400x64xf32, #tpu.memory_space<vmem_shared>>
          tpu.wait_dma2 semaphore(%run_scoped3A_62 : memref<!tpu.dma_semaphore, #tpu.memory_space<semaphore_mem>>) src(%dma_wait3A_72 : memref<400x64xf32, #tpu.memory_space<vmem_shared>>) dst(%dma_wait3A_69 : memref<400x64xf32, #tpu.memory_space<hbm>>)
          tpu.yield
        }) : () -> ()
        "tpu.region"() ({
          %run_scoped3A_62 = tpu.sem_alloc : memref<!tpu.dma_semaphore, #tpu.memory_space<semaphore_mem>>
          %dma_start3A = arith.constant 9600 : i32
          %dma_start3A_63 = arith.constant 0 : i32
          %dma_start3A_64 = tpu.memref_slice %arg9[%dma_start3A, %dma_start3A_63] : memref<10000x16xf32, #tpu.memory_space<hbm>> -> memref<400x16xf32, #tpu.memory_space<hbm>>
          %dma_start3A_65 = arith.constant 9600 : i32
          %dma_start3A_66 = arith.constant 0 : i32
          %dma_start3A_67 = tpu.memref_slice %arg16[%dma_start3A_65, %dma_start3A_66] : memref<10240x16xf32, #tpu.memory_space<vmem_shared>> -> memref<400x16xf32, #tpu.memory_space<vmem_shared>>
          tpu.enqueue_dma source(%dma_start3A_67 : memref<400x16xf32, #tpu.memory_space<vmem_shared>>) target(%dma_start3A_64 : memref<400x16xf32, #tpu.memory_space<hbm>>) target_semaphore(%run_scoped3A_62 : memref<!tpu.dma_semaphore, #tpu.memory_space<semaphore_mem>>)
          %dma_wait3A = arith.constant 9600 : i32
          %dma_wait3A_68 = arith.constant 0 : i32
          %dma_wait3A_69 = tpu.memref_slice %arg9[%dma_wait3A, %dma_wait3A_68] : memref<10000x16xf32, #tpu.memory_space<hbm>> -> memref<400x16xf32, #tpu.memory_space<hbm>>
          %dma_wait3A_70 = arith.constant 9600 : i32
          %dma_wait3A_71 = arith.constant 0 : i32
          %dma_wait3A_72 = tpu.memref_slice %arg16[%dma_wait3A_70, %dma_wait3A_71] : memref<10240x16xf32, #tpu.memory_space<vmem_shared>> -> memref<400x16xf32, #tpu.memory_space<vmem_shared>>
          tpu.wait_dma2 semaphore(%run_scoped3A_62 : memref<!tpu.dma_semaphore, #tpu.memory_space<semaphore_mem>>) src(%dma_wait3A_72 : memref<400x16xf32, #tpu.memory_space<vmem_shared>>) dst(%dma_wait3A_69 : memref<400x16xf32, #tpu.memory_space<hbm>>)
          tpu.yield
        }) : () -> ()
      } else {
      }
    } else {
    }
    %eq3A_48 = arith.constant 1 : i32
    %eq3A_49 = arith.cmpi eq, %arg0, %eq3A_48 : i32
    %convert_element_type3A_50 = arith.extui %eq3A_49 : i1 to i32
    %cond3A_51 = arith.constant 0 : i32
    %cond3A_52 = arith.cmpi ne, %convert_element_type3A_50, %cond3A_51 : i32
    scf.if %cond3A_52 {
      %lt3A = arith.constant 15 : i32
      %lt3A_53 = arith.cmpi slt, %arg1, %lt3A : i32
      %convert_element_type3A_54 = arith.extui %lt3A_53 : i1 to i32
      %cond3A_55 = arith.constant 0 : i32
      %cond3A_56 = arith.cmpi ne, %convert_element_type3A_54, %cond3A_55 : i32
      scf.if %cond3A_56 {
        %mul3A_62 = arith.constant 640 : i32
        %mul3A_63 = arith.muli %arg1, %mul3A_62 : i32
        %mul3A_64 = arith.constant 640 : i32
        %mul3A_65 = arith.muli %arg1, %mul3A_64 : i32
        "tpu.region"() ({
          %run_scoped3A_66 = tpu.sem_alloc : memref<!tpu.dma_semaphore, #tpu.memory_space<semaphore_mem>>
          %dma_start3A = arith.constant 0 : i32
          %dma_start3A_67 = tpu.memref_slice %arg8[%mul3A_65, %dma_start3A] : memref<10000x64xf32, #tpu.memory_space<hbm>> -> memref<640x64xf32, #tpu.memory_space<hbm>>
          %dma_start3A_68 = arith.constant 0 : i32
          %dma_start3A_69 = tpu.memref_slice %arg15[%mul3A_63, %dma_start3A_68] : memref<10240x64xf32, #tpu.memory_space<vmem_shared>> -> memref<640x64xf32, #tpu.memory_space<vmem_shared>>
          tpu.enqueue_dma source(%dma_start3A_69 : memref<640x64xf32, #tpu.memory_space<vmem_shared>>) target(%dma_start3A_67 : memref<640x64xf32, #tpu.memory_space<hbm>>) target_semaphore(%run_scoped3A_66 : memref<!tpu.dma_semaphore, #tpu.memory_space<semaphore_mem>>)
          %dma_wait3A = arith.constant 0 : i32
          %dma_wait3A_70 = tpu.memref_slice %arg8[%mul3A_65, %dma_wait3A] : memref<10000x64xf32, #tpu.memory_space<hbm>> -> memref<640x64xf32, #tpu.memory_space<hbm>>
          %dma_wait3A_71 = arith.constant 0 : i32
          %dma_wait3A_72 = tpu.memref_slice %arg15[%mul3A_63, %dma_wait3A_71] : memref<10240x64xf32, #tpu.memory_space<vmem_shared>> -> memref<640x64xf32, #tpu.memory_space<vmem_shared>>
          tpu.wait_dma2 semaphore(%run_scoped3A_66 : memref<!tpu.dma_semaphore, #tpu.memory_space<semaphore_mem>>) src(%dma_wait3A_72 : memref<640x64xf32, #tpu.memory_space<vmem_shared>>) dst(%dma_wait3A_70 : memref<640x64xf32, #tpu.memory_space<hbm>>)
          tpu.yield
        }) : () -> ()
      } else {
      }
      %eq3A_57 = arith.constant 15 : i32
      %eq3A_58 = arith.cmpi eq, %arg1, %eq3A_57 : i32
      %convert_element_type3A_59 = arith.extui %eq3A_58 : i1 to i32
      %cond3A_60 = arith.constant 0 : i32
      %cond3A_61 = arith.cmpi ne, %convert_element_type3A_59, %cond3A_60 : i32
      scf.if %cond3A_61 {
        "tpu.region"() ({
          %run_scoped3A_62 = tpu.sem_alloc : memref<!tpu.dma_semaphore, #tpu.memory_space<semaphore_mem>>
          %dma_start3A = arith.constant 9600 : i32
          %dma_start3A_63 = arith.constant 0 : i32
          %dma_start3A_64 = tpu.memref_slice %arg8[%dma_start3A, %dma_start3A_63] : memref<10000x64xf32, #tpu.memory_space<hbm>> -> memref<400x64xf32, #tpu.memory_space<hbm>>
          %dma_start3A_65 = arith.constant 9600 : i32
          %dma_start3A_66 = arith.constant 0 : i32
          %dma_start3A_67 = tpu.memref_slice %arg15[%dma_start3A_65, %dma_start3A_66] : memref<10240x64xf32, #tpu.memory_space<vmem_shared>> -> memref<400x64xf32, #tpu.memory_space<vmem_shared>>
          tpu.enqueue_dma source(%dma_start3A_67 : memref<400x64xf32, #tpu.memory_space<vmem_shared>>) target(%dma_start3A_64 : memref<400x64xf32, #tpu.memory_space<hbm>>) target_semaphore(%run_scoped3A_62 : memref<!tpu.dma_semaphore, #tpu.memory_space<semaphore_mem>>)
          %dma_wait3A = arith.constant 9600 : i32
          %dma_wait3A_68 = arith.constant 0 : i32
          %dma_wait3A_69 = tpu.memref_slice %arg8[%dma_wait3A, %dma_wait3A_68] : memref<10000x64xf32, #tpu.memory_space<hbm>> -> memref<400x64xf32, #tpu.memory_space<hbm>>
          %dma_wait3A_70 = arith.constant 9600 : i32
          %dma_wait3A_71 = arith.constant 0 : i32
          %dma_wait3A_72 = tpu.memref_slice %arg15[%dma_wait3A_70, %dma_wait3A_71] : memref<10240x64xf32, #tpu.memory_space<vmem_shared>> -> memref<400x64xf32, #tpu.memory_space<vmem_shared>>
          tpu.wait_dma2 semaphore(%run_scoped3A_62 : memref<!tpu.dma_semaphore, #tpu.memory_space<semaphore_mem>>) src(%dma_wait3A_72 : memref<400x64xf32, #tpu.memory_space<vmem_shared>>) dst(%dma_wait3A_69 : memref<400x64xf32, #tpu.memory_space<hbm>>)
          tpu.yield
        }) : () -> ()
      } else {
      }
    } else {
    }
    return
  }
}

#map = affine_map<(d0, d1) -> (0, 0)>
#map1 = affine_map<(d0, d1) -> (0, 0, 0)>
#map2 = affine_map<(d0, d1) -> (0, 0, 0, 0)>
module attributes {stable_mosaic.version = 14 : i64} {
  func.func @pool(%arg0: i32, %arg1: i32, %arg2: memref<10000x128xf32, #tpu.memory_space<hbm>>, %arg3: memref<16x5x125xi32, #tpu.memory_space<hbm>>, %arg4: memref<16x5x125xi32, #tpu.memory_space<hbm>>, %arg5: memref<16x5x125x16xf32, #tpu.memory_space<hbm>>, %arg6: memref<2500x128xf32, #tpu.memory_space<hbm>>, %arg7: memref<5x125xi32, #tpu.memory_space<vmem>>, %arg8: memref<5x125xi32, #tpu.memory_space<vmem>>, %arg9: memref<125x16xf32, #tpu.memory_space<vmem>>, %arg10: memref<125x128xf32, #tpu.memory_space<vmem>>, %arg11: memref<2560x128xf32, #tpu.memory_space<vmem_shared>>, %arg12: memref<!tpu.dma_semaphore, #tpu.memory_space<semaphore_mem>>) attributes {dimension_semantics = [#tpu.dimension_semantics<core_parallel>, #tpu.dimension_semantics<subcore_parallel>], iteration_bounds = array<i64: 2, 16>, scalar_prefetch = 0 : i64, scratch_operands = 6 : i64, tpu.core_type = #tpu.core_type<sc_vector_subcore>, window_params = [{transform_indices = #map}, {transform_indices = #map1}, {transform_indices = #map1}, {transform_indices = #map2}, {transform_indices = #map}]} {
    %eq3A = arith.constant 0 : i32
    %eq3A_0 = arith.cmpi eq, %arg0, %eq3A : i32
    %convert_element_type3A = arith.extui %eq3A_0 : i1 to i32
    %cond3A = arith.constant 0 : i32
    %cond3A_1 = arith.cmpi ne, %convert_element_type3A, %cond3A : i32
    scf.if %cond3A_1 {
      "tpu.region"() ({
        %run_scoped3A = tpu.sem_alloc : memref<!tpu.dma_semaphore, #tpu.memory_space<semaphore_mem>>
        %dma_start3A = arith.constant 0 : i32
        %dma_start3A_72 = arith.constant 0 : i32
        %dma_start3A_73 = tpu.memref_slice %arg3[%arg1, %dma_start3A, %dma_start3A_72] : memref<16x5x125xi32, #tpu.memory_space<hbm>> -> memref<1x5x125xi32, #tpu.memory_space<hbm>>
        %dma_start3A_74 = tpu.memref_squeeze %dma_start3A_73 : memref<1x5x125xi32, #tpu.memory_space<hbm>> -> memref<5x125xi32, #tpu.memory_space<hbm>>
        %dma_start3A_75 = arith.constant 0 : i32
        %dma_start3A_76 = arith.constant 0 : i32
        %dma_start3A_77 = tpu.memref_slice %arg3[%arg1, %dma_start3A_75, %dma_start3A_76] : memref<16x5x125xi32, #tpu.memory_space<hbm>> -> memref<1x5x125xi32, #tpu.memory_space<hbm>>
        %dma_start3A_78 = tpu.memref_squeeze %dma_start3A_77 : memref<1x5x125xi32, #tpu.memory_space<hbm>> -> memref<5x125xi32, #tpu.memory_space<hbm>>
        tpu.enqueue_dma source(%dma_start3A_78 : memref<5x125xi32, #tpu.memory_space<hbm>>) target(%arg7 : memref<5x125xi32, #tpu.memory_space<vmem>>) target_semaphore(%run_scoped3A : memref<!tpu.dma_semaphore, #tpu.memory_space<semaphore_mem>>)
        %dma_wait3A = arith.constant 0 : i32
        %dma_wait3A_79 = arith.constant 0 : i32
        %dma_wait3A_80 = tpu.memref_slice %arg3[%arg1, %dma_wait3A, %dma_wait3A_79] : memref<16x5x125xi32, #tpu.memory_space<hbm>> -> memref<1x5x125xi32, #tpu.memory_space<hbm>>
        %dma_wait3A_81 = tpu.memref_squeeze %dma_wait3A_80 : memref<1x5x125xi32, #tpu.memory_space<hbm>> -> memref<5x125xi32, #tpu.memory_space<hbm>>
        %dma_wait3A_82 = arith.constant 0 : i32
        %dma_wait3A_83 = arith.constant 0 : i32
        %dma_wait3A_84 = tpu.memref_slice %arg3[%arg1, %dma_wait3A_82, %dma_wait3A_83] : memref<16x5x125xi32, #tpu.memory_space<hbm>> -> memref<1x5x125xi32, #tpu.memory_space<hbm>>
        %dma_wait3A_85 = tpu.memref_squeeze %dma_wait3A_84 : memref<1x5x125xi32, #tpu.memory_space<hbm>> -> memref<5x125xi32, #tpu.memory_space<hbm>>
        tpu.wait_dma2 semaphore(%run_scoped3A : memref<!tpu.dma_semaphore, #tpu.memory_space<semaphore_mem>>) src(%dma_wait3A_85 : memref<5x125xi32, #tpu.memory_space<hbm>>) dst(%arg7 : memref<5x125xi32, #tpu.memory_space<vmem>>)
        tpu.yield
      }) : () -> ()
      "tpu.region"() ({
        %run_scoped3A = tpu.sem_alloc : memref<!tpu.dma_semaphore, #tpu.memory_space<semaphore_mem>>
        %dma_start3A = arith.constant 0 : i32
        %dma_start3A_72 = arith.constant 0 : i32
        %dma_start3A_73 = tpu.memref_slice %arg4[%arg1, %dma_start3A, %dma_start3A_72] : memref<16x5x125xi32, #tpu.memory_space<hbm>> -> memref<1x5x125xi32, #tpu.memory_space<hbm>>
        %dma_start3A_74 = tpu.memref_squeeze %dma_start3A_73 : memref<1x5x125xi32, #tpu.memory_space<hbm>> -> memref<5x125xi32, #tpu.memory_space<hbm>>
        %dma_start3A_75 = arith.constant 0 : i32
        %dma_start3A_76 = arith.constant 0 : i32
        %dma_start3A_77 = tpu.memref_slice %arg4[%arg1, %dma_start3A_75, %dma_start3A_76] : memref<16x5x125xi32, #tpu.memory_space<hbm>> -> memref<1x5x125xi32, #tpu.memory_space<hbm>>
        %dma_start3A_78 = tpu.memref_squeeze %dma_start3A_77 : memref<1x5x125xi32, #tpu.memory_space<hbm>> -> memref<5x125xi32, #tpu.memory_space<hbm>>
        tpu.enqueue_dma source(%dma_start3A_78 : memref<5x125xi32, #tpu.memory_space<hbm>>) target(%arg8 : memref<5x125xi32, #tpu.memory_space<vmem>>) target_semaphore(%run_scoped3A : memref<!tpu.dma_semaphore, #tpu.memory_space<semaphore_mem>>)
        %dma_wait3A = arith.constant 0 : i32
        %dma_wait3A_79 = arith.constant 0 : i32
        %dma_wait3A_80 = tpu.memref_slice %arg4[%arg1, %dma_wait3A, %dma_wait3A_79] : memref<16x5x125xi32, #tpu.memory_space<hbm>> -> memref<1x5x125xi32, #tpu.memory_space<hbm>>
        %dma_wait3A_81 = tpu.memref_squeeze %dma_wait3A_80 : memref<1x5x125xi32, #tpu.memory_space<hbm>> -> memref<5x125xi32, #tpu.memory_space<hbm>>
        %dma_wait3A_82 = arith.constant 0 : i32
        %dma_wait3A_83 = arith.constant 0 : i32
        %dma_wait3A_84 = tpu.memref_slice %arg4[%arg1, %dma_wait3A_82, %dma_wait3A_83] : memref<16x5x125xi32, #tpu.memory_space<hbm>> -> memref<1x5x125xi32, #tpu.memory_space<hbm>>
        %dma_wait3A_85 = tpu.memref_squeeze %dma_wait3A_84 : memref<1x5x125xi32, #tpu.memory_space<hbm>> -> memref<5x125xi32, #tpu.memory_space<hbm>>
        tpu.wait_dma2 semaphore(%run_scoped3A : memref<!tpu.dma_semaphore, #tpu.memory_space<semaphore_mem>>) src(%dma_wait3A_85 : memref<5x125xi32, #tpu.memory_space<hbm>>) dst(%arg8 : memref<5x125xi32, #tpu.memory_space<vmem>>)
        tpu.yield
      }) : () -> ()
      %broadcast_in_dim3A = arith.constant 0.000000e+00 : f32
      %broadcast_in_dim3A_2 = vector.broadcast %broadcast_in_dim3A : f32 to vector<16xf32>
      %scan3A = arith.constant 0 : i32
      %scan3A_3 = arith.constant 0 : i32
      %scan3A_4 = arith.constant 124 : i32
      %scan3A_5 = arith.addi %scan3A_3, %scan3A_4 : i32
      %scan3A_6 = arith.constant 2 : i32
      %scan3A_7 = scf.for %scan3A_72 = %scan3A_3 to %scan3A_5 step %scan3A_6 iter_args(%scan3A_73 = %scan3A) -> (i32)  : i32 {
        %swap3A_74 = arith.index_cast %scan3A_72 : i32 to index
        %swap3A_75 = arith.constant 0 : index
        %swap3A_76 = tpu.vector_load %arg10[%swap3A_74, %swap3A_75] {strides = array<i32>} : memref<125x128xf32, #tpu.memory_space<vmem>>, vector<1x16xf32>,
        %swap3A_77 = vector.shape_cast %swap3A_76 : vector<1x16xf32> to vector<16xf32>
        %swap3A_78 = vector.shape_cast %broadcast_in_dim3A_2 : vector<16xf32> to vector<1x16xf32>
        tpu.vector_store %arg10[%swap3A_74, %swap3A_75], %swap3A_78 {strides = array<i32>} : memref<125x128xf32, #tpu.memory_space<vmem>>, vector<1x16xf32>,
        %swap3A_79 = arith.index_cast %scan3A_72 : i32 to index
        %swap3A_80 = arith.constant 16 : index
        %swap3A_81 = tpu.vector_load %arg10[%swap3A_79, %swap3A_80] {strides = array<i32>} : memref<125x128xf32, #tpu.memory_space<vmem>>, vector<1x16xf32>,
        %swap3A_82 = vector.shape_cast %swap3A_81 : vector<1x16xf32> to vector<16xf32>
        %swap3A_83 = vector.shape_cast %broadcast_in_dim3A_2 : vector<16xf32> to vector<1x16xf32>
        tpu.vector_store %arg10[%swap3A_79, %swap3A_80], %swap3A_83 {strides = array<i32>} : memref<125x128xf32, #tpu.memory_space<vmem>>, vector<1x16xf32>,
        %swap3A_84 = arith.index_cast %scan3A_72 : i32 to index
        %swap3A_85 = arith.constant 32 : index
        %swap3A_86 = tpu.vector_load %arg10[%swap3A_84, %swap3A_85] {strides = array<i32>} : memref<125x128xf32, #tpu.memory_space<vmem>>, vector<1x16xf32>,
        %swap3A_87 = vector.shape_cast %swap3A_86 : vector<1x16xf32> to vector<16xf32>
        %swap3A_88 = vector.shape_cast %broadcast_in_dim3A_2 : vector<16xf32> to vector<1x16xf32>
        tpu.vector_store %arg10[%swap3A_84, %swap3A_85], %swap3A_88 {strides = array<i32>} : memref<125x128xf32, #tpu.memory_space<vmem>>, vector<1x16xf32>,
        %swap3A_89 = arith.index_cast %scan3A_72 : i32 to index
        %swap3A_90 = arith.constant 48 : index
        %swap3A_91 = tpu.vector_load %arg10[%swap3A_89, %swap3A_90] {strides = array<i32>} : memref<125x128xf32, #tpu.memory_space<vmem>>, vector<1x16xf32>,
        %swap3A_92 = vector.shape_cast %swap3A_91 : vector<1x16xf32> to vector<16xf32>
        %swap3A_93 = vector.shape_cast %broadcast_in_dim3A_2 : vector<16xf32> to vector<1x16xf32>
        tpu.vector_store %arg10[%swap3A_89, %swap3A_90], %swap3A_93 {strides = array<i32>} : memref<125x128xf32, #tpu.memory_space<vmem>>, vector<1x16xf32>,
        %swap3A_94 = arith.index_cast %scan3A_72 : i32 to index
        %swap3A_95 = arith.constant 64 : index
        %swap3A_96 = tpu.vector_load %arg10[%swap3A_94, %swap3A_95] {strides = array<i32>} : memref<125x128xf32, #tpu.memory_space<vmem>>, vector<1x16xf32>,
        %swap3A_97 = vector.shape_cast %swap3A_96 : vector<1x16xf32> to vector<16xf32>
        %swap3A_98 = vector.shape_cast %broadcast_in_dim3A_2 : vector<16xf32> to vector<1x16xf32>
        tpu.vector_store %arg10[%swap3A_94, %swap3A_95], %swap3A_98 {strides = array<i32>} : memref<125x128xf32, #tpu.memory_space<vmem>>, vector<1x16xf32>,
        %swap3A_99 = arith.index_cast %scan3A_72 : i32 to index
        %swap3A_100 = arith.constant 80 : index
        %swap3A_101 = tpu.vector_load %arg10[%swap3A_99, %swap3A_100] {strides = array<i32>} : memref<125x128xf32, #tpu.memory_space<vmem>>, vector<1x16xf32>,
        %swap3A_102 = vector.shape_cast %swap3A_101 : vector<1x16xf32> to vector<16xf32>
        %swap3A_103 = vector.shape_cast %broadcast_in_dim3A_2 : vector<16xf32> to vector<1x16xf32>
        tpu.vector_store %arg10[%swap3A_99, %swap3A_100], %swap3A_103 {strides = array<i32>} : memref<125x128xf32, #tpu.memory_space<vmem>>, vector<1x16xf32>,
        %swap3A_104 = arith.index_cast %scan3A_72 : i32 to index
        %swap3A_105 = arith.constant 96 : index
        %swap3A_106 = tpu.vector_load %arg10[%swap3A_104, %swap3A_105] {strides = array<i32>} : memref<125x128xf32, #tpu.memory_space<vmem>>, vector<1x16xf32>,
        %swap3A_107 = vector.shape_cast %swap3A_106 : vector<1x16xf32> to vector<16xf32>
        %swap3A_108 = vector.shape_cast %broadcast_in_dim3A_2 : vector<16xf32> to vector<1x16xf32>
        tpu.vector_store %arg10[%swap3A_104, %swap3A_105], %swap3A_108 {strides = array<i32>} : memref<125x128xf32, #tpu.memory_space<vmem>>, vector<1x16xf32>,
        %swap3A_109 = arith.index_cast %scan3A_72 : i32 to index
        %swap3A_110 = arith.constant 112 : index
        %swap3A_111 = tpu.vector_load %arg10[%swap3A_109, %swap3A_110] {strides = array<i32>} : memref<125x128xf32, #tpu.memory_space<vmem>>, vector<1x16xf32>,
        %swap3A_112 = vector.shape_cast %swap3A_111 : vector<1x16xf32> to vector<16xf32>
        %swap3A_113 = vector.shape_cast %broadcast_in_dim3A_2 : vector<16xf32> to vector<1x16xf32>
        tpu.vector_store %arg10[%swap3A_109, %swap3A_110], %swap3A_113 {strides = array<i32>} : memref<125x128xf32, #tpu.memory_space<vmem>>, vector<1x16xf32>,
        %scan3A_114 = arith.constant 0 : i32
        %scan3A_115 = arith.constant 1 : i32
        %scan3A_116 = arith.addi %scan3A_72, %scan3A_115 : i32
        %swap3A_117 = arith.index_cast %scan3A_116 : i32 to index
        %swap3A_118 = arith.constant 0 : index
        %swap3A_119 = tpu.vector_load %arg10[%swap3A_117, %swap3A_118] {strides = array<i32>} : memref<125x128xf32, #tpu.memory_space<vmem>>, vector<1x16xf32>,
        %swap3A_120 = vector.shape_cast %swap3A_119 : vector<1x16xf32> to vector<16xf32>
        %swap3A_121 = vector.shape_cast %broadcast_in_dim3A_2 : vector<16xf32> to vector<1x16xf32>
        tpu.vector_store %arg10[%swap3A_117, %swap3A_118], %swap3A_121 {strides = array<i32>} : memref<125x128xf32, #tpu.memory_space<vmem>>, vector<1x16xf32>,
        %swap3A_122 = arith.index_cast %scan3A_116 : i32 to index
        %swap3A_123 = arith.constant 16 : index
        %swap3A_124 = tpu.vector_load %arg10[%swap3A_122, %swap3A_123] {strides = array<i32>} : memref<125x128xf32, #tpu.memory_space<vmem>>, vector<1x16xf32>,
        %swap3A_125 = vector.shape_cast %swap3A_124 : vector<1x16xf32> to vector<16xf32>
        %swap3A_126 = vector.shape_cast %broadcast_in_dim3A_2 : vector<16xf32> to vector<1x16xf32>
        tpu.vector_store %arg10[%swap3A_122, %swap3A_123], %swap3A_126 {strides = array<i32>} : memref<125x128xf32, #tpu.memory_space<vmem>>, vector<1x16xf32>,
        %swap3A_127 = arith.index_cast %scan3A_116 : i32 to index
        %swap3A_128 = arith.constant 32 : index
        %swap3A_129 = tpu.vector_load %arg10[%swap3A_127, %swap3A_128] {strides = array<i32>} : memref<125x128xf32, #tpu.memory_space<vmem>>, vector<1x16xf32>,
        %swap3A_130 = vector.shape_cast %swap3A_129 : vector<1x16xf32> to vector<16xf32>
        %swap3A_131 = vector.shape_cast %broadcast_in_dim3A_2 : vector<16xf32> to vector<1x16xf32>
        tpu.vector_store %arg10[%swap3A_127, %swap3A_128], %swap3A_131 {strides = array<i32>} : memref<125x128xf32, #tpu.memory_space<vmem>>, vector<1x16xf32>,
        %swap3A_132 = arith.index_cast %scan3A_116 : i32 to index
        %swap3A_133 = arith.constant 48 : index
        %swap3A_134 = tpu.vector_load %arg10[%swap3A_132, %swap3A_133] {strides = array<i32>} : memref<125x128xf32, #tpu.memory_space<vmem>>, vector<1x16xf32>,
        %swap3A_135 = vector.shape_cast %swap3A_134 : vector<1x16xf32> to vector<16xf32>
        %swap3A_136 = vector.shape_cast %broadcast_in_dim3A_2 : vector<16xf32> to vector<1x16xf32>
        tpu.vector_store %arg10[%swap3A_132, %swap3A_133], %swap3A_136 {strides = array<i32>} : memref<125x128xf32, #tpu.memory_space<vmem>>, vector<1x16xf32>,
        %swap3A_137 = arith.index_cast %scan3A_116 : i32 to index
        %swap3A_138 = arith.constant 64 : index
        %swap3A_139 = tpu.vector_load %arg10[%swap3A_137, %swap3A_138] {strides = array<i32>} : memref<125x128xf32, #tpu.memory_space<vmem>>, vector<1x16xf32>,
        %swap3A_140 = vector.shape_cast %swap3A_139 : vector<1x16xf32> to vector<16xf32>
        %swap3A_141 = vector.shape_cast %broadcast_in_dim3A_2 : vector<16xf32> to vector<1x16xf32>
        tpu.vector_store %arg10[%swap3A_137, %swap3A_138], %swap3A_141 {strides = array<i32>} : memref<125x128xf32, #tpu.memory_space<vmem>>, vector<1x16xf32>,
        %swap3A_142 = arith.index_cast %scan3A_116 : i32 to index
        %swap3A_143 = arith.constant 80 : index
        %swap3A_144 = tpu.vector_load %arg10[%swap3A_142, %swap3A_143] {strides = array<i32>} : memref<125x128xf32, #tpu.memory_space<vmem>>, vector<1x16xf32>,
        %swap3A_145 = vector.shape_cast %swap3A_144 : vector<1x16xf32> to vector<16xf32>
        %swap3A_146 = vector.shape_cast %broadcast_in_dim3A_2 : vector<16xf32> to vector<1x16xf32>
        tpu.vector_store %arg10[%swap3A_142, %swap3A_143], %swap3A_146 {strides = array<i32>} : memref<125x128xf32, #tpu.memory_space<vmem>>, vector<1x16xf32>,
        %swap3A_147 = arith.index_cast %scan3A_116 : i32 to index
        %swap3A_148 = arith.constant 96 : index
        %swap3A_149 = tpu.vector_load %arg10[%swap3A_147, %swap3A_148] {strides = array<i32>} : memref<125x128xf32, #tpu.memory_space<vmem>>, vector<1x16xf32>,
        %swap3A_150 = vector.shape_cast %swap3A_149 : vector<1x16xf32> to vector<16xf32>
        %swap3A_151 = vector.shape_cast %broadcast_in_dim3A_2 : vector<16xf32> to vector<1x16xf32>
        tpu.vector_store %arg10[%swap3A_147, %swap3A_148], %swap3A_151 {strides = array<i32>} : memref<125x128xf32, #tpu.memory_space<vmem>>, vector<1x16xf32>,
        %swap3A_152 = arith.index_cast %scan3A_116 : i32 to index
        %swap3A_153 = arith.constant 112 : index
        %swap3A_154 = tpu.vector_load %arg10[%swap3A_152, %swap3A_153] {strides = array<i32>} : memref<125x128xf32, #tpu.memory_space<vmem>>, vector<1x16xf32>,
        %swap3A_155 = vector.shape_cast %swap3A_154 : vector<1x16xf32> to vector<16xf32>
        %swap3A_156 = vector.shape_cast %broadcast_in_dim3A_2 : vector<16xf32> to vector<1x16xf32>
        tpu.vector_store %arg10[%swap3A_152, %swap3A_153], %swap3A_156 {strides = array<i32>} : memref<125x128xf32, #tpu.memory_space<vmem>>, vector<1x16xf32>,
        %scan3A_157 = arith.constant 0 : i32
        scf.yield %scan3A_157 : i32
      }
      %scan3A_8 = arith.constant 124 : i32
      %scan3A_9 = arith.addi %scan3A_3, %scan3A_8 : i32
      %swap3A = arith.index_cast %scan3A_9 : i32 to index
      %swap3A_10 = arith.constant 0 : index
      %swap3A_11 = tpu.vector_load %arg10[%swap3A, %swap3A_10] {strides = array<i32>} : memref<125x128xf32, #tpu.memory_space<vmem>>, vector<1x16xf32>,
      %swap3A_12 = vector.shape_cast %swap3A_11 : vector<1x16xf32> to vector<16xf32>
      %swap3A_13 = vector.shape_cast %broadcast_in_dim3A_2 : vector<16xf32> to vector<1x16xf32>
      tpu.vector_store %arg10[%swap3A, %swap3A_10], %swap3A_13 {strides = array<i32>} : memref<125x128xf32, #tpu.memory_space<vmem>>, vector<1x16xf32>,
      %swap3A_14 = arith.index_cast %scan3A_9 : i32 to index
      %swap3A_15 = arith.constant 16 : index
      %swap3A_16 = tpu.vector_load %arg10[%swap3A_14, %swap3A_15] {strides = array<i32>} : memref<125x128xf32, #tpu.memory_space<vmem>>, vector<1x16xf32>,
      %swap3A_17 = vector.shape_cast %swap3A_16 : vector<1x16xf32> to vector<16xf32>
      %swap3A_18 = vector.shape_cast %broadcast_in_dim3A_2 : vector<16xf32> to vector<1x16xf32>
      tpu.vector_store %arg10[%swap3A_14, %swap3A_15], %swap3A_18 {strides = array<i32>} : memref<125x128xf32, #tpu.memory_space<vmem>>, vector<1x16xf32>,
      %swap3A_19 = arith.index_cast %scan3A_9 : i32 to index
      %swap3A_20 = arith.constant 32 : index
      %swap3A_21 = tpu.vector_load %arg10[%swap3A_19, %swap3A_20] {strides = array<i32>} : memref<125x128xf32, #tpu.memory_space<vmem>>, vector<1x16xf32>,
      %swap3A_22 = vector.shape_cast %swap3A_21 : vector<1x16xf32> to vector<16xf32>
      %swap3A_23 = vector.shape_cast %broadcast_in_dim3A_2 : vector<16xf32> to vector<1x16xf32>
      tpu.vector_store %arg10[%swap3A_19, %swap3A_20], %swap3A_23 {strides = array<i32>} : memref<125x128xf32, #tpu.memory_space<vmem>>, vector<1x16xf32>,
      %swap3A_24 = arith.index_cast %scan3A_9 : i32 to index
      %swap3A_25 = arith.constant 48 : index
      %swap3A_26 = tpu.vector_load %arg10[%swap3A_24, %swap3A_25] {strides = array<i32>} : memref<125x128xf32, #tpu.memory_space<vmem>>, vector<1x16xf32>,
      %swap3A_27 = vector.shape_cast %swap3A_26 : vector<1x16xf32> to vector<16xf32>
      %swap3A_28 = vector.shape_cast %broadcast_in_dim3A_2 : vector<16xf32> to vector<1x16xf32>
      tpu.vector_store %arg10[%swap3A_24, %swap3A_25], %swap3A_28 {strides = array<i32>} : memref<125x128xf32, #tpu.memory_space<vmem>>, vector<1x16xf32>,
      %swap3A_29 = arith.index_cast %scan3A_9 : i32 to index
      %swap3A_30 = arith.constant 64 : index
      %swap3A_31 = tpu.vector_load %arg10[%swap3A_29, %swap3A_30] {strides = array<i32>} : memref<125x128xf32, #tpu.memory_space<vmem>>, vector<1x16xf32>,
      %swap3A_32 = vector.shape_cast %swap3A_31 : vector<1x16xf32> to vector<16xf32>
      %swap3A_33 = vector.shape_cast %broadcast_in_dim3A_2 : vector<16xf32> to vector<1x16xf32>
      tpu.vector_store %arg10[%swap3A_29, %swap3A_30], %swap3A_33 {strides = array<i32>} : memref<125x128xf32, #tpu.memory_space<vmem>>, vector<1x16xf32>,
      %swap3A_34 = arith.index_cast %scan3A_9 : i32 to index
      %swap3A_35 = arith.constant 80 : index
      %swap3A_36 = tpu.vector_load %arg10[%swap3A_34, %swap3A_35] {strides = array<i32>} : memref<125x128xf32, #tpu.memory_space<vmem>>, vector<1x16xf32>,
      %swap3A_37 = vector.shape_cast %swap3A_36 : vector<1x16xf32> to vector<16xf32>
      %swap3A_38 = vector.shape_cast %broadcast_in_dim3A_2 : vector<16xf32> to vector<1x16xf32>
      tpu.vector_store %arg10[%swap3A_34, %swap3A_35], %swap3A_38 {strides = array<i32>} : memref<125x128xf32, #tpu.memory_space<vmem>>, vector<1x16xf32>,
      %swap3A_39 = arith.index_cast %scan3A_9 : i32 to index
      %swap3A_40 = arith.constant 96 : index
      %swap3A_41 = tpu.vector_load %arg10[%swap3A_39, %swap3A_40] {strides = array<i32>} : memref<125x128xf32, #tpu.memory_space<vmem>>, vector<1x16xf32>,
      %swap3A_42 = vector.shape_cast %swap3A_41 : vector<1x16xf32> to vector<16xf32>
      %swap3A_43 = vector.shape_cast %broadcast_in_dim3A_2 : vector<16xf32> to vector<1x16xf32>
      tpu.vector_store %arg10[%swap3A_39, %swap3A_40], %swap3A_43 {strides = array<i32>} : memref<125x128xf32, #tpu.memory_space<vmem>>, vector<1x16xf32>,
      %swap3A_44 = arith.index_cast %scan3A_9 : i32 to index
      %swap3A_45 = arith.constant 112 : index
      %swap3A_46 = tpu.vector_load %arg10[%swap3A_44, %swap3A_45] {strides = array<i32>} : memref<125x128xf32, #tpu.memory_space<vmem>>, vector<1x16xf32>,
      %swap3A_47 = vector.shape_cast %swap3A_46 : vector<1x16xf32> to vector<16xf32>
      %swap3A_48 = vector.shape_cast %broadcast_in_dim3A_2 : vector<16xf32> to vector<1x16xf32>
      tpu.vector_store %arg10[%swap3A_44, %swap3A_45], %swap3A_48 {strides = array<i32>} : memref<125x128xf32, #tpu.memory_space<vmem>>, vector<1x16xf32>,
      %scan3A_49 = arith.constant 0 : i32
      %scan3A_50 = arith.constant 125 : i32
      %mul3A = arith.constant 160 : i32
      %mul3A_51 = arith.muli %arg1, %mul3A : i32
      "tpu.region"() ({
        %run_scoped3A = tpu.sem_alloc : memref<!tpu.dma_semaphore, #tpu.memory_space<semaphore_mem>>
        %dma_start3A = arith.constant 0 : i32
        %dma_start3A_72 = arith.constant 0 : i32
        %dma_start3A_73 = tpu.memref_slice %arg10[%dma_start3A, %dma_start3A_72] : memref<125x128xf32, #tpu.memory_space<vmem>> -> memref<80x128xf32, #tpu.memory_space<vmem>>
        %dma_start3A_74 = arith.constant 0 : i32
        %dma_start3A_75 = tpu.memref_slice %arg11[%mul3A_51, %dma_start3A_74] : memref<2560x128xf32, #tpu.memory_space<vmem_shared>> -> memref<80x128xf32, #tpu.memory_space<vmem_shared>>
        %dma_start3A_76 = arith.constant 0 : i32
        %dma_start3A_77 = tpu.memref_slice %arg11[%mul3A_51, %dma_start3A_76] : memref<2560x128xf32, #tpu.memory_space<vmem_shared>> -> memref<80x128xf32, #tpu.memory_space<vmem_shared>>
        %dma_start3A_78 = arith.constant 0 : i32
        %dma_start3A_79 = arith.constant 0 : i32
        %dma_start3A_80 = tpu.memref_slice %arg10[%dma_start3A_78, %dma_start3A_79] : memref<125x128xf32, #tpu.memory_space<vmem>> -> memref<80x128xf32, #tpu.memory_space<vmem>>
        tpu.enqueue_dma source(%dma_start3A_80 : memref<80x128xf32, #tpu.memory_space<vmem>>) target(%dma_start3A_77 : memref<80x128xf32, #tpu.memory_space<vmem_shared>>) target_semaphore(%run_scoped3A : memref<!tpu.dma_semaphore, #tpu.memory_space<semaphore_mem>>)
        %dma_wait3A = arith.constant 0 : i32
        %dma_wait3A_81 = arith.constant 0 : i32
        %dma_wait3A_82 = tpu.memref_slice %arg10[%dma_wait3A, %dma_wait3A_81] : memref<125x128xf32, #tpu.memory_space<vmem>> -> memref<80x128xf32, #tpu.memory_space<vmem>>
        %dma_wait3A_83 = arith.constant 0 : i32
        %dma_wait3A_84 = tpu.memref_slice %arg11[%mul3A_51, %dma_wait3A_83] : memref<2560x128xf32, #tpu.memory_space<vmem_shared>> -> memref<80x128xf32, #tpu.memory_space<vmem_shared>>
        %dma_wait3A_85 = arith.constant 0 : i32
        %dma_wait3A_86 = tpu.memref_slice %arg11[%mul3A_51, %dma_wait3A_85] : memref<2560x128xf32, #tpu.memory_space<vmem_shared>> -> memref<80x128xf32, #tpu.memory_space<vmem_shared>>
        %dma_wait3A_87 = arith.constant 0 : i32
        %dma_wait3A_88 = arith.constant 0 : i32
        %dma_wait3A_89 = tpu.memref_slice %arg10[%dma_wait3A_87, %dma_wait3A_88] : memref<125x128xf32, #tpu.memory_space<vmem>> -> memref<80x128xf32, #tpu.memory_space<vmem>>
        tpu.wait_dma2 semaphore(%run_scoped3A : memref<!tpu.dma_semaphore, #tpu.memory_space<semaphore_mem>>) src(%dma_wait3A_89 : memref<80x128xf32, #tpu.memory_space<vmem>>) dst(%dma_wait3A_86 : memref<80x128xf32, #tpu.memory_space<vmem_shared>>)
        tpu.yield
      }) : () -> ()
      %mul3A_52 = arith.constant 160 : i32
      %mul3A_53 = arith.muli %arg1, %mul3A_52 : i32
      %add3A = arith.constant 80 : i32
      %add3A_54 = arith.addi %mul3A_53, %add3A : i32
      "tpu.region"() ({
        %run_scoped3A = tpu.sem_alloc : memref<!tpu.dma_semaphore, #tpu.memory_space<semaphore_mem>>
        %dma_start3A = arith.constant 0 : i32
        %dma_start3A_72 = arith.constant 0 : i32
        %dma_start3A_73 = tpu.memref_slice %arg10[%dma_start3A, %dma_start3A_72] : memref<125x128xf32, #tpu.memory_space<vmem>> -> memref<80x128xf32, #tpu.memory_space<vmem>>
        %dma_start3A_74 = arith.constant 0 : i32
        %dma_start3A_75 = tpu.memref_slice %arg11[%add3A_54, %dma_start3A_74] : memref<2560x128xf32, #tpu.memory_space<vmem_shared>> -> memref<80x128xf32, #tpu.memory_space<vmem_shared>>
        %dma_start3A_76 = arith.constant 0 : i32
        %dma_start3A_77 = tpu.memref_slice %arg11[%add3A_54, %dma_start3A_76] : memref<2560x128xf32, #tpu.memory_space<vmem_shared>> -> memref<80x128xf32, #tpu.memory_space<vmem_shared>>
        %dma_start3A_78 = arith.constant 0 : i32
        %dma_start3A_79 = arith.constant 0 : i32
        %dma_start3A_80 = tpu.memref_slice %arg10[%dma_start3A_78, %dma_start3A_79] : memref<125x128xf32, #tpu.memory_space<vmem>> -> memref<80x128xf32, #tpu.memory_space<vmem>>
        tpu.enqueue_dma source(%dma_start3A_80 : memref<80x128xf32, #tpu.memory_space<vmem>>) target(%dma_start3A_77 : memref<80x128xf32, #tpu.memory_space<vmem_shared>>) target_semaphore(%run_scoped3A : memref<!tpu.dma_semaphore, #tpu.memory_space<semaphore_mem>>)
        %dma_wait3A = arith.constant 0 : i32
        %dma_wait3A_81 = arith.constant 0 : i32
        %dma_wait3A_82 = tpu.memref_slice %arg10[%dma_wait3A, %dma_wait3A_81] : memref<125x128xf32, #tpu.memory_space<vmem>> -> memref<80x128xf32, #tpu.memory_space<vmem>>
        %dma_wait3A_83 = arith.constant 0 : i32
        %dma_wait3A_84 = tpu.memref_slice %arg11[%add3A_54, %dma_wait3A_83] : memref<2560x128xf32, #tpu.memory_space<vmem_shared>> -> memref<80x128xf32, #tpu.memory_space<vmem_shared>>
        %dma_wait3A_85 = arith.constant 0 : i32
        %dma_wait3A_86 = tpu.memref_slice %arg11[%add3A_54, %dma_wait3A_85] : memref<2560x128xf32, #tpu.memory_space<vmem_shared>> -> memref<80x128xf32, #tpu.memory_space<vmem_shared>>
        %dma_wait3A_87 = arith.constant 0 : i32
        %dma_wait3A_88 = arith.constant 0 : i32
        %dma_wait3A_89 = tpu.memref_slice %arg10[%dma_wait3A_87, %dma_wait3A_88] : memref<125x128xf32, #tpu.memory_space<vmem>> -> memref<80x128xf32, #tpu.memory_space<vmem>>
        tpu.wait_dma2 semaphore(%run_scoped3A : memref<!tpu.dma_semaphore, #tpu.memory_space<semaphore_mem>>) src(%dma_wait3A_89 : memref<80x128xf32, #tpu.memory_space<vmem>>) dst(%dma_wait3A_86 : memref<80x128xf32, #tpu.memory_space<vmem_shared>>)
        tpu.yield
      }) : () -> ()
      %barrier3A = arith.constant 0 : index
      tpu.barrier barrier_id(%barrier3A)
      %scan3A_55 = arith.constant 0 : i32
      %scan3A_56 = arith.constant 0 : i32
      %scan3A_57 = arith.constant 5 : i32
      %scan3A_58 = arith.addi %scan3A_56, %scan3A_57 : i32
      %scan3A_59 = arith.constant 1 : i32
      %scan3A_60 = scf.for %scan3A_72 = %scan3A_56 to %scan3A_58 step %scan3A_59 iter_args(%scan3A_73 = %scan3A_55) -> (i32)  : i32 {
        %dma_start3A = arith.constant 0 : i32
        %dma_start3A_74 = tpu.memref_slice %arg7[%scan3A_72, %dma_start3A] : memref<5x125xi32, #tpu.memory_space<vmem>> -> memref<1x125xi32, #tpu.memory_space<vmem>>
        %dma_start3A_75 = tpu.memref_squeeze %dma_start3A_74 : memref<1x125xi32, #tpu.memory_space<vmem>> -> memref<125xi32, #tpu.memory_space<vmem>>
        %dma_start3A_76 = arith.constant 0 : i32
        %dma_start3A_77 = arith.constant 0 : i32
        %dma_start3A_78 = tpu.memref_slice %arg2[%dma_start3A_76, %dma_start3A_77] : memref<10000x128xf32, #tpu.memory_space<hbm>> -> memref<10000x128xf32, #tpu.memory_space<hbm>>
        tpu.enqueue_indirect_dma source(%dma_start3A_78 : memref<10000x128xf32, #tpu.memory_space<hbm>>) target(%arg10 : memref<125x128xf32, #tpu.memory_space<vmem>>) offsets(%dma_start3A_75 : memref<125xi32, #tpu.memory_space<vmem>>) semaphore(%arg12 : memref<!tpu.dma_semaphore, #tpu.memory_space<semaphore_mem>>)
        "tpu.region"() ({
          %run_scoped3A = tpu.sem_alloc : memref<!tpu.dma_semaphore, #tpu.memory_space<semaphore_mem>>
          %dma_start3A_178 = arith.constant 0 : i32
          %dma_start3A_179 = arith.constant 0 : i32
          %dma_start3A_180 = tpu.memref_slice %arg5[%arg1, %scan3A_72, %dma_start3A_178, %dma_start3A_179] : memref<16x5x125x16xf32, #tpu.memory_space<hbm>> -> memref<1x1x125x16xf32, #tpu.memory_space<hbm>>
          %dma_start3A_181 = tpu.memref_squeeze %dma_start3A_180 : memref<1x1x125x16xf32, #tpu.memory_space<hbm>> -> memref<125x16xf32, #tpu.memory_space<hbm>>
          %dma_start3A_182 = arith.constant 0 : i32
          %dma_start3A_183 = arith.constant 0 : i32
          %dma_start3A_184 = tpu.memref_slice %arg5[%arg1, %scan3A_72, %dma_start3A_182, %dma_start3A_183] : memref<16x5x125x16xf32, #tpu.memory_space<hbm>> -> memref<1x1x125x16xf32, #tpu.memory_space<hbm>>
          %dma_start3A_185 = tpu.memref_squeeze %dma_start3A_184 : memref<1x1x125x16xf32, #tpu.memory_space<hbm>> -> memref<125x16xf32, #tpu.memory_space<hbm>>
          tpu.enqueue_dma source(%dma_start3A_185 : memref<125x16xf32, #tpu.memory_space<hbm>>) target(%arg9 : memref<125x16xf32, #tpu.memory_space<vmem>>) target_semaphore(%run_scoped3A : memref<!tpu.dma_semaphore, #tpu.memory_space<semaphore_mem>>)
          %dma_wait3A_186 = arith.constant 0 : i32
          %dma_wait3A_187 = arith.constant 0 : i32
          %dma_wait3A_188 = tpu.memref_slice %arg5[%arg1, %scan3A_72, %dma_wait3A_186, %dma_wait3A_187] : memref<16x5x125x16xf32, #tpu.memory_space<hbm>> -> memref<1x1x125x16xf32, #tpu.memory_space<hbm>>
          %dma_wait3A_189 = tpu.memref_squeeze %dma_wait3A_188 : memref<1x1x125x16xf32, #tpu.memory_space<hbm>> -> memref<125x16xf32, #tpu.memory_space<hbm>>
          %dma_wait3A_190 = arith.constant 0 : i32
          %dma_wait3A_191 = arith.constant 0 : i32
          %dma_wait3A_192 = tpu.memref_slice %arg5[%arg1, %scan3A_72, %dma_wait3A_190, %dma_wait3A_191] : memref<16x5x125x16xf32, #tpu.memory_space<hbm>> -> memref<1x1x125x16xf32, #tpu.memory_space<hbm>>
          %dma_wait3A_193 = tpu.memref_squeeze %dma_wait3A_192 : memref<1x1x125x16xf32, #tpu.memory_space<hbm>> -> memref<125x16xf32, #tpu.memory_space<hbm>>
          tpu.wait_dma2 semaphore(%run_scoped3A : memref<!tpu.dma_semaphore, #tpu.memory_space<semaphore_mem>>) src(%dma_wait3A_193 : memref<125x16xf32, #tpu.memory_space<hbm>>) dst(%arg9 : memref<125x16xf32, #tpu.memory_space<vmem>>)
          tpu.yield
        }) : () -> ()
        %dma_wait3A = arith.constant 0 : i32
        %dma_wait3A_79 = tpu.memref_slice %arg7[%scan3A_72, %dma_wait3A] : memref<5x125xi32, #tpu.memory_space<vmem>> -> memref<1x125xi32, #tpu.memory_space<vmem>>
        %dma_wait3A_80 = tpu.memref_squeeze %dma_wait3A_79 : memref<1x125xi32, #tpu.memory_space<vmem>> -> memref<125xi32, #tpu.memory_space<vmem>>
        %dma_wait3A_81 = arith.constant 0 : i32
        %dma_wait3A_82 = arith.constant 0 : i32
        %dma_wait3A_83 = tpu.memref_slice %arg2[%dma_wait3A_81, %dma_wait3A_82] : memref<10000x128xf32, #tpu.memory_space<hbm>> -> memref<10000x128xf32, #tpu.memory_space<hbm>>
        tpu.wait_indirect_dma semaphore(%arg12 : memref<!tpu.dma_semaphore, #tpu.memory_space<semaphore_mem>>) src(%dma_wait3A_83 : memref<10000x128xf32, #tpu.memory_space<hbm>>) dst(%arg10 : memref<125x128xf32, #tpu.memory_space<vmem>>)
        %scan3A_84 = arith.constant 0 : i32
        %scan3A_85 = arith.constant 0 : i32
        %scan3A_86 = arith.constant 124 : i32
        %scan3A_87 = arith.addi %scan3A_85, %scan3A_86 : i32
        %scan3A_88 = arith.constant 2 : i32
        %scan3A_89 = scf.for %scan3A_178 = %scan3A_85 to %scan3A_87 step %scan3A_88 iter_args(%scan3A_179 = %scan3A_84) -> (i32)  : i32 {
          %get3A_180 = arith.index_cast %scan3A_178 : i32 to index
          %get3A_181 = arith.constant 0 : index
          %get3A_182 = tpu.vector_load %arg9[%get3A_180, %get3A_181] {strides = array<i32>} : memref<125x16xf32, #tpu.memory_space<vmem>>, vector<1x16xf32>,
          %get3A_183 = vector.shape_cast %get3A_182 : vector<1x16xf32> to vector<16xf32>
          %get3A_184 = arith.index_cast %scan3A_178 : i32 to index
          %get3A_185 = arith.constant 0 : index
          %get3A_186 = tpu.vector_load %arg10[%get3A_184, %get3A_185] {strides = array<i32>} : memref<125x128xf32, #tpu.memory_space<vmem>>, vector<1x16xf32>,
          %get3A_187 = vector.shape_cast %get3A_186 : vector<1x16xf32> to vector<16xf32>
          %mul3A_188 = arith.mulf %get3A_187, %get3A_183 : vector<16xf32>
          %swap3A_189 = arith.index_cast %scan3A_178 : i32 to index
          %swap3A_190 = arith.constant 0 : index
          %swap3A_191 = tpu.vector_load %arg10[%swap3A_189, %swap3A_190] {strides = array<i32>} : memref<125x128xf32, #tpu.memory_space<vmem>>, vector<1x16xf32>,
          %swap3A_192 = vector.shape_cast %swap3A_191 : vector<1x16xf32> to vector<16xf32>
          %swap3A_193 = vector.shape_cast %mul3A_188 : vector<16xf32> to vector<1x16xf32>
          tpu.vector_store %arg10[%swap3A_189, %swap3A_190], %swap3A_193 {strides = array<i32>} : memref<125x128xf32, #tpu.memory_space<vmem>>, vector<1x16xf32>,
          %get3A_194 = arith.index_cast %scan3A_178 : i32 to index
          %get3A_195 = arith.constant 16 : index
          %get3A_196 = tpu.vector_load %arg10[%get3A_194, %get3A_195] {strides = array<i32>} : memref<125x128xf32, #tpu.memory_space<vmem>>, vector<1x16xf32>,
          %get3A_197 = vector.shape_cast %get3A_196 : vector<1x16xf32> to vector<16xf32>
          %mul3A_198 = arith.mulf %get3A_197, %get3A_183 : vector<16xf32>
          %swap3A_199 = arith.index_cast %scan3A_178 : i32 to index
          %swap3A_200 = arith.constant 16 : index
          %swap3A_201 = tpu.vector_load %arg10[%swap3A_199, %swap3A_200] {strides = array<i32>} : memref<125x128xf32, #tpu.memory_space<vmem>>, vector<1x16xf32>,
          %swap3A_202 = vector.shape_cast %swap3A_201 : vector<1x16xf32> to vector<16xf32>
          %swap3A_203 = vector.shape_cast %mul3A_198 : vector<16xf32> to vector<1x16xf32>
          tpu.vector_store %arg10[%swap3A_199, %swap3A_200], %swap3A_203 {strides = array<i32>} : memref<125x128xf32, #tpu.memory_space<vmem>>, vector<1x16xf32>,
          %get3A_204 = arith.index_cast %scan3A_178 : i32 to index
          %get3A_205 = arith.constant 32 : index
          %get3A_206 = tpu.vector_load %arg10[%get3A_204, %get3A_205] {strides = array<i32>} : memref<125x128xf32, #tpu.memory_space<vmem>>, vector<1x16xf32>,
          %get3A_207 = vector.shape_cast %get3A_206 : vector<1x16xf32> to vector<16xf32>
          %mul3A_208 = arith.mulf %get3A_207, %get3A_183 : vector<16xf32>
          %swap3A_209 = arith.index_cast %scan3A_178 : i32 to index
          %swap3A_210 = arith.constant 32 : index
          %swap3A_211 = tpu.vector_load %arg10[%swap3A_209, %swap3A_210] {strides = array<i32>} : memref<125x128xf32, #tpu.memory_space<vmem>>, vector<1x16xf32>,
          %swap3A_212 = vector.shape_cast %swap3A_211 : vector<1x16xf32> to vector<16xf32>
          %swap3A_213 = vector.shape_cast %mul3A_208 : vector<16xf32> to vector<1x16xf32>
          tpu.vector_store %arg10[%swap3A_209, %swap3A_210], %swap3A_213 {strides = array<i32>} : memref<125x128xf32, #tpu.memory_space<vmem>>, vector<1x16xf32>,
          %get3A_214 = arith.index_cast %scan3A_178 : i32 to index
          %get3A_215 = arith.constant 48 : index
          %get3A_216 = tpu.vector_load %arg10[%get3A_214, %get3A_215] {strides = array<i32>} : memref<125x128xf32, #tpu.memory_space<vmem>>, vector<1x16xf32>,
          %get3A_217 = vector.shape_cast %get3A_216 : vector<1x16xf32> to vector<16xf32>
          %mul3A_218 = arith.mulf %get3A_217, %get3A_183 : vector<16xf32>
          %swap3A_219 = arith.index_cast %scan3A_178 : i32 to index
          %swap3A_220 = arith.constant 48 : index
          %swap3A_221 = tpu.vector_load %arg10[%swap3A_219, %swap3A_220] {strides = array<i32>} : memref<125x128xf32, #tpu.memory_space<vmem>>, vector<1x16xf32>,
          %swap3A_222 = vector.shape_cast %swap3A_221 : vector<1x16xf32> to vector<16xf32>
          %swap3A_223 = vector.shape_cast %mul3A_218 : vector<16xf32> to vector<1x16xf32>
          tpu.vector_store %arg10[%swap3A_219, %swap3A_220], %swap3A_223 {strides = array<i32>} : memref<125x128xf32, #tpu.memory_space<vmem>>, vector<1x16xf32>,
          %get3A_224 = arith.index_cast %scan3A_178 : i32 to index
          %get3A_225 = arith.constant 64 : index
          %get3A_226 = tpu.vector_load %arg10[%get3A_224, %get3A_225] {strides = array<i32>} : memref<125x128xf32, #tpu.memory_space<vmem>>, vector<1x16xf32>,
          %get3A_227 = vector.shape_cast %get3A_226 : vector<1x16xf32> to vector<16xf32>
          %mul3A_228 = arith.mulf %get3A_227, %get3A_183 : vector<16xf32>
          %swap3A_229 = arith.index_cast %scan3A_178 : i32 to index
          %swap3A_230 = arith.constant 64 : index
          %swap3A_231 = tpu.vector_load %arg10[%swap3A_229, %swap3A_230] {strides = array<i32>} : memref<125x128xf32, #tpu.memory_space<vmem>>, vector<1x16xf32>,
          %swap3A_232 = vector.shape_cast %swap3A_231 : vector<1x16xf32> to vector<16xf32>
          %swap3A_233 = vector.shape_cast %mul3A_228 : vector<16xf32> to vector<1x16xf32>
          tpu.vector_store %arg10[%swap3A_229, %swap3A_230], %swap3A_233 {strides = array<i32>} : memref<125x128xf32, #tpu.memory_space<vmem>>, vector<1x16xf32>,
          %get3A_234 = arith.index_cast %scan3A_178 : i32 to index
          %get3A_235 = arith.constant 80 : index
          %get3A_236 = tpu.vector_load %arg10[%get3A_234, %get3A_235] {strides = array<i32>} : memref<125x128xf32, #tpu.memory_space<vmem>>, vector<1x16xf32>,
          %get3A_237 = vector.shape_cast %get3A_236 : vector<1x16xf32> to vector<16xf32>
          %mul3A_238 = arith.mulf %get3A_237, %get3A_183 : vector<16xf32>
          %swap3A_239 = arith.index_cast %scan3A_178 : i32 to index
          %swap3A_240 = arith.constant 80 : index
          %swap3A_241 = tpu.vector_load %arg10[%swap3A_239, %swap3A_240] {strides = array<i32>} : memref<125x128xf32, #tpu.memory_space<vmem>>, vector<1x16xf32>,
          %swap3A_242 = vector.shape_cast %swap3A_241 : vector<1x16xf32> to vector<16xf32>
          %swap3A_243 = vector.shape_cast %mul3A_238 : vector<16xf32> to vector<1x16xf32>
          tpu.vector_store %arg10[%swap3A_239, %swap3A_240], %swap3A_243 {strides = array<i32>} : memref<125x128xf32, #tpu.memory_space<vmem>>, vector<1x16xf32>,
          %get3A_244 = arith.index_cast %scan3A_178 : i32 to index
          %get3A_245 = arith.constant 96 : index
          %get3A_246 = tpu.vector_load %arg10[%get3A_244, %get3A_245] {strides = array<i32>} : memref<125x128xf32, #tpu.memory_space<vmem>>, vector<1x16xf32>,
          %get3A_247 = vector.shape_cast %get3A_246 : vector<1x16xf32> to vector<16xf32>
          %mul3A_248 = arith.mulf %get3A_247, %get3A_183 : vector<16xf32>
          %swap3A_249 = arith.index_cast %scan3A_178 : i32 to index
          %swap3A_250 = arith.constant 96 : index
          %swap3A_251 = tpu.vector_load %arg10[%swap3A_249, %swap3A_250] {strides = array<i32>} : memref<125x128xf32, #tpu.memory_space<vmem>>, vector<1x16xf32>,
          %swap3A_252 = vector.shape_cast %swap3A_251 : vector<1x16xf32> to vector<16xf32>
          %swap3A_253 = vector.shape_cast %mul3A_248 : vector<16xf32> to vector<1x16xf32>
          tpu.vector_store %arg10[%swap3A_249, %swap3A_250], %swap3A_253 {strides = array<i32>} : memref<125x128xf32, #tpu.memory_space<vmem>>, vector<1x16xf32>,
          %get3A_254 = arith.index_cast %scan3A_178 : i32 to index
          %get3A_255 = arith.constant 112 : index
          %get3A_256 = tpu.vector_load %arg10[%get3A_254, %get3A_255] {strides = array<i32>} : memref<125x128xf32, #tpu.memory_space<vmem>>, vector<1x16xf32>,
          %get3A_257 = vector.shape_cast %get3A_256 : vector<1x16xf32> to vector<16xf32>
          %mul3A_258 = arith.mulf %get3A_257, %get3A_183 : vector<16xf32>
          %swap3A_259 = arith.index_cast %scan3A_178 : i32 to index
          %swap3A_260 = arith.constant 112 : index
          %swap3A_261 = tpu.vector_load %arg10[%swap3A_259, %swap3A_260] {strides = array<i32>} : memref<125x128xf32, #tpu.memory_space<vmem>>, vector<1x16xf32>,
          %swap3A_262 = vector.shape_cast %swap3A_261 : vector<1x16xf32> to vector<16xf32>
          %swap3A_263 = vector.shape_cast %mul3A_258 : vector<16xf32> to vector<1x16xf32>
          tpu.vector_store %arg10[%swap3A_259, %swap3A_260], %swap3A_263 {strides = array<i32>} : memref<125x128xf32, #tpu.memory_space<vmem>>, vector<1x16xf32>,
          %scan3A_264 = arith.constant 0 : i32
          %scan3A_265 = arith.constant 1 : i32
          %scan3A_266 = arith.addi %scan3A_178, %scan3A_265 : i32
          %get3A_267 = arith.index_cast %scan3A_266 : i32 to index
          %get3A_268 = arith.constant 0 : index
          %get3A_269 = tpu.vector_load %arg9[%get3A_267, %get3A_268] {strides = array<i32>} : memref<125x16xf32, #tpu.memory_space<vmem>>, vector<1x16xf32>,
          %get3A_270 = vector.shape_cast %get3A_269 : vector<1x16xf32> to vector<16xf32>
          %get3A_271 = arith.index_cast %scan3A_266 : i32 to index
          %get3A_272 = arith.constant 0 : index
          %get3A_273 = tpu.vector_load %arg10[%get3A_271, %get3A_272] {strides = array<i32>} : memref<125x128xf32, #tpu.memory_space<vmem>>, vector<1x16xf32>,
          %get3A_274 = vector.shape_cast %get3A_273 : vector<1x16xf32> to vector<16xf32>
          %mul3A_275 = arith.mulf %get3A_274, %get3A_270 : vector<16xf32>
          %swap3A_276 = arith.index_cast %scan3A_266 : i32 to index
          %swap3A_277 = arith.constant 0 : index
          %swap3A_278 = tpu.vector_load %arg10[%swap3A_276, %swap3A_277] {strides = array<i32>} : memref<125x128xf32, #tpu.memory_space<vmem>>, vector<1x16xf32>,
          %swap3A_279 = vector.shape_cast %swap3A_278 : vector<1x16xf32> to vector<16xf32>
          %swap3A_280 = vector.shape_cast %mul3A_275 : vector<16xf32> to vector<1x16xf32>
          tpu.vector_store %arg10[%swap3A_276, %swap3A_277], %swap3A_280 {strides = array<i32>} : memref<125x128xf32, #tpu.memory_space<vmem>>, vector<1x16xf32>,
          %get3A_281 = arith.index_cast %scan3A_266 : i32 to index
          %get3A_282 = arith.constant 16 : index
          %get3A_283 = tpu.vector_load %arg10[%get3A_281, %get3A_282] {strides = array<i32>} : memref<125x128xf32, #tpu.memory_space<vmem>>, vector<1x16xf32>,
          %get3A_284 = vector.shape_cast %get3A_283 : vector<1x16xf32> to vector<16xf32>
          %mul3A_285 = arith.mulf %get3A_284, %get3A_270 : vector<16xf32>
          %swap3A_286 = arith.index_cast %scan3A_266 : i32 to index
          %swap3A_287 = arith.constant 16 : index
          %swap3A_288 = tpu.vector_load %arg10[%swap3A_286, %swap3A_287] {strides = array<i32>} : memref<125x128xf32, #tpu.memory_space<vmem>>, vector<1x16xf32>,
          %swap3A_289 = vector.shape_cast %swap3A_288 : vector<1x16xf32> to vector<16xf32>
          %swap3A_290 = vector.shape_cast %mul3A_285 : vector<16xf32> to vector<1x16xf32>
          tpu.vector_store %arg10[%swap3A_286, %swap3A_287], %swap3A_290 {strides = array<i32>} : memref<125x128xf32, #tpu.memory_space<vmem>>, vector<1x16xf32>,
          %get3A_291 = arith.index_cast %scan3A_266 : i32 to index
          %get3A_292 = arith.constant 32 : index
          %get3A_293 = tpu.vector_load %arg10[%get3A_291, %get3A_292] {strides = array<i32>} : memref<125x128xf32, #tpu.memory_space<vmem>>, vector<1x16xf32>,
          %get3A_294 = vector.shape_cast %get3A_293 : vector<1x16xf32> to vector<16xf32>
          %mul3A_295 = arith.mulf %get3A_294, %get3A_270 : vector<16xf32>
          %swap3A_296 = arith.index_cast %scan3A_266 : i32 to index
          %swap3A_297 = arith.constant 32 : index
          %swap3A_298 = tpu.vector_load %arg10[%swap3A_296, %swap3A_297] {strides = array<i32>} : memref<125x128xf32, #tpu.memory_space<vmem>>, vector<1x16xf32>,
          %swap3A_299 = vector.shape_cast %swap3A_298 : vector<1x16xf32> to vector<16xf32>
          %swap3A_300 = vector.shape_cast %mul3A_295 : vector<16xf32> to vector<1x16xf32>
          tpu.vector_store %arg10[%swap3A_296, %swap3A_297], %swap3A_300 {strides = array<i32>} : memref<125x128xf32, #tpu.memory_space<vmem>>, vector<1x16xf32>,
          %get3A_301 = arith.index_cast %scan3A_266 : i32 to index
          %get3A_302 = arith.constant 48 : index
          %get3A_303 = tpu.vector_load %arg10[%get3A_301, %get3A_302] {strides = array<i32>} : memref<125x128xf32, #tpu.memory_space<vmem>>, vector<1x16xf32>,
          %get3A_304 = vector.shape_cast %get3A_303 : vector<1x16xf32> to vector<16xf32>
          %mul3A_305 = arith.mulf %get3A_304, %get3A_270 : vector<16xf32>
          %swap3A_306 = arith.index_cast %scan3A_266 : i32 to index
          %swap3A_307 = arith.constant 48 : index
          %swap3A_308 = tpu.vector_load %arg10[%swap3A_306, %swap3A_307] {strides = array<i32>} : memref<125x128xf32, #tpu.memory_space<vmem>>, vector<1x16xf32>,
          %swap3A_309 = vector.shape_cast %swap3A_308 : vector<1x16xf32> to vector<16xf32>
          %swap3A_310 = vector.shape_cast %mul3A_305 : vector<16xf32> to vector<1x16xf32>
          tpu.vector_store %arg10[%swap3A_306, %swap3A_307], %swap3A_310 {strides = array<i32>} : memref<125x128xf32, #tpu.memory_space<vmem>>, vector<1x16xf32>,
          %get3A_311 = arith.index_cast %scan3A_266 : i32 to index
          %get3A_312 = arith.constant 64 : index
          %get3A_313 = tpu.vector_load %arg10[%get3A_311, %get3A_312] {strides = array<i32>} : memref<125x128xf32, #tpu.memory_space<vmem>>, vector<1x16xf32>,
          %get3A_314 = vector.shape_cast %get3A_313 : vector<1x16xf32> to vector<16xf32>
          %mul3A_315 = arith.mulf %get3A_314, %get3A_270 : vector<16xf32>
          %swap3A_316 = arith.index_cast %scan3A_266 : i32 to index
          %swap3A_317 = arith.constant 64 : index
          %swap3A_318 = tpu.vector_load %arg10[%swap3A_316, %swap3A_317] {strides = array<i32>} : memref<125x128xf32, #tpu.memory_space<vmem>>, vector<1x16xf32>,
          %swap3A_319 = vector.shape_cast %swap3A_318 : vector<1x16xf32> to vector<16xf32>
          %swap3A_320 = vector.shape_cast %mul3A_315 : vector<16xf32> to vector<1x16xf32>
          tpu.vector_store %arg10[%swap3A_316, %swap3A_317], %swap3A_320 {strides = array<i32>} : memref<125x128xf32, #tpu.memory_space<vmem>>, vector<1x16xf32>,
          %get3A_321 = arith.index_cast %scan3A_266 : i32 to index
          %get3A_322 = arith.constant 80 : index
          %get3A_323 = tpu.vector_load %arg10[%get3A_321, %get3A_322] {strides = array<i32>} : memref<125x128xf32, #tpu.memory_space<vmem>>, vector<1x16xf32>,
          %get3A_324 = vector.shape_cast %get3A_323 : vector<1x16xf32> to vector<16xf32>
          %mul3A_325 = arith.mulf %get3A_324, %get3A_270 : vector<16xf32>
          %swap3A_326 = arith.index_cast %scan3A_266 : i32 to index
          %swap3A_327 = arith.constant 80 : index
          %swap3A_328 = tpu.vector_load %arg10[%swap3A_326, %swap3A_327] {strides = array<i32>} : memref<125x128xf32, #tpu.memory_space<vmem>>, vector<1x16xf32>,
          %swap3A_329 = vector.shape_cast %swap3A_328 : vector<1x16xf32> to vector<16xf32>
          %swap3A_330 = vector.shape_cast %mul3A_325 : vector<16xf32> to vector<1x16xf32>
          tpu.vector_store %arg10[%swap3A_326, %swap3A_327], %swap3A_330 {strides = array<i32>} : memref<125x128xf32, #tpu.memory_space<vmem>>, vector<1x16xf32>,
          %get3A_331 = arith.index_cast %scan3A_266 : i32 to index
          %get3A_332 = arith.constant 96 : index
          %get3A_333 = tpu.vector_load %arg10[%get3A_331, %get3A_332] {strides = array<i32>} : memref<125x128xf32, #tpu.memory_space<vmem>>, vector<1x16xf32>,
          %get3A_334 = vector.shape_cast %get3A_333 : vector<1x16xf32> to vector<16xf32>
          %mul3A_335 = arith.mulf %get3A_334, %get3A_270 : vector<16xf32>
          %swap3A_336 = arith.index_cast %scan3A_266 : i32 to index
          %swap3A_337 = arith.constant 96 : index
          %swap3A_338 = tpu.vector_load %arg10[%swap3A_336, %swap3A_337] {strides = array<i32>} : memref<125x128xf32, #tpu.memory_space<vmem>>, vector<1x16xf32>,
          %swap3A_339 = vector.shape_cast %swap3A_338 : vector<1x16xf32> to vector<16xf32>
          %swap3A_340 = vector.shape_cast %mul3A_335 : vector<16xf32> to vector<1x16xf32>
          tpu.vector_store %arg10[%swap3A_336, %swap3A_337], %swap3A_340 {strides = array<i32>} : memref<125x128xf32, #tpu.memory_space<vmem>>, vector<1x16xf32>,
          %get3A_341 = arith.index_cast %scan3A_266 : i32 to index
          %get3A_342 = arith.constant 112 : index
          %get3A_343 = tpu.vector_load %arg10[%get3A_341, %get3A_342] {strides = array<i32>} : memref<125x128xf32, #tpu.memory_space<vmem>>, vector<1x16xf32>,
          %get3A_344 = vector.shape_cast %get3A_343 : vector<1x16xf32> to vector<16xf32>
          %mul3A_345 = arith.mulf %get3A_344, %get3A_270 : vector<16xf32>
          %swap3A_346 = arith.index_cast %scan3A_266 : i32 to index
          %swap3A_347 = arith.constant 112 : index
          %swap3A_348 = tpu.vector_load %arg10[%swap3A_346, %swap3A_347] {strides = array<i32>} : memref<125x128xf32, #tpu.memory_space<vmem>>, vector<1x16xf32>,
          %swap3A_349 = vector.shape_cast %swap3A_348 : vector<1x16xf32> to vector<16xf32>
          %swap3A_350 = vector.shape_cast %mul3A_345 : vector<16xf32> to vector<1x16xf32>
          tpu.vector_store %arg10[%swap3A_346, %swap3A_347], %swap3A_350 {strides = array<i32>} : memref<125x128xf32, #tpu.memory_space<vmem>>, vector<1x16xf32>,
          %scan3A_351 = arith.constant 0 : i32
          scf.yield %scan3A_351 : i32
        }
        %scan3A_90 = arith.constant 124 : i32
        %scan3A_91 = arith.addi %scan3A_85, %scan3A_90 : i32
        %get3A = arith.index_cast %scan3A_91 : i32 to index
        %get3A_92 = arith.constant 0 : index
        %get3A_93 = tpu.vector_load %arg9[%get3A, %get3A_92] {strides = array<i32>} : memref<125x16xf32, #tpu.memory_space<vmem>>, vector<1x16xf32>,
        %get3A_94 = vector.shape_cast %get3A_93 : vector<1x16xf32> to vector<16xf32>
        %get3A_95 = arith.index_cast %scan3A_91 : i32 to index
        %get3A_96 = arith.constant 0 : index
        %get3A_97 = tpu.vector_load %arg10[%get3A_95, %get3A_96] {strides = array<i32>} : memref<125x128xf32, #tpu.memory_space<vmem>>, vector<1x16xf32>,
        %get3A_98 = vector.shape_cast %get3A_97 : vector<1x16xf32> to vector<16xf32>
        %mul3A_99 = arith.mulf %get3A_98, %get3A_94 : vector<16xf32>
        %swap3A_100 = arith.index_cast %scan3A_91 : i32 to index
        %swap3A_101 = arith.constant 0 : index
        %swap3A_102 = tpu.vector_load %arg10[%swap3A_100, %swap3A_101] {strides = array<i32>} : memref<125x128xf32, #tpu.memory_space<vmem>>, vector<1x16xf32>,
        %swap3A_103 = vector.shape_cast %swap3A_102 : vector<1x16xf32> to vector<16xf32>
        %swap3A_104 = vector.shape_cast %mul3A_99 : vector<16xf32> to vector<1x16xf32>
        tpu.vector_store %arg10[%swap3A_100, %swap3A_101], %swap3A_104 {strides = array<i32>} : memref<125x128xf32, #tpu.memory_space<vmem>>, vector<1x16xf32>,
        %get3A_105 = arith.index_cast %scan3A_91 : i32 to index
        %get3A_106 = arith.constant 16 : index
        %get3A_107 = tpu.vector_load %arg10[%get3A_105, %get3A_106] {strides = array<i32>} : memref<125x128xf32, #tpu.memory_space<vmem>>, vector<1x16xf32>,
        %get3A_108 = vector.shape_cast %get3A_107 : vector<1x16xf32> to vector<16xf32>
        %mul3A_109 = arith.mulf %get3A_108, %get3A_94 : vector<16xf32>
        %swap3A_110 = arith.index_cast %scan3A_91 : i32 to index
        %swap3A_111 = arith.constant 16 : index
        %swap3A_112 = tpu.vector_load %arg10[%swap3A_110, %swap3A_111] {strides = array<i32>} : memref<125x128xf32, #tpu.memory_space<vmem>>, vector<1x16xf32>,
        %swap3A_113 = vector.shape_cast %swap3A_112 : vector<1x16xf32> to vector<16xf32>
        %swap3A_114 = vector.shape_cast %mul3A_109 : vector<16xf32> to vector<1x16xf32>
        tpu.vector_store %arg10[%swap3A_110, %swap3A_111], %swap3A_114 {strides = array<i32>} : memref<125x128xf32, #tpu.memory_space<vmem>>, vector<1x16xf32>,
        %get3A_115 = arith.index_cast %scan3A_91 : i32 to index
        %get3A_116 = arith.constant 32 : index
        %get3A_117 = tpu.vector_load %arg10[%get3A_115, %get3A_116] {strides = array<i32>} : memref<125x128xf32, #tpu.memory_space<vmem>>, vector<1x16xf32>,
        %get3A_118 = vector.shape_cast %get3A_117 : vector<1x16xf32> to vector<16xf32>
        %mul3A_119 = arith.mulf %get3A_118, %get3A_94 : vector<16xf32>
        %swap3A_120 = arith.index_cast %scan3A_91 : i32 to index
        %swap3A_121 = arith.constant 32 : index
        %swap3A_122 = tpu.vector_load %arg10[%swap3A_120, %swap3A_121] {strides = array<i32>} : memref<125x128xf32, #tpu.memory_space<vmem>>, vector<1x16xf32>,
        %swap3A_123 = vector.shape_cast %swap3A_122 : vector<1x16xf32> to vector<16xf32>
        %swap3A_124 = vector.shape_cast %mul3A_119 : vector<16xf32> to vector<1x16xf32>
        tpu.vector_store %arg10[%swap3A_120, %swap3A_121], %swap3A_124 {strides = array<i32>} : memref<125x128xf32, #tpu.memory_space<vmem>>, vector<1x16xf32>,
        %get3A_125 = arith.index_cast %scan3A_91 : i32 to index
        %get3A_126 = arith.constant 48 : index
        %get3A_127 = tpu.vector_load %arg10[%get3A_125, %get3A_126] {strides = array<i32>} : memref<125x128xf32, #tpu.memory_space<vmem>>, vector<1x16xf32>,
        %get3A_128 = vector.shape_cast %get3A_127 : vector<1x16xf32> to vector<16xf32>
        %mul3A_129 = arith.mulf %get3A_128, %get3A_94 : vector<16xf32>
        %swap3A_130 = arith.index_cast %scan3A_91 : i32 to index
        %swap3A_131 = arith.constant 48 : index
        %swap3A_132 = tpu.vector_load %arg10[%swap3A_130, %swap3A_131] {strides = array<i32>} : memref<125x128xf32, #tpu.memory_space<vmem>>, vector<1x16xf32>,
        %swap3A_133 = vector.shape_cast %swap3A_132 : vector<1x16xf32> to vector<16xf32>
        %swap3A_134 = vector.shape_cast %mul3A_129 : vector<16xf32> to vector<1x16xf32>
        tpu.vector_store %arg10[%swap3A_130, %swap3A_131], %swap3A_134 {strides = array<i32>} : memref<125x128xf32, #tpu.memory_space<vmem>>, vector<1x16xf32>,
        %get3A_135 = arith.index_cast %scan3A_91 : i32 to index
        %get3A_136 = arith.constant 64 : index
        %get3A_137 = tpu.vector_load %arg10[%get3A_135, %get3A_136] {strides = array<i32>} : memref<125x128xf32, #tpu.memory_space<vmem>>, vector<1x16xf32>,
        %get3A_138 = vector.shape_cast %get3A_137 : vector<1x16xf32> to vector<16xf32>
        %mul3A_139 = arith.mulf %get3A_138, %get3A_94 : vector<16xf32>
        %swap3A_140 = arith.index_cast %scan3A_91 : i32 to index
        %swap3A_141 = arith.constant 64 : index
        %swap3A_142 = tpu.vector_load %arg10[%swap3A_140, %swap3A_141] {strides = array<i32>} : memref<125x128xf32, #tpu.memory_space<vmem>>, vector<1x16xf32>,
        %swap3A_143 = vector.shape_cast %swap3A_142 : vector<1x16xf32> to vector<16xf32>
        %swap3A_144 = vector.shape_cast %mul3A_139 : vector<16xf32> to vector<1x16xf32>
        tpu.vector_store %arg10[%swap3A_140, %swap3A_141], %swap3A_144 {strides = array<i32>} : memref<125x128xf32, #tpu.memory_space<vmem>>, vector<1x16xf32>,
        %get3A_145 = arith.index_cast %scan3A_91 : i32 to index
        %get3A_146 = arith.constant 80 : index
        %get3A_147 = tpu.vector_load %arg10[%get3A_145, %get3A_146] {strides = array<i32>} : memref<125x128xf32, #tpu.memory_space<vmem>>, vector<1x16xf32>,
        %get3A_148 = vector.shape_cast %get3A_147 : vector<1x16xf32> to vector<16xf32>
        %mul3A_149 = arith.mulf %get3A_148, %get3A_94 : vector<16xf32>
        %swap3A_150 = arith.index_cast %scan3A_91 : i32 to index
        %swap3A_151 = arith.constant 80 : index
        %swap3A_152 = tpu.vector_load %arg10[%swap3A_150, %swap3A_151] {strides = array<i32>} : memref<125x128xf32, #tpu.memory_space<vmem>>, vector<1x16xf32>,
        %swap3A_153 = vector.shape_cast %swap3A_152 : vector<1x16xf32> to vector<16xf32>
        %swap3A_154 = vector.shape_cast %mul3A_149 : vector<16xf32> to vector<1x16xf32>
        tpu.vector_store %arg10[%swap3A_150, %swap3A_151], %swap3A_154 {strides = array<i32>} : memref<125x128xf32, #tpu.memory_space<vmem>>, vector<1x16xf32>,
        %get3A_155 = arith.index_cast %scan3A_91 : i32 to index
        %get3A_156 = arith.constant 96 : index
        %get3A_157 = tpu.vector_load %arg10[%get3A_155, %get3A_156] {strides = array<i32>} : memref<125x128xf32, #tpu.memory_space<vmem>>, vector<1x16xf32>,
        %get3A_158 = vector.shape_cast %get3A_157 : vector<1x16xf32> to vector<16xf32>
        %mul3A_159 = arith.mulf %get3A_158, %get3A_94 : vector<16xf32>
        %swap3A_160 = arith.index_cast %scan3A_91 : i32 to index
        %swap3A_161 = arith.constant 96 : index
        %swap3A_162 = tpu.vector_load %arg10[%swap3A_160, %swap3A_161] {strides = array<i32>} : memref<125x128xf32, #tpu.memory_space<vmem>>, vector<1x16xf32>,
        %swap3A_163 = vector.shape_cast %swap3A_162 : vector<1x16xf32> to vector<16xf32>
        %swap3A_164 = vector.shape_cast %mul3A_159 : vector<16xf32> to vector<1x16xf32>
        tpu.vector_store %arg10[%swap3A_160, %swap3A_161], %swap3A_164 {strides = array<i32>} : memref<125x128xf32, #tpu.memory_space<vmem>>, vector<1x16xf32>,
        %get3A_165 = arith.index_cast %scan3A_91 : i32 to index
        %get3A_166 = arith.constant 112 : index
        %get3A_167 = tpu.vector_load %arg10[%get3A_165, %get3A_166] {strides = array<i32>} : memref<125x128xf32, #tpu.memory_space<vmem>>, vector<1x16xf32>,
        %get3A_168 = vector.shape_cast %get3A_167 : vector<1x16xf32> to vector<16xf32>
        %mul3A_169 = arith.mulf %get3A_168, %get3A_94 : vector<16xf32>
        %swap3A_170 = arith.index_cast %scan3A_91 : i32 to index
        %swap3A_171 = arith.constant 112 : index
        %swap3A_172 = tpu.vector_load %arg10[%swap3A_170, %swap3A_171] {strides = array<i32>} : memref<125x128xf32, #tpu.memory_space<vmem>>, vector<1x16xf32>,
        %swap3A_173 = vector.shape_cast %swap3A_172 : vector<1x16xf32> to vector<16xf32>
        %swap3A_174 = vector.shape_cast %mul3A_169 : vector<16xf32> to vector<1x16xf32>
        tpu.vector_store %arg10[%swap3A_170, %swap3A_171], %swap3A_174 {strides = array<i32>} : memref<125x128xf32, #tpu.memory_space<vmem>>, vector<1x16xf32>,
        %scan3A_175 = arith.constant 0 : i32
        %scan3A_176 = arith.constant 125 : i32
        "tpu.region"() ({
          %run_scoped3A = tpu.sem_alloc : memref<!tpu.dma_semaphore, #tpu.memory_space<semaphore_mem>>
          %dma_start3A_178 = arith.constant 0 : i32
          %dma_start3A_179 = tpu.memref_slice %arg8[%scan3A_72, %dma_start3A_178] : memref<5x125xi32, #tpu.memory_space<vmem>> -> memref<1x125xi32, #tpu.memory_space<vmem>>
          %dma_start3A_180 = tpu.memref_squeeze %dma_start3A_179 : memref<1x125xi32, #tpu.memory_space<vmem>> -> memref<125xi32, #tpu.memory_space<vmem>>
          %dma_start3A_181 = arith.constant 0 : i32
          %dma_start3A_182 = arith.constant 0 : i32
          %dma_start3A_183 = tpu.memref_slice %arg11[%dma_start3A_181, %dma_start3A_182] : memref<2560x128xf32, #tpu.memory_space<vmem_shared>> -> memref<2560x128xf32, #tpu.memory_space<vmem_shared>>
          tpu.enqueue_indirect_dma source(%arg10 : memref<125x128xf32, #tpu.memory_space<vmem>>) target(%dma_start3A_183 : memref<2560x128xf32, #tpu.memory_space<vmem_shared>>) offsets(%dma_start3A_180 : memref<125xi32, #tpu.memory_space<vmem>>) semaphore(%run_scoped3A : memref<!tpu.dma_semaphore, #tpu.memory_space<semaphore_mem>>) {add = true}
          %dma_wait3A_184 = arith.constant 0 : i32
          %dma_wait3A_185 = tpu.memref_slice %arg8[%scan3A_72, %dma_wait3A_184] : memref<5x125xi32, #tpu.memory_space<vmem>> -> memref<1x125xi32, #tpu.memory_space<vmem>>
          %dma_wait3A_186 = tpu.memref_squeeze %dma_wait3A_185 : memref<1x125xi32, #tpu.memory_space<vmem>> -> memref<125xi32, #tpu.memory_space<vmem>>
          %dma_wait3A_187 = arith.constant 0 : i32
          %dma_wait3A_188 = arith.constant 0 : i32
          %dma_wait3A_189 = tpu.memref_slice %arg11[%dma_wait3A_187, %dma_wait3A_188] : memref<2560x128xf32, #tpu.memory_space<vmem_shared>> -> memref<2560x128xf32, #tpu.memory_space<vmem_shared>>
          tpu.wait_indirect_dma semaphore(%run_scoped3A : memref<!tpu.dma_semaphore, #tpu.memory_space<semaphore_mem>>) src(%arg10 : memref<125x128xf32, #tpu.memory_space<vmem>>) dst(%dma_wait3A_189 : memref<2560x128xf32, #tpu.memory_space<vmem_shared>>)
          tpu.yield
        }) : () -> ()
        %scan3A_177 = arith.constant 0 : i32
        scf.yield %scan3A_177 : i32
      }
      %scan3A_61 = arith.constant 5 : i32
      %barrier3A_62 = arith.constant 0 : index
      tpu.barrier barrier_id(%barrier3A_62)
      %lt3A = arith.constant 9 : i32
      %lt3A_63 = arith.cmpi slt, %arg1, %lt3A : i32
      %convert_element_type3A_64 = arith.extui %lt3A_63 : i1 to i32
      %cond3A_65 = arith.constant 0 : i32
      %cond3A_66 = arith.cmpi ne, %convert_element_type3A_64, %cond3A_65 : i32
      scf.if %cond3A_66 {
        %mul3A_72 = arith.constant 256 : i32
        %mul3A_73 = arith.muli %arg1, %mul3A_72 : i32
        %mul3A_74 = arith.constant 256 : i32
        %mul3A_75 = arith.muli %arg1, %mul3A_74 : i32
        "tpu.region"() ({
          %run_scoped3A = tpu.sem_alloc : memref<!tpu.dma_semaphore, #tpu.memory_space<semaphore_mem>>
          %dma_start3A = arith.constant 0 : i32
          %dma_start3A_76 = tpu.memref_slice %arg6[%mul3A_75, %dma_start3A] : memref<2500x128xf32, #tpu.memory_space<hbm>> -> memref<256x128xf32, #tpu.memory_space<hbm>>
          %dma_start3A_77 = arith.constant 0 : i32
          %dma_start3A_78 = tpu.memref_slice %arg11[%mul3A_73, %dma_start3A_77] : memref<2560x128xf32, #tpu.memory_space<vmem_shared>> -> memref<256x128xf32, #tpu.memory_space<vmem_shared>>
          tpu.enqueue_dma source(%dma_start3A_78 : memref<256x128xf32, #tpu.memory_space<vmem_shared>>) target(%dma_start3A_76 : memref<256x128xf32, #tpu.memory_space<hbm>>) target_semaphore(%run_scoped3A : memref<!tpu.dma_semaphore, #tpu.memory_space<semaphore_mem>>)
          %dma_wait3A = arith.constant 0 : i32
          %dma_wait3A_79 = tpu.memref_slice %arg6[%mul3A_75, %dma_wait3A] : memref<2500x128xf32, #tpu.memory_space<hbm>> -> memref<256x128xf32, #tpu.memory_space<hbm>>
          %dma_wait3A_80 = arith.constant 0 : i32
          %dma_wait3A_81 = tpu.memref_slice %arg11[%mul3A_73, %dma_wait3A_80] : memref<2560x128xf32, #tpu.memory_space<vmem_shared>> -> memref<256x128xf32, #tpu.memory_space<vmem_shared>>
          tpu.wait_dma2 semaphore(%run_scoped3A : memref<!tpu.dma_semaphore, #tpu.memory_space<semaphore_mem>>) src(%dma_wait3A_81 : memref<256x128xf32, #tpu.memory_space<vmem_shared>>) dst(%dma_wait3A_79 : memref<256x128xf32, #tpu.memory_space<hbm>>)
          tpu.yield
        }) : () -> ()
      } else {
      }
      %eq3A_67 = arith.constant 9 : i32
      %eq3A_68 = arith.cmpi eq, %arg1, %eq3A_67 : i32
      %convert_element_type3A_69 = arith.extui %eq3A_68 : i1 to i32
      %cond3A_70 = arith.constant 0 : i32
      %cond3A_71 = arith.cmpi ne, %convert_element_type3A_69, %cond3A_70 : i32
      scf.if %cond3A_71 {
        "tpu.region"() ({
          %run_scoped3A = tpu.sem_alloc : memref<!tpu.dma_semaphore, #tpu.memory_space<semaphore_mem>>
          %dma_start3A = arith.constant 2304 : i32
          %dma_start3A_72 = arith.constant 0 : i32
          %dma_start3A_73 = tpu.memref_slice %arg6[%dma_start3A, %dma_start3A_72] : memref<2500x128xf32, #tpu.memory_space<hbm>> -> memref<196x128xf32, #tpu.memory_space<hbm>>
          %dma_start3A_74 = arith.constant 2304 : i32
          %dma_start3A_75 = arith.constant 0 : i32
          %dma_start3A_76 = tpu.memref_slice %arg11[%dma_start3A_74, %dma_start3A_75] : memref<2560x128xf32, #tpu.memory_space<vmem_shared>> -> memref<196x128xf32, #tpu.memory_space<vmem_shared>>
          tpu.enqueue_dma source(%dma_start3A_76 : memref<196x128xf32, #tpu.memory_space<vmem_shared>>) target(%dma_start3A_73 : memref<196x128xf32, #tpu.memory_space<hbm>>) target_semaphore(%run_scoped3A : memref<!tpu.dma_semaphore, #tpu.memory_space<semaphore_mem>>)
          %dma_wait3A = arith.constant 2304 : i32
          %dma_wait3A_77 = arith.constant 0 : i32
          %dma_wait3A_78 = tpu.memref_slice %arg6[%dma_wait3A, %dma_wait3A_77] : memref<2500x128xf32, #tpu.memory_space<hbm>> -> memref<196x128xf32, #tpu.memory_space<hbm>>
          %dma_wait3A_79 = arith.constant 2304 : i32
          %dma_wait3A_80 = arith.constant 0 : i32
          %dma_wait3A_81 = tpu.memref_slice %arg11[%dma_wait3A_79, %dma_wait3A_80] : memref<2560x128xf32, #tpu.memory_space<vmem_shared>> -> memref<196x128xf32, #tpu.memory_space<vmem_shared>>
          tpu.wait_dma2 semaphore(%run_scoped3A : memref<!tpu.dma_semaphore, #tpu.memory_space<semaphore_mem>>) src(%dma_wait3A_81 : memref<196x128xf32, #tpu.memory_space<vmem_shared>>) dst(%dma_wait3A_78 : memref<196x128xf32, #tpu.memory_space<hbm>>)
          tpu.yield
        }) : () -> ()
      } else {
      }
    } else {
    }
    return
  }
}

#map = affine_map<(d0, d1) -> (0, 0)>
#map1 = affine_map<(d0, d1) -> (0, 0, 0)>
#map2 = affine_map<(d0, d1) -> (0, 0, 0, 0)>
module attributes {stable_mosaic.version = 14 : i64} {
  func.func @spmm(%arg0: i32, %arg1: i32, %arg2: memref<10000x64xf32, #tpu.memory_space<hbm>>, %arg3: memref<10000x64xf32, #tpu.memory_space<hbm>>, %arg4: memref<16x160x128xi32, #tpu.memory_space<hbm>>, %arg5: memref<16x160x128xi32, #tpu.memory_space<hbm>>, %arg6: memref<16x160x128x16xf32, #tpu.memory_space<hbm>>, %arg7: memref<10000x64xf32, #tpu.memory_space<hbm>>, %arg8: memref<10000x64xf32, #tpu.memory_space<hbm>>, %arg9: memref<160x128xi32, #tpu.memory_space<vmem>>, %arg10: memref<160x128xi32, #tpu.memory_space<vmem>>, %arg11: memref<2x128x16xf32, #tpu.memory_space<vmem>>, %arg12: memref<2x128x64xf32, #tpu.memory_space<vmem>>, %arg13: memref<128x16xf32, #tpu.memory_space<vmem>>, %arg14: memref<10240x64xf32, #tpu.memory_space<vmem_shared>>, %arg15: memref<10240x16xf32, #tpu.memory_space<vmem_shared>>, %arg16: memref<!tpu.dma_semaphore, #tpu.memory_space<semaphore_mem>>, %arg17: memref<!tpu.dma_semaphore, #tpu.memory_space<semaphore_mem>>) attributes {dimension_semantics = [#tpu.dimension_semantics<core_parallel>, #tpu.dimension_semantics<subcore_parallel>], iteration_bounds = array<i64: 2, 16>, scalar_prefetch = 0 : i64, scratch_operands = 9 : i64, tpu.core_type = #tpu.core_type<sc_vector_subcore>, window_params = [{transform_indices = #map}, {transform_indices = #map}, {transform_indices = #map1}, {transform_indices = #map1}, {transform_indices = #map2}, {transform_indices = #map}, {transform_indices = #map}]} {
    "tpu.region"() ({
      %run_scoped3A_48 = tpu.sem_alloc : memref<!tpu.dma_semaphore, #tpu.memory_space<semaphore_mem>>
      %dma_start3A = arith.constant 0 : i32
      %dma_start3A_49 = arith.constant 0 : i32
      %dma_start3A_50 = tpu.memref_slice %arg4[%arg1, %dma_start3A, %dma_start3A_49] : memref<16x160x128xi32, #tpu.memory_space<hbm>> -> memref<1x160x128xi32, #tpu.memory_space<hbm>>
      %dma_start3A_51 = tpu.memref_squeeze %dma_start3A_50 : memref<1x160x128xi32, #tpu.memory_space<hbm>> -> memref<160x128xi32, #tpu.memory_space<hbm>>
      %dma_start3A_52 = arith.constant 0 : i32
      %dma_start3A_53 = arith.constant 0 : i32
      %dma_start3A_54 = tpu.memref_slice %arg4[%arg1, %dma_start3A_52, %dma_start3A_53] : memref<16x160x128xi32, #tpu.memory_space<hbm>> -> memref<1x160x128xi32, #tpu.memory_space<hbm>>
      %dma_start3A_55 = tpu.memref_squeeze %dma_start3A_54 : memref<1x160x128xi32, #tpu.memory_space<hbm>> -> memref<160x128xi32, #tpu.memory_space<hbm>>
      tpu.enqueue_dma source(%dma_start3A_55 : memref<160x128xi32, #tpu.memory_space<hbm>>) target(%arg9 : memref<160x128xi32, #tpu.memory_space<vmem>>) target_semaphore(%run_scoped3A_48 : memref<!tpu.dma_semaphore, #tpu.memory_space<semaphore_mem>>)
      %dma_wait3A = arith.constant 0 : i32
      %dma_wait3A_56 = arith.constant 0 : i32
      %dma_wait3A_57 = tpu.memref_slice %arg4[%arg1, %dma_wait3A, %dma_wait3A_56] : memref<16x160x128xi32, #tpu.memory_space<hbm>> -> memref<1x160x128xi32, #tpu.memory_space<hbm>>
      %dma_wait3A_58 = tpu.memref_squeeze %dma_wait3A_57 : memref<1x160x128xi32, #tpu.memory_space<hbm>> -> memref<160x128xi32, #tpu.memory_space<hbm>>
      %dma_wait3A_59 = arith.constant 0 : i32
      %dma_wait3A_60 = arith.constant 0 : i32
      %dma_wait3A_61 = tpu.memref_slice %arg4[%arg1, %dma_wait3A_59, %dma_wait3A_60] : memref<16x160x128xi32, #tpu.memory_space<hbm>> -> memref<1x160x128xi32, #tpu.memory_space<hbm>>
      %dma_wait3A_62 = tpu.memref_squeeze %dma_wait3A_61 : memref<1x160x128xi32, #tpu.memory_space<hbm>> -> memref<160x128xi32, #tpu.memory_space<hbm>>
      tpu.wait_dma2 semaphore(%run_scoped3A_48 : memref<!tpu.dma_semaphore, #tpu.memory_space<semaphore_mem>>) src(%dma_wait3A_62 : memref<160x128xi32, #tpu.memory_space<hbm>>) dst(%arg9 : memref<160x128xi32, #tpu.memory_space<vmem>>)
      tpu.yield
    }) : () -> ()
    "tpu.region"() ({
      %run_scoped3A_48 = tpu.sem_alloc : memref<!tpu.dma_semaphore, #tpu.memory_space<semaphore_mem>>
      %dma_start3A = arith.constant 0 : i32
      %dma_start3A_49 = arith.constant 0 : i32
      %dma_start3A_50 = tpu.memref_slice %arg5[%arg1, %dma_start3A, %dma_start3A_49] : memref<16x160x128xi32, #tpu.memory_space<hbm>> -> memref<1x160x128xi32, #tpu.memory_space<hbm>>
      %dma_start3A_51 = tpu.memref_squeeze %dma_start3A_50 : memref<1x160x128xi32, #tpu.memory_space<hbm>> -> memref<160x128xi32, #tpu.memory_space<hbm>>
      %dma_start3A_52 = arith.constant 0 : i32
      %dma_start3A_53 = arith.constant 0 : i32
      %dma_start3A_54 = tpu.memref_slice %arg5[%arg1, %dma_start3A_52, %dma_start3A_53] : memref<16x160x128xi32, #tpu.memory_space<hbm>> -> memref<1x160x128xi32, #tpu.memory_space<hbm>>
      %dma_start3A_55 = tpu.memref_squeeze %dma_start3A_54 : memref<1x160x128xi32, #tpu.memory_space<hbm>> -> memref<160x128xi32, #tpu.memory_space<hbm>>
      tpu.enqueue_dma source(%dma_start3A_55 : memref<160x128xi32, #tpu.memory_space<hbm>>) target(%arg10 : memref<160x128xi32, #tpu.memory_space<vmem>>) target_semaphore(%run_scoped3A_48 : memref<!tpu.dma_semaphore, #tpu.memory_space<semaphore_mem>>)
      %dma_wait3A = arith.constant 0 : i32
      %dma_wait3A_56 = arith.constant 0 : i32
      %dma_wait3A_57 = tpu.memref_slice %arg5[%arg1, %dma_wait3A, %dma_wait3A_56] : memref<16x160x128xi32, #tpu.memory_space<hbm>> -> memref<1x160x128xi32, #tpu.memory_space<hbm>>
      %dma_wait3A_58 = tpu.memref_squeeze %dma_wait3A_57 : memref<1x160x128xi32, #tpu.memory_space<hbm>> -> memref<160x128xi32, #tpu.memory_space<hbm>>
      %dma_wait3A_59 = arith.constant 0 : i32
      %dma_wait3A_60 = arith.constant 0 : i32
      %dma_wait3A_61 = tpu.memref_slice %arg5[%arg1, %dma_wait3A_59, %dma_wait3A_60] : memref<16x160x128xi32, #tpu.memory_space<hbm>> -> memref<1x160x128xi32, #tpu.memory_space<hbm>>
      %dma_wait3A_62 = tpu.memref_squeeze %dma_wait3A_61 : memref<1x160x128xi32, #tpu.memory_space<hbm>> -> memref<160x128xi32, #tpu.memory_space<hbm>>
      tpu.wait_dma2 semaphore(%run_scoped3A_48 : memref<!tpu.dma_semaphore, #tpu.memory_space<semaphore_mem>>) src(%dma_wait3A_62 : memref<160x128xi32, #tpu.memory_space<hbm>>) dst(%arg10 : memref<160x128xi32, #tpu.memory_space<vmem>>)
      tpu.yield
    }) : () -> ()
    %broadcast_in_dim3A = arith.constant 0.000000e+00 : f32
    %broadcast_in_dim3A_0 = vector.broadcast %broadcast_in_dim3A : f32 to vector<16xf32>
    %scan3A = arith.constant 0 : i32
    %scan3A_1 = arith.constant 0 : i32
    %scan3A_2 = arith.constant 0 : i32
    %scan3A_3 = arith.constant 128 : i32
    %scan3A_4 = arith.addi %scan3A_2, %scan3A_3 : i32
    %scan3A_5 = arith.constant 2 : i32
    %scan3A_6 = scf.for %scan3A_48 = %scan3A_2 to %scan3A_4 step %scan3A_5 iter_args(%scan3A_49 = %scan3A_1) -> (i32)  : i32 {
      %swap3A = arith.constant 0 : i32
      %swap3A_50 = arith.constant 0 : i32
      %swap3A_51 = tpu.memref_slice %arg12[%scan3A, %swap3A, %swap3A_50] : memref<2x128x64xf32, #tpu.memory_space<vmem>> -> memref<1x128x64xf32, #tpu.memory_space<vmem>>
      %swap3A_52 = tpu.memref_squeeze %swap3A_51 : memref<1x128x64xf32, #tpu.memory_space<vmem>> -> memref<128x64xf32, #tpu.memory_space<vmem>>
      %swap3A_53 = arith.index_cast %scan3A_48 : i32 to index
      %swap3A_54 = arith.constant 0 : index
      %swap3A_55 = tpu.vector_load %swap3A_52[%swap3A_53, %swap3A_54] {strides = array<i32>} : memref<128x64xf32, #tpu.memory_space<vmem>>, vector<1x16xf32>,
      %swap3A_56 = vector.shape_cast %swap3A_55 : vector<1x16xf32> to vector<16xf32>
      %swap3A_57 = vector.shape_cast %broadcast_in_dim3A_0 : vector<16xf32> to vector<1x16xf32>
      tpu.vector_store %swap3A_52[%swap3A_53, %swap3A_54], %swap3A_57 {strides = array<i32>} : memref<128x64xf32, #tpu.memory_space<vmem>>, vector<1x16xf32>,
      %swap3A_58 = arith.constant 0 : i32
      %swap3A_59 = arith.constant 0 : i32
      %swap3A_60 = tpu.memref_slice %arg12[%scan3A, %swap3A_58, %swap3A_59] : memref<2x128x64xf32, #tpu.memory_space<vmem>> -> memref<1x128x64xf32, #tpu.memory_space<vmem>>
      %swap3A_61 = tpu.memref_squeeze %swap3A_60 : memref<1x128x64xf32, #tpu.memory_space<vmem>> -> memref<128x64xf32, #tpu.memory_space<vmem>>
      %swap3A_62 = arith.index_cast %scan3A_48 : i32 to index
      %swap3A_63 = arith.constant 16 : index
      %swap3A_64 = tpu.vector_load %swap3A_61[%swap3A_62, %swap3A_63] {strides = array<i32>} : memref<128x64xf32, #tpu.memory_space<vmem>>, vector<1x16xf32>,
      %swap3A_65 = vector.shape_cast %swap3A_64 : vector<1x16xf32> to vector<16xf32>
      %swap3A_66 = vector.shape_cast %broadcast_in_dim3A_0 : vector<16xf32> to vector<1x16xf32>
      tpu.vector_store %swap3A_61[%swap3A_62, %swap3A_63], %swap3A_66 {strides = array<i32>} : memref<128x64xf32, #tpu.memory_space<vmem>>, vector<1x16xf32>,
      %swap3A_67 = arith.constant 0 : i32
      %swap3A_68 = arith.constant 0 : i32
      %swap3A_69 = tpu.memref_slice %arg12[%scan3A, %swap3A_67, %swap3A_68] : memref<2x128x64xf32, #tpu.memory_space<vmem>> -> memref<1x128x64xf32, #tpu.memory_space<vmem>>
      %swap3A_70 = tpu.memref_squeeze %swap3A_69 : memref<1x128x64xf32, #tpu.memory_space<vmem>> -> memref<128x64xf32, #tpu.memory_space<vmem>>
      %swap3A_71 = arith.index_cast %scan3A_48 : i32 to index
      %swap3A_72 = arith.constant 32 : index
      %swap3A_73 = tpu.vector_load %swap3A_70[%swap3A_71, %swap3A_72] {strides = array<i32>} : memref<128x64xf32, #tpu.memory_space<vmem>>, vector<1x16xf32>,
      %swap3A_74 = vector.shape_cast %swap3A_73 : vector<1x16xf32> to vector<16xf32>
      %swap3A_75 = vector.shape_cast %broadcast_in_dim3A_0 : vector<16xf32> to vector<1x16xf32>
      tpu.vector_store %swap3A_70[%swap3A_71, %swap3A_72], %swap3A_75 {strides = array<i32>} : memref<128x64xf32, #tpu.memory_space<vmem>>, vector<1x16xf32>,
      %swap3A_76 = arith.constant 0 : i32
      %swap3A_77 = arith.constant 0 : i32
      %swap3A_78 = tpu.memref_slice %arg12[%scan3A, %swap3A_76, %swap3A_77] : memref<2x128x64xf32, #tpu.memory_space<vmem>> -> memref<1x128x64xf32, #tpu.memory_space<vmem>>
      %swap3A_79 = tpu.memref_squeeze %swap3A_78 : memref<1x128x64xf32, #tpu.memory_space<vmem>> -> memref<128x64xf32, #tpu.memory_space<vmem>>
      %swap3A_80 = arith.index_cast %scan3A_48 : i32 to index
      %swap3A_81 = arith.constant 48 : index
      %swap3A_82 = tpu.vector_load %swap3A_79[%swap3A_80, %swap3A_81] {strides = array<i32>} : memref<128x64xf32, #tpu.memory_space<vmem>>, vector<1x16xf32>,
      %swap3A_83 = vector.shape_cast %swap3A_82 : vector<1x16xf32> to vector<16xf32>
      %swap3A_84 = vector.shape_cast %broadcast_in_dim3A_0 : vector<16xf32> to vector<1x16xf32>
      tpu.vector_store %swap3A_79[%swap3A_80, %swap3A_81], %swap3A_84 {strides = array<i32>} : memref<128x64xf32, #tpu.memory_space<vmem>>, vector<1x16xf32>,
      %scan3A_85 = arith.constant 0 : i32
      %scan3A_86 = arith.constant 1 : i32
      %scan3A_87 = arith.addi %scan3A_48, %scan3A_86 : i32
      %swap3A_88 = arith.constant 0 : i32
      %swap3A_89 = arith.constant 0 : i32
      %swap3A_90 = tpu.memref_slice %arg12[%scan3A, %swap3A_88, %swap3A_89] : memref<2x128x64xf32, #tpu.memory_space<vmem>> -> memref<1x128x64xf32, #tpu.memory_space<vmem>>
      %swap3A_91 = tpu.memref_squeeze %swap3A_90 : memref<1x128x64xf32, #tpu.memory_space<vmem>> -> memref<128x64xf32, #tpu.memory_space<vmem>>
      %swap3A_92 = arith.index_cast %scan3A_87 : i32 to index
      %swap3A_93 = arith.constant 0 : index
      %swap3A_94 = tpu.vector_load %swap3A_91[%swap3A_92, %swap3A_93] {strides = array<i32>} : memref<128x64xf32, #tpu.memory_space<vmem>>, vector<1x16xf32>,
      %swap3A_95 = vector.shape_cast %swap3A_94 : vector<1x16xf32> to vector<16xf32>
      %swap3A_96 = vector.shape_cast %broadcast_in_dim3A_0 : vector<16xf32> to vector<1x16xf32>
      tpu.vector_store %swap3A_91[%swap3A_92, %swap3A_93], %swap3A_96 {strides = array<i32>} : memref<128x64xf32, #tpu.memory_space<vmem>>, vector<1x16xf32>,
      %swap3A_97 = arith.constant 0 : i32
      %swap3A_98 = arith.constant 0 : i32
      %swap3A_99 = tpu.memref_slice %arg12[%scan3A, %swap3A_97, %swap3A_98] : memref<2x128x64xf32, #tpu.memory_space<vmem>> -> memref<1x128x64xf32, #tpu.memory_space<vmem>>
      %swap3A_100 = tpu.memref_squeeze %swap3A_99 : memref<1x128x64xf32, #tpu.memory_space<vmem>> -> memref<128x64xf32, #tpu.memory_space<vmem>>
      %swap3A_101 = arith.index_cast %scan3A_87 : i32 to index
      %swap3A_102 = arith.constant 16 : index
      %swap3A_103 = tpu.vector_load %swap3A_100[%swap3A_101, %swap3A_102] {strides = array<i32>} : memref<128x64xf32, #tpu.memory_space<vmem>>, vector<1x16xf32>,
      %swap3A_104 = vector.shape_cast %swap3A_103 : vector<1x16xf32> to vector<16xf32>
      %swap3A_105 = vector.shape_cast %broadcast_in_dim3A_0 : vector<16xf32> to vector<1x16xf32>
      tpu.vector_store %swap3A_100[%swap3A_101, %swap3A_102], %swap3A_105 {strides = array<i32>} : memref<128x64xf32, #tpu.memory_space<vmem>>, vector<1x16xf32>,
      %swap3A_106 = arith.constant 0 : i32
      %swap3A_107 = arith.constant 0 : i32
      %swap3A_108 = tpu.memref_slice %arg12[%scan3A, %swap3A_106, %swap3A_107] : memref<2x128x64xf32, #tpu.memory_space<vmem>> -> memref<1x128x64xf32, #tpu.memory_space<vmem>>
      %swap3A_109 = tpu.memref_squeeze %swap3A_108 : memref<1x128x64xf32, #tpu.memory_space<vmem>> -> memref<128x64xf32, #tpu.memory_space<vmem>>
      %swap3A_110 = arith.index_cast %scan3A_87 : i32 to index
      %swap3A_111 = arith.constant 32 : index
      %swap3A_112 = tpu.vector_load %swap3A_109[%swap3A_110, %swap3A_111] {strides = array<i32>} : memref<128x64xf32, #tpu.memory_space<vmem>>, vector<1x16xf32>,
      %swap3A_113 = vector.shape_cast %swap3A_112 : vector<1x16xf32> to vector<16xf32>
      %swap3A_114 = vector.shape_cast %broadcast_in_dim3A_0 : vector<16xf32> to vector<1x16xf32>
      tpu.vector_store %swap3A_109[%swap3A_110, %swap3A_111], %swap3A_114 {strides = array<i32>} : memref<128x64xf32, #tpu.memory_space<vmem>>, vector<1x16xf32>,
      %swap3A_115 = arith.constant 0 : i32
      %swap3A_116 = arith.constant 0 : i32
      %swap3A_117 = tpu.memref_slice %arg12[%scan3A, %swap3A_115, %swap3A_116] : memref<2x128x64xf32, #tpu.memory_space<vmem>> -> memref<1x128x64xf32, #tpu.memory_space<vmem>>
      %swap3A_118 = tpu.memref_squeeze %swap3A_117 : memref<1x128x64xf32, #tpu.memory_space<vmem>> -> memref<128x64xf32, #tpu.memory_space<vmem>>
      %swap3A_119 = arith.index_cast %scan3A_87 : i32 to index
      %swap3A_120 = arith.constant 48 : index
      %swap3A_121 = tpu.vector_load %swap3A_118[%swap3A_119, %swap3A_120] {strides = array<i32>} : memref<128x64xf32, #tpu.memory_space<vmem>>, vector<1x16xf32>,
      %swap3A_122 = vector.shape_cast %swap3A_121 : vector<1x16xf32> to vector<16xf32>
      %swap3A_123 = vector.shape_cast %broadcast_in_dim3A_0 : vector<16xf32> to vector<1x16xf32>
      tpu.vector_store %swap3A_118[%swap3A_119, %swap3A_120], %swap3A_123 {strides = array<i32>} : memref<128x64xf32, #tpu.memory_space<vmem>>, vector<1x16xf32>,
      %scan3A_124 = arith.constant 0 : i32
      scf.yield %scan3A_124 : i32
    }
    %scan3A_7 = arith.constant 128 : i32
    %mul3A = arith.constant 640 : i32
    %mul3A_8 = arith.muli %arg1, %mul3A : i32
    %add3A = arith.constant 0 : i32
    %add3A_9 = arith.addi %mul3A_8, %add3A : i32
    %run_scoped3A = arith.constant 0 : i32
    "tpu.region"() ({
      %run_scoped3A_48 = tpu.sem_alloc : memref<!tpu.dma_semaphore, #tpu.memory_space<semaphore_mem>>
      %dma_start3A = arith.constant 0 : i32
      %dma_start3A_49 = arith.constant 0 : i32
      %dma_start3A_50 = tpu.memref_slice %arg12[%run_scoped3A, %dma_start3A, %dma_start3A_49] : memref<2x128x64xf32, #tpu.memory_space<vmem>> -> memref<1x128x64xf32, #tpu.memory_space<vmem>>
      %dma_start3A_51 = tpu.memref_squeeze %dma_start3A_50 : memref<1x128x64xf32, #tpu.memory_space<vmem>> -> memref<128x64xf32, #tpu.memory_space<vmem>>
      %dma_start3A_52 = arith.constant 0 : i32
      %dma_start3A_53 = tpu.memref_slice %arg14[%add3A_9, %dma_start3A_52] : memref<10240x64xf32, #tpu.memory_space<vmem_shared>> -> memref<128x64xf32, #tpu.memory_space<vmem_shared>>
      %dma_start3A_54 = arith.constant 0 : i32
      %dma_start3A_55 = tpu.memref_slice %arg14[%add3A_9, %dma_start3A_54] : memref<10240x64xf32, #tpu.memory_space<vmem_shared>> -> memref<128x64xf32, #tpu.memory_space<vmem_shared>>
      %dma_start3A_56 = arith.constant 0 : i32
      %dma_start3A_57 = arith.constant 0 : i32
      %dma_start3A_58 = tpu.memref_slice %arg12[%run_scoped3A, %dma_start3A_56, %dma_start3A_57] : memref<2x128x64xf32, #tpu.memory_space<vmem>> -> memref<1x128x64xf32, #tpu.memory_space<vmem>>
      %dma_start3A_59 = tpu.memref_squeeze %dma_start3A_58 : memref<1x128x64xf32, #tpu.memory_space<vmem>> -> memref<128x64xf32, #tpu.memory_space<vmem>>
      tpu.enqueue_dma source(%dma_start3A_59 : memref<128x64xf32, #tpu.memory_space<vmem>>) target(%dma_start3A_55 : memref<128x64xf32, #tpu.memory_space<vmem_shared>>) target_semaphore(%run_scoped3A_48 : memref<!tpu.dma_semaphore, #tpu.memory_space<semaphore_mem>>)
      %dma_wait3A = arith.constant 0 : i32
      %dma_wait3A_60 = arith.constant 0 : i32
      %dma_wait3A_61 = tpu.memref_slice %arg12[%run_scoped3A, %dma_wait3A, %dma_wait3A_60] : memref<2x128x64xf32, #tpu.memory_space<vmem>> -> memref<1x128x64xf32, #tpu.memory_space<vmem>>
      %dma_wait3A_62 = tpu.memref_squeeze %dma_wait3A_61 : memref<1x128x64xf32, #tpu.memory_space<vmem>> -> memref<128x64xf32, #tpu.memory_space<vmem>>
      %dma_wait3A_63 = arith.constant 0 : i32
      %dma_wait3A_64 = tpu.memref_slice %arg14[%add3A_9, %dma_wait3A_63] : memref<10240x64xf32, #tpu.memory_space<vmem_shared>> -> memref<128x64xf32, #tpu.memory_space<vmem_shared>>
      %dma_wait3A_65 = arith.constant 0 : i32
      %dma_wait3A_66 = tpu.memref_slice %arg14[%add3A_9, %dma_wait3A_65] : memref<10240x64xf32, #tpu.memory_space<vmem_shared>> -> memref<128x64xf32, #tpu.memory_space<vmem_shared>>
      %dma_wait3A_67 = arith.constant 0 : i32
      %dma_wait3A_68 = arith.constant 0 : i32
      %dma_wait3A_69 = tpu.memref_slice %arg12[%run_scoped3A, %dma_wait3A_67, %dma_wait3A_68] : memref<2x128x64xf32, #tpu.memory_space<vmem>> -> memref<1x128x64xf32, #tpu.memory_space<vmem>>
      %dma_wait3A_70 = tpu.memref_squeeze %dma_wait3A_69 : memref<1x128x64xf32, #tpu.memory_space<vmem>> -> memref<128x64xf32, #tpu.memory_space<vmem>>
      tpu.wait_dma2 semaphore(%run_scoped3A_48 : memref<!tpu.dma_semaphore, #tpu.memory_space<semaphore_mem>>) src(%dma_wait3A_70 : memref<128x64xf32, #tpu.memory_space<vmem>>) dst(%dma_wait3A_66 : memref<128x64xf32, #tpu.memory_space<vmem_shared>>)
      tpu.yield
    }) : () -> ()
    %mul3A_10 = arith.constant 640 : i32
    %mul3A_11 = arith.muli %arg1, %mul3A_10 : i32
    %add3A_12 = arith.constant 128 : i32
    %add3A_13 = arith.addi %mul3A_11, %add3A_12 : i32
    %run_scoped3A_14 = arith.constant 0 : i32
    "tpu.region"() ({
      %run_scoped3A_48 = tpu.sem_alloc : memref<!tpu.dma_semaphore, #tpu.memory_space<semaphore_mem>>
      %dma_start3A = arith.constant 0 : i32
      %dma_start3A_49 = arith.constant 0 : i32
      %dma_start3A_50 = tpu.memref_slice %arg12[%run_scoped3A_14, %dma_start3A, %dma_start3A_49] : memref<2x128x64xf32, #tpu.memory_space<vmem>> -> memref<1x128x64xf32, #tpu.memory_space<vmem>>
      %dma_start3A_51 = tpu.memref_squeeze %dma_start3A_50 : memref<1x128x64xf32, #tpu.memory_space<vmem>> -> memref<128x64xf32, #tpu.memory_space<vmem>>
      %dma_start3A_52 = arith.constant 0 : i32
      %dma_start3A_53 = tpu.memref_slice %arg14[%add3A_13, %dma_start3A_52] : memref<10240x64xf32, #tpu.memory_space<vmem_shared>> -> memref<128x64xf32, #tpu.memory_space<vmem_shared>>
      %dma_start3A_54 = arith.constant 0 : i32
      %dma_start3A_55 = tpu.memref_slice %arg14[%add3A_13, %dma_start3A_54] : memref<10240x64xf32, #tpu.memory_space<vmem_shared>> -> memref<128x64xf32, #tpu.memory_space<vmem_shared>>
      %dma_start3A_56 = arith.constant 0 : i32
      %dma_start3A_57 = arith.constant 0 : i32
      %dma_start3A_58 = tpu.memref_slice %arg12[%run_scoped3A_14, %dma_start3A_56, %dma_start3A_57] : memref<2x128x64xf32, #tpu.memory_space<vmem>> -> memref<1x128x64xf32, #tpu.memory_space<vmem>>
      %dma_start3A_59 = tpu.memref_squeeze %dma_start3A_58 : memref<1x128x64xf32, #tpu.memory_space<vmem>> -> memref<128x64xf32, #tpu.memory_space<vmem>>
      tpu.enqueue_dma source(%dma_start3A_59 : memref<128x64xf32, #tpu.memory_space<vmem>>) target(%dma_start3A_55 : memref<128x64xf32, #tpu.memory_space<vmem_shared>>) target_semaphore(%run_scoped3A_48 : memref<!tpu.dma_semaphore, #tpu.memory_space<semaphore_mem>>)
      %dma_wait3A = arith.constant 0 : i32
      %dma_wait3A_60 = arith.constant 0 : i32
      %dma_wait3A_61 = tpu.memref_slice %arg12[%run_scoped3A_14, %dma_wait3A, %dma_wait3A_60] : memref<2x128x64xf32, #tpu.memory_space<vmem>> -> memref<1x128x64xf32, #tpu.memory_space<vmem>>
      %dma_wait3A_62 = tpu.memref_squeeze %dma_wait3A_61 : memref<1x128x64xf32, #tpu.memory_space<vmem>> -> memref<128x64xf32, #tpu.memory_space<vmem>>
      %dma_wait3A_63 = arith.constant 0 : i32
      %dma_wait3A_64 = tpu.memref_slice %arg14[%add3A_13, %dma_wait3A_63] : memref<10240x64xf32, #tpu.memory_space<vmem_shared>> -> memref<128x64xf32, #tpu.memory_space<vmem_shared>>
      %dma_wait3A_65 = arith.constant 0 : i32
      %dma_wait3A_66 = tpu.memref_slice %arg14[%add3A_13, %dma_wait3A_65] : memref<10240x64xf32, #tpu.memory_space<vmem_shared>> -> memref<128x64xf32, #tpu.memory_space<vmem_shared>>
      %dma_wait3A_67 = arith.constant 0 : i32
      %dma_wait3A_68 = arith.constant 0 : i32
      %dma_wait3A_69 = tpu.memref_slice %arg12[%run_scoped3A_14, %dma_wait3A_67, %dma_wait3A_68] : memref<2x128x64xf32, #tpu.memory_space<vmem>> -> memref<1x128x64xf32, #tpu.memory_space<vmem>>
      %dma_wait3A_70 = tpu.memref_squeeze %dma_wait3A_69 : memref<1x128x64xf32, #tpu.memory_space<vmem>> -> memref<128x64xf32, #tpu.memory_space<vmem>>
      tpu.wait_dma2 semaphore(%run_scoped3A_48 : memref<!tpu.dma_semaphore, #tpu.memory_space<semaphore_mem>>) src(%dma_wait3A_70 : memref<128x64xf32, #tpu.memory_space<vmem>>) dst(%dma_wait3A_66 : memref<128x64xf32, #tpu.memory_space<vmem_shared>>)
      tpu.yield
    }) : () -> ()
    %mul3A_15 = arith.constant 640 : i32
    %mul3A_16 = arith.muli %arg1, %mul3A_15 : i32
    %add3A_17 = arith.constant 256 : i32
    %add3A_18 = arith.addi %mul3A_16, %add3A_17 : i32
    %run_scoped3A_19 = arith.constant 0 : i32
    "tpu.region"() ({
      %run_scoped3A_48 = tpu.sem_alloc : memref<!tpu.dma_semaphore, #tpu.memory_space<semaphore_mem>>
      %dma_start3A = arith.constant 0 : i32
      %dma_start3A_49 = arith.constant 0 : i32
      %dma_start3A_50 = tpu.memref_slice %arg12[%run_scoped3A_19, %dma_start3A, %dma_start3A_49] : memref<2x128x64xf32, #tpu.memory_space<vmem>> -> memref<1x128x64xf32, #tpu.memory_space<vmem>>
      %dma_start3A_51 = tpu.memref_squeeze %dma_start3A_50 : memref<1x128x64xf32, #tpu.memory_space<vmem>> -> memref<128x64xf32, #tpu.memory_space<vmem>>
      %dma_start3A_52 = arith.constant 0 : i32
      %dma_start3A_53 = tpu.memref_slice %arg14[%add3A_18, %dma_start3A_52] : memref<10240x64xf32, #tpu.memory_space<vmem_shared>> -> memref<128x64xf32, #tpu.memory_space<vmem_shared>>
      %dma_start3A_54 = arith.constant 0 : i32
      %dma_start3A_55 = tpu.memref_slice %arg14[%add3A_18, %dma_start3A_54] : memref<10240x64xf32, #tpu.memory_space<vmem_shared>> -> memref<128x64xf32, #tpu.memory_space<vmem_shared>>
      %dma_start3A_56 = arith.constant 0 : i32
      %dma_start3A_57 = arith.constant 0 : i32
      %dma_start3A_58 = tpu.memref_slice %arg12[%run_scoped3A_19, %dma_start3A_56, %dma_start3A_57] : memref<2x128x64xf32, #tpu.memory_space<vmem>> -> memref<1x128x64xf32, #tpu.memory_space<vmem>>
      %dma_start3A_59 = tpu.memref_squeeze %dma_start3A_58 : memref<1x128x64xf32, #tpu.memory_space<vmem>> -> memref<128x64xf32, #tpu.memory_space<vmem>>
      tpu.enqueue_dma source(%dma_start3A_59 : memref<128x64xf32, #tpu.memory_space<vmem>>) target(%dma_start3A_55 : memref<128x64xf32, #tpu.memory_space<vmem_shared>>) target_semaphore(%run_scoped3A_48 : memref<!tpu.dma_semaphore, #tpu.memory_space<semaphore_mem>>)
      %dma_wait3A = arith.constant 0 : i32
      %dma_wait3A_60 = arith.constant 0 : i32
      %dma_wait3A_61 = tpu.memref_slice %arg12[%run_scoped3A_19, %dma_wait3A, %dma_wait3A_60] : memref<2x128x64xf32, #tpu.memory_space<vmem>> -> memref<1x128x64xf32, #tpu.memory_space<vmem>>
      %dma_wait3A_62 = tpu.memref_squeeze %dma_wait3A_61 : memref<1x128x64xf32, #tpu.memory_space<vmem>> -> memref<128x64xf32, #tpu.memory_space<vmem>>
      %dma_wait3A_63 = arith.constant 0 : i32
      %dma_wait3A_64 = tpu.memref_slice %arg14[%add3A_18, %dma_wait3A_63] : memref<10240x64xf32, #tpu.memory_space<vmem_shared>> -> memref<128x64xf32, #tpu.memory_space<vmem_shared>>
      %dma_wait3A_65 = arith.constant 0 : i32
      %dma_wait3A_66 = tpu.memref_slice %arg14[%add3A_18, %dma_wait3A_65] : memref<10240x64xf32, #tpu.memory_space<vmem_shared>> -> memref<128x64xf32, #tpu.memory_space<vmem_shared>>
      %dma_wait3A_67 = arith.constant 0 : i32
      %dma_wait3A_68 = arith.constant 0 : i32
      %dma_wait3A_69 = tpu.memref_slice %arg12[%run_scoped3A_19, %dma_wait3A_67, %dma_wait3A_68] : memref<2x128x64xf32, #tpu.memory_space<vmem>> -> memref<1x128x64xf32, #tpu.memory_space<vmem>>
      %dma_wait3A_70 = tpu.memref_squeeze %dma_wait3A_69 : memref<1x128x64xf32, #tpu.memory_space<vmem>> -> memref<128x64xf32, #tpu.memory_space<vmem>>
      tpu.wait_dma2 semaphore(%run_scoped3A_48 : memref<!tpu.dma_semaphore, #tpu.memory_space<semaphore_mem>>) src(%dma_wait3A_70 : memref<128x64xf32, #tpu.memory_space<vmem>>) dst(%dma_wait3A_66 : memref<128x64xf32, #tpu.memory_space<vmem_shared>>)
      tpu.yield
    }) : () -> ()
    %mul3A_20 = arith.constant 640 : i32
    %mul3A_21 = arith.muli %arg1, %mul3A_20 : i32
    %add3A_22 = arith.constant 384 : i32
    %add3A_23 = arith.addi %mul3A_21, %add3A_22 : i32
    %run_scoped3A_24 = arith.constant 0 : i32
    "tpu.region"() ({
      %run_scoped3A_48 = tpu.sem_alloc : memref<!tpu.dma_semaphore, #tpu.memory_space<semaphore_mem>>
      %dma_start3A = arith.constant 0 : i32
      %dma_start3A_49 = arith.constant 0 : i32
      %dma_start3A_50 = tpu.memref_slice %arg12[%run_scoped3A_24, %dma_start3A, %dma_start3A_49] : memref<2x128x64xf32, #tpu.memory_space<vmem>> -> memref<1x128x64xf32, #tpu.memory_space<vmem>>
      %dma_start3A_51 = tpu.memref_squeeze %dma_start3A_50 : memref<1x128x64xf32, #tpu.memory_space<vmem>> -> memref<128x64xf32, #tpu.memory_space<vmem>>
      %dma_start3A_52 = arith.constant 0 : i32
      %dma_start3A_53 = tpu.memref_slice %arg14[%add3A_23, %dma_start3A_52] : memref<10240x64xf32, #tpu.memory_space<vmem_shared>> -> memref<128x64xf32, #tpu.memory_space<vmem_shared>>
      %dma_start3A_54 = arith.constant 0 : i32
      %dma_start3A_55 = tpu.memref_slice %arg14[%add3A_23, %dma_start3A_54] : memref<10240x64xf32, #tpu.memory_space<vmem_shared>> -> memref<128x64xf32, #tpu.memory_space<vmem_shared>>
      %dma_start3A_56 = arith.constant 0 : i32
      %dma_start3A_57 = arith.constant 0 : i32
      %dma_start3A_58 = tpu.memref_slice %arg12[%run_scoped3A_24, %dma_start3A_56, %dma_start3A_57] : memref<2x128x64xf32, #tpu.memory_space<vmem>> -> memref<1x128x64xf32, #tpu.memory_space<vmem>>
      %dma_start3A_59 = tpu.memref_squeeze %dma_start3A_58 : memref<1x128x64xf32, #tpu.memory_space<vmem>> -> memref<128x64xf32, #tpu.memory_space<vmem>>
      tpu.enqueue_dma source(%dma_start3A_59 : memref<128x64xf32, #tpu.memory_space<vmem>>) target(%dma_start3A_55 : memref<128x64xf32, #tpu.memory_space<vmem_shared>>) target_semaphore(%run_scoped3A_48 : memref<!tpu.dma_semaphore, #tpu.memory_space<semaphore_mem>>)
      %dma_wait3A = arith.constant 0 : i32
      %dma_wait3A_60 = arith.constant 0 : i32
      %dma_wait3A_61 = tpu.memref_slice %arg12[%run_scoped3A_24, %dma_wait3A, %dma_wait3A_60] : memref<2x128x64xf32, #tpu.memory_space<vmem>> -> memref<1x128x64xf32, #tpu.memory_space<vmem>>
      %dma_wait3A_62 = tpu.memref_squeeze %dma_wait3A_61 : memref<1x128x64xf32, #tpu.memory_space<vmem>> -> memref<128x64xf32, #tpu.memory_space<vmem>>
      %dma_wait3A_63 = arith.constant 0 : i32
      %dma_wait3A_64 = tpu.memref_slice %arg14[%add3A_23, %dma_wait3A_63] : memref<10240x64xf32, #tpu.memory_space<vmem_shared>> -> memref<128x64xf32, #tpu.memory_space<vmem_shared>>
      %dma_wait3A_65 = arith.constant 0 : i32
      %dma_wait3A_66 = tpu.memref_slice %arg14[%add3A_23, %dma_wait3A_65] : memref<10240x64xf32, #tpu.memory_space<vmem_shared>> -> memref<128x64xf32, #tpu.memory_space<vmem_shared>>
      %dma_wait3A_67 = arith.constant 0 : i32
      %dma_wait3A_68 = arith.constant 0 : i32
      %dma_wait3A_69 = tpu.memref_slice %arg12[%run_scoped3A_24, %dma_wait3A_67, %dma_wait3A_68] : memref<2x128x64xf32, #tpu.memory_space<vmem>> -> memref<1x128x64xf32, #tpu.memory_space<vmem>>
      %dma_wait3A_70 = tpu.memref_squeeze %dma_wait3A_69 : memref<1x128x64xf32, #tpu.memory_space<vmem>> -> memref<128x64xf32, #tpu.memory_space<vmem>>
      tpu.wait_dma2 semaphore(%run_scoped3A_48 : memref<!tpu.dma_semaphore, #tpu.memory_space<semaphore_mem>>) src(%dma_wait3A_70 : memref<128x64xf32, #tpu.memory_space<vmem>>) dst(%dma_wait3A_66 : memref<128x64xf32, #tpu.memory_space<vmem_shared>>)
      tpu.yield
    }) : () -> ()
    %mul3A_25 = arith.constant 640 : i32
    %mul3A_26 = arith.muli %arg1, %mul3A_25 : i32
    %add3A_27 = arith.constant 512 : i32
    %add3A_28 = arith.addi %mul3A_26, %add3A_27 : i32
    %run_scoped3A_29 = arith.constant 0 : i32
    "tpu.region"() ({
      %run_scoped3A_48 = tpu.sem_alloc : memref<!tpu.dma_semaphore, #tpu.memory_space<semaphore_mem>>
      %dma_start3A = arith.constant 0 : i32
      %dma_start3A_49 = arith.constant 0 : i32
      %dma_start3A_50 = tpu.memref_slice %arg12[%run_scoped3A_29, %dma_start3A, %dma_start3A_49] : memref<2x128x64xf32, #tpu.memory_space<vmem>> -> memref<1x128x64xf32, #tpu.memory_space<vmem>>
      %dma_start3A_51 = tpu.memref_squeeze %dma_start3A_50 : memref<1x128x64xf32, #tpu.memory_space<vmem>> -> memref<128x64xf32, #tpu.memory_space<vmem>>
      %dma_start3A_52 = arith.constant 0 : i32
      %dma_start3A_53 = tpu.memref_slice %arg14[%add3A_28, %dma_start3A_52] : memref<10240x64xf32, #tpu.memory_space<vmem_shared>> -> memref<128x64xf32, #tpu.memory_space<vmem_shared>>
      %dma_start3A_54 = arith.constant 0 : i32
      %dma_start3A_55 = tpu.memref_slice %arg14[%add3A_28, %dma_start3A_54] : memref<10240x64xf32, #tpu.memory_space<vmem_shared>> -> memref<128x64xf32, #tpu.memory_space<vmem_shared>>
      %dma_start3A_56 = arith.constant 0 : i32
      %dma_start3A_57 = arith.constant 0 : i32
      %dma_start3A_58 = tpu.memref_slice %arg12[%run_scoped3A_29, %dma_start3A_56, %dma_start3A_57] : memref<2x128x64xf32, #tpu.memory_space<vmem>> -> memref<1x128x64xf32, #tpu.memory_space<vmem>>
      %dma_start3A_59 = tpu.memref_squeeze %dma_start3A_58 : memref<1x128x64xf32, #tpu.memory_space<vmem>> -> memref<128x64xf32, #tpu.memory_space<vmem>>
      tpu.enqueue_dma source(%dma_start3A_59 : memref<128x64xf32, #tpu.memory_space<vmem>>) target(%dma_start3A_55 : memref<128x64xf32, #tpu.memory_space<vmem_shared>>) target_semaphore(%run_scoped3A_48 : memref<!tpu.dma_semaphore, #tpu.memory_space<semaphore_mem>>)
      %dma_wait3A = arith.constant 0 : i32
      %dma_wait3A_60 = arith.constant 0 : i32
      %dma_wait3A_61 = tpu.memref_slice %arg12[%run_scoped3A_29, %dma_wait3A, %dma_wait3A_60] : memref<2x128x64xf32, #tpu.memory_space<vmem>> -> memref<1x128x64xf32, #tpu.memory_space<vmem>>
      %dma_wait3A_62 = tpu.memref_squeeze %dma_wait3A_61 : memref<1x128x64xf32, #tpu.memory_space<vmem>> -> memref<128x64xf32, #tpu.memory_space<vmem>>
      %dma_wait3A_63 = arith.constant 0 : i32
      %dma_wait3A_64 = tpu.memref_slice %arg14[%add3A_28, %dma_wait3A_63] : memref<10240x64xf32, #tpu.memory_space<vmem_shared>> -> memref<128x64xf32, #tpu.memory_space<vmem_shared>>
      %dma_wait3A_65 = arith.constant 0 : i32
      %dma_wait3A_66 = tpu.memref_slice %arg14[%add3A_28, %dma_wait3A_65] : memref<10240x64xf32, #tpu.memory_space<vmem_shared>> -> memref<128x64xf32, #tpu.memory_space<vmem_shared>>
      %dma_wait3A_67 = arith.constant 0 : i32
      %dma_wait3A_68 = arith.constant 0 : i32
      %dma_wait3A_69 = tpu.memref_slice %arg12[%run_scoped3A_29, %dma_wait3A_67, %dma_wait3A_68] : memref<2x128x64xf32, #tpu.memory_space<vmem>> -> memref<1x128x64xf32, #tpu.memory_space<vmem>>
      %dma_wait3A_70 = tpu.memref_squeeze %dma_wait3A_69 : memref<1x128x64xf32, #tpu.memory_space<vmem>> -> memref<128x64xf32, #tpu.memory_space<vmem>>
      tpu.wait_dma2 semaphore(%run_scoped3A_48 : memref<!tpu.dma_semaphore, #tpu.memory_space<semaphore_mem>>) src(%dma_wait3A_70 : memref<128x64xf32, #tpu.memory_space<vmem>>) dst(%dma_wait3A_66 : memref<128x64xf32, #tpu.memory_space<vmem_shared>>)
      tpu.yield
    }) : () -> ()
    %barrier3A = arith.constant 0 : index
    tpu.barrier barrier_id(%barrier3A)
    %eq3A = arith.constant 0 : i32
    %eq3A_30 = arith.cmpi eq, %arg0, %eq3A : i32
    %convert_element_type3A = arith.extui %eq3A_30 : i1 to i32
    %cond3A = arith.constant 0 : i32
    %cond3A_31 = arith.cmpi ne, %convert_element_type3A, %cond3A : i32
    scf.if %cond3A_31 {
      %dma_start3A = arith.constant 0 : i32
      %dma_start3A_48 = arith.constant 0 : i32
      %dma_start3A_49 = arith.constant 0 : i32
      %dma_start3A_50 = arith.constant 0 : i32
      %dma_start3A_51 = tpu.memref_slice %arg12[%dma_start3A_48, %dma_start3A_49, %dma_start3A_50] : memref<2x128x64xf32, #tpu.memory_space<vmem>> -> memref<1x128x64xf32, #tpu.memory_space<vmem>>
      %dma_start3A_52 = tpu.memref_squeeze %dma_start3A_51 : memref<1x128x64xf32, #tpu.memory_space<vmem>> -> memref<128x64xf32, #tpu.memory_space<vmem>>
      %dma_start3A_53 = arith.constant 0 : i32
      %dma_start3A_54 = tpu.memref_slice %arg9[%dma_start3A, %dma_start3A_53] : memref<160x128xi32, #tpu.memory_space<vmem>> -> memref<1x128xi32, #tpu.memory_space<vmem>>
      %dma_start3A_55 = tpu.memref_squeeze %dma_start3A_54 : memref<1x128xi32, #tpu.memory_space<vmem>> -> memref<128xi32, #tpu.memory_space<vmem>>
      %dma_start3A_56 = arith.constant 0 : i32
      %dma_start3A_57 = arith.constant 0 : i32
      %dma_start3A_58 = tpu.memref_slice %arg2[%dma_start3A_56, %dma_start3A_57] : memref<10000x64xf32, #tpu.memory_space<hbm>> -> memref<10000x64xf32, #tpu.memory_space<hbm>>
      tpu.enqueue_indirect_dma source(%dma_start3A_58 : memref<10000x64xf32, #tpu.memory_space<hbm>>) target(%dma_start3A_52 : memref<128x64xf32, #tpu.memory_space<vmem>>) offsets(%dma_start3A_55 : memref<128xi32, #tpu.memory_space<vmem>>) semaphore(%arg16 : memref<!tpu.dma_semaphore, #tpu.memory_space<semaphore_mem>>)
      %dma_start3A_59 = arith.constant 0 : i32
      %dma_start3A_60 = arith.constant 0 : i32
      %dma_start3A_61 = arith.constant 0 : i32
      %dma_start3A_62 = arith.constant 0 : i32
      %dma_start3A_63 = tpu.memref_slice %arg11[%dma_start3A_60, %dma_start3A_61, %dma_start3A_62] : memref<2x128x16xf32, #tpu.memory_space<vmem>> -> memref<1x128x16xf32, #tpu.memory_space<vmem>>
      %dma_start3A_64 = tpu.memref_squeeze %dma_start3A_63 : memref<1x128x16xf32, #tpu.memory_space<vmem>> -> memref<128x16xf32, #tpu.memory_space<vmem>>
      %dma_start3A_65 = arith.constant 0 : i32
      %dma_start3A_66 = arith.constant 0 : i32
      %dma_start3A_67 = tpu.memref_slice %arg6[%arg1, %dma_start3A_59, %dma_start3A_65, %dma_start3A_66] : memref<16x160x128x16xf32, #tpu.memory_space<hbm>> -> memref<1x1x128x16xf32, #tpu.memory_space<hbm>>
      %dma_start3A_68 = tpu.memref_squeeze %dma_start3A_67 : memref<1x1x128x16xf32, #tpu.memory_space<hbm>> -> memref<128x16xf32, #tpu.memory_space<hbm>>
      %dma_start3A_69 = arith.constant 0 : i32
      %dma_start3A_70 = arith.constant 0 : i32
      %dma_start3A_71 = tpu.memref_slice %arg11[%dma_start3A_60, %dma_start3A_69, %dma_start3A_70] : memref<2x128x16xf32, #tpu.memory_space<vmem>> -> memref<1x128x16xf32, #tpu.memory_space<vmem>>
      %dma_start3A_72 = tpu.memref_squeeze %dma_start3A_71 : memref<1x128x16xf32, #tpu.memory_space<vmem>> -> memref<128x16xf32, #tpu.memory_space<vmem>>
      %dma_start3A_73 = arith.constant 0 : i32
      %dma_start3A_74 = arith.constant 0 : i32
      %dma_start3A_75 = tpu.memref_slice %arg6[%arg1, %dma_start3A_59, %dma_start3A_73, %dma_start3A_74] : memref<16x160x128x16xf32, #tpu.memory_space<hbm>> -> memref<1x1x128x16xf32, #tpu.memory_space<hbm>>
      %dma_start3A_76 = tpu.memref_squeeze %dma_start3A_75 : memref<1x1x128x16xf32, #tpu.memory_space<hbm>> -> memref<128x16xf32, #tpu.memory_space<hbm>>
      tpu.enqueue_dma source(%dma_start3A_76 : memref<128x16xf32, #tpu.memory_space<hbm>>) target(%dma_start3A_72 : memref<128x16xf32, #tpu.memory_space<vmem>>) target_semaphore(%arg16 : memref<!tpu.dma_semaphore, #tpu.memory_space<semaphore_mem>>)
      %dma_start3A_77 = arith.constant 1 : i32
      %dma_start3A_78 = arith.constant 1 : i32
      %dma_start3A_79 = arith.constant 0 : i32
      %dma_start3A_80 = arith.constant 0 : i32
      %dma_start3A_81 = tpu.memref_slice %arg12[%dma_start3A_78, %dma_start3A_79, %dma_start3A_80] : memref<2x128x64xf32, #tpu.memory_space<vmem>> -> memref<1x128x64xf32, #tpu.memory_space<vmem>>
      %dma_start3A_82 = tpu.memref_squeeze %dma_start3A_81 : memref<1x128x64xf32, #tpu.memory_space<vmem>> -> memref<128x64xf32, #tpu.memory_space<vmem>>
      %dma_start3A_83 = arith.constant 0 : i32
      %dma_start3A_84 = tpu.memref_slice %arg9[%dma_start3A_77, %dma_start3A_83] : memref<160x128xi32, #tpu.memory_space<vmem>> -> memref<1x128xi32, #tpu.memory_space<vmem>>
      %dma_start3A_85 = tpu.memref_squeeze %dma_start3A_84 : memref<1x128xi32, #tpu.memory_space<vmem>> -> memref<128xi32, #tpu.memory_space<vmem>>
      %dma_start3A_86 = arith.constant 0 : i32
      %dma_start3A_87 = arith.constant 0 : i32
      %dma_start3A_88 = tpu.memref_slice %arg2[%dma_start3A_86, %dma_start3A_87] : memref<10000x64xf32, #tpu.memory_space<hbm>> -> memref<10000x64xf32, #tpu.memory_space<hbm>>
      tpu.enqueue_indirect_dma source(%dma_start3A_88 : memref<10000x64xf32, #tpu.memory_space<hbm>>) target(%dma_start3A_82 : memref<128x64xf32, #tpu.memory_space<vmem>>) offsets(%dma_start3A_85 : memref<128xi32, #tpu.memory_space<vmem>>) semaphore(%arg17 : memref<!tpu.dma_semaphore, #tpu.memory_space<semaphore_mem>>)
      %dma_start3A_89 = arith.constant 1 : i32
      %dma_start3A_90 = arith.constant 1 : i32
      %dma_start3A_91 = arith.constant 0 : i32
      %dma_start3A_92 = arith.constant 0 : i32
      %dma_start3A_93 = tpu.memref_slice %arg11[%dma_start3A_90, %dma_start3A_91, %dma_start3A_92] : memref<2x128x16xf32, #tpu.memory_space<vmem>> -> memref<1x128x16xf32, #tpu.memory_space<vmem>>
      %dma_start3A_94 = tpu.memref_squeeze %dma_start3A_93 : memref<1x128x16xf32, #tpu.memory_space<vmem>> -> memref<128x16xf32, #tpu.memory_space<vmem>>
      %dma_start3A_95 = arith.constant 0 : i32
      %dma_start3A_96 = arith.constant 0 : i32
      %dma_start3A_97 = tpu.memref_slice %arg6[%arg1, %dma_start3A_89, %dma_start3A_95, %dma_start3A_96] : memref<16x160x128x16xf32, #tpu.memory_space<hbm>> -> memref<1x1x128x16xf32, #tpu.memory_space<hbm>>
      %dma_start3A_98 = tpu.memref_squeeze %dma_start3A_97 : memref<1x1x128x16xf32, #tpu.memory_space<hbm>> -> memref<128x16xf32, #tpu.memory_space<hbm>>
      %dma_start3A_99 = arith.constant 0 : i32
      %dma_start3A_100 = arith.constant 0 : i32
      %dma_start3A_101 = tpu.memref_slice %arg11[%dma_start3A_90, %dma_start3A_99, %dma_start3A_100] : memref<2x128x16xf32, #tpu.memory_space<vmem>> -> memref<1x128x16xf32, #tpu.memory_space<vmem>>
      %dma_start3A_102 = tpu.memref_squeeze %dma_start3A_101 : memref<1x128x16xf32, #tpu.memory_space<vmem>> -> memref<128x16xf32, #tpu.memory_space<vmem>>
      %dma_start3A_103 = arith.constant 0 : i32
      %dma_start3A_104 = arith.constant 0 : i32
      %dma_start3A_105 = tpu.memref_slice %arg6[%arg1, %dma_start3A_89, %dma_start3A_103, %dma_start3A_104] : memref<16x160x128x16xf32, #tpu.memory_space<hbm>> -> memref<1x1x128x16xf32, #tpu.memory_space<hbm>>
      %dma_start3A_106 = tpu.memref_squeeze %dma_start3A_105 : memref<1x1x128x16xf32, #tpu.memory_space<hbm>> -> memref<128x16xf32, #tpu.memory_space<hbm>>
      tpu.enqueue_dma source(%dma_start3A_106 : memref<128x16xf32, #tpu.memory_space<hbm>>) target(%dma_start3A_102 : memref<128x16xf32, #tpu.memory_space<vmem>>) target_semaphore(%arg17 : memref<!tpu.dma_semaphore, #tpu.memory_space<semaphore_mem>>)
      %scan3A_107 = arith.constant 0 : i32
      %scan3A_108 = arith.constant 0 : i32
      %scan3A_109 = arith.constant 80 : i32
      %scan3A_110 = arith.addi %scan3A_108, %scan3A_109 : i32
      %scan3A_111 = arith.constant 1 : i32
      %scan3A_112 = scf.for %scan3A_114 = %scan3A_108 to %scan3A_110 step %scan3A_111 iter_args(%scan3A_115 = %scan3A_107) -> (i32)  : i32 {
        %mul3A_116 = arith.constant 2 : i32
        %mul3A_117 = arith.muli %scan3A_114, %mul3A_116 : i32
        %add3A_118 = arith.constant 0 : i32
        %add3A_119 = arith.addi %mul3A_117, %add3A_118 : i32
        %dma_wait3A = arith.constant 0 : i32
        %dma_wait3A_120 = arith.constant 0 : i32
        %dma_wait3A_121 = arith.constant 0 : i32
        %dma_wait3A_122 = tpu.memref_slice %arg12[%dma_wait3A, %dma_wait3A_120, %dma_wait3A_121] : memref<2x128x64xf32, #tpu.memory_space<vmem>> -> memref<1x128x64xf32, #tpu.memory_space<vmem>>
        %dma_wait3A_123 = tpu.memref_squeeze %dma_wait3A_122 : memref<1x128x64xf32, #tpu.memory_space<vmem>> -> memref<128x64xf32, #tpu.memory_space<vmem>>
        %dma_wait3A_124 = arith.constant 0 : i32
        %dma_wait3A_125 = tpu.memref_slice %arg9[%add3A_119, %dma_wait3A_124] : memref<160x128xi32, #tpu.memory_space<vmem>> -> memref<1x128xi32, #tpu.memory_space<vmem>>
        %dma_wait3A_126 = tpu.memref_squeeze %dma_wait3A_125 : memref<1x128xi32, #tpu.memory_space<vmem>> -> memref<128xi32, #tpu.memory_space<vmem>>
        %dma_wait3A_127 = arith.constant 0 : i32
        %dma_wait3A_128 = arith.constant 0 : i32
        %dma_wait3A_129 = tpu.memref_slice %arg2[%dma_wait3A_127, %dma_wait3A_128] : memref<10000x64xf32, #tpu.memory_space<hbm>> -> memref<10000x64xf32, #tpu.memory_space<hbm>>
        tpu.wait_indirect_dma semaphore(%arg16 : memref<!tpu.dma_semaphore, #tpu.memory_space<semaphore_mem>>) src(%dma_wait3A_129 : memref<10000x64xf32, #tpu.memory_space<hbm>>) dst(%dma_wait3A_123 : memref<128x64xf32, #tpu.memory_space<vmem>>)
        %dma_wait3A_130 = arith.constant 0 : i32
        %dma_wait3A_131 = arith.constant 0 : i32
        %dma_wait3A_132 = arith.constant 0 : i32
        %dma_wait3A_133 = tpu.memref_slice %arg11[%dma_wait3A_130, %dma_wait3A_131, %dma_wait3A_132] : memref<2x128x16xf32, #tpu.memory_space<vmem>> -> memref<1x128x16xf32, #tpu.memory_space<vmem>>
        %dma_wait3A_134 = tpu.memref_squeeze %dma_wait3A_133 : memref<1x128x16xf32, #tpu.memory_space<vmem>> -> memref<128x16xf32, #tpu.memory_space<vmem>>
        %dma_wait3A_135 = arith.constant 0 : i32
        %dma_wait3A_136 = arith.constant 0 : i32
        %dma_wait3A_137 = tpu.memref_slice %arg6[%arg1, %add3A_119, %dma_wait3A_135, %dma_wait3A_136] : memref<16x160x128x16xf32, #tpu.memory_space<hbm>> -> memref<1x1x128x16xf32, #tpu.memory_space<hbm>>
        %dma_wait3A_138 = tpu.memref_squeeze %dma_wait3A_137 : memref<1x1x128x16xf32, #tpu.memory_space<hbm>> -> memref<128x16xf32, #tpu.memory_space<hbm>>
        %dma_wait3A_139 = arith.constant 0 : i32
        %dma_wait3A_140 = arith.constant 0 : i32
        %dma_wait3A_141 = tpu.memref_slice %arg11[%dma_wait3A_130, %dma_wait3A_139, %dma_wait3A_140] : memref<2x128x16xf32, #tpu.memory_space<vmem>> -> memref<1x128x16xf32, #tpu.memory_space<vmem>>
        %dma_wait3A_142 = tpu.memref_squeeze %dma_wait3A_141 : memref<1x128x16xf32, #tpu.memory_space<vmem>> -> memref<128x16xf32, #tpu.memory_space<vmem>>
        %dma_wait3A_143 = arith.constant 0 : i32
        %dma_wait3A_144 = arith.constant 0 : i32
        %dma_wait3A_145 = tpu.memref_slice %arg6[%arg1, %add3A_119, %dma_wait3A_143, %dma_wait3A_144] : memref<16x160x128x16xf32, #tpu.memory_space<hbm>> -> memref<1x1x128x16xf32, #tpu.memory_space<hbm>>
        %dma_wait3A_146 = tpu.memref_squeeze %dma_wait3A_145 : memref<1x1x128x16xf32, #tpu.memory_space<hbm>> -> memref<128x16xf32, #tpu.memory_space<hbm>>
        tpu.wait_dma2 semaphore(%arg16 : memref<!tpu.dma_semaphore, #tpu.memory_space<semaphore_mem>>) src(%dma_wait3A_146 : memref<128x16xf32, #tpu.memory_space<hbm>>) dst(%dma_wait3A_142 : memref<128x16xf32, #tpu.memory_space<vmem>>)
        %scan3A_147 = arith.constant 0 : i32
        %scan3A_148 = arith.constant 0 : i32
        %scan3A_149 = arith.constant 128 : i32
        %scan3A_150 = arith.addi %scan3A_148, %scan3A_149 : i32
        %scan3A_151 = arith.constant 2 : i32
        %scan3A_152 = scf.for %scan3A_205 = %scan3A_148 to %scan3A_150 step %scan3A_151 iter_args(%scan3A_206 = %scan3A_147) -> (i32)  : i32 {
          %get3A = arith.constant 0 : i32
          %get3A_207 = arith.index_cast %get3A : i32 to index
          %get3A_208 = arith.index_cast %scan3A_205 : i32 to index
          %get3A_209 = arith.constant 0 : index
          %get3A_210 = tpu.vector_load %arg11[%get3A_207, %get3A_208, %get3A_209] {strides = array<i32>} : memref<2x128x16xf32, #tpu.memory_space<vmem>>, vector<1x1x16xf32>,
          %get3A_211 = vector.shape_cast %get3A_210 : vector<1x1x16xf32> to vector<16xf32>
          %get3A_212 = arith.constant 0 : i32
          %get3A_213 = arith.index_cast %get3A_212 : i32 to index
          %get3A_214 = arith.index_cast %scan3A_205 : i32 to index
          %get3A_215 = arith.constant 0 : index
          %get3A_216 = tpu.vector_load %arg12[%get3A_213, %get3A_214, %get3A_215] {strides = array<i32>} : memref<2x128x64xf32, #tpu.memory_space<vmem>>, vector<1x1x16xf32>,
          %get3A_217 = vector.shape_cast %get3A_216 : vector<1x1x16xf32> to vector<16xf32>
          %mul3A_218 = arith.mulf %get3A_217, %get3A_211 : vector<16xf32>
          %swap3A = arith.constant 0 : i32
          %swap3A_219 = arith.index_cast %swap3A : i32 to index
          %swap3A_220 = arith.index_cast %scan3A_205 : i32 to index
          %swap3A_221 = arith.constant 0 : index
          %swap3A_222 = tpu.vector_load %arg12[%swap3A_219, %swap3A_220, %swap3A_221] {strides = array<i32>} : memref<2x128x64xf32, #tpu.memory_space<vmem>>, vector<1x1x16xf32>,
          %swap3A_223 = vector.shape_cast %swap3A_222 : vector<1x1x16xf32> to vector<16xf32>
          %swap3A_224 = vector.shape_cast %mul3A_218 : vector<16xf32> to vector<1x1x16xf32>
          tpu.vector_store %arg12[%swap3A_219, %swap3A_220, %swap3A_221], %swap3A_224 {strides = array<i32>} : memref<2x128x64xf32, #tpu.memory_space<vmem>>, vector<1x1x16xf32>,
          %get3A_225 = arith.constant 0 : i32
          %get3A_226 = arith.index_cast %get3A_225 : i32 to index
          %get3A_227 = arith.index_cast %scan3A_205 : i32 to index
          %get3A_228 = arith.constant 16 : index
          %get3A_229 = tpu.vector_load %arg12[%get3A_226, %get3A_227, %get3A_228] {strides = array<i32>} : memref<2x128x64xf32, #tpu.memory_space<vmem>>, vector<1x1x16xf32>,
          %get3A_230 = vector.shape_cast %get3A_229 : vector<1x1x16xf32> to vector<16xf32>
          %mul3A_231 = arith.mulf %get3A_230, %get3A_211 : vector<16xf32>
          %swap3A_232 = arith.constant 0 : i32
          %swap3A_233 = arith.index_cast %swap3A_232 : i32 to index
          %swap3A_234 = arith.index_cast %scan3A_205 : i32 to index
          %swap3A_235 = arith.constant 16 : index
          %swap3A_236 = tpu.vector_load %arg12[%swap3A_233, %swap3A_234, %swap3A_235] {strides = array<i32>} : memref<2x128x64xf32, #tpu.memory_space<vmem>>, vector<1x1x16xf32>,
          %swap3A_237 = vector.shape_cast %swap3A_236 : vector<1x1x16xf32> to vector<16xf32>
          %swap3A_238 = vector.shape_cast %mul3A_231 : vector<16xf32> to vector<1x1x16xf32>
          tpu.vector_store %arg12[%swap3A_233, %swap3A_234, %swap3A_235], %swap3A_238 {strides = array<i32>} : memref<2x128x64xf32, #tpu.memory_space<vmem>>, vector<1x1x16xf32>,
          %get3A_239 = arith.constant 0 : i32
          %get3A_240 = arith.index_cast %get3A_239 : i32 to index
          %get3A_241 = arith.index_cast %scan3A_205 : i32 to index
          %get3A_242 = arith.constant 32 : index
          %get3A_243 = tpu.vector_load %arg12[%get3A_240, %get3A_241, %get3A_242] {strides = array<i32>} : memref<2x128x64xf32, #tpu.memory_space<vmem>>, vector<1x1x16xf32>,
          %get3A_244 = vector.shape_cast %get3A_243 : vector<1x1x16xf32> to vector<16xf32>
          %mul3A_245 = arith.mulf %get3A_244, %get3A_211 : vector<16xf32>
          %swap3A_246 = arith.constant 0 : i32
          %swap3A_247 = arith.index_cast %swap3A_246 : i32 to index
          %swap3A_248 = arith.index_cast %scan3A_205 : i32 to index
          %swap3A_249 = arith.constant 32 : index
          %swap3A_250 = tpu.vector_load %arg12[%swap3A_247, %swap3A_248, %swap3A_249] {strides = array<i32>} : memref<2x128x64xf32, #tpu.memory_space<vmem>>, vector<1x1x16xf32>,
          %swap3A_251 = vector.shape_cast %swap3A_250 : vector<1x1x16xf32> to vector<16xf32>
          %swap3A_252 = vector.shape_cast %mul3A_245 : vector<16xf32> to vector<1x1x16xf32>
          tpu.vector_store %arg12[%swap3A_247, %swap3A_248, %swap3A_249], %swap3A_252 {strides = array<i32>} : memref<2x128x64xf32, #tpu.memory_space<vmem>>, vector<1x1x16xf32>,
          %get3A_253 = arith.constant 0 : i32
          %get3A_254 = arith.index_cast %get3A_253 : i32 to index
          %get3A_255 = arith.index_cast %scan3A_205 : i32 to index
          %get3A_256 = arith.constant 48 : index
          %get3A_257 = tpu.vector_load %arg12[%get3A_254, %get3A_255, %get3A_256] {strides = array<i32>} : memref<2x128x64xf32, #tpu.memory_space<vmem>>, vector<1x1x16xf32>,
          %get3A_258 = vector.shape_cast %get3A_257 : vector<1x1x16xf32> to vector<16xf32>
          %mul3A_259 = arith.mulf %get3A_258, %get3A_211 : vector<16xf32>
          %swap3A_260 = arith.constant 0 : i32
          %swap3A_261 = arith.index_cast %swap3A_260 : i32 to index
          %swap3A_262 = arith.index_cast %scan3A_205 : i32 to index
          %swap3A_263 = arith.constant 48 : index
          %swap3A_264 = tpu.vector_load %arg12[%swap3A_261, %swap3A_262, %swap3A_263] {strides = array<i32>} : memref<2x128x64xf32, #tpu.memory_space<vmem>>, vector<1x1x16xf32>,
          %swap3A_265 = vector.shape_cast %swap3A_264 : vector<1x1x16xf32> to vector<16xf32>
          %swap3A_266 = vector.shape_cast %mul3A_259 : vector<16xf32> to vector<1x1x16xf32>
          tpu.vector_store %arg12[%swap3A_261, %swap3A_262, %swap3A_263], %swap3A_266 {strides = array<i32>} : memref<2x128x64xf32, #tpu.memory_space<vmem>>, vector<1x1x16xf32>,
          %scan3A_267 = arith.constant 0 : i32
          %scan3A_268 = arith.constant 1 : i32
          %scan3A_269 = arith.addi %scan3A_205, %scan3A_268 : i32
          %get3A_270 = arith.constant 0 : i32
          %get3A_271 = arith.index_cast %get3A_270 : i32 to index
          %get3A_272 = arith.index_cast %scan3A_269 : i32 to index
          %get3A_273 = arith.constant 0 : index
          %get3A_274 = tpu.vector_load %arg11[%get3A_271, %get3A_272, %get3A_273] {strides = array<i32>} : memref<2x128x16xf32, #tpu.memory_space<vmem>>, vector<1x1x16xf32>,
          %get3A_275 = vector.shape_cast %get3A_274 : vector<1x1x16xf32> to vector<16xf32>
          %get3A_276 = arith.constant 0 : i32
          %get3A_277 = arith.index_cast %get3A_276 : i32 to index
          %get3A_278 = arith.index_cast %scan3A_269 : i32 to index
          %get3A_279 = arith.constant 0 : index
          %get3A_280 = tpu.vector_load %arg12[%get3A_277, %get3A_278, %get3A_279] {strides = array<i32>} : memref<2x128x64xf32, #tpu.memory_space<vmem>>, vector<1x1x16xf32>,
          %get3A_281 = vector.shape_cast %get3A_280 : vector<1x1x16xf32> to vector<16xf32>
          %mul3A_282 = arith.mulf %get3A_281, %get3A_275 : vector<16xf32>
          %swap3A_283 = arith.constant 0 : i32
          %swap3A_284 = arith.index_cast %swap3A_283 : i32 to index
          %swap3A_285 = arith.index_cast %scan3A_269 : i32 to index
          %swap3A_286 = arith.constant 0 : index
          %swap3A_287 = tpu.vector_load %arg12[%swap3A_284, %swap3A_285, %swap3A_286] {strides = array<i32>} : memref<2x128x64xf32, #tpu.memory_space<vmem>>, vector<1x1x16xf32>,
          %swap3A_288 = vector.shape_cast %swap3A_287 : vector<1x1x16xf32> to vector<16xf32>
          %swap3A_289 = vector.shape_cast %mul3A_282 : vector<16xf32> to vector<1x1x16xf32>
          tpu.vector_store %arg12[%swap3A_284, %swap3A_285, %swap3A_286], %swap3A_289 {strides = array<i32>} : memref<2x128x64xf32, #tpu.memory_space<vmem>>, vector<1x1x16xf32>,
          %get3A_290 = arith.constant 0 : i32
          %get3A_291 = arith.index_cast %get3A_290 : i32 to index
          %get3A_292 = arith.index_cast %scan3A_269 : i32 to index
          %get3A_293 = arith.constant 16 : index
          %get3A_294 = tpu.vector_load %arg12[%get3A_291, %get3A_292, %get3A_293] {strides = array<i32>} : memref<2x128x64xf32, #tpu.memory_space<vmem>>, vector<1x1x16xf32>,
          %get3A_295 = vector.shape_cast %get3A_294 : vector<1x1x16xf32> to vector<16xf32>
          %mul3A_296 = arith.mulf %get3A_295, %get3A_275 : vector<16xf32>
          %swap3A_297 = arith.constant 0 : i32
          %swap3A_298 = arith.index_cast %swap3A_297 : i32 to index
          %swap3A_299 = arith.index_cast %scan3A_269 : i32 to index
          %swap3A_300 = arith.constant 16 : index
          %swap3A_301 = tpu.vector_load %arg12[%swap3A_298, %swap3A_299, %swap3A_300] {strides = array<i32>} : memref<2x128x64xf32, #tpu.memory_space<vmem>>, vector<1x1x16xf32>,
          %swap3A_302 = vector.shape_cast %swap3A_301 : vector<1x1x16xf32> to vector<16xf32>
          %swap3A_303 = vector.shape_cast %mul3A_296 : vector<16xf32> to vector<1x1x16xf32>
          tpu.vector_store %arg12[%swap3A_298, %swap3A_299, %swap3A_300], %swap3A_303 {strides = array<i32>} : memref<2x128x64xf32, #tpu.memory_space<vmem>>, vector<1x1x16xf32>,
          %get3A_304 = arith.constant 0 : i32
          %get3A_305 = arith.index_cast %get3A_304 : i32 to index
          %get3A_306 = arith.index_cast %scan3A_269 : i32 to index
          %get3A_307 = arith.constant 32 : index
          %get3A_308 = tpu.vector_load %arg12[%get3A_305, %get3A_306, %get3A_307] {strides = array<i32>} : memref<2x128x64xf32, #tpu.memory_space<vmem>>, vector<1x1x16xf32>,
          %get3A_309 = vector.shape_cast %get3A_308 : vector<1x1x16xf32> to vector<16xf32>
          %mul3A_310 = arith.mulf %get3A_309, %get3A_275 : vector<16xf32>
          %swap3A_311 = arith.constant 0 : i32
          %swap3A_312 = arith.index_cast %swap3A_311 : i32 to index
          %swap3A_313 = arith.index_cast %scan3A_269 : i32 to index
          %swap3A_314 = arith.constant 32 : index
          %swap3A_315 = tpu.vector_load %arg12[%swap3A_312, %swap3A_313, %swap3A_314] {strides = array<i32>} : memref<2x128x64xf32, #tpu.memory_space<vmem>>, vector<1x1x16xf32>,
          %swap3A_316 = vector.shape_cast %swap3A_315 : vector<1x1x16xf32> to vector<16xf32>
          %swap3A_317 = vector.shape_cast %mul3A_310 : vector<16xf32> to vector<1x1x16xf32>
          tpu.vector_store %arg12[%swap3A_312, %swap3A_313, %swap3A_314], %swap3A_317 {strides = array<i32>} : memref<2x128x64xf32, #tpu.memory_space<vmem>>, vector<1x1x16xf32>,
          %get3A_318 = arith.constant 0 : i32
          %get3A_319 = arith.index_cast %get3A_318 : i32 to index
          %get3A_320 = arith.index_cast %scan3A_269 : i32 to index
          %get3A_321 = arith.constant 48 : index
          %get3A_322 = tpu.vector_load %arg12[%get3A_319, %get3A_320, %get3A_321] {strides = array<i32>} : memref<2x128x64xf32, #tpu.memory_space<vmem>>, vector<1x1x16xf32>,
          %get3A_323 = vector.shape_cast %get3A_322 : vector<1x1x16xf32> to vector<16xf32>
          %mul3A_324 = arith.mulf %get3A_323, %get3A_275 : vector<16xf32>
          %swap3A_325 = arith.constant 0 : i32
          %swap3A_326 = arith.index_cast %swap3A_325 : i32 to index
          %swap3A_327 = arith.index_cast %scan3A_269 : i32 to index
          %swap3A_328 = arith.constant 48 : index
          %swap3A_329 = tpu.vector_load %arg12[%swap3A_326, %swap3A_327, %swap3A_328] {strides = array<i32>} : memref<2x128x64xf32, #tpu.memory_space<vmem>>, vector<1x1x16xf32>,
          %swap3A_330 = vector.shape_cast %swap3A_329 : vector<1x1x16xf32> to vector<16xf32>
          %swap3A_331 = vector.shape_cast %mul3A_324 : vector<16xf32> to vector<1x1x16xf32>
          tpu.vector_store %arg12[%swap3A_326, %swap3A_327, %swap3A_328], %swap3A_331 {strides = array<i32>} : memref<2x128x64xf32, #tpu.memory_space<vmem>>, vector<1x1x16xf32>,
          %scan3A_332 = arith.constant 0 : i32
          scf.yield %scan3A_332 : i32
        }
        %scan3A_153 = arith.constant 128 : i32
        %run_scoped3A_154 = arith.constant 0 : i32
        "tpu.region"() ({
          %run_scoped3A_205 = tpu.sem_alloc : memref<!tpu.dma_semaphore, #tpu.memory_space<semaphore_mem>>
          %dma_start3A_206 = arith.constant 0 : i32
          %dma_start3A_207 = arith.constant 0 : i32
          %dma_start3A_208 = tpu.memref_slice %arg12[%run_scoped3A_154, %dma_start3A_206, %dma_start3A_207] : memref<2x128x64xf32, #tpu.memory_space<vmem>> -> memref<1x128x64xf32, #tpu.memory_space<vmem>>
          %dma_start3A_209 = tpu.memref_squeeze %dma_start3A_208 : memref<1x128x64xf32, #tpu.memory_space<vmem>> -> memref<128x64xf32, #tpu.memory_space<vmem>>
          %dma_start3A_210 = arith.constant 0 : i32
          %dma_start3A_211 = tpu.memref_slice %arg10[%add3A_119, %dma_start3A_210] : memref<160x128xi32, #tpu.memory_space<vmem>> -> memref<1x128xi32, #tpu.memory_space<vmem>>
          %dma_start3A_212 = tpu.memref_squeeze %dma_start3A_211 : memref<1x128xi32, #tpu.memory_space<vmem>> -> memref<128xi32, #tpu.memory_space<vmem>>
          %dma_start3A_213 = arith.constant 0 : i32
          %dma_start3A_214 = arith.constant 0 : i32
          %dma_start3A_215 = tpu.memref_slice %arg14[%dma_start3A_213, %dma_start3A_214] : memref<10240x64xf32, #tpu.memory_space<vmem_shared>> -> memref<10240x64xf32, #tpu.memory_space<vmem_shared>>
          tpu.enqueue_indirect_dma source(%dma_start3A_209 : memref<128x64xf32, #tpu.memory_space<vmem>>) target(%dma_start3A_215 : memref<10240x64xf32, #tpu.memory_space<vmem_shared>>) offsets(%dma_start3A_212 : memref<128xi32, #tpu.memory_space<vmem>>) semaphore(%run_scoped3A_205 : memref<!tpu.dma_semaphore, #tpu.memory_space<semaphore_mem>>) {add = true}
          %dma_wait3A_216 = arith.constant 0 : i32
          %dma_wait3A_217 = arith.constant 0 : i32
          %dma_wait3A_218 = tpu.memref_slice %arg12[%run_scoped3A_154, %dma_wait3A_216, %dma_wait3A_217] : memref<2x128x64xf32, #tpu.memory_space<vmem>> -> memref<1x128x64xf32, #tpu.memory_space<vmem>>
          %dma_wait3A_219 = tpu.memref_squeeze %dma_wait3A_218 : memref<1x128x64xf32, #tpu.memory_space<vmem>> -> memref<128x64xf32, #tpu.memory_space<vmem>>
          %dma_wait3A_220 = arith.constant 0 : i32
          %dma_wait3A_221 = tpu.memref_slice %arg10[%add3A_119, %dma_wait3A_220] : memref<160x128xi32, #tpu.memory_space<vmem>> -> memref<1x128xi32, #tpu.memory_space<vmem>>
          %dma_wait3A_222 = tpu.memref_squeeze %dma_wait3A_221 : memref<1x128xi32, #tpu.memory_space<vmem>> -> memref<128xi32, #tpu.memory_space<vmem>>
          %dma_wait3A_223 = arith.constant 0 : i32
          %dma_wait3A_224 = arith.constant 0 : i32
          %dma_wait3A_225 = tpu.memref_slice %arg14[%dma_wait3A_223, %dma_wait3A_224] : memref<10240x64xf32, #tpu.memory_space<vmem_shared>> -> memref<10240x64xf32, #tpu.memory_space<vmem_shared>>
          tpu.wait_indirect_dma semaphore(%run_scoped3A_205 : memref<!tpu.dma_semaphore, #tpu.memory_space<semaphore_mem>>) src(%dma_wait3A_219 : memref<128x64xf32, #tpu.memory_space<vmem>>) dst(%dma_wait3A_225 : memref<10240x64xf32, #tpu.memory_space<vmem_shared>>)
          tpu.yield
        }) : () -> ()
        %lt3A = arith.constant 79 : i32
        %lt3A_155 = arith.cmpi slt, %scan3A_114, %lt3A : i32
        %convert_element_type3A_156 = arith.extui %lt3A_155 : i1 to i32
        %cond3A_157 = arith.constant 0 : i32
        %cond3A_158 = arith.cmpi ne, %convert_element_type3A_156, %cond3A_157 : i32
        scf.if %cond3A_158 {
          %add3A_205 = arith.constant 2 : i32
          %add3A_206 = arith.addi %add3A_119, %add3A_205 : i32
          %dma_start3A_207 = arith.constant 0 : i32
          %dma_start3A_208 = arith.constant 0 : i32
          %dma_start3A_209 = arith.constant 0 : i32
          %dma_start3A_210 = tpu.memref_slice %arg12[%dma_start3A_207, %dma_start3A_208, %dma_start3A_209] : memref<2x128x64xf32, #tpu.memory_space<vmem>> -> memref<1x128x64xf32, #tpu.memory_space<vmem>>
          %dma_start3A_211 = tpu.memref_squeeze %dma_start3A_210 : memref<1x128x64xf32, #tpu.memory_space<vmem>> -> memref<128x64xf32, #tpu.memory_space<vmem>>
          %dma_start3A_212 = arith.constant 0 : i32
          %dma_start3A_213 = tpu.memref_slice %arg9[%add3A_206, %dma_start3A_212] : memref<160x128xi32, #tpu.memory_space<vmem>> -> memref<1x128xi32, #tpu.memory_space<vmem>>
          %dma_start3A_214 = tpu.memref_squeeze %dma_start3A_213 : memref<1x128xi32, #tpu.memory_space<vmem>> -> memref<128xi32, #tpu.memory_space<vmem>>
          %dma_start3A_215 = arith.constant 0 : i32
          %dma_start3A_216 = arith.constant 0 : i32
          %dma_start3A_217 = tpu.memref_slice %arg2[%dma_start3A_215, %dma_start3A_216] : memref<10000x64xf32, #tpu.memory_space<hbm>> -> memref<10000x64xf32, #tpu.memory_space<hbm>>
          tpu.enqueue_indirect_dma source(%dma_start3A_217 : memref<10000x64xf32, #tpu.memory_space<hbm>>) target(%dma_start3A_211 : memref<128x64xf32, #tpu.memory_space<vmem>>) offsets(%dma_start3A_214 : memref<128xi32, #tpu.memory_space<vmem>>) semaphore(%arg16 : memref<!tpu.dma_semaphore, #tpu.memory_space<semaphore_mem>>)
          %dma_start3A_218 = arith.constant 0 : i32
          %dma_start3A_219 = arith.constant 0 : i32
          %dma_start3A_220 = arith.constant 0 : i32
          %dma_start3A_221 = tpu.memref_slice %arg11[%dma_start3A_218, %dma_start3A_219, %dma_start3A_220] : memref<2x128x16xf32, #tpu.memory_space<vmem>> -> memref<1x128x16xf32, #tpu.memory_space<vmem>>
          %dma_start3A_222 = tpu.memref_squeeze %dma_start3A_221 : memref<1x128x16xf32, #tpu.memory_space<vmem>> -> memref<128x16xf32, #tpu.memory_space<vmem>>
          %dma_start3A_223 = arith.constant 0 : i32
          %dma_start3A_224 = arith.constant 0 : i32
          %dma_start3A_225 = tpu.memref_slice %arg6[%arg1, %add3A_206, %dma_start3A_223, %dma_start3A_224] : memref<16x160x128x16xf32, #tpu.memory_space<hbm>> -> memref<1x1x128x16xf32, #tpu.memory_space<hbm>>
          %dma_start3A_226 = tpu.memref_squeeze %dma_start3A_225 : memref<1x1x128x16xf32, #tpu.memory_space<hbm>> -> memref<128x16xf32, #tpu.memory_space<hbm>>
          %dma_start3A_227 = arith.constant 0 : i32
          %dma_start3A_228 = arith.constant 0 : i32
          %dma_start3A_229 = tpu.memref_slice %arg11[%dma_start3A_218, %dma_start3A_227, %dma_start3A_228] : memref<2x128x16xf32, #tpu.memory_space<vmem>> -> memref<1x128x16xf32, #tpu.memory_space<vmem>>
          %dma_start3A_230 = tpu.memref_squeeze %dma_start3A_229 : memref<1x128x16xf32, #tpu.memory_space<vmem>> -> memref<128x16xf32, #tpu.memory_space<vmem>>
          %dma_start3A_231 = arith.constant 0 : i32
          %dma_start3A_232 = arith.constant 0 : i32
          %dma_start3A_233 = tpu.memref_slice %arg6[%arg1, %add3A_206, %dma_start3A_231, %dma_start3A_232] : memref<16x160x128x16xf32, #tpu.memory_space<hbm>> -> memref<1x1x128x16xf32, #tpu.memory_space<hbm>>
          %dma_start3A_234 = tpu.memref_squeeze %dma_start3A_233 : memref<1x1x128x16xf32, #tpu.memory_space<hbm>> -> memref<128x16xf32, #tpu.memory_space<hbm>>
          tpu.enqueue_dma source(%dma_start3A_234 : memref<128x16xf32, #tpu.memory_space<hbm>>) target(%dma_start3A_230 : memref<128x16xf32, #tpu.memory_space<vmem>>) target_semaphore(%arg16 : memref<!tpu.dma_semaphore, #tpu.memory_space<semaphore_mem>>)
        } else {
        }
        %mul3A_159 = arith.constant 2 : i32
        %mul3A_160 = arith.muli %scan3A_114, %mul3A_159 : i32
        %add3A_161 = arith.constant 1 : i32
        %add3A_162 = arith.addi %mul3A_160, %add3A_161 : i32
        %dma_wait3A_163 = arith.constant 1 : i32
        %dma_wait3A_164 = arith.constant 0 : i32
        %dma_wait3A_165 = arith.constant 0 : i32
        %dma_wait3A_166 = tpu.memref_slice %arg12[%dma_wait3A_163, %dma_wait3A_164, %dma_wait3A_165] : memref<2x128x64xf32, #tpu.memory_space<vmem>> -> memref<1x128x64xf32, #tpu.memory_space<vmem>>
        %dma_wait3A_167 = tpu.memref_squeeze %dma_wait3A_166 : memref<1x128x64xf32, #tpu.memory_space<vmem>> -> memref<128x64xf32, #tpu.memory_space<vmem>>
        %dma_wait3A_168 = arith.constant 0 : i32
        %dma_wait3A_169 = tpu.memref_slice %arg9[%add3A_162, %dma_wait3A_168] : memref<160x128xi32, #tpu.memory_space<vmem>> -> memref<1x128xi32, #tpu.memory_space<vmem>>
        %dma_wait3A_170 = tpu.memref_squeeze %dma_wait3A_169 : memref<1x128xi32, #tpu.memory_space<vmem>> -> memref<128xi32, #tpu.memory_space<vmem>>
        %dma_wait3A_171 = arith.constant 0 : i32
        %dma_wait3A_172 = arith.constant 0 : i32
        %dma_wait3A_173 = tpu.memref_slice %arg2[%dma_wait3A_171, %dma_wait3A_172] : memref<10000x64xf32, #tpu.memory_space<hbm>> -> memref<10000x64xf32, #tpu.memory_space<hbm>>
        tpu.wait_indirect_dma semaphore(%arg17 : memref<!tpu.dma_semaphore, #tpu.memory_space<semaphore_mem>>) src(%dma_wait3A_173 : memref<10000x64xf32, #tpu.memory_space<hbm>>) dst(%dma_wait3A_167 : memref<128x64xf32, #tpu.memory_space<vmem>>)
        %dma_wait3A_174 = arith.constant 1 : i32
        %dma_wait3A_175 = arith.constant 0 : i32
        %dma_wait3A_176 = arith.constant 0 : i32
        %dma_wait3A_177 = tpu.memref_slice %arg11[%dma_wait3A_174, %dma_wait3A_175, %dma_wait3A_176] : memref<2x128x16xf32, #tpu.memory_space<vmem>> -> memref<1x128x16xf32, #tpu.memory_space<vmem>>
        %dma_wait3A_178 = tpu.memref_squeeze %dma_wait3A_177 : memref<1x128x16xf32, #tpu.memory_space<vmem>> -> memref<128x16xf32, #tpu.memory_space<vmem>>
        %dma_wait3A_179 = arith.constant 0 : i32
        %dma_wait3A_180 = arith.constant 0 : i32
        %dma_wait3A_181 = tpu.memref_slice %arg6[%arg1, %add3A_162, %dma_wait3A_179, %dma_wait3A_180] : memref<16x160x128x16xf32, #tpu.memory_space<hbm>> -> memref<1x1x128x16xf32, #tpu.memory_space<hbm>>
        %dma_wait3A_182 = tpu.memref_squeeze %dma_wait3A_181 : memref<1x1x128x16xf32, #tpu.memory_space<hbm>> -> memref<128x16xf32, #tpu.memory_space<hbm>>
        %dma_wait3A_183 = arith.constant 0 : i32
        %dma_wait3A_184 = arith.constant 0 : i32
        %dma_wait3A_185 = tpu.memref_slice %arg11[%dma_wait3A_174, %dma_wait3A_183, %dma_wait3A_184] : memref<2x128x16xf32, #tpu.memory_space<vmem>> -> memref<1x128x16xf32, #tpu.memory_space<vmem>>
        %dma_wait3A_186 = tpu.memref_squeeze %dma_wait3A_185 : memref<1x128x16xf32, #tpu.memory_space<vmem>> -> memref<128x16xf32, #tpu.memory_space<vmem>>
        %dma_wait3A_187 = arith.constant 0 : i32
        %dma_wait3A_188 = arith.constant 0 : i32
        %dma_wait3A_189 = tpu.memref_slice %arg6[%arg1, %add3A_162, %dma_wait3A_187, %dma_wait3A_188] : memref<16x160x128x16xf32, #tpu.memory_space<hbm>> -> memref<1x1x128x16xf32, #tpu.memory_space<hbm>>
        %dma_wait3A_190 = tpu.memref_squeeze %dma_wait3A_189 : memref<1x1x128x16xf32, #tpu.memory_space<hbm>> -> memref<128x16xf32, #tpu.memory_space<hbm>>
        tpu.wait_dma2 semaphore(%arg17 : memref<!tpu.dma_semaphore, #tpu.memory_space<semaphore_mem>>) src(%dma_wait3A_190 : memref<128x16xf32, #tpu.memory_space<hbm>>) dst(%dma_wait3A_186 : memref<128x16xf32, #tpu.memory_space<vmem>>)
        %scan3A_191 = arith.constant 0 : i32
        %scan3A_192 = arith.constant 0 : i32
        %scan3A_193 = arith.constant 128 : i32
        %scan3A_194 = arith.addi %scan3A_192, %scan3A_193 : i32
        %scan3A_195 = arith.constant 2 : i32
        %scan3A_196 = scf.for %scan3A_205 = %scan3A_192 to %scan3A_194 step %scan3A_195 iter_args(%scan3A_206 = %scan3A_191) -> (i32)  : i32 {
          %get3A = arith.constant 1 : i32
          %get3A_207 = arith.index_cast %get3A : i32 to index
          %get3A_208 = arith.index_cast %scan3A_205 : i32 to index
          %get3A_209 = arith.constant 0 : index
          %get3A_210 = tpu.vector_load %arg11[%get3A_207, %get3A_208, %get3A_209] {strides = array<i32>} : memref<2x128x16xf32, #tpu.memory_space<vmem>>, vector<1x1x16xf32>,
          %get3A_211 = vector.shape_cast %get3A_210 : vector<1x1x16xf32> to vector<16xf32>
          %get3A_212 = arith.constant 1 : i32
          %get3A_213 = arith.index_cast %get3A_212 : i32 to index
          %get3A_214 = arith.index_cast %scan3A_205 : i32 to index
          %get3A_215 = arith.constant 0 : index
          %get3A_216 = tpu.vector_load %arg12[%get3A_213, %get3A_214, %get3A_215] {strides = array<i32>} : memref<2x128x64xf32, #tpu.memory_space<vmem>>, vector<1x1x16xf32>,
          %get3A_217 = vector.shape_cast %get3A_216 : vector<1x1x16xf32> to vector<16xf32>
          %mul3A_218 = arith.mulf %get3A_217, %get3A_211 : vector<16xf32>
          %swap3A = arith.constant 1 : i32
          %swap3A_219 = arith.index_cast %swap3A : i32 to index
          %swap3A_220 = arith.index_cast %scan3A_205 : i32 to index
          %swap3A_221 = arith.constant 0 : index
          %swap3A_222 = tpu.vector_load %arg12[%swap3A_219, %swap3A_220, %swap3A_221] {strides = array<i32>} : memref<2x128x64xf32, #tpu.memory_space<vmem>>, vector<1x1x16xf32>,
          %swap3A_223 = vector.shape_cast %swap3A_222 : vector<1x1x16xf32> to vector<16xf32>
          %swap3A_224 = vector.shape_cast %mul3A_218 : vector<16xf32> to vector<1x1x16xf32>
          tpu.vector_store %arg12[%swap3A_219, %swap3A_220, %swap3A_221], %swap3A_224 {strides = array<i32>} : memref<2x128x64xf32, #tpu.memory_space<vmem>>, vector<1x1x16xf32>,
          %get3A_225 = arith.constant 1 : i32
          %get3A_226 = arith.index_cast %get3A_225 : i32 to index
          %get3A_227 = arith.index_cast %scan3A_205 : i32 to index
          %get3A_228 = arith.constant 16 : index
          %get3A_229 = tpu.vector_load %arg12[%get3A_226, %get3A_227, %get3A_228] {strides = array<i32>} : memref<2x128x64xf32, #tpu.memory_space<vmem>>, vector<1x1x16xf32>,
          %get3A_230 = vector.shape_cast %get3A_229 : vector<1x1x16xf32> to vector<16xf32>
          %mul3A_231 = arith.mulf %get3A_230, %get3A_211 : vector<16xf32>
          %swap3A_232 = arith.constant 1 : i32
          %swap3A_233 = arith.index_cast %swap3A_232 : i32 to index
          %swap3A_234 = arith.index_cast %scan3A_205 : i32 to index
          %swap3A_235 = arith.constant 16 : index
          %swap3A_236 = tpu.vector_load %arg12[%swap3A_233, %swap3A_234, %swap3A_235] {strides = array<i32>} : memref<2x128x64xf32, #tpu.memory_space<vmem>>, vector<1x1x16xf32>,
          %swap3A_237 = vector.shape_cast %swap3A_236 : vector<1x1x16xf32> to vector<16xf32>
          %swap3A_238 = vector.shape_cast %mul3A_231 : vector<16xf32> to vector<1x1x16xf32>
          tpu.vector_store %arg12[%swap3A_233, %swap3A_234, %swap3A_235], %swap3A_238 {strides = array<i32>} : memref<2x128x64xf32, #tpu.memory_space<vmem>>, vector<1x1x16xf32>,
          %get3A_239 = arith.constant 1 : i32
          %get3A_240 = arith.index_cast %get3A_239 : i32 to index
          %get3A_241 = arith.index_cast %scan3A_205 : i32 to index
          %get3A_242 = arith.constant 32 : index
          %get3A_243 = tpu.vector_load %arg12[%get3A_240, %get3A_241, %get3A_242] {strides = array<i32>} : memref<2x128x64xf32, #tpu.memory_space<vmem>>, vector<1x1x16xf32>,
          %get3A_244 = vector.shape_cast %get3A_243 : vector<1x1x16xf32> to vector<16xf32>
          %mul3A_245 = arith.mulf %get3A_244, %get3A_211 : vector<16xf32>
          %swap3A_246 = arith.constant 1 : i32
          %swap3A_247 = arith.index_cast %swap3A_246 : i32 to index
          %swap3A_248 = arith.index_cast %scan3A_205 : i32 to index
          %swap3A_249 = arith.constant 32 : index
          %swap3A_250 = tpu.vector_load %arg12[%swap3A_247, %swap3A_248, %swap3A_249] {strides = array<i32>} : memref<2x128x64xf32, #tpu.memory_space<vmem>>, vector<1x1x16xf32>,
          %swap3A_251 = vector.shape_cast %swap3A_250 : vector<1x1x16xf32> to vector<16xf32>
          %swap3A_252 = vector.shape_cast %mul3A_245 : vector<16xf32> to vector<1x1x16xf32>
          tpu.vector_store %arg12[%swap3A_247, %swap3A_248, %swap3A_249], %swap3A_252 {strides = array<i32>} : memref<2x128x64xf32, #tpu.memory_space<vmem>>, vector<1x1x16xf32>,
          %get3A_253 = arith.constant 1 : i32
          %get3A_254 = arith.index_cast %get3A_253 : i32 to index
          %get3A_255 = arith.index_cast %scan3A_205 : i32 to index
          %get3A_256 = arith.constant 48 : index
          %get3A_257 = tpu.vector_load %arg12[%get3A_254, %get3A_255, %get3A_256] {strides = array<i32>} : memref<2x128x64xf32, #tpu.memory_space<vmem>>, vector<1x1x16xf32>,
          %get3A_258 = vector.shape_cast %get3A_257 : vector<1x1x16xf32> to vector<16xf32>
          %mul3A_259 = arith.mulf %get3A_258, %get3A_211 : vector<16xf32>
          %swap3A_260 = arith.constant 1 : i32
          %swap3A_261 = arith.index_cast %swap3A_260 : i32 to index
          %swap3A_262 = arith.index_cast %scan3A_205 : i32 to index
          %swap3A_263 = arith.constant 48 : index
          %swap3A_264 = tpu.vector_load %arg12[%swap3A_261, %swap3A_262, %swap3A_263] {strides = array<i32>} : memref<2x128x64xf32, #tpu.memory_space<vmem>>, vector<1x1x16xf32>,
          %swap3A_265 = vector.shape_cast %swap3A_264 : vector<1x1x16xf32> to vector<16xf32>
          %swap3A_266 = vector.shape_cast %mul3A_259 : vector<16xf32> to vector<1x1x16xf32>
          tpu.vector_store %arg12[%swap3A_261, %swap3A_262, %swap3A_263], %swap3A_266 {strides = array<i32>} : memref<2x128x64xf32, #tpu.memory_space<vmem>>, vector<1x1x16xf32>,
          %scan3A_267 = arith.constant 0 : i32
          %scan3A_268 = arith.constant 1 : i32
          %scan3A_269 = arith.addi %scan3A_205, %scan3A_268 : i32
          %get3A_270 = arith.constant 1 : i32
          %get3A_271 = arith.index_cast %get3A_270 : i32 to index
          %get3A_272 = arith.index_cast %scan3A_269 : i32 to index
          %get3A_273 = arith.constant 0 : index
          %get3A_274 = tpu.vector_load %arg11[%get3A_271, %get3A_272, %get3A_273] {strides = array<i32>} : memref<2x128x16xf32, #tpu.memory_space<vmem>>, vector<1x1x16xf32>,
          %get3A_275 = vector.shape_cast %get3A_274 : vector<1x1x16xf32> to vector<16xf32>
          %get3A_276 = arith.constant 1 : i32
          %get3A_277 = arith.index_cast %get3A_276 : i32 to index
          %get3A_278 = arith.index_cast %scan3A_269 : i32 to index
          %get3A_279 = arith.constant 0 : index
          %get3A_280 = tpu.vector_load %arg12[%get3A_277, %get3A_278, %get3A_279] {strides = array<i32>} : memref<2x128x64xf32, #tpu.memory_space<vmem>>, vector<1x1x16xf32>,
          %get3A_281 = vector.shape_cast %get3A_280 : vector<1x1x16xf32> to vector<16xf32>
          %mul3A_282 = arith.mulf %get3A_281, %get3A_275 : vector<16xf32>
          %swap3A_283 = arith.constant 1 : i32
          %swap3A_284 = arith.index_cast %swap3A_283 : i32 to index
          %swap3A_285 = arith.index_cast %scan3A_269 : i32 to index
          %swap3A_286 = arith.constant 0 : index
          %swap3A_287 = tpu.vector_load %arg12[%swap3A_284, %swap3A_285, %swap3A_286] {strides = array<i32>} : memref<2x128x64xf32, #tpu.memory_space<vmem>>, vector<1x1x16xf32>,
          %swap3A_288 = vector.shape_cast %swap3A_287 : vector<1x1x16xf32> to vector<16xf32>
          %swap3A_289 = vector.shape_cast %mul3A_282 : vector<16xf32> to vector<1x1x16xf32>
          tpu.vector_store %arg12[%swap3A_284, %swap3A_285, %swap3A_286], %swap3A_289 {strides = array<i32>} : memref<2x128x64xf32, #tpu.memory_space<vmem>>, vector<1x1x16xf32>,
          %get3A_290 = arith.constant 1 : i32
          %get3A_291 = arith.index_cast %get3A_290 : i32 to index
          %get3A_292 = arith.index_cast %scan3A_269 : i32 to index
          %get3A_293 = arith.constant 16 : index
          %get3A_294 = tpu.vector_load %arg12[%get3A_291, %get3A_292, %get3A_293] {strides = array<i32>} : memref<2x128x64xf32, #tpu.memory_space<vmem>>, vector<1x1x16xf32>,
          %get3A_295 = vector.shape_cast %get3A_294 : vector<1x1x16xf32> to vector<16xf32>
          %mul3A_296 = arith.mulf %get3A_295, %get3A_275 : vector<16xf32>
          %swap3A_297 = arith.constant 1 : i32
          %swap3A_298 = arith.index_cast %swap3A_297 : i32 to index
          %swap3A_299 = arith.index_cast %scan3A_269 : i32 to index
          %swap3A_300 = arith.constant 16 : index
          %swap3A_301 = tpu.vector_load %arg12[%swap3A_298, %swap3A_299, %swap3A_300] {strides = array<i32>} : memref<2x128x64xf32, #tpu.memory_space<vmem>>, vector<1x1x16xf32>,
          %swap3A_302 = vector.shape_cast %swap3A_301 : vector<1x1x16xf32> to vector<16xf32>
          %swap3A_303 = vector.shape_cast %mul3A_296 : vector<16xf32> to vector<1x1x16xf32>
          tpu.vector_store %arg12[%swap3A_298, %swap3A_299, %swap3A_300], %swap3A_303 {strides = array<i32>} : memref<2x128x64xf32, #tpu.memory_space<vmem>>, vector<1x1x16xf32>,
          %get3A_304 = arith.constant 1 : i32
          %get3A_305 = arith.index_cast %get3A_304 : i32 to index
          %get3A_306 = arith.index_cast %scan3A_269 : i32 to index
          %get3A_307 = arith.constant 32 : index
          %get3A_308 = tpu.vector_load %arg12[%get3A_305, %get3A_306, %get3A_307] {strides = array<i32>} : memref<2x128x64xf32, #tpu.memory_space<vmem>>, vector<1x1x16xf32>,
          %get3A_309 = vector.shape_cast %get3A_308 : vector<1x1x16xf32> to vector<16xf32>
          %mul3A_310 = arith.mulf %get3A_309, %get3A_275 : vector<16xf32>
          %swap3A_311 = arith.constant 1 : i32
          %swap3A_312 = arith.index_cast %swap3A_311 : i32 to index
          %swap3A_313 = arith.index_cast %scan3A_269 : i32 to index
          %swap3A_314 = arith.constant 32 : index
          %swap3A_315 = tpu.vector_load %arg12[%swap3A_312, %swap3A_313, %swap3A_314] {strides = array<i32>} : memref<2x128x64xf32, #tpu.memory_space<vmem>>, vector<1x1x16xf32>,
          %swap3A_316 = vector.shape_cast %swap3A_315 : vector<1x1x16xf32> to vector<16xf32>
          %swap3A_317 = vector.shape_cast %mul3A_310 : vector<16xf32> to vector<1x1x16xf32>
          tpu.vector_store %arg12[%swap3A_312, %swap3A_313, %swap3A_314], %swap3A_317 {strides = array<i32>} : memref<2x128x64xf32, #tpu.memory_space<vmem>>, vector<1x1x16xf32>,
          %get3A_318 = arith.constant 1 : i32
          %get3A_319 = arith.index_cast %get3A_318 : i32 to index
          %get3A_320 = arith.index_cast %scan3A_269 : i32 to index
          %get3A_321 = arith.constant 48 : index
          %get3A_322 = tpu.vector_load %arg12[%get3A_319, %get3A_320, %get3A_321] {strides = array<i32>} : memref<2x128x64xf32, #tpu.memory_space<vmem>>, vector<1x1x16xf32>,
          %get3A_323 = vector.shape_cast %get3A_322 : vector<1x1x16xf32> to vector<16xf32>
          %mul3A_324 = arith.mulf %get3A_323, %get3A_275 : vector<16xf32>
          %swap3A_325 = arith.constant 1 : i32
          %swap3A_326 = arith.index_cast %swap3A_325 : i32 to index
          %swap3A_327 = arith.index_cast %scan3A_269 : i32 to index
          %swap3A_328 = arith.constant 48 : index
          %swap3A_329 = tpu.vector_load %arg12[%swap3A_326, %swap3A_327, %swap3A_328] {strides = array<i32>} : memref<2x128x64xf32, #tpu.memory_space<vmem>>, vector<1x1x16xf32>,
          %swap3A_330 = vector.shape_cast %swap3A_329 : vector<1x1x16xf32> to vector<16xf32>
          %swap3A_331 = vector.shape_cast %mul3A_324 : vector<16xf32> to vector<1x1x16xf32>
          tpu.vector_store %arg12[%swap3A_326, %swap3A_327, %swap3A_328], %swap3A_331 {strides = array<i32>} : memref<2x128x64xf32, #tpu.memory_space<vmem>>, vector<1x1x16xf32>,
          %scan3A_332 = arith.constant 0 : i32
          scf.yield %scan3A_332 : i32
        }
        %scan3A_197 = arith.constant 128 : i32
        %run_scoped3A_198 = arith.constant 1 : i32
        "tpu.region"() ({
          %run_scoped3A_205 = tpu.sem_alloc : memref<!tpu.dma_semaphore, #tpu.memory_space<semaphore_mem>>
          %dma_start3A_206 = arith.constant 0 : i32
          %dma_start3A_207 = arith.constant 0 : i32
          %dma_start3A_208 = tpu.memref_slice %arg12[%run_scoped3A_198, %dma_start3A_206, %dma_start3A_207] : memref<2x128x64xf32, #tpu.memory_space<vmem>> -> memref<1x128x64xf32, #tpu.memory_space<vmem>>
          %dma_start3A_209 = tpu.memref_squeeze %dma_start3A_208 : memref<1x128x64xf32, #tpu.memory_space<vmem>> -> memref<128x64xf32, #tpu.memory_space<vmem>>
          %dma_start3A_210 = arith.constant 0 : i32
          %dma_start3A_211 = tpu.memref_slice %arg10[%add3A_162, %dma_start3A_210] : memref<160x128xi32, #tpu.memory_space<vmem>> -> memref<1x128xi32, #tpu.memory_space<vmem>>
          %dma_start3A_212 = tpu.memref_squeeze %dma_start3A_211 : memref<1x128xi32, #tpu.memory_space<vmem>> -> memref<128xi32, #tpu.memory_space<vmem>>
          %dma_start3A_213 = arith.constant 0 : i32
          %dma_start3A_214 = arith.constant 0 : i32
          %dma_start3A_215 = tpu.memref_slice %arg14[%dma_start3A_213, %dma_start3A_214] : memref<10240x64xf32, #tpu.memory_space<vmem_shared>> -> memref<10240x64xf32, #tpu.memory_space<vmem_shared>>
          tpu.enqueue_indirect_dma source(%dma_start3A_209 : memref<128x64xf32, #tpu.memory_space<vmem>>) target(%dma_start3A_215 : memref<10240x64xf32, #tpu.memory_space<vmem_shared>>) offsets(%dma_start3A_212 : memref<128xi32, #tpu.memory_space<vmem>>) semaphore(%run_scoped3A_205 : memref<!tpu.dma_semaphore, #tpu.memory_space<semaphore_mem>>) {add = true}
          %dma_wait3A_216 = arith.constant 0 : i32
          %dma_wait3A_217 = arith.constant 0 : i32
          %dma_wait3A_218 = tpu.memref_slice %arg12[%run_scoped3A_198, %dma_wait3A_216, %dma_wait3A_217] : memref<2x128x64xf32, #tpu.memory_space<vmem>> -> memref<1x128x64xf32, #tpu.memory_space<vmem>>
          %dma_wait3A_219 = tpu.memref_squeeze %dma_wait3A_218 : memref<1x128x64xf32, #tpu.memory_space<vmem>> -> memref<128x64xf32, #tpu.memory_space<vmem>>
          %dma_wait3A_220 = arith.constant 0 : i32
          %dma_wait3A_221 = tpu.memref_slice %arg10[%add3A_162, %dma_wait3A_220] : memref<160x128xi32, #tpu.memory_space<vmem>> -> memref<1x128xi32, #tpu.memory_space<vmem>>
          %dma_wait3A_222 = tpu.memref_squeeze %dma_wait3A_221 : memref<1x128xi32, #tpu.memory_space<vmem>> -> memref<128xi32, #tpu.memory_space<vmem>>
          %dma_wait3A_223 = arith.constant 0 : i32
          %dma_wait3A_224 = arith.constant 0 : i32
          %dma_wait3A_225 = tpu.memref_slice %arg14[%dma_wait3A_223, %dma_wait3A_224] : memref<10240x64xf32, #tpu.memory_space<vmem_shared>> -> memref<10240x64xf32, #tpu.memory_space<vmem_shared>>
          tpu.wait_indirect_dma semaphore(%run_scoped3A_205 : memref<!tpu.dma_semaphore, #tpu.memory_space<semaphore_mem>>) src(%dma_wait3A_219 : memref<128x64xf32, #tpu.memory_space<vmem>>) dst(%dma_wait3A_225 : memref<10240x64xf32, #tpu.memory_space<vmem_shared>>)
          tpu.yield
        }) : () -> ()
        %lt3A_199 = arith.constant 79 : i32
        %lt3A_200 = arith.cmpi slt, %scan3A_114, %lt3A_199 : i32
        %convert_element_type3A_201 = arith.extui %lt3A_200 : i1 to i32
        %cond3A_202 = arith.constant 0 : i32
        %cond3A_203 = arith.cmpi ne, %convert_element_type3A_201, %cond3A_202 : i32
        scf.if %cond3A_203 {
          %add3A_205 = arith.constant 2 : i32
          %add3A_206 = arith.addi %add3A_162, %add3A_205 : i32
          %dma_start3A_207 = arith.constant 1 : i32
          %dma_start3A_208 = arith.constant 0 : i32
          %dma_start3A_209 = arith.constant 0 : i32
          %dma_start3A_210 = tpu.memref_slice %arg12[%dma_start3A_207, %dma_start3A_208, %dma_start3A_209] : memref<2x128x64xf32, #tpu.memory_space<vmem>> -> memref<1x128x64xf32, #tpu.memory_space<vmem>>
          %dma_start3A_211 = tpu.memref_squeeze %dma_start3A_210 : memref<1x128x64xf32, #tpu.memory_space<vmem>> -> memref<128x64xf32, #tpu.memory_space<vmem>>
          %dma_start3A_212 = arith.constant 0 : i32
          %dma_start3A_213 = tpu.memref_slice %arg9[%add3A_206, %dma_start3A_212] : memref<160x128xi32, #tpu.memory_space<vmem>> -> memref<1x128xi32, #tpu.memory_space<vmem>>
          %dma_start3A_214 = tpu.memref_squeeze %dma_start3A_213 : memref<1x128xi32, #tpu.memory_space<vmem>> -> memref<128xi32, #tpu.memory_space<vmem>>
          %dma_start3A_215 = arith.constant 0 : i32
          %dma_start3A_216 = arith.constant 0 : i32
          %dma_start3A_217 = tpu.memref_slice %arg2[%dma_start3A_215, %dma_start3A_216] : memref<10000x64xf32, #tpu.memory_space<hbm>> -> memref<10000x64xf32, #tpu.memory_space<hbm>>
          tpu.enqueue_indirect_dma source(%dma_start3A_217 : memref<10000x64xf32, #tpu.memory_space<hbm>>) target(%dma_start3A_211 : memref<128x64xf32, #tpu.memory_space<vmem>>) offsets(%dma_start3A_214 : memref<128xi32, #tpu.memory_space<vmem>>) semaphore(%arg17 : memref<!tpu.dma_semaphore, #tpu.memory_space<semaphore_mem>>)
          %dma_start3A_218 = arith.constant 1 : i32
          %dma_start3A_219 = arith.constant 0 : i32
          %dma_start3A_220 = arith.constant 0 : i32
          %dma_start3A_221 = tpu.memref_slice %arg11[%dma_start3A_218, %dma_start3A_219, %dma_start3A_220] : memref<2x128x16xf32, #tpu.memory_space<vmem>> -> memref<1x128x16xf32, #tpu.memory_space<vmem>>
          %dma_start3A_222 = tpu.memref_squeeze %dma_start3A_221 : memref<1x128x16xf32, #tpu.memory_space<vmem>> -> memref<128x16xf32, #tpu.memory_space<vmem>>
          %dma_start3A_223 = arith.constant 0 : i32
          %dma_start3A_224 = arith.constant 0 : i32
          %dma_start3A_225 = tpu.memref_slice %arg6[%arg1, %add3A_206, %dma_start3A_223, %dma_start3A_224] : memref<16x160x128x16xf32, #tpu.memory_space<hbm>> -> memref<1x1x128x16xf32, #tpu.memory_space<hbm>>
          %dma_start3A_226 = tpu.memref_squeeze %dma_start3A_225 : memref<1x1x128x16xf32, #tpu.memory_space<hbm>> -> memref<128x16xf32, #tpu.memory_space<hbm>>
          %dma_start3A_227 = arith.constant 0 : i32
          %dma_start3A_228 = arith.constant 0 : i32
          %dma_start3A_229 = tpu.memref_slice %arg11[%dma_start3A_218, %dma_start3A_227, %dma_start3A_228] : memref<2x128x16xf32, #tpu.memory_space<vmem>> -> memref<1x128x16xf32, #tpu.memory_space<vmem>>
          %dma_start3A_230 = tpu.memref_squeeze %dma_start3A_229 : memref<1x128x16xf32, #tpu.memory_space<vmem>> -> memref<128x16xf32, #tpu.memory_space<vmem>>
          %dma_start3A_231 = arith.constant 0 : i32
          %dma_start3A_232 = arith.constant 0 : i32
          %dma_start3A_233 = tpu.memref_slice %arg6[%arg1, %add3A_206, %dma_start3A_231, %dma_start3A_232] : memref<16x160x128x16xf32, #tpu.memory_space<hbm>> -> memref<1x1x128x16xf32, #tpu.memory_space<hbm>>
          %dma_start3A_234 = tpu.memref_squeeze %dma_start3A_233 : memref<1x1x128x16xf32, #tpu.memory_space<hbm>> -> memref<128x16xf32, #tpu.memory_space<hbm>>
          tpu.enqueue_dma source(%dma_start3A_234 : memref<128x16xf32, #tpu.memory_space<hbm>>) target(%dma_start3A_230 : memref<128x16xf32, #tpu.memory_space<vmem>>) target_semaphore(%arg17 : memref<!tpu.dma_semaphore, #tpu.memory_space<semaphore_mem>>)
        } else {
        }
        %scan3A_204 = arith.constant 0 : i32
        scf.yield %scan3A_204 : i32
      }
      %scan3A_113 = arith.constant 80 : i32
    } else {
    }
    %eq3A_32 = arith.constant 1 : i32
    %eq3A_33 = arith.cmpi eq, %arg0, %eq3A_32 : i32
    %convert_element_type3A_34 = arith.extui %eq3A_33 : i1 to i32
    %cond3A_35 = arith.constant 0 : i32
    %cond3A_36 = arith.cmpi ne, %convert_element_type3A_34, %cond3A_35 : i32
    scf.if %cond3A_36 {
      %dma_start3A = arith.constant 0 : i32
      %dma_start3A_48 = arith.constant 0 : i32
      %dma_start3A_49 = arith.constant 0 : i32
      %dma_start3A_50 = arith.constant 0 : i32
      %dma_start3A_51 = tpu.memref_slice %arg12[%dma_start3A_48, %dma_start3A_49, %dma_start3A_50] : memref<2x128x64xf32, #tpu.memory_space<vmem>> -> memref<1x128x64xf32, #tpu.memory_space<vmem>>
      %dma_start3A_52 = tpu.memref_squeeze %dma_start3A_51 : memref<1x128x64xf32, #tpu.memory_space<vmem>> -> memref<128x64xf32, #tpu.memory_space<vmem>>
      %dma_start3A_53 = arith.constant 0 : i32
      %dma_start3A_54 = tpu.memref_slice %arg9[%dma_start3A, %dma_start3A_53] : memref<160x128xi32, #tpu.memory_space<vmem>> -> memref<1x128xi32, #tpu.memory_space<vmem>>
      %dma_start3A_55 = tpu.memref_squeeze %dma_start3A_54 : memref<1x128xi32, #tpu.memory_space<vmem>> -> memref<128xi32, #tpu.memory_space<vmem>>
      %dma_start3A_56 = arith.constant 0 : i32
      %dma_start3A_57 = arith.constant 0 : i32
      %dma_start3A_58 = tpu.memref_slice %arg3[%dma_start3A_56, %dma_start3A_57] : memref<10000x64xf32, #tpu.memory_space<hbm>> -> memref<10000x64xf32, #tpu.memory_space<hbm>>
      tpu.enqueue_indirect_dma source(%dma_start3A_58 : memref<10000x64xf32, #tpu.memory_space<hbm>>) target(%dma_start3A_52 : memref<128x64xf32, #tpu.memory_space<vmem>>) offsets(%dma_start3A_55 : memref<128xi32, #tpu.memory_space<vmem>>) semaphore(%arg16 : memref<!tpu.dma_semaphore, #tpu.memory_space<semaphore_mem>>)
      %dma_start3A_59 = arith.constant 0 : i32
      %dma_start3A_60 = arith.constant 0 : i32
      %dma_start3A_61 = arith.constant 0 : i32
      %dma_start3A_62 = arith.constant 0 : i32
      %dma_start3A_63 = tpu.memref_slice %arg11[%dma_start3A_60, %dma_start3A_61, %dma_start3A_62] : memref<2x128x16xf32, #tpu.memory_space<vmem>> -> memref<1x128x16xf32, #tpu.memory_space<vmem>>
      %dma_start3A_64 = tpu.memref_squeeze %dma_start3A_63 : memref<1x128x16xf32, #tpu.memory_space<vmem>> -> memref<128x16xf32, #tpu.memory_space<vmem>>
      %dma_start3A_65 = arith.constant 0 : i32
      %dma_start3A_66 = arith.constant 0 : i32
      %dma_start3A_67 = tpu.memref_slice %arg6[%arg1, %dma_start3A_59, %dma_start3A_65, %dma_start3A_66] : memref<16x160x128x16xf32, #tpu.memory_space<hbm>> -> memref<1x1x128x16xf32, #tpu.memory_space<hbm>>
      %dma_start3A_68 = tpu.memref_squeeze %dma_start3A_67 : memref<1x1x128x16xf32, #tpu.memory_space<hbm>> -> memref<128x16xf32, #tpu.memory_space<hbm>>
      %dma_start3A_69 = arith.constant 0 : i32
      %dma_start3A_70 = arith.constant 0 : i32
      %dma_start3A_71 = tpu.memref_slice %arg11[%dma_start3A_60, %dma_start3A_69, %dma_start3A_70] : memref<2x128x16xf32, #tpu.memory_space<vmem>> -> memref<1x128x16xf32, #tpu.memory_space<vmem>>
      %dma_start3A_72 = tpu.memref_squeeze %dma_start3A_71 : memref<1x128x16xf32, #tpu.memory_space<vmem>> -> memref<128x16xf32, #tpu.memory_space<vmem>>
      %dma_start3A_73 = arith.constant 0 : i32
      %dma_start3A_74 = arith.constant 0 : i32
      %dma_start3A_75 = tpu.memref_slice %arg6[%arg1, %dma_start3A_59, %dma_start3A_73, %dma_start3A_74] : memref<16x160x128x16xf32, #tpu.memory_space<hbm>> -> memref<1x1x128x16xf32, #tpu.memory_space<hbm>>
      %dma_start3A_76 = tpu.memref_squeeze %dma_start3A_75 : memref<1x1x128x16xf32, #tpu.memory_space<hbm>> -> memref<128x16xf32, #tpu.memory_space<hbm>>
      tpu.enqueue_dma source(%dma_start3A_76 : memref<128x16xf32, #tpu.memory_space<hbm>>) target(%dma_start3A_72 : memref<128x16xf32, #tpu.memory_space<vmem>>) target_semaphore(%arg16 : memref<!tpu.dma_semaphore, #tpu.memory_space<semaphore_mem>>)
      %dma_start3A_77 = arith.constant 1 : i32
      %dma_start3A_78 = arith.constant 1 : i32
      %dma_start3A_79 = arith.constant 0 : i32
      %dma_start3A_80 = arith.constant 0 : i32
      %dma_start3A_81 = tpu.memref_slice %arg12[%dma_start3A_78, %dma_start3A_79, %dma_start3A_80] : memref<2x128x64xf32, #tpu.memory_space<vmem>> -> memref<1x128x64xf32, #tpu.memory_space<vmem>>
      %dma_start3A_82 = tpu.memref_squeeze %dma_start3A_81 : memref<1x128x64xf32, #tpu.memory_space<vmem>> -> memref<128x64xf32, #tpu.memory_space<vmem>>
      %dma_start3A_83 = arith.constant 0 : i32
      %dma_start3A_84 = tpu.memref_slice %arg9[%dma_start3A_77, %dma_start3A_83] : memref<160x128xi32, #tpu.memory_space<vmem>> -> memref<1x128xi32, #tpu.memory_space<vmem>>
      %dma_start3A_85 = tpu.memref_squeeze %dma_start3A_84 : memref<1x128xi32, #tpu.memory_space<vmem>> -> memref<128xi32, #tpu.memory_space<vmem>>
      %dma_start3A_86 = arith.constant 0 : i32
      %dma_start3A_87 = arith.constant 0 : i32
      %dma_start3A_88 = tpu.memref_slice %arg3[%dma_start3A_86, %dma_start3A_87] : memref<10000x64xf32, #tpu.memory_space<hbm>> -> memref<10000x64xf32, #tpu.memory_space<hbm>>
      tpu.enqueue_indirect_dma source(%dma_start3A_88 : memref<10000x64xf32, #tpu.memory_space<hbm>>) target(%dma_start3A_82 : memref<128x64xf32, #tpu.memory_space<vmem>>) offsets(%dma_start3A_85 : memref<128xi32, #tpu.memory_space<vmem>>) semaphore(%arg17 : memref<!tpu.dma_semaphore, #tpu.memory_space<semaphore_mem>>)
      %dma_start3A_89 = arith.constant 1 : i32
      %dma_start3A_90 = arith.constant 1 : i32
      %dma_start3A_91 = arith.constant 0 : i32
      %dma_start3A_92 = arith.constant 0 : i32
      %dma_start3A_93 = tpu.memref_slice %arg11[%dma_start3A_90, %dma_start3A_91, %dma_start3A_92] : memref<2x128x16xf32, #tpu.memory_space<vmem>> -> memref<1x128x16xf32, #tpu.memory_space<vmem>>
      %dma_start3A_94 = tpu.memref_squeeze %dma_start3A_93 : memref<1x128x16xf32, #tpu.memory_space<vmem>> -> memref<128x16xf32, #tpu.memory_space<vmem>>
      %dma_start3A_95 = arith.constant 0 : i32
      %dma_start3A_96 = arith.constant 0 : i32
      %dma_start3A_97 = tpu.memref_slice %arg6[%arg1, %dma_start3A_89, %dma_start3A_95, %dma_start3A_96] : memref<16x160x128x16xf32, #tpu.memory_space<hbm>> -> memref<1x1x128x16xf32, #tpu.memory_space<hbm>>
      %dma_start3A_98 = tpu.memref_squeeze %dma_start3A_97 : memref<1x1x128x16xf32, #tpu.memory_space<hbm>> -> memref<128x16xf32, #tpu.memory_space<hbm>>
      %dma_start3A_99 = arith.constant 0 : i32
      %dma_start3A_100 = arith.constant 0 : i32
      %dma_start3A_101 = tpu.memref_slice %arg11[%dma_start3A_90, %dma_start3A_99, %dma_start3A_100] : memref<2x128x16xf32, #tpu.memory_space<vmem>> -> memref<1x128x16xf32, #tpu.memory_space<vmem>>
      %dma_start3A_102 = tpu.memref_squeeze %dma_start3A_101 : memref<1x128x16xf32, #tpu.memory_space<vmem>> -> memref<128x16xf32, #tpu.memory_space<vmem>>
      %dma_start3A_103 = arith.constant 0 : i32
      %dma_start3A_104 = arith.constant 0 : i32
      %dma_start3A_105 = tpu.memref_slice %arg6[%arg1, %dma_start3A_89, %dma_start3A_103, %dma_start3A_104] : memref<16x160x128x16xf32, #tpu.memory_space<hbm>> -> memref<1x1x128x16xf32, #tpu.memory_space<hbm>>
      %dma_start3A_106 = tpu.memref_squeeze %dma_start3A_105 : memref<1x1x128x16xf32, #tpu.memory_space<hbm>> -> memref<128x16xf32, #tpu.memory_space<hbm>>
      tpu.enqueue_dma source(%dma_start3A_106 : memref<128x16xf32, #tpu.memory_space<hbm>>) target(%dma_start3A_102 : memref<128x16xf32, #tpu.memory_space<vmem>>) target_semaphore(%arg17 : memref<!tpu.dma_semaphore, #tpu.memory_space<semaphore_mem>>)
      %scan3A_107 = arith.constant 0 : i32
      %scan3A_108 = arith.constant 0 : i32
      %scan3A_109 = arith.constant 80 : i32
      %scan3A_110 = arith.addi %scan3A_108, %scan3A_109 : i32
      %scan3A_111 = arith.constant 1 : i32
      %scan3A_112 = scf.for %scan3A_114 = %scan3A_108 to %scan3A_110 step %scan3A_111 iter_args(%scan3A_115 = %scan3A_107) -> (i32)  : i32 {
        %mul3A_116 = arith.constant 2 : i32
        %mul3A_117 = arith.muli %scan3A_114, %mul3A_116 : i32
        %add3A_118 = arith.constant 0 : i32
        %add3A_119 = arith.addi %mul3A_117, %add3A_118 : i32
        %dma_wait3A = arith.constant 0 : i32
        %dma_wait3A_120 = arith.constant 0 : i32
        %dma_wait3A_121 = arith.constant 0 : i32
        %dma_wait3A_122 = tpu.memref_slice %arg12[%dma_wait3A, %dma_wait3A_120, %dma_wait3A_121] : memref<2x128x64xf32, #tpu.memory_space<vmem>> -> memref<1x128x64xf32, #tpu.memory_space<vmem>>
        %dma_wait3A_123 = tpu.memref_squeeze %dma_wait3A_122 : memref<1x128x64xf32, #tpu.memory_space<vmem>> -> memref<128x64xf32, #tpu.memory_space<vmem>>
        %dma_wait3A_124 = arith.constant 0 : i32
        %dma_wait3A_125 = tpu.memref_slice %arg9[%add3A_119, %dma_wait3A_124] : memref<160x128xi32, #tpu.memory_space<vmem>> -> memref<1x128xi32, #tpu.memory_space<vmem>>
        %dma_wait3A_126 = tpu.memref_squeeze %dma_wait3A_125 : memref<1x128xi32, #tpu.memory_space<vmem>> -> memref<128xi32, #tpu.memory_space<vmem>>
        %dma_wait3A_127 = arith.constant 0 : i32
        %dma_wait3A_128 = arith.constant 0 : i32
        %dma_wait3A_129 = tpu.memref_slice %arg3[%dma_wait3A_127, %dma_wait3A_128] : memref<10000x64xf32, #tpu.memory_space<hbm>> -> memref<10000x64xf32, #tpu.memory_space<hbm>>
        tpu.wait_indirect_dma semaphore(%arg16 : memref<!tpu.dma_semaphore, #tpu.memory_space<semaphore_mem>>) src(%dma_wait3A_129 : memref<10000x64xf32, #tpu.memory_space<hbm>>) dst(%dma_wait3A_123 : memref<128x64xf32, #tpu.memory_space<vmem>>)
        %dma_wait3A_130 = arith.constant 0 : i32
        %dma_wait3A_131 = arith.constant 0 : i32
        %dma_wait3A_132 = arith.constant 0 : i32
        %dma_wait3A_133 = tpu.memref_slice %arg11[%dma_wait3A_130, %dma_wait3A_131, %dma_wait3A_132] : memref<2x128x16xf32, #tpu.memory_space<vmem>> -> memref<1x128x16xf32, #tpu.memory_space<vmem>>
        %dma_wait3A_134 = tpu.memref_squeeze %dma_wait3A_133 : memref<1x128x16xf32, #tpu.memory_space<vmem>> -> memref<128x16xf32, #tpu.memory_space<vmem>>
        %dma_wait3A_135 = arith.constant 0 : i32
        %dma_wait3A_136 = arith.constant 0 : i32
        %dma_wait3A_137 = tpu.memref_slice %arg6[%arg1, %add3A_119, %dma_wait3A_135, %dma_wait3A_136] : memref<16x160x128x16xf32, #tpu.memory_space<hbm>> -> memref<1x1x128x16xf32, #tpu.memory_space<hbm>>
        %dma_wait3A_138 = tpu.memref_squeeze %dma_wait3A_137 : memref<1x1x128x16xf32, #tpu.memory_space<hbm>> -> memref<128x16xf32, #tpu.memory_space<hbm>>
        %dma_wait3A_139 = arith.constant 0 : i32
        %dma_wait3A_140 = arith.constant 0 : i32
        %dma_wait3A_141 = tpu.memref_slice %arg11[%dma_wait3A_130, %dma_wait3A_139, %dma_wait3A_140] : memref<2x128x16xf32, #tpu.memory_space<vmem>> -> memref<1x128x16xf32, #tpu.memory_space<vmem>>
        %dma_wait3A_142 = tpu.memref_squeeze %dma_wait3A_141 : memref<1x128x16xf32, #tpu.memory_space<vmem>> -> memref<128x16xf32, #tpu.memory_space<vmem>>
        %dma_wait3A_143 = arith.constant 0 : i32
        %dma_wait3A_144 = arith.constant 0 : i32
        %dma_wait3A_145 = tpu.memref_slice %arg6[%arg1, %add3A_119, %dma_wait3A_143, %dma_wait3A_144] : memref<16x160x128x16xf32, #tpu.memory_space<hbm>> -> memref<1x1x128x16xf32, #tpu.memory_space<hbm>>
        %dma_wait3A_146 = tpu.memref_squeeze %dma_wait3A_145 : memref<1x1x128x16xf32, #tpu.memory_space<hbm>> -> memref<128x16xf32, #tpu.memory_space<hbm>>
        tpu.wait_dma2 semaphore(%arg16 : memref<!tpu.dma_semaphore, #tpu.memory_space<semaphore_mem>>) src(%dma_wait3A_146 : memref<128x16xf32, #tpu.memory_space<hbm>>) dst(%dma_wait3A_142 : memref<128x16xf32, #tpu.memory_space<vmem>>)
        %scan3A_147 = arith.constant 0 : i32
        %scan3A_148 = arith.constant 0 : i32
        %scan3A_149 = arith.constant 128 : i32
        %scan3A_150 = arith.addi %scan3A_148, %scan3A_149 : i32
        %scan3A_151 = arith.constant 2 : i32
        %scan3A_152 = scf.for %scan3A_205 = %scan3A_148 to %scan3A_150 step %scan3A_151 iter_args(%scan3A_206 = %scan3A_147) -> (i32)  : i32 {
          %get3A = arith.constant 0 : i32
          %get3A_207 = arith.index_cast %get3A : i32 to index
          %get3A_208 = arith.index_cast %scan3A_205 : i32 to index
          %get3A_209 = arith.constant 0 : index
          %get3A_210 = tpu.vector_load %arg11[%get3A_207, %get3A_208, %get3A_209] {strides = array<i32>} : memref<2x128x16xf32, #tpu.memory_space<vmem>>, vector<1x1x16xf32>,
          %get3A_211 = vector.shape_cast %get3A_210 : vector<1x1x16xf32> to vector<16xf32>
          %get3A_212 = arith.constant 0 : i32
          %get3A_213 = arith.index_cast %get3A_212 : i32 to index
          %get3A_214 = arith.index_cast %scan3A_205 : i32 to index
          %get3A_215 = arith.constant 0 : index
          %get3A_216 = tpu.vector_load %arg12[%get3A_213, %get3A_214, %get3A_215] {strides = array<i32>} : memref<2x128x64xf32, #tpu.memory_space<vmem>>, vector<1x1x16xf32>,
          %get3A_217 = vector.shape_cast %get3A_216 : vector<1x1x16xf32> to vector<16xf32>
          %mul3A_218 = arith.mulf %get3A_217, %get3A_211 : vector<16xf32>
          %swap3A = arith.constant 0 : i32
          %swap3A_219 = arith.index_cast %swap3A : i32 to index
          %swap3A_220 = arith.index_cast %scan3A_205 : i32 to index
          %swap3A_221 = arith.constant 0 : index
          %swap3A_222 = tpu.vector_load %arg12[%swap3A_219, %swap3A_220, %swap3A_221] {strides = array<i32>} : memref<2x128x64xf32, #tpu.memory_space<vmem>>, vector<1x1x16xf32>,
          %swap3A_223 = vector.shape_cast %swap3A_222 : vector<1x1x16xf32> to vector<16xf32>
          %swap3A_224 = vector.shape_cast %mul3A_218 : vector<16xf32> to vector<1x1x16xf32>
          tpu.vector_store %arg12[%swap3A_219, %swap3A_220, %swap3A_221], %swap3A_224 {strides = array<i32>} : memref<2x128x64xf32, #tpu.memory_space<vmem>>, vector<1x1x16xf32>,
          %get3A_225 = arith.constant 0 : i32
          %get3A_226 = arith.index_cast %get3A_225 : i32 to index
          %get3A_227 = arith.index_cast %scan3A_205 : i32 to index
          %get3A_228 = arith.constant 16 : index
          %get3A_229 = tpu.vector_load %arg12[%get3A_226, %get3A_227, %get3A_228] {strides = array<i32>} : memref<2x128x64xf32, #tpu.memory_space<vmem>>, vector<1x1x16xf32>,
          %get3A_230 = vector.shape_cast %get3A_229 : vector<1x1x16xf32> to vector<16xf32>
          %mul3A_231 = arith.mulf %get3A_230, %get3A_211 : vector<16xf32>
          %swap3A_232 = arith.constant 0 : i32
          %swap3A_233 = arith.index_cast %swap3A_232 : i32 to index
          %swap3A_234 = arith.index_cast %scan3A_205 : i32 to index
          %swap3A_235 = arith.constant 16 : index
          %swap3A_236 = tpu.vector_load %arg12[%swap3A_233, %swap3A_234, %swap3A_235] {strides = array<i32>} : memref<2x128x64xf32, #tpu.memory_space<vmem>>, vector<1x1x16xf32>,
          %swap3A_237 = vector.shape_cast %swap3A_236 : vector<1x1x16xf32> to vector<16xf32>
          %swap3A_238 = vector.shape_cast %mul3A_231 : vector<16xf32> to vector<1x1x16xf32>
          tpu.vector_store %arg12[%swap3A_233, %swap3A_234, %swap3A_235], %swap3A_238 {strides = array<i32>} : memref<2x128x64xf32, #tpu.memory_space<vmem>>, vector<1x1x16xf32>,
          %get3A_239 = arith.constant 0 : i32
          %get3A_240 = arith.index_cast %get3A_239 : i32 to index
          %get3A_241 = arith.index_cast %scan3A_205 : i32 to index
          %get3A_242 = arith.constant 32 : index
          %get3A_243 = tpu.vector_load %arg12[%get3A_240, %get3A_241, %get3A_242] {strides = array<i32>} : memref<2x128x64xf32, #tpu.memory_space<vmem>>, vector<1x1x16xf32>,
          %get3A_244 = vector.shape_cast %get3A_243 : vector<1x1x16xf32> to vector<16xf32>
          %mul3A_245 = arith.mulf %get3A_244, %get3A_211 : vector<16xf32>
          %swap3A_246 = arith.constant 0 : i32
          %swap3A_247 = arith.index_cast %swap3A_246 : i32 to index
          %swap3A_248 = arith.index_cast %scan3A_205 : i32 to index
          %swap3A_249 = arith.constant 32 : index
          %swap3A_250 = tpu.vector_load %arg12[%swap3A_247, %swap3A_248, %swap3A_249] {strides = array<i32>} : memref<2x128x64xf32, #tpu.memory_space<vmem>>, vector<1x1x16xf32>,
          %swap3A_251 = vector.shape_cast %swap3A_250 : vector<1x1x16xf32> to vector<16xf32>
          %swap3A_252 = vector.shape_cast %mul3A_245 : vector<16xf32> to vector<1x1x16xf32>
          tpu.vector_store %arg12[%swap3A_247, %swap3A_248, %swap3A_249], %swap3A_252 {strides = array<i32>} : memref<2x128x64xf32, #tpu.memory_space<vmem>>, vector<1x1x16xf32>,
          %get3A_253 = arith.constant 0 : i32
          %get3A_254 = arith.index_cast %get3A_253 : i32 to index
          %get3A_255 = arith.index_cast %scan3A_205 : i32 to index
          %get3A_256 = arith.constant 48 : index
          %get3A_257 = tpu.vector_load %arg12[%get3A_254, %get3A_255, %get3A_256] {strides = array<i32>} : memref<2x128x64xf32, #tpu.memory_space<vmem>>, vector<1x1x16xf32>,
          %get3A_258 = vector.shape_cast %get3A_257 : vector<1x1x16xf32> to vector<16xf32>
          %mul3A_259 = arith.mulf %get3A_258, %get3A_211 : vector<16xf32>
          %swap3A_260 = arith.constant 0 : i32
          %swap3A_261 = arith.index_cast %swap3A_260 : i32 to index
          %swap3A_262 = arith.index_cast %scan3A_205 : i32 to index
          %swap3A_263 = arith.constant 48 : index
          %swap3A_264 = tpu.vector_load %arg12[%swap3A_261, %swap3A_262, %swap3A_263] {strides = array<i32>} : memref<2x128x64xf32, #tpu.memory_space<vmem>>, vector<1x1x16xf32>,
          %swap3A_265 = vector.shape_cast %swap3A_264 : vector<1x1x16xf32> to vector<16xf32>
          %swap3A_266 = vector.shape_cast %mul3A_259 : vector<16xf32> to vector<1x1x16xf32>
          tpu.vector_store %arg12[%swap3A_261, %swap3A_262, %swap3A_263], %swap3A_266 {strides = array<i32>} : memref<2x128x64xf32, #tpu.memory_space<vmem>>, vector<1x1x16xf32>,
          %scan3A_267 = arith.constant 0 : i32
          %scan3A_268 = arith.constant 1 : i32
          %scan3A_269 = arith.addi %scan3A_205, %scan3A_268 : i32
          %get3A_270 = arith.constant 0 : i32
          %get3A_271 = arith.index_cast %get3A_270 : i32 to index
          %get3A_272 = arith.index_cast %scan3A_269 : i32 to index
          %get3A_273 = arith.constant 0 : index
          %get3A_274 = tpu.vector_load %arg11[%get3A_271, %get3A_272, %get3A_273] {strides = array<i32>} : memref<2x128x16xf32, #tpu.memory_space<vmem>>, vector<1x1x16xf32>,
          %get3A_275 = vector.shape_cast %get3A_274 : vector<1x1x16xf32> to vector<16xf32>
          %get3A_276 = arith.constant 0 : i32
          %get3A_277 = arith.index_cast %get3A_276 : i32 to index
          %get3A_278 = arith.index_cast %scan3A_269 : i32 to index
          %get3A_279 = arith.constant 0 : index
          %get3A_280 = tpu.vector_load %arg12[%get3A_277, %get3A_278, %get3A_279] {strides = array<i32>} : memref<2x128x64xf32, #tpu.memory_space<vmem>>, vector<1x1x16xf32>,
          %get3A_281 = vector.shape_cast %get3A_280 : vector<1x1x16xf32> to vector<16xf32>
          %mul3A_282 = arith.mulf %get3A_281, %get3A_275 : vector<16xf32>
          %swap3A_283 = arith.constant 0 : i32
          %swap3A_284 = arith.index_cast %swap3A_283 : i32 to index
          %swap3A_285 = arith.index_cast %scan3A_269 : i32 to index
          %swap3A_286 = arith.constant 0 : index
          %swap3A_287 = tpu.vector_load %arg12[%swap3A_284, %swap3A_285, %swap3A_286] {strides = array<i32>} : memref<2x128x64xf32, #tpu.memory_space<vmem>>, vector<1x1x16xf32>,
          %swap3A_288 = vector.shape_cast %swap3A_287 : vector<1x1x16xf32> to vector<16xf32>
          %swap3A_289 = vector.shape_cast %mul3A_282 : vector<16xf32> to vector<1x1x16xf32>
          tpu.vector_store %arg12[%swap3A_284, %swap3A_285, %swap3A_286], %swap3A_289 {strides = array<i32>} : memref<2x128x64xf32, #tpu.memory_space<vmem>>, vector<1x1x16xf32>,
          %get3A_290 = arith.constant 0 : i32
          %get3A_291 = arith.index_cast %get3A_290 : i32 to index
          %get3A_292 = arith.index_cast %scan3A_269 : i32 to index
          %get3A_293 = arith.constant 16 : index
          %get3A_294 = tpu.vector_load %arg12[%get3A_291, %get3A_292, %get3A_293] {strides = array<i32>} : memref<2x128x64xf32, #tpu.memory_space<vmem>>, vector<1x1x16xf32>,
          %get3A_295 = vector.shape_cast %get3A_294 : vector<1x1x16xf32> to vector<16xf32>
          %mul3A_296 = arith.mulf %get3A_295, %get3A_275 : vector<16xf32>
          %swap3A_297 = arith.constant 0 : i32
          %swap3A_298 = arith.index_cast %swap3A_297 : i32 to index
          %swap3A_299 = arith.index_cast %scan3A_269 : i32 to index
          %swap3A_300 = arith.constant 16 : index
          %swap3A_301 = tpu.vector_load %arg12[%swap3A_298, %swap3A_299, %swap3A_300] {strides = array<i32>} : memref<2x128x64xf32, #tpu.memory_space<vmem>>, vector<1x1x16xf32>,
          %swap3A_302 = vector.shape_cast %swap3A_301 : vector<1x1x16xf32> to vector<16xf32>
          %swap3A_303 = vector.shape_cast %mul3A_296 : vector<16xf32> to vector<1x1x16xf32>
          tpu.vector_store %arg12[%swap3A_298, %swap3A_299, %swap3A_300], %swap3A_303 {strides = array<i32>} : memref<2x128x64xf32, #tpu.memory_space<vmem>>, vector<1x1x16xf32>,
          %get3A_304 = arith.constant 0 : i32
          %get3A_305 = arith.index_cast %get3A_304 : i32 to index
          %get3A_306 = arith.index_cast %scan3A_269 : i32 to index
          %get3A_307 = arith.constant 32 : index
          %get3A_308 = tpu.vector_load %arg12[%get3A_305, %get3A_306, %get3A_307] {strides = array<i32>} : memref<2x128x64xf32, #tpu.memory_space<vmem>>, vector<1x1x16xf32>,
          %get3A_309 = vector.shape_cast %get3A_308 : vector<1x1x16xf32> to vector<16xf32>
          %mul3A_310 = arith.mulf %get3A_309, %get3A_275 : vector<16xf32>
          %swap3A_311 = arith.constant 0 : i32
          %swap3A_312 = arith.index_cast %swap3A_311 : i32 to index
          %swap3A_313 = arith.index_cast %scan3A_269 : i32 to index
          %swap3A_314 = arith.constant 32 : index
          %swap3A_315 = tpu.vector_load %arg12[%swap3A_312, %swap3A_313, %swap3A_314] {strides = array<i32>} : memref<2x128x64xf32, #tpu.memory_space<vmem>>, vector<1x1x16xf32>,
          %swap3A_316 = vector.shape_cast %swap3A_315 : vector<1x1x16xf32> to vector<16xf32>
          %swap3A_317 = vector.shape_cast %mul3A_310 : vector<16xf32> to vector<1x1x16xf32>
          tpu.vector_store %arg12[%swap3A_312, %swap3A_313, %swap3A_314], %swap3A_317 {strides = array<i32>} : memref<2x128x64xf32, #tpu.memory_space<vmem>>, vector<1x1x16xf32>,
          %get3A_318 = arith.constant 0 : i32
          %get3A_319 = arith.index_cast %get3A_318 : i32 to index
          %get3A_320 = arith.index_cast %scan3A_269 : i32 to index
          %get3A_321 = arith.constant 48 : index
          %get3A_322 = tpu.vector_load %arg12[%get3A_319, %get3A_320, %get3A_321] {strides = array<i32>} : memref<2x128x64xf32, #tpu.memory_space<vmem>>, vector<1x1x16xf32>,
          %get3A_323 = vector.shape_cast %get3A_322 : vector<1x1x16xf32> to vector<16xf32>
          %mul3A_324 = arith.mulf %get3A_323, %get3A_275 : vector<16xf32>
          %swap3A_325 = arith.constant 0 : i32
          %swap3A_326 = arith.index_cast %swap3A_325 : i32 to index
          %swap3A_327 = arith.index_cast %scan3A_269 : i32 to index
          %swap3A_328 = arith.constant 48 : index
          %swap3A_329 = tpu.vector_load %arg12[%swap3A_326, %swap3A_327, %swap3A_328] {strides = array<i32>} : memref<2x128x64xf32, #tpu.memory_space<vmem>>, vector<1x1x16xf32>,
          %swap3A_330 = vector.shape_cast %swap3A_329 : vector<1x1x16xf32> to vector<16xf32>
          %swap3A_331 = vector.shape_cast %mul3A_324 : vector<16xf32> to vector<1x1x16xf32>
          tpu.vector_store %arg12[%swap3A_326, %swap3A_327, %swap3A_328], %swap3A_331 {strides = array<i32>} : memref<2x128x64xf32, #tpu.memory_space<vmem>>, vector<1x1x16xf32>,
          %scan3A_332 = arith.constant 0 : i32
          scf.yield %scan3A_332 : i32
        }
        %scan3A_153 = arith.constant 128 : i32
        %run_scoped3A_154 = arith.constant 0 : i32
        "tpu.region"() ({
          %run_scoped3A_205 = tpu.sem_alloc : memref<!tpu.dma_semaphore, #tpu.memory_space<semaphore_mem>>
          %dma_start3A_206 = arith.constant 0 : i32
          %dma_start3A_207 = arith.constant 0 : i32
          %dma_start3A_208 = tpu.memref_slice %arg12[%run_scoped3A_154, %dma_start3A_206, %dma_start3A_207] : memref<2x128x64xf32, #tpu.memory_space<vmem>> -> memref<1x128x64xf32, #tpu.memory_space<vmem>>
          %dma_start3A_209 = tpu.memref_squeeze %dma_start3A_208 : memref<1x128x64xf32, #tpu.memory_space<vmem>> -> memref<128x64xf32, #tpu.memory_space<vmem>>
          %dma_start3A_210 = arith.constant 0 : i32
          %dma_start3A_211 = tpu.memref_slice %arg10[%add3A_119, %dma_start3A_210] : memref<160x128xi32, #tpu.memory_space<vmem>> -> memref<1x128xi32, #tpu.memory_space<vmem>>
          %dma_start3A_212 = tpu.memref_squeeze %dma_start3A_211 : memref<1x128xi32, #tpu.memory_space<vmem>> -> memref<128xi32, #tpu.memory_space<vmem>>
          %dma_start3A_213 = arith.constant 0 : i32
          %dma_start3A_214 = arith.constant 0 : i32
          %dma_start3A_215 = tpu.memref_slice %arg14[%dma_start3A_213, %dma_start3A_214] : memref<10240x64xf32, #tpu.memory_space<vmem_shared>> -> memref<10240x64xf32, #tpu.memory_space<vmem_shared>>
          tpu.enqueue_indirect_dma source(%dma_start3A_209 : memref<128x64xf32, #tpu.memory_space<vmem>>) target(%dma_start3A_215 : memref<10240x64xf32, #tpu.memory_space<vmem_shared>>) offsets(%dma_start3A_212 : memref<128xi32, #tpu.memory_space<vmem>>) semaphore(%run_scoped3A_205 : memref<!tpu.dma_semaphore, #tpu.memory_space<semaphore_mem>>) {add = true}
          %dma_wait3A_216 = arith.constant 0 : i32
          %dma_wait3A_217 = arith.constant 0 : i32
          %dma_wait3A_218 = tpu.memref_slice %arg12[%run_scoped3A_154, %dma_wait3A_216, %dma_wait3A_217] : memref<2x128x64xf32, #tpu.memory_space<vmem>> -> memref<1x128x64xf32, #tpu.memory_space<vmem>>
          %dma_wait3A_219 = tpu.memref_squeeze %dma_wait3A_218 : memref<1x128x64xf32, #tpu.memory_space<vmem>> -> memref<128x64xf32, #tpu.memory_space<vmem>>
          %dma_wait3A_220 = arith.constant 0 : i32
          %dma_wait3A_221 = tpu.memref_slice %arg10[%add3A_119, %dma_wait3A_220] : memref<160x128xi32, #tpu.memory_space<vmem>> -> memref<1x128xi32, #tpu.memory_space<vmem>>
          %dma_wait3A_222 = tpu.memref_squeeze %dma_wait3A_221 : memref<1x128xi32, #tpu.memory_space<vmem>> -> memref<128xi32, #tpu.memory_space<vmem>>
          %dma_wait3A_223 = arith.constant 0 : i32
          %dma_wait3A_224 = arith.constant 0 : i32
          %dma_wait3A_225 = tpu.memref_slice %arg14[%dma_wait3A_223, %dma_wait3A_224] : memref<10240x64xf32, #tpu.memory_space<vmem_shared>> -> memref<10240x64xf32, #tpu.memory_space<vmem_shared>>
          tpu.wait_indirect_dma semaphore(%run_scoped3A_205 : memref<!tpu.dma_semaphore, #tpu.memory_space<semaphore_mem>>) src(%dma_wait3A_219 : memref<128x64xf32, #tpu.memory_space<vmem>>) dst(%dma_wait3A_225 : memref<10240x64xf32, #tpu.memory_space<vmem_shared>>)
          tpu.yield
        }) : () -> ()
        %lt3A = arith.constant 79 : i32
        %lt3A_155 = arith.cmpi slt, %scan3A_114, %lt3A : i32
        %convert_element_type3A_156 = arith.extui %lt3A_155 : i1 to i32
        %cond3A_157 = arith.constant 0 : i32
        %cond3A_158 = arith.cmpi ne, %convert_element_type3A_156, %cond3A_157 : i32
        scf.if %cond3A_158 {
          %add3A_205 = arith.constant 2 : i32
          %add3A_206 = arith.addi %add3A_119, %add3A_205 : i32
          %dma_start3A_207 = arith.constant 0 : i32
          %dma_start3A_208 = arith.constant 0 : i32
          %dma_start3A_209 = arith.constant 0 : i32
          %dma_start3A_210 = tpu.memref_slice %arg12[%dma_start3A_207, %dma_start3A_208, %dma_start3A_209] : memref<2x128x64xf32, #tpu.memory_space<vmem>> -> memref<1x128x64xf32, #tpu.memory_space<vmem>>
          %dma_start3A_211 = tpu.memref_squeeze %dma_start3A_210 : memref<1x128x64xf32, #tpu.memory_space<vmem>> -> memref<128x64xf32, #tpu.memory_space<vmem>>
          %dma_start3A_212 = arith.constant 0 : i32
          %dma_start3A_213 = tpu.memref_slice %arg9[%add3A_206, %dma_start3A_212] : memref<160x128xi32, #tpu.memory_space<vmem>> -> memref<1x128xi32, #tpu.memory_space<vmem>>
          %dma_start3A_214 = tpu.memref_squeeze %dma_start3A_213 : memref<1x128xi32, #tpu.memory_space<vmem>> -> memref<128xi32, #tpu.memory_space<vmem>>
          %dma_start3A_215 = arith.constant 0 : i32
          %dma_start3A_216 = arith.constant 0 : i32
          %dma_start3A_217 = tpu.memref_slice %arg3[%dma_start3A_215, %dma_start3A_216] : memref<10000x64xf32, #tpu.memory_space<hbm>> -> memref<10000x64xf32, #tpu.memory_space<hbm>>
          tpu.enqueue_indirect_dma source(%dma_start3A_217 : memref<10000x64xf32, #tpu.memory_space<hbm>>) target(%dma_start3A_211 : memref<128x64xf32, #tpu.memory_space<vmem>>) offsets(%dma_start3A_214 : memref<128xi32, #tpu.memory_space<vmem>>) semaphore(%arg16 : memref<!tpu.dma_semaphore, #tpu.memory_space<semaphore_mem>>)
          %dma_start3A_218 = arith.constant 0 : i32
          %dma_start3A_219 = arith.constant 0 : i32
          %dma_start3A_220 = arith.constant 0 : i32
          %dma_start3A_221 = tpu.memref_slice %arg11[%dma_start3A_218, %dma_start3A_219, %dma_start3A_220] : memref<2x128x16xf32, #tpu.memory_space<vmem>> -> memref<1x128x16xf32, #tpu.memory_space<vmem>>
          %dma_start3A_222 = tpu.memref_squeeze %dma_start3A_221 : memref<1x128x16xf32, #tpu.memory_space<vmem>> -> memref<128x16xf32, #tpu.memory_space<vmem>>
          %dma_start3A_223 = arith.constant 0 : i32
          %dma_start3A_224 = arith.constant 0 : i32
          %dma_start3A_225 = tpu.memref_slice %arg6[%arg1, %add3A_206, %dma_start3A_223, %dma_start3A_224] : memref<16x160x128x16xf32, #tpu.memory_space<hbm>> -> memref<1x1x128x16xf32, #tpu.memory_space<hbm>>
          %dma_start3A_226 = tpu.memref_squeeze %dma_start3A_225 : memref<1x1x128x16xf32, #tpu.memory_space<hbm>> -> memref<128x16xf32, #tpu.memory_space<hbm>>
          %dma_start3A_227 = arith.constant 0 : i32
          %dma_start3A_228 = arith.constant 0 : i32
          %dma_start3A_229 = tpu.memref_slice %arg11[%dma_start3A_218, %dma_start3A_227, %dma_start3A_228] : memref<2x128x16xf32, #tpu.memory_space<vmem>> -> memref<1x128x16xf32, #tpu.memory_space<vmem>>
          %dma_start3A_230 = tpu.memref_squeeze %dma_start3A_229 : memref<1x128x16xf32, #tpu.memory_space<vmem>> -> memref<128x16xf32, #tpu.memory_space<vmem>>
          %dma_start3A_231 = arith.constant 0 : i32
          %dma_start3A_232 = arith.constant 0 : i32
          %dma_start3A_233 = tpu.memref_slice %arg6[%arg1, %add3A_206, %dma_start3A_231, %dma_start3A_232] : memref<16x160x128x16xf32, #tpu.memory_space<hbm>> -> memref<1x1x128x16xf32, #tpu.memory_space<hbm>>
          %dma_start3A_234 = tpu.memref_squeeze %dma_start3A_233 : memref<1x1x128x16xf32, #tpu.memory_space<hbm>> -> memref<128x16xf32, #tpu.memory_space<hbm>>
          tpu.enqueue_dma source(%dma_start3A_234 : memref<128x16xf32, #tpu.memory_space<hbm>>) target(%dma_start3A_230 : memref<128x16xf32, #tpu.memory_space<vmem>>) target_semaphore(%arg16 : memref<!tpu.dma_semaphore, #tpu.memory_space<semaphore_mem>>)
        } else {
        }
        %mul3A_159 = arith.constant 2 : i32
        %mul3A_160 = arith.muli %scan3A_114, %mul3A_159 : i32
        %add3A_161 = arith.constant 1 : i32
        %add3A_162 = arith.addi %mul3A_160, %add3A_161 : i32
        %dma_wait3A_163 = arith.constant 1 : i32
        %dma_wait3A_164 = arith.constant 0 : i32
        %dma_wait3A_165 = arith.constant 0 : i32
        %dma_wait3A_166 = tpu.memref_slice %arg12[%dma_wait3A_163, %dma_wait3A_164, %dma_wait3A_165] : memref<2x128x64xf32, #tpu.memory_space<vmem>> -> memref<1x128x64xf32, #tpu.memory_space<vmem>>
        %dma_wait3A_167 = tpu.memref_squeeze %dma_wait3A_166 : memref<1x128x64xf32, #tpu.memory_space<vmem>> -> memref<128x64xf32, #tpu.memory_space<vmem>>
        %dma_wait3A_168 = arith.constant 0 : i32
        %dma_wait3A_169 = tpu.memref_slice %arg9[%add3A_162, %dma_wait3A_168] : memref<160x128xi32, #tpu.memory_space<vmem>> -> memref<1x128xi32, #tpu.memory_space<vmem>>
        %dma_wait3A_170 = tpu.memref_squeeze %dma_wait3A_169 : memref<1x128xi32, #tpu.memory_space<vmem>> -> memref<128xi32, #tpu.memory_space<vmem>>
        %dma_wait3A_171 = arith.constant 0 : i32
        %dma_wait3A_172 = arith.constant 0 : i32
        %dma_wait3A_173 = tpu.memref_slice %arg3[%dma_wait3A_171, %dma_wait3A_172] : memref<10000x64xf32, #tpu.memory_space<hbm>> -> memref<10000x64xf32, #tpu.memory_space<hbm>>
        tpu.wait_indirect_dma semaphore(%arg17 : memref<!tpu.dma_semaphore, #tpu.memory_space<semaphore_mem>>) src(%dma_wait3A_173 : memref<10000x64xf32, #tpu.memory_space<hbm>>) dst(%dma_wait3A_167 : memref<128x64xf32, #tpu.memory_space<vmem>>)
        %dma_wait3A_174 = arith.constant 1 : i32
        %dma_wait3A_175 = arith.constant 0 : i32
        %dma_wait3A_176 = arith.constant 0 : i32
        %dma_wait3A_177 = tpu.memref_slice %arg11[%dma_wait3A_174, %dma_wait3A_175, %dma_wait3A_176] : memref<2x128x16xf32, #tpu.memory_space<vmem>> -> memref<1x128x16xf32, #tpu.memory_space<vmem>>
        %dma_wait3A_178 = tpu.memref_squeeze %dma_wait3A_177 : memref<1x128x16xf32, #tpu.memory_space<vmem>> -> memref<128x16xf32, #tpu.memory_space<vmem>>
        %dma_wait3A_179 = arith.constant 0 : i32
        %dma_wait3A_180 = arith.constant 0 : i32
        %dma_wait3A_181 = tpu.memref_slice %arg6[%arg1, %add3A_162, %dma_wait3A_179, %dma_wait3A_180] : memref<16x160x128x16xf32, #tpu.memory_space<hbm>> -> memref<1x1x128x16xf32, #tpu.memory_space<hbm>>
        %dma_wait3A_182 = tpu.memref_squeeze %dma_wait3A_181 : memref<1x1x128x16xf32, #tpu.memory_space<hbm>> -> memref<128x16xf32, #tpu.memory_space<hbm>>
        %dma_wait3A_183 = arith.constant 0 : i32
        %dma_wait3A_184 = arith.constant 0 : i32
        %dma_wait3A_185 = tpu.memref_slice %arg11[%dma_wait3A_174, %dma_wait3A_183, %dma_wait3A_184] : memref<2x128x16xf32, #tpu.memory_space<vmem>> -> memref<1x128x16xf32, #tpu.memory_space<vmem>>
        %dma_wait3A_186 = tpu.memref_squeeze %dma_wait3A_185 : memref<1x128x16xf32, #tpu.memory_space<vmem>> -> memref<128x16xf32, #tpu.memory_space<vmem>>
        %dma_wait3A_187 = arith.constant 0 : i32
        %dma_wait3A_188 = arith.constant 0 : i32
        %dma_wait3A_189 = tpu.memref_slice %arg6[%arg1, %add3A_162, %dma_wait3A_187, %dma_wait3A_188] : memref<16x160x128x16xf32, #tpu.memory_space<hbm>> -> memref<1x1x128x16xf32, #tpu.memory_space<hbm>>
        %dma_wait3A_190 = tpu.memref_squeeze %dma_wait3A_189 : memref<1x1x128x16xf32, #tpu.memory_space<hbm>> -> memref<128x16xf32, #tpu.memory_space<hbm>>
        tpu.wait_dma2 semaphore(%arg17 : memref<!tpu.dma_semaphore, #tpu.memory_space<semaphore_mem>>) src(%dma_wait3A_190 : memref<128x16xf32, #tpu.memory_space<hbm>>) dst(%dma_wait3A_186 : memref<128x16xf32, #tpu.memory_space<vmem>>)
        %scan3A_191 = arith.constant 0 : i32
        %scan3A_192 = arith.constant 0 : i32
        %scan3A_193 = arith.constant 128 : i32
        %scan3A_194 = arith.addi %scan3A_192, %scan3A_193 : i32
        %scan3A_195 = arith.constant 2 : i32
        %scan3A_196 = scf.for %scan3A_205 = %scan3A_192 to %scan3A_194 step %scan3A_195 iter_args(%scan3A_206 = %scan3A_191) -> (i32)  : i32 {
          %get3A = arith.constant 1 : i32
          %get3A_207 = arith.index_cast %get3A : i32 to index
          %get3A_208 = arith.index_cast %scan3A_205 : i32 to index
          %get3A_209 = arith.constant 0 : index
          %get3A_210 = tpu.vector_load %arg11[%get3A_207, %get3A_208, %get3A_209] {strides = array<i32>} : memref<2x128x16xf32, #tpu.memory_space<vmem>>, vector<1x1x16xf32>,
          %get3A_211 = vector.shape_cast %get3A_210 : vector<1x1x16xf32> to vector<16xf32>
          %get3A_212 = arith.constant 1 : i32
          %get3A_213 = arith.index_cast %get3A_212 : i32 to index
          %get3A_214 = arith.index_cast %scan3A_205 : i32 to index
          %get3A_215 = arith.constant 0 : index
          %get3A_216 = tpu.vector_load %arg12[%get3A_213, %get3A_214, %get3A_215] {strides = array<i32>} : memref<2x128x64xf32, #tpu.memory_space<vmem>>, vector<1x1x16xf32>,
          %get3A_217 = vector.shape_cast %get3A_216 : vector<1x1x16xf32> to vector<16xf32>
          %mul3A_218 = arith.mulf %get3A_217, %get3A_211 : vector<16xf32>
          %swap3A = arith.constant 1 : i32
          %swap3A_219 = arith.index_cast %swap3A : i32 to index
          %swap3A_220 = arith.index_cast %scan3A_205 : i32 to index
          %swap3A_221 = arith.constant 0 : index
          %swap3A_222 = tpu.vector_load %arg12[%swap3A_219, %swap3A_220, %swap3A_221] {strides = array<i32>} : memref<2x128x64xf32, #tpu.memory_space<vmem>>, vector<1x1x16xf32>,
          %swap3A_223 = vector.shape_cast %swap3A_222 : vector<1x1x16xf32> to vector<16xf32>
          %swap3A_224 = vector.shape_cast %mul3A_218 : vector<16xf32> to vector<1x1x16xf32>
          tpu.vector_store %arg12[%swap3A_219, %swap3A_220, %swap3A_221], %swap3A_224 {strides = array<i32>} : memref<2x128x64xf32, #tpu.memory_space<vmem>>, vector<1x1x16xf32>,
          %get3A_225 = arith.constant 1 : i32
          %get3A_226 = arith.index_cast %get3A_225 : i32 to index
          %get3A_227 = arith.index_cast %scan3A_205 : i32 to index
          %get3A_228 = arith.constant 16 : index
          %get3A_229 = tpu.vector_load %arg12[%get3A_226, %get3A_227, %get3A_228] {strides = array<i32>} : memref<2x128x64xf32, #tpu.memory_space<vmem>>, vector<1x1x16xf32>,
          %get3A_230 = vector.shape_cast %get3A_229 : vector<1x1x16xf32> to vector<16xf32>
          %mul3A_231 = arith.mulf %get3A_230, %get3A_211 : vector<16xf32>
          %swap3A_232 = arith.constant 1 : i32
          %swap3A_233 = arith.index_cast %swap3A_232 : i32 to index
          %swap3A_234 = arith.index_cast %scan3A_205 : i32 to index
          %swap3A_235 = arith.constant 16 : index
          %swap3A_236 = tpu.vector_load %arg12[%swap3A_233, %swap3A_234, %swap3A_235] {strides = array<i32>} : memref<2x128x64xf32, #tpu.memory_space<vmem>>, vector<1x1x16xf32>,
          %swap3A_237 = vector.shape_cast %swap3A_236 : vector<1x1x16xf32> to vector<16xf32>
          %swap3A_238 = vector.shape_cast %mul3A_231 : vector<16xf32> to vector<1x1x16xf32>
          tpu.vector_store %arg12[%swap3A_233, %swap3A_234, %swap3A_235], %swap3A_238 {strides = array<i32>} : memref<2x128x64xf32, #tpu.memory_space<vmem>>, vector<1x1x16xf32>,
          %get3A_239 = arith.constant 1 : i32
          %get3A_240 = arith.index_cast %get3A_239 : i32 to index
          %get3A_241 = arith.index_cast %scan3A_205 : i32 to index
          %get3A_242 = arith.constant 32 : index
          %get3A_243 = tpu.vector_load %arg12[%get3A_240, %get3A_241, %get3A_242] {strides = array<i32>} : memref<2x128x64xf32, #tpu.memory_space<vmem>>, vector<1x1x16xf32>,
          %get3A_244 = vector.shape_cast %get3A_243 : vector<1x1x16xf32> to vector<16xf32>
          %mul3A_245 = arith.mulf %get3A_244, %get3A_211 : vector<16xf32>
          %swap3A_246 = arith.constant 1 : i32
          %swap3A_247 = arith.index_cast %swap3A_246 : i32 to index
          %swap3A_248 = arith.index_cast %scan3A_205 : i32 to index
          %swap3A_249 = arith.constant 32 : index
          %swap3A_250 = tpu.vector_load %arg12[%swap3A_247, %swap3A_248, %swap3A_249] {strides = array<i32>} : memref<2x128x64xf32, #tpu.memory_space<vmem>>, vector<1x1x16xf32>,
          %swap3A_251 = vector.shape_cast %swap3A_250 : vector<1x1x16xf32> to vector<16xf32>
          %swap3A_252 = vector.shape_cast %mul3A_245 : vector<16xf32> to vector<1x1x16xf32>
          tpu.vector_store %arg12[%swap3A_247, %swap3A_248, %swap3A_249], %swap3A_252 {strides = array<i32>} : memref<2x128x64xf32, #tpu.memory_space<vmem>>, vector<1x1x16xf32>,
          %get3A_253 = arith.constant 1 : i32
          %get3A_254 = arith.index_cast %get3A_253 : i32 to index
          %get3A_255 = arith.index_cast %scan3A_205 : i32 to index
          %get3A_256 = arith.constant 48 : index
          %get3A_257 = tpu.vector_load %arg12[%get3A_254, %get3A_255, %get3A_256] {strides = array<i32>} : memref<2x128x64xf32, #tpu.memory_space<vmem>>, vector<1x1x16xf32>,
          %get3A_258 = vector.shape_cast %get3A_257 : vector<1x1x16xf32> to vector<16xf32>
          %mul3A_259 = arith.mulf %get3A_258, %get3A_211 : vector<16xf32>
          %swap3A_260 = arith.constant 1 : i32
          %swap3A_261 = arith.index_cast %swap3A_260 : i32 to index
          %swap3A_262 = arith.index_cast %scan3A_205 : i32 to index
          %swap3A_263 = arith.constant 48 : index
          %swap3A_264 = tpu.vector_load %arg12[%swap3A_261, %swap3A_262, %swap3A_263] {strides = array<i32>} : memref<2x128x64xf32, #tpu.memory_space<vmem>>, vector<1x1x16xf32>,
          %swap3A_265 = vector.shape_cast %swap3A_264 : vector<1x1x16xf32> to vector<16xf32>
          %swap3A_266 = vector.shape_cast %mul3A_259 : vector<16xf32> to vector<1x1x16xf32>
          tpu.vector_store %arg12[%swap3A_261, %swap3A_262, %swap3A_263], %swap3A_266 {strides = array<i32>} : memref<2x128x64xf32, #tpu.memory_space<vmem>>, vector<1x1x16xf32>,
          %scan3A_267 = arith.constant 0 : i32
          %scan3A_268 = arith.constant 1 : i32
          %scan3A_269 = arith.addi %scan3A_205, %scan3A_268 : i32
          %get3A_270 = arith.constant 1 : i32
          %get3A_271 = arith.index_cast %get3A_270 : i32 to index
          %get3A_272 = arith.index_cast %scan3A_269 : i32 to index
          %get3A_273 = arith.constant 0 : index
          %get3A_274 = tpu.vector_load %arg11[%get3A_271, %get3A_272, %get3A_273] {strides = array<i32>} : memref<2x128x16xf32, #tpu.memory_space<vmem>>, vector<1x1x16xf32>,
          %get3A_275 = vector.shape_cast %get3A_274 : vector<1x1x16xf32> to vector<16xf32>
          %get3A_276 = arith.constant 1 : i32
          %get3A_277 = arith.index_cast %get3A_276 : i32 to index
          %get3A_278 = arith.index_cast %scan3A_269 : i32 to index
          %get3A_279 = arith.constant 0 : index
          %get3A_280 = tpu.vector_load %arg12[%get3A_277, %get3A_278, %get3A_279] {strides = array<i32>} : memref<2x128x64xf32, #tpu.memory_space<vmem>>, vector<1x1x16xf32>,
          %get3A_281 = vector.shape_cast %get3A_280 : vector<1x1x16xf32> to vector<16xf32>
          %mul3A_282 = arith.mulf %get3A_281, %get3A_275 : vector<16xf32>
          %swap3A_283 = arith.constant 1 : i32
          %swap3A_284 = arith.index_cast %swap3A_283 : i32 to index
          %swap3A_285 = arith.index_cast %scan3A_269 : i32 to index
          %swap3A_286 = arith.constant 0 : index
          %swap3A_287 = tpu.vector_load %arg12[%swap3A_284, %swap3A_285, %swap3A_286] {strides = array<i32>} : memref<2x128x64xf32, #tpu.memory_space<vmem>>, vector<1x1x16xf32>,
          %swap3A_288 = vector.shape_cast %swap3A_287 : vector<1x1x16xf32> to vector<16xf32>
          %swap3A_289 = vector.shape_cast %mul3A_282 : vector<16xf32> to vector<1x1x16xf32>
          tpu.vector_store %arg12[%swap3A_284, %swap3A_285, %swap3A_286], %swap3A_289 {strides = array<i32>} : memref<2x128x64xf32, #tpu.memory_space<vmem>>, vector<1x1x16xf32>,
          %get3A_290 = arith.constant 1 : i32
          %get3A_291 = arith.index_cast %get3A_290 : i32 to index
          %get3A_292 = arith.index_cast %scan3A_269 : i32 to index
          %get3A_293 = arith.constant 16 : index
          %get3A_294 = tpu.vector_load %arg12[%get3A_291, %get3A_292, %get3A_293] {strides = array<i32>} : memref<2x128x64xf32, #tpu.memory_space<vmem>>, vector<1x1x16xf32>,
          %get3A_295 = vector.shape_cast %get3A_294 : vector<1x1x16xf32> to vector<16xf32>
          %mul3A_296 = arith.mulf %get3A_295, %get3A_275 : vector<16xf32>
          %swap3A_297 = arith.constant 1 : i32
          %swap3A_298 = arith.index_cast %swap3A_297 : i32 to index
          %swap3A_299 = arith.index_cast %scan3A_269 : i32 to index
          %swap3A_300 = arith.constant 16 : index
          %swap3A_301 = tpu.vector_load %arg12[%swap3A_298, %swap3A_299, %swap3A_300] {strides = array<i32>} : memref<2x128x64xf32, #tpu.memory_space<vmem>>, vector<1x1x16xf32>,
          %swap3A_302 = vector.shape_cast %swap3A_301 : vector<1x1x16xf32> to vector<16xf32>
          %swap3A_303 = vector.shape_cast %mul3A_296 : vector<16xf32> to vector<1x1x16xf32>
          tpu.vector_store %arg12[%swap3A_298, %swap3A_299, %swap3A_300], %swap3A_303 {strides = array<i32>} : memref<2x128x64xf32, #tpu.memory_space<vmem>>, vector<1x1x16xf32>,
          %get3A_304 = arith.constant 1 : i32
          %get3A_305 = arith.index_cast %get3A_304 : i32 to index
          %get3A_306 = arith.index_cast %scan3A_269 : i32 to index
          %get3A_307 = arith.constant 32 : index
          %get3A_308 = tpu.vector_load %arg12[%get3A_305, %get3A_306, %get3A_307] {strides = array<i32>} : memref<2x128x64xf32, #tpu.memory_space<vmem>>, vector<1x1x16xf32>,
          %get3A_309 = vector.shape_cast %get3A_308 : vector<1x1x16xf32> to vector<16xf32>
          %mul3A_310 = arith.mulf %get3A_309, %get3A_275 : vector<16xf32>
          %swap3A_311 = arith.constant 1 : i32
          %swap3A_312 = arith.index_cast %swap3A_311 : i32 to index
          %swap3A_313 = arith.index_cast %scan3A_269 : i32 to index
          %swap3A_314 = arith.constant 32 : index
          %swap3A_315 = tpu.vector_load %arg12[%swap3A_312, %swap3A_313, %swap3A_314] {strides = array<i32>} : memref<2x128x64xf32, #tpu.memory_space<vmem>>, vector<1x1x16xf32>,
          %swap3A_316 = vector.shape_cast %swap3A_315 : vector<1x1x16xf32> to vector<16xf32>
          %swap3A_317 = vector.shape_cast %mul3A_310 : vector<16xf32> to vector<1x1x16xf32>
          tpu.vector_store %arg12[%swap3A_312, %swap3A_313, %swap3A_314], %swap3A_317 {strides = array<i32>} : memref<2x128x64xf32, #tpu.memory_space<vmem>>, vector<1x1x16xf32>,
          %get3A_318 = arith.constant 1 : i32
          %get3A_319 = arith.index_cast %get3A_318 : i32 to index
          %get3A_320 = arith.index_cast %scan3A_269 : i32 to index
          %get3A_321 = arith.constant 48 : index
          %get3A_322 = tpu.vector_load %arg12[%get3A_319, %get3A_320, %get3A_321] {strides = array<i32>} : memref<2x128x64xf32, #tpu.memory_space<vmem>>, vector<1x1x16xf32>,
          %get3A_323 = vector.shape_cast %get3A_322 : vector<1x1x16xf32> to vector<16xf32>
          %mul3A_324 = arith.mulf %get3A_323, %get3A_275 : vector<16xf32>
          %swap3A_325 = arith.constant 1 : i32
          %swap3A_326 = arith.index_cast %swap3A_325 : i32 to index
          %swap3A_327 = arith.index_cast %scan3A_269 : i32 to index
          %swap3A_328 = arith.constant 48 : index
          %swap3A_329 = tpu.vector_load %arg12[%swap3A_326, %swap3A_327, %swap3A_328] {strides = array<i32>} : memref<2x128x64xf32, #tpu.memory_space<vmem>>, vector<1x1x16xf32>,
          %swap3A_330 = vector.shape_cast %swap3A_329 : vector<1x1x16xf32> to vector<16xf32>
          %swap3A_331 = vector.shape_cast %mul3A_324 : vector<16xf32> to vector<1x1x16xf32>
          tpu.vector_store %arg12[%swap3A_326, %swap3A_327, %swap3A_328], %swap3A_331 {strides = array<i32>} : memref<2x128x64xf32, #tpu.memory_space<vmem>>, vector<1x1x16xf32>,
          %scan3A_332 = arith.constant 0 : i32
          scf.yield %scan3A_332 : i32
        }
        %scan3A_197 = arith.constant 128 : i32
        %run_scoped3A_198 = arith.constant 1 : i32
        "tpu.region"() ({
          %run_scoped3A_205 = tpu.sem_alloc : memref<!tpu.dma_semaphore, #tpu.memory_space<semaphore_mem>>
          %dma_start3A_206 = arith.constant 0 : i32
          %dma_start3A_207 = arith.constant 0 : i32
          %dma_start3A_208 = tpu.memref_slice %arg12[%run_scoped3A_198, %dma_start3A_206, %dma_start3A_207] : memref<2x128x64xf32, #tpu.memory_space<vmem>> -> memref<1x128x64xf32, #tpu.memory_space<vmem>>
          %dma_start3A_209 = tpu.memref_squeeze %dma_start3A_208 : memref<1x128x64xf32, #tpu.memory_space<vmem>> -> memref<128x64xf32, #tpu.memory_space<vmem>>
          %dma_start3A_210 = arith.constant 0 : i32
          %dma_start3A_211 = tpu.memref_slice %arg10[%add3A_162, %dma_start3A_210] : memref<160x128xi32, #tpu.memory_space<vmem>> -> memref<1x128xi32, #tpu.memory_space<vmem>>
          %dma_start3A_212 = tpu.memref_squeeze %dma_start3A_211 : memref<1x128xi32, #tpu.memory_space<vmem>> -> memref<128xi32, #tpu.memory_space<vmem>>
          %dma_start3A_213 = arith.constant 0 : i32
          %dma_start3A_214 = arith.constant 0 : i32
          %dma_start3A_215 = tpu.memref_slice %arg14[%dma_start3A_213, %dma_start3A_214] : memref<10240x64xf32, #tpu.memory_space<vmem_shared>> -> memref<10240x64xf32, #tpu.memory_space<vmem_shared>>
          tpu.enqueue_indirect_dma source(%dma_start3A_209 : memref<128x64xf32, #tpu.memory_space<vmem>>) target(%dma_start3A_215 : memref<10240x64xf32, #tpu.memory_space<vmem_shared>>) offsets(%dma_start3A_212 : memref<128xi32, #tpu.memory_space<vmem>>) semaphore(%run_scoped3A_205 : memref<!tpu.dma_semaphore, #tpu.memory_space<semaphore_mem>>) {add = true}
          %dma_wait3A_216 = arith.constant 0 : i32
          %dma_wait3A_217 = arith.constant 0 : i32
          %dma_wait3A_218 = tpu.memref_slice %arg12[%run_scoped3A_198, %dma_wait3A_216, %dma_wait3A_217] : memref<2x128x64xf32, #tpu.memory_space<vmem>> -> memref<1x128x64xf32, #tpu.memory_space<vmem>>
          %dma_wait3A_219 = tpu.memref_squeeze %dma_wait3A_218 : memref<1x128x64xf32, #tpu.memory_space<vmem>> -> memref<128x64xf32, #tpu.memory_space<vmem>>
          %dma_wait3A_220 = arith.constant 0 : i32
          %dma_wait3A_221 = tpu.memref_slice %arg10[%add3A_162, %dma_wait3A_220] : memref<160x128xi32, #tpu.memory_space<vmem>> -> memref<1x128xi32, #tpu.memory_space<vmem>>
          %dma_wait3A_222 = tpu.memref_squeeze %dma_wait3A_221 : memref<1x128xi32, #tpu.memory_space<vmem>> -> memref<128xi32, #tpu.memory_space<vmem>>
          %dma_wait3A_223 = arith.constant 0 : i32
          %dma_wait3A_224 = arith.constant 0 : i32
          %dma_wait3A_225 = tpu.memref_slice %arg14[%dma_wait3A_223, %dma_wait3A_224] : memref<10240x64xf32, #tpu.memory_space<vmem_shared>> -> memref<10240x64xf32, #tpu.memory_space<vmem_shared>>
          tpu.wait_indirect_dma semaphore(%run_scoped3A_205 : memref<!tpu.dma_semaphore, #tpu.memory_space<semaphore_mem>>) src(%dma_wait3A_219 : memref<128x64xf32, #tpu.memory_space<vmem>>) dst(%dma_wait3A_225 : memref<10240x64xf32, #tpu.memory_space<vmem_shared>>)
          tpu.yield
        }) : () -> ()
        %lt3A_199 = arith.constant 79 : i32
        %lt3A_200 = arith.cmpi slt, %scan3A_114, %lt3A_199 : i32
        %convert_element_type3A_201 = arith.extui %lt3A_200 : i1 to i32
        %cond3A_202 = arith.constant 0 : i32
        %cond3A_203 = arith.cmpi ne, %convert_element_type3A_201, %cond3A_202 : i32
        scf.if %cond3A_203 {
          %add3A_205 = arith.constant 2 : i32
          %add3A_206 = arith.addi %add3A_162, %add3A_205 : i32
          %dma_start3A_207 = arith.constant 1 : i32
          %dma_start3A_208 = arith.constant 0 : i32
          %dma_start3A_209 = arith.constant 0 : i32
          %dma_start3A_210 = tpu.memref_slice %arg12[%dma_start3A_207, %dma_start3A_208, %dma_start3A_209] : memref<2x128x64xf32, #tpu.memory_space<vmem>> -> memref<1x128x64xf32, #tpu.memory_space<vmem>>
          %dma_start3A_211 = tpu.memref_squeeze %dma_start3A_210 : memref<1x128x64xf32, #tpu.memory_space<vmem>> -> memref<128x64xf32, #tpu.memory_space<vmem>>
          %dma_start3A_212 = arith.constant 0 : i32
          %dma_start3A_213 = tpu.memref_slice %arg9[%add3A_206, %dma_start3A_212] : memref<160x128xi32, #tpu.memory_space<vmem>> -> memref<1x128xi32, #tpu.memory_space<vmem>>
          %dma_start3A_214 = tpu.memref_squeeze %dma_start3A_213 : memref<1x128xi32, #tpu.memory_space<vmem>> -> memref<128xi32, #tpu.memory_space<vmem>>
          %dma_start3A_215 = arith.constant 0 : i32
          %dma_start3A_216 = arith.constant 0 : i32
          %dma_start3A_217 = tpu.memref_slice %arg3[%dma_start3A_215, %dma_start3A_216] : memref<10000x64xf32, #tpu.memory_space<hbm>> -> memref<10000x64xf32, #tpu.memory_space<hbm>>
          tpu.enqueue_indirect_dma source(%dma_start3A_217 : memref<10000x64xf32, #tpu.memory_space<hbm>>) target(%dma_start3A_211 : memref<128x64xf32, #tpu.memory_space<vmem>>) offsets(%dma_start3A_214 : memref<128xi32, #tpu.memory_space<vmem>>) semaphore(%arg17 : memref<!tpu.dma_semaphore, #tpu.memory_space<semaphore_mem>>)
          %dma_start3A_218 = arith.constant 1 : i32
          %dma_start3A_219 = arith.constant 0 : i32
          %dma_start3A_220 = arith.constant 0 : i32
          %dma_start3A_221 = tpu.memref_slice %arg11[%dma_start3A_218, %dma_start3A_219, %dma_start3A_220] : memref<2x128x16xf32, #tpu.memory_space<vmem>> -> memref<1x128x16xf32, #tpu.memory_space<vmem>>
          %dma_start3A_222 = tpu.memref_squeeze %dma_start3A_221 : memref<1x128x16xf32, #tpu.memory_space<vmem>> -> memref<128x16xf32, #tpu.memory_space<vmem>>
          %dma_start3A_223 = arith.constant 0 : i32
          %dma_start3A_224 = arith.constant 0 : i32
          %dma_start3A_225 = tpu.memref_slice %arg6[%arg1, %add3A_206, %dma_start3A_223, %dma_start3A_224] : memref<16x160x128x16xf32, #tpu.memory_space<hbm>> -> memref<1x1x128x16xf32, #tpu.memory_space<hbm>>
          %dma_start3A_226 = tpu.memref_squeeze %dma_start3A_225 : memref<1x1x128x16xf32, #tpu.memory_space<hbm>> -> memref<128x16xf32, #tpu.memory_space<hbm>>
          %dma_start3A_227 = arith.constant 0 : i32
          %dma_start3A_228 = arith.constant 0 : i32
          %dma_start3A_229 = tpu.memref_slice %arg11[%dma_start3A_218, %dma_start3A_227, %dma_start3A_228] : memref<2x128x16xf32, #tpu.memory_space<vmem>> -> memref<1x128x16xf32, #tpu.memory_space<vmem>>
          %dma_start3A_230 = tpu.memref_squeeze %dma_start3A_229 : memref<1x128x16xf32, #tpu.memory_space<vmem>> -> memref<128x16xf32, #tpu.memory_space<vmem>>
          %dma_start3A_231 = arith.constant 0 : i32
          %dma_start3A_232 = arith.constant 0 : i32
          %dma_start3A_233 = tpu.memref_slice %arg6[%arg1, %add3A_206, %dma_start3A_231, %dma_start3A_232] : memref<16x160x128x16xf32, #tpu.memory_space<hbm>> -> memref<1x1x128x16xf32, #tpu.memory_space<hbm>>
          %dma_start3A_234 = tpu.memref_squeeze %dma_start3A_233 : memref<1x1x128x16xf32, #tpu.memory_space<hbm>> -> memref<128x16xf32, #tpu.memory_space<hbm>>
          tpu.enqueue_dma source(%dma_start3A_234 : memref<128x16xf32, #tpu.memory_space<hbm>>) target(%dma_start3A_230 : memref<128x16xf32, #tpu.memory_space<vmem>>) target_semaphore(%arg17 : memref<!tpu.dma_semaphore, #tpu.memory_space<semaphore_mem>>)
        } else {
        }
        %scan3A_204 = arith.constant 0 : i32
        scf.yield %scan3A_204 : i32
      }
      %scan3A_113 = arith.constant 80 : i32
    } else {
    }
    %barrier3A_37 = arith.constant 0 : index
    tpu.barrier barrier_id(%barrier3A_37)
    %eq3A_38 = arith.constant 0 : i32
    %eq3A_39 = arith.cmpi eq, %arg0, %eq3A_38 : i32
    %convert_element_type3A_40 = arith.extui %eq3A_39 : i1 to i32
    %cond3A_41 = arith.constant 0 : i32
    %cond3A_42 = arith.cmpi ne, %convert_element_type3A_40, %cond3A_41 : i32
    scf.if %cond3A_42 {
      %lt3A = arith.constant 15 : i32
      %lt3A_48 = arith.cmpi slt, %arg1, %lt3A : i32
      %convert_element_type3A_49 = arith.extui %lt3A_48 : i1 to i32
      %cond3A_50 = arith.constant 0 : i32
      %cond3A_51 = arith.cmpi ne, %convert_element_type3A_49, %cond3A_50 : i32
      scf.if %cond3A_51 {
        %mul3A_57 = arith.constant 640 : i32
        %mul3A_58 = arith.muli %arg1, %mul3A_57 : i32
        %mul3A_59 = arith.constant 640 : i32
        %mul3A_60 = arith.muli %arg1, %mul3A_59 : i32
        "tpu.region"() ({
          %run_scoped3A_61 = tpu.sem_alloc : memref<!tpu.dma_semaphore, #tpu.memory_space<semaphore_mem>>
          %dma_start3A = arith.constant 0 : i32
          %dma_start3A_62 = tpu.memref_slice %arg7[%mul3A_60, %dma_start3A] : memref<10000x64xf32, #tpu.memory_space<hbm>> -> memref<640x64xf32, #tpu.memory_space<hbm>>
          %dma_start3A_63 = arith.constant 0 : i32
          %dma_start3A_64 = tpu.memref_slice %arg14[%mul3A_58, %dma_start3A_63] : memref<10240x64xf32, #tpu.memory_space<vmem_shared>> -> memref<640x64xf32, #tpu.memory_space<vmem_shared>>
          tpu.enqueue_dma source(%dma_start3A_64 : memref<640x64xf32, #tpu.memory_space<vmem_shared>>) target(%dma_start3A_62 : memref<640x64xf32, #tpu.memory_space<hbm>>) target_semaphore(%run_scoped3A_61 : memref<!tpu.dma_semaphore, #tpu.memory_space<semaphore_mem>>)
          %dma_wait3A = arith.constant 0 : i32
          %dma_wait3A_65 = tpu.memref_slice %arg7[%mul3A_60, %dma_wait3A] : memref<10000x64xf32, #tpu.memory_space<hbm>> -> memref<640x64xf32, #tpu.memory_space<hbm>>
          %dma_wait3A_66 = arith.constant 0 : i32
          %dma_wait3A_67 = tpu.memref_slice %arg14[%mul3A_58, %dma_wait3A_66] : memref<10240x64xf32, #tpu.memory_space<vmem_shared>> -> memref<640x64xf32, #tpu.memory_space<vmem_shared>>
          tpu.wait_dma2 semaphore(%run_scoped3A_61 : memref<!tpu.dma_semaphore, #tpu.memory_space<semaphore_mem>>) src(%dma_wait3A_67 : memref<640x64xf32, #tpu.memory_space<vmem_shared>>) dst(%dma_wait3A_65 : memref<640x64xf32, #tpu.memory_space<hbm>>)
          tpu.yield
        }) : () -> ()
      } else {
      }
      %eq3A_52 = arith.constant 15 : i32
      %eq3A_53 = arith.cmpi eq, %arg1, %eq3A_52 : i32
      %convert_element_type3A_54 = arith.extui %eq3A_53 : i1 to i32
      %cond3A_55 = arith.constant 0 : i32
      %cond3A_56 = arith.cmpi ne, %convert_element_type3A_54, %cond3A_55 : i32
      scf.if %cond3A_56 {
        "tpu.region"() ({
          %run_scoped3A_57 = tpu.sem_alloc : memref<!tpu.dma_semaphore, #tpu.memory_space<semaphore_mem>>
          %dma_start3A = arith.constant 9600 : i32
          %dma_start3A_58 = arith.constant 0 : i32
          %dma_start3A_59 = tpu.memref_slice %arg7[%dma_start3A, %dma_start3A_58] : memref<10000x64xf32, #tpu.memory_space<hbm>> -> memref<400x64xf32, #tpu.memory_space<hbm>>
          %dma_start3A_60 = arith.constant 9600 : i32
          %dma_start3A_61 = arith.constant 0 : i32
          %dma_start3A_62 = tpu.memref_slice %arg14[%dma_start3A_60, %dma_start3A_61] : memref<10240x64xf32, #tpu.memory_space<vmem_shared>> -> memref<400x64xf32, #tpu.memory_space<vmem_shared>>
          tpu.enqueue_dma source(%dma_start3A_62 : memref<400x64xf32, #tpu.memory_space<vmem_shared>>) target(%dma_start3A_59 : memref<400x64xf32, #tpu.memory_space<hbm>>) target_semaphore(%run_scoped3A_57 : memref<!tpu.dma_semaphore, #tpu.memory_space<semaphore_mem>>)
          %dma_wait3A = arith.constant 9600 : i32
          %dma_wait3A_63 = arith.constant 0 : i32
          %dma_wait3A_64 = tpu.memref_slice %arg7[%dma_wait3A, %dma_wait3A_63] : memref<10000x64xf32, #tpu.memory_space<hbm>> -> memref<400x64xf32, #tpu.memory_space<hbm>>
          %dma_wait3A_65 = arith.constant 9600 : i32
          %dma_wait3A_66 = arith.constant 0 : i32
          %dma_wait3A_67 = tpu.memref_slice %arg14[%dma_wait3A_65, %dma_wait3A_66] : memref<10240x64xf32, #tpu.memory_space<vmem_shared>> -> memref<400x64xf32, #tpu.memory_space<vmem_shared>>
          tpu.wait_dma2 semaphore(%run_scoped3A_57 : memref<!tpu.dma_semaphore, #tpu.memory_space<semaphore_mem>>) src(%dma_wait3A_67 : memref<400x64xf32, #tpu.memory_space<vmem_shared>>) dst(%dma_wait3A_64 : memref<400x64xf32, #tpu.memory_space<hbm>>)
          tpu.yield
        }) : () -> ()
      } else {
      }
    } else {
    }
    %eq3A_43 = arith.constant 1 : i32
    %eq3A_44 = arith.cmpi eq, %arg0, %eq3A_43 : i32
    %convert_element_type3A_45 = arith.extui %eq3A_44 : i1 to i32
    %cond3A_46 = arith.constant 0 : i32
    %cond3A_47 = arith.cmpi ne, %convert_element_type3A_45, %cond3A_46 : i32
    scf.if %cond3A_47 {
      %lt3A = arith.constant 15 : i32
      %lt3A_48 = arith.cmpi slt, %arg1, %lt3A : i32
      %convert_element_type3A_49 = arith.extui %lt3A_48 : i1 to i32
      %cond3A_50 = arith.constant 0 : i32
      %cond3A_51 = arith.cmpi ne, %convert_element_type3A_49, %cond3A_50 : i32
      scf.if %cond3A_51 {
        %mul3A_57 = arith.constant 640 : i32
        %mul3A_58 = arith.muli %arg1, %mul3A_57 : i32
        %mul3A_59 = arith.constant 640 : i32
        %mul3A_60 = arith.muli %arg1, %mul3A_59 : i32
        "tpu.region"() ({
          %run_scoped3A_61 = tpu.sem_alloc : memref<!tpu.dma_semaphore, #tpu.memory_space<semaphore_mem>>
          %dma_start3A = arith.constant 0 : i32
          %dma_start3A_62 = tpu.memref_slice %arg8[%mul3A_60, %dma_start3A] : memref<10000x64xf32, #tpu.memory_space<hbm>> -> memref<640x64xf32, #tpu.memory_space<hbm>>
          %dma_start3A_63 = arith.constant 0 : i32
          %dma_start3A_64 = tpu.memref_slice %arg14[%mul3A_58, %dma_start3A_63] : memref<10240x64xf32, #tpu.memory_space<vmem_shared>> -> memref<640x64xf32, #tpu.memory_space<vmem_shared>>
          tpu.enqueue_dma source(%dma_start3A_64 : memref<640x64xf32, #tpu.memory_space<vmem_shared>>) target(%dma_start3A_62 : memref<640x64xf32, #tpu.memory_space<hbm>>) target_semaphore(%run_scoped3A_61 : memref<!tpu.dma_semaphore, #tpu.memory_space<semaphore_mem>>)
          %dma_wait3A = arith.constant 0 : i32
          %dma_wait3A_65 = tpu.memref_slice %arg8[%mul3A_60, %dma_wait3A] : memref<10000x64xf32, #tpu.memory_space<hbm>> -> memref<640x64xf32, #tpu.memory_space<hbm>>
          %dma_wait3A_66 = arith.constant 0 : i32
          %dma_wait3A_67 = tpu.memref_slice %arg14[%mul3A_58, %dma_wait3A_66] : memref<10240x64xf32, #tpu.memory_space<vmem_shared>> -> memref<640x64xf32, #tpu.memory_space<vmem_shared>>
          tpu.wait_dma2 semaphore(%run_scoped3A_61 : memref<!tpu.dma_semaphore, #tpu.memory_space<semaphore_mem>>) src(%dma_wait3A_67 : memref<640x64xf32, #tpu.memory_space<vmem_shared>>) dst(%dma_wait3A_65 : memref<640x64xf32, #tpu.memory_space<hbm>>)
          tpu.yield
        }) : () -> ()
      } else {
      }
      %eq3A_52 = arith.constant 15 : i32
      %eq3A_53 = arith.cmpi eq, %arg1, %eq3A_52 : i32
      %convert_element_type3A_54 = arith.extui %eq3A_53 : i1 to i32
      %cond3A_55 = arith.constant 0 : i32
      %cond3A_56 = arith.cmpi ne, %convert_element_type3A_54, %cond3A_55 : i32
      scf.if %cond3A_56 {
        "tpu.region"() ({
          %run_scoped3A_57 = tpu.sem_alloc : memref<!tpu.dma_semaphore, #tpu.memory_space<semaphore_mem>>
          %dma_start3A = arith.constant 9600 : i32
          %dma_start3A_58 = arith.constant 0 : i32
          %dma_start3A_59 = tpu.memref_slice %arg8[%dma_start3A, %dma_start3A_58] : memref<10000x64xf32, #tpu.memory_space<hbm>> -> memref<400x64xf32, #tpu.memory_space<hbm>>
          %dma_start3A_60 = arith.constant 9600 : i32
          %dma_start3A_61 = arith.constant 0 : i32
          %dma_start3A_62 = tpu.memref_slice %arg14[%dma_start3A_60, %dma_start3A_61] : memref<10240x64xf32, #tpu.memory_space<vmem_shared>> -> memref<400x64xf32, #tpu.memory_space<vmem_shared>>
          tpu.enqueue_dma source(%dma_start3A_62 : memref<400x64xf32, #tpu.memory_space<vmem_shared>>) target(%dma_start3A_59 : memref<400x64xf32, #tpu.memory_space<hbm>>) target_semaphore(%run_scoped3A_57 : memref<!tpu.dma_semaphore, #tpu.memory_space<semaphore_mem>>)
          %dma_wait3A = arith.constant 9600 : i32
          %dma_wait3A_63 = arith.constant 0 : i32
          %dma_wait3A_64 = tpu.memref_slice %arg8[%dma_wait3A, %dma_wait3A_63] : memref<10000x64xf32, #tpu.memory_space<hbm>> -> memref<400x64xf32, #tpu.memory_space<hbm>>
          %dma_wait3A_65 = arith.constant 9600 : i32
          %dma_wait3A_66 = arith.constant 0 : i32
          %dma_wait3A_67 = tpu.memref_slice %arg14[%dma_wait3A_65, %dma_wait3A_66] : memref<10240x64xf32, #tpu.memory_space<vmem_shared>> -> memref<400x64xf32, #tpu.memory_space<vmem_shared>>
          tpu.wait_dma2 semaphore(%run_scoped3A_57 : memref<!tpu.dma_semaphore, #tpu.memory_space<semaphore_mem>>) src(%dma_wait3A_67 : memref<400x64xf32, #tpu.memory_space<vmem_shared>>) dst(%dma_wait3A_64 : memref<400x64xf32, #tpu.memory_space<hbm>>)
          tpu.yield
        }) : () -> ()
      } else {
      }
    } else {
    }
    return
  }
}

module attributes {stable_mosaic.version = 14 : i64} {
  func.func @_mm_bias_kernel(%arg0: i32, %arg1: memref<2000x128xf32, #tpu.memory_space<vmem>>, %arg2: memref<128x256xf32, #tpu.memory_space<vmem>>, %arg3: memref<1x256xf32, #tpu.memory_space<vmem>>, %arg4: memref<2000x256xf32, #tpu.memory_space<vmem>>) attributes {dimension_semantics = [#tpu.dimension_semantics<arbitrary>], iteration_bounds = array<i64: 5>, scalar_prefetch = 0 : i64, scratch_operands = 0 : i64, tpu.core_type = #tpu.core_type<tc>, window_params = [{transform_indices = @transform_0, window_bounds = array<i64: 2000, 128>}, {pipeline_mode = #tpu.pipeline_mode<synchronous>, transform_indices = @transform_1, window_bounds = array<i64: 128, 256>}, {pipeline_mode = #tpu.pipeline_mode<synchronous>, transform_indices = @transform_2, window_bounds = array<i64: 1, 256>}, {transform_indices = @transform_3, window_bounds = array<i64: 2000, 256>}]} {
    %get3A = arith.constant 0 : index
    %get3A_0 = arith.constant 0 : index
    %get3A_1 = vector.load %arg1[%get3A, %get3A_0] : memref<2000x128xf32, #tpu.memory_space<vmem>>, vector<2000x128xf32>
    %get3A_2 = arith.constant 0 : index
    %get3A_3 = arith.constant 0 : index
    %get3A_4 = vector.load %arg2[%get3A_2, %get3A_3] : memref<128x256xf32, #tpu.memory_space<vmem>>, vector<128x256xf32>
    %dot_general3A = arith.constant dense<0.000000e+00> : vector<2000x256xf32>
    %dot_general3A_5 = tpu.matmul %get3A_1, %get3A_4, %dot_general3A {dimension_numbers = #tpu.dot_dimension_numbers<[1], [0], [0], [1], [0, 0, 1, 1], [], []>, transpose_lhs_hint = false} : vector<2000x128xf32>, vector<128x256xf32>, vector<2000x256xf32> -> vector<2000x256xf32>
    %get3A_6 = arith.constant 0 : index
    %get3A_7 = arith.constant 0 : index
    %get3A_8 = vector.load %arg3[%get3A_6, %get3A_7] : memref<1x256xf32, #tpu.memory_space<vmem>>, vector<1x256xf32>
    %add3A = vector.broadcast %get3A_8 : vector<1x256xf32> to vector<2000x256xf32>
    %add3A_9 = arith.addf %dot_general3A_5, %add3A : vector<2000x256xf32>
    %swap3A = arith.constant 0 : index
    %swap3A_10 = arith.constant 0 : index
    %swap3A_11 = vector.load %arg4[%swap3A, %swap3A_10] : memref<2000x256xf32, #tpu.memory_space<vmem>>, vector<2000x256xf32>
    tpu.vector_store %arg4[%swap3A, %swap3A_10], %add3A_9 {strides = array<i32>} : memref<2000x256xf32, #tpu.memory_space<vmem>>, vector<2000x256xf32>,
    return
  }
  func.func @transform_0(%arg0: i32) -> (i32, i32) {
    %c0_i32 = arith.constant 0 : i32
    %c0_i32_0 = arith.constant 0 : i32
    return %arg0, %c0_i32 : i32, i32
  }
  func.func @transform_1(%arg0: i32) -> (i32, i32) {
    %c0_i32 = arith.constant 0 : i32
    %c0_i32_0 = arith.constant 0 : i32
    %c0_i32_1 = arith.constant 0 : i32
    return %c0_i32, %c0_i32_0 : i32, i32
  }
  func.func @transform_2(%arg0: i32) -> (i32, i32) {
    %c0_i32 = arith.constant 0 : i32
    %c0_i32_0 = arith.constant 0 : i32
    %c0_i32_1 = arith.constant 0 : i32
    return %c0_i32, %c0_i32_0 : i32, i32
  }
  func.func @transform_3(%arg0: i32) -> (i32, i32) {
    %c0_i32 = arith.constant 0 : i32
    %c0_i32_0 = arith.constant 0 : i32
    return %arg0, %c0_i32 : i32, i32
  }
}

module attributes {stable_mosaic.version = 14 : i64} {
  func.func @_mix_kernel(%arg0: i32, %arg1: memref<2000x128xf32, #tpu.memory_space<vmem>>, %arg2: memref<2000x64xf32, #tpu.memory_space<vmem>>, %arg3: memref<2000x64xf32, #tpu.memory_space<vmem>>, %arg4: memref<2000x16xf32, #tpu.memory_space<vmem>>, %arg5: memref<128x128xf32, #tpu.memory_space<vmem>>, %arg6: memref<2000x64xf32, #tpu.memory_space<vmem>>, %arg7: memref<2000x64xf32, #tpu.memory_space<vmem>>) attributes {dimension_semantics = [#tpu.dimension_semantics<arbitrary>], iteration_bounds = array<i64: 5>, scalar_prefetch = 0 : i64, scratch_operands = 0 : i64, tpu.core_type = #tpu.core_type<tc>, window_params = [{transform_indices = @transform_0, window_bounds = array<i64: 2000, 128>}, {transform_indices = @transform_1, window_bounds = array<i64: 2000, 64>}, {transform_indices = @transform_2, window_bounds = array<i64: 2000, 64>}, {transform_indices = @transform_3, window_bounds = array<i64: 2000, 16>}, {pipeline_mode = #tpu.pipeline_mode<synchronous>, transform_indices = @transform_4, window_bounds = array<i64: 128, 128>}, {transform_indices = @transform_5, window_bounds = array<i64: 2000, 64>}, {transform_indices = @transform_6, window_bounds = array<i64: 2000, 64>}]} {
    %get3A = arith.constant 0 : index
    %get3A_0 = arith.constant 0 : index
    %get3A_1 = vector.load %arg2[%get3A, %get3A_0] : memref<2000x64xf32, #tpu.memory_space<vmem>>, vector<2000x64xf32>
    %get3A_2 = arith.constant 0 : index
    %get3A_3 = arith.constant 0 : index
    %get3A_4 = vector.load %arg3[%get3A_2, %get3A_3] : memref<2000x64xf32, #tpu.memory_space<vmem>>, vector<2000x64xf32>
    %concatenate3A = tpu.concatenate %get3A_1, %get3A_4 in 1 : vector<2000x64xf32>, vector<2000x64xf32> -> vector<2000x128xf32>
    %get3A_5 = arith.constant 0 : index
    %get3A_6 = arith.constant 0 : index
    %get3A_7 = vector.load %arg4[%get3A_5, %get3A_6] : memref<2000x16xf32, #tpu.memory_space<vmem>>, vector<2000x1xf32>
    %max3A = arith.constant 9.99999997E-7 : f32
    %max3A_8 = vector.broadcast %max3A : f32 to vector<2000x1xf32>
    %max3A_9 = arith.maximumf %get3A_7, %max3A_8 : vector<2000x1xf32>
    %div3A = arith.constant 1.000000e+00 : f32
    %div3A_10 = vector.broadcast %div3A : f32 to vector<2000x1xf32>
    %div3A_11 = arith.divf %div3A_10, %max3A_9 : vector<2000x1xf32>
    %get3A_12 = arith.constant 0 : index
    %get3A_13 = arith.constant 0 : index
    %get3A_14 = vector.load %arg1[%get3A_12, %get3A_13] : memref<2000x128xf32, #tpu.memory_space<vmem>>, vector<2000x128xf32>
    %mul3A = vector.broadcast %div3A_11 : vector<2000x1xf32> to vector<2000x128xf32>
    %mul3A_15 = arith.mulf %concatenate3A, %mul3A : vector<2000x128xf32>
    %get3A_16 = arith.constant 0 : index
    %get3A_17 = arith.constant 0 : index
    %get3A_18 = vector.load %arg5[%get3A_16, %get3A_17] : memref<128x128xf32, #tpu.memory_space<vmem>>, vector<128x128xf32>
    %dot_general3A = arith.constant dense<0.000000e+00> : vector<2000x128xf32>
    %dot_general3A_19 = tpu.matmul %mul3A_15, %get3A_18, %dot_general3A {dimension_numbers = #tpu.dot_dimension_numbers<[1], [0], [0], [1], [0, 0, 1, 1], [], []>, transpose_lhs_hint = false} : vector<2000x128xf32>, vector<128x128xf32>, vector<2000x128xf32> -> vector<2000x128xf32>
    %add3A = arith.addf %get3A_14, %dot_general3A_19 : vector<2000x128xf32>
    %ge3A = arith.constant 0.000000e+00 : f32
    %ge3A_20 = vector.broadcast %ge3A : f32 to vector<2000x128xf32>
    %ge3A_21 = arith.cmpf oge, %add3A, %ge3A_20 : vector<2000x128xf32>
    %mul3A_22 = arith.constant 2.000000e-01 : f32
    %mul3A_23 = vector.broadcast %mul3A_22 : f32 to vector<2000x128xf32>
    %mul3A_24 = arith.mulf %mul3A_23, %add3A : vector<2000x128xf32>
    %select_n3A = arith.select %ge3A_21, %add3A, %mul3A_24 : vector<2000x128xi1>, vector<2000x128xf32>
    %slice3A = vector.extract_strided_slice %select_n3A {offsets = [0, 0], sizes = [2000, 64], strides = [1, 1]} : vector<2000x128xf32> to vector<2000x64xf32>
    %swap3A = arith.constant 0 : index
    %swap3A_25 = arith.constant 0 : index
    %swap3A_26 = vector.load %arg6[%swap3A, %swap3A_25] : memref<2000x64xf32, #tpu.memory_space<vmem>>, vector<2000x64xf32>
    tpu.vector_store %arg6[%swap3A, %swap3A_25], %slice3A {strides = array<i32>} : memref<2000x64xf32, #tpu.memory_space<vmem>>, vector<2000x64xf32>,
    %slice3A_27 = vector.extract_strided_slice %select_n3A {offsets = [0, 64], sizes = [2000, 64], strides = [1, 1]} : vector<2000x128xf32> to vector<2000x64xf32>
    %swap3A_28 = arith.constant 0 : index
    %swap3A_29 = arith.constant 0 : index
    %swap3A_30 = vector.load %arg7[%swap3A_28, %swap3A_29] : memref<2000x64xf32, #tpu.memory_space<vmem>>, vector<2000x64xf32>
    tpu.vector_store %arg7[%swap3A_28, %swap3A_29], %slice3A_27 {strides = array<i32>} : memref<2000x64xf32, #tpu.memory_space<vmem>>, vector<2000x64xf32>,
    return
  }
  func.func @transform_0(%arg0: i32) -> (i32, i32) {
    %c0_i32 = arith.constant 0 : i32
    %c0_i32_0 = arith.constant 0 : i32
    return %arg0, %c0_i32 : i32, i32
  }
  func.func @transform_1(%arg0: i32) -> (i32, i32) {
    %c0_i32 = arith.constant 0 : i32
    %c0_i32_0 = arith.constant 0 : i32
    return %arg0, %c0_i32 : i32, i32
  }
  func.func @transform_2(%arg0: i32) -> (i32, i32) {
    %c0_i32 = arith.constant 0 : i32
    %c0_i32_0 = arith.constant 0 : i32
    return %arg0, %c0_i32 : i32, i32
  }
  func.func @transform_3(%arg0: i32) -> (i32, i32) {
    %c0_i32 = arith.constant 0 : i32
    %c0_i32_0 = arith.constant 0 : i32
    return %arg0, %c0_i32 : i32, i32
  }
  func.func @transform_4(%arg0: i32) -> (i32, i32) {
    %c0_i32 = arith.constant 0 : i32
    %c0_i32_0 = arith.constant 0 : i32
    %c0_i32_1 = arith.constant 0 : i32
    return %c0_i32, %c0_i32_0 : i32, i32
  }
  func.func @transform_5(%arg0: i32) -> (i32, i32) {
    %c0_i32 = arith.constant 0 : i32
    %c0_i32_0 = arith.constant 0 : i32
    return %arg0, %c0_i32 : i32, i32
  }
  func.func @transform_6(%arg0: i32) -> (i32, i32) {
    %c0_i32 = arith.constant 0 : i32
    %c0_i32_0 = arith.constant 0 : i32
    return %arg0, %c0_i32 : i32, i32
  }
}

module attributes {stable_mosaic.version = 14 : i64} {
  func.func @_final_kernel(%arg0: i32, %arg1: memref<2000x64xf32, #tpu.memory_space<vmem>>, %arg2: memref<2000x64xf32, #tpu.memory_space<vmem>>, %arg3: memref<128x128xf32, #tpu.memory_space<vmem>>, %arg4: memref<2000x128xf32, #tpu.memory_space<vmem>>, %arg5: memref<1x128xf32, #tpu.memory_space<vmem>>, %arg6: memref<2000x64xf32, #tpu.memory_space<vmem>>, %arg7: memref<2000x64xf32, #tpu.memory_space<vmem>>, %arg8: memref<2000x16xf32, #tpu.memory_space<vmem>>, %arg9: memref<128x128xf32, #tpu.memory_space<vmem>>, %arg10: memref<2000x128xf32, #tpu.memory_space<vmem>>) attributes {dimension_semantics = [#tpu.dimension_semantics<arbitrary>], iteration_bounds = array<i64: 5>, scalar_prefetch = 0 : i64, scratch_operands = 0 : i64, tpu.core_type = #tpu.core_type<tc>, window_params = [{transform_indices = @transform_0, window_bounds = array<i64: 2000, 64>}, {transform_indices = @transform_1, window_bounds = array<i64: 2000, 64>}, {pipeline_mode = #tpu.pipeline_mode<synchronous>, transform_indices = @transform_2, window_bounds = array<i64: 128, 128>}, {transform_indices = @transform_3, window_bounds = array<i64: 2000, 128>}, {pipeline_mode = #tpu.pipeline_mode<synchronous>, transform_indices = @transform_4, window_bounds = array<i64: 1, 128>}, {transform_indices = @transform_5, window_bounds = array<i64: 2000, 64>}, {transform_indices = @transform_6, window_bounds = array<i64: 2000, 64>}, {transform_indices = @transform_7, window_bounds = array<i64: 2000, 16>}, {pipeline_mode = #tpu.pipeline_mode<synchronous>, transform_indices = @transform_8, window_bounds = array<i64: 128, 128>}, {transform_indices = @transform_9, window_bounds = array<i64: 2000, 128>}]} {
    %get3A = arith.constant 0 : index
    %get3A_0 = arith.constant 0 : index
    %get3A_1 = vector.load %arg1[%get3A, %get3A_0] : memref<2000x64xf32, #tpu.memory_space<vmem>>, vector<2000x64xf32>
    %get3A_2 = arith.constant 0 : index
    %get3A_3 = arith.constant 0 : index
    %get3A_4 = vector.load %arg2[%get3A_2, %get3A_3] : memref<2000x64xf32, #tpu.memory_space<vmem>>, vector<2000x64xf32>
    %concatenate3A = tpu.concatenate %get3A_1, %get3A_4 in 1 : vector<2000x64xf32>, vector<2000x64xf32> -> vector<2000x128xf32>
    %get3A_5 = arith.constant 0 : index
    %get3A_6 = arith.constant 0 : index
    %get3A_7 = vector.load %arg6[%get3A_5, %get3A_6] : memref<2000x64xf32, #tpu.memory_space<vmem>>, vector<2000x64xf32>
    %get3A_8 = arith.constant 0 : index
    %get3A_9 = arith.constant 0 : index
    %get3A_10 = vector.load %arg7[%get3A_8, %get3A_9] : memref<2000x64xf32, #tpu.memory_space<vmem>>, vector<2000x64xf32>
    %concatenate3A_11 = tpu.concatenate %get3A_7, %get3A_10 in 1 : vector<2000x64xf32>, vector<2000x64xf32> -> vector<2000x128xf32>
    %get3A_12 = arith.constant 0 : index
    %get3A_13 = arith.constant 0 : index
    %get3A_14 = vector.load %arg8[%get3A_12, %get3A_13] : memref<2000x16xf32, #tpu.memory_space<vmem>>, vector<2000x1xf32>
    %max3A = arith.constant 9.99999997E-7 : f32
    %max3A_15 = vector.broadcast %max3A : f32 to vector<2000x1xf32>
    %max3A_16 = arith.maximumf %get3A_14, %max3A_15 : vector<2000x1xf32>
    %div3A = arith.constant 1.000000e+00 : f32
    %div3A_17 = vector.broadcast %div3A : f32 to vector<2000x1xf32>
    %div3A_18 = arith.divf %div3A_17, %max3A_16 : vector<2000x1xf32>
    %get3A_19 = arith.constant 0 : index
    %get3A_20 = arith.constant 0 : index
    %get3A_21 = vector.load %arg3[%get3A_19, %get3A_20] : memref<128x128xf32, #tpu.memory_space<vmem>>, vector<128x128xf32>
    %dot_general3A = arith.constant dense<0.000000e+00> : vector<2000x128xf32>
    %dot_general3A_22 = tpu.matmul %concatenate3A, %get3A_21, %dot_general3A {dimension_numbers = #tpu.dot_dimension_numbers<[1], [0], [0], [1], [0, 0, 1, 1], [], []>, transpose_lhs_hint = false} : vector<2000x128xf32>, vector<128x128xf32>, vector<2000x128xf32> -> vector<2000x128xf32>
    %mul3A = vector.broadcast %div3A_18 : vector<2000x1xf32> to vector<2000x128xf32>
    %mul3A_23 = arith.mulf %concatenate3A_11, %mul3A : vector<2000x128xf32>
    %get3A_24 = arith.constant 0 : index
    %get3A_25 = arith.constant 0 : index
    %get3A_26 = vector.load %arg9[%get3A_24, %get3A_25] : memref<128x128xf32, #tpu.memory_space<vmem>>, vector<128x128xf32>
    %dot_general3A_27 = arith.constant dense<0.000000e+00> : vector<2000x128xf32>
    %dot_general3A_28 = tpu.matmul %mul3A_23, %get3A_26, %dot_general3A_27 {dimension_numbers = #tpu.dot_dimension_numbers<[1], [0], [0], [1], [0, 0, 1, 1], [], []>, transpose_lhs_hint = false} : vector<2000x128xf32>, vector<128x128xf32>, vector<2000x128xf32> -> vector<2000x128xf32>
    %add3A = arith.addf %dot_general3A_22, %dot_general3A_28 : vector<2000x128xf32>
    %get3A_29 = arith.constant 0 : index
    %get3A_30 = arith.constant 0 : index
    %get3A_31 = vector.load %arg4[%get3A_29, %get3A_30] : memref<2000x128xf32, #tpu.memory_space<vmem>>, vector<2000x128xf32>
    %add3A_32 = arith.addf %add3A, %get3A_31 : vector<2000x128xf32>
    %get3A_33 = arith.constant 0 : index
    %get3A_34 = arith.constant 0 : index
    %get3A_35 = vector.load %arg5[%get3A_33, %get3A_34] : memref<1x128xf32, #tpu.memory_space<vmem>>, vector<1x128xf32>
    %add3A_36 = vector.broadcast %get3A_35 : vector<1x128xf32> to vector<2000x128xf32>
    %add3A_37 = arith.addf %add3A_32, %add3A_36 : vector<2000x128xf32>
    %swap3A = arith.constant 0 : index
    %swap3A_38 = arith.constant 0 : index
    %swap3A_39 = vector.load %arg10[%swap3A, %swap3A_38] : memref<2000x128xf32, #tpu.memory_space<vmem>>, vector<2000x128xf32>
    tpu.vector_store %arg10[%swap3A, %swap3A_38], %add3A_37 {strides = array<i32>} : memref<2000x128xf32, #tpu.memory_space<vmem>>, vector<2000x128xf32>,
    return
  }
  func.func @transform_0(%arg0: i32) -> (i32, i32) {
    %c0_i32 = arith.constant 0 : i32
    %c0_i32_0 = arith.constant 0 : i32
    return %arg0, %c0_i32 : i32, i32
  }
  func.func @transform_1(%arg0: i32) -> (i32, i32) {
    %c0_i32 = arith.constant 0 : i32
    %c0_i32_0 = arith.constant 0 : i32
    return %arg0, %c0_i32 : i32, i32
  }
  func.func @transform_2(%arg0: i32) -> (i32, i32) {
    %c0_i32 = arith.constant 0 : i32
    %c0_i32_0 = arith.constant 0 : i32
    %c0_i32_1 = arith.constant 0 : i32
    return %c0_i32, %c0_i32_0 : i32, i32
  }
  func.func @transform_3(%arg0: i32) -> (i32, i32) {
    %c0_i32 = arith.constant 0 : i32
    %c0_i32_0 = arith.constant 0 : i32
    return %arg0, %c0_i32 : i32, i32
  }
  func.func @transform_4(%arg0: i32) -> (i32, i32) {
    %c0_i32 = arith.constant 0 : i32
    %c0_i32_0 = arith.constant 0 : i32
    %c0_i32_1 = arith.constant 0 : i32
    return %c0_i32, %c0_i32_0 : i32, i32
  }
  func.func @transform_5(%arg0: i32) -> (i32, i32) {
    %c0_i32 = arith.constant 0 : i32
    %c0_i32_0 = arith.constant 0 : i32
    return %arg0, %c0_i32 : i32, i32
  }
  func.func @transform_6(%arg0: i32) -> (i32, i32) {
    %c0_i32 = arith.constant 0 : i32
    %c0_i32_0 = arith.constant 0 : i32
    return %arg0, %c0_i32 : i32, i32
  }
  func.func @transform_7(%arg0: i32) -> (i32, i32) {
    %c0_i32 = arith.constant 0 : i32
    %c0_i32_0 = arith.constant 0 : i32
    return %arg0, %c0_i32 : i32, i32
  }
  func.func @transform_8(%arg0: i32) -> (i32, i32) {
    %c0_i32 = arith.constant 0 : i32
    %c0_i32_0 = arith.constant 0 : i32
    %c0_i32_1 = arith.constant 0 : i32
    return %c0_i32, %c0_i32_0 : i32, i32
  }
  func.func @transform_9(%arg0: i32) -> (i32, i32) {
    %c0_i32 = arith.constant 0 : i32
    %c0_i32_0 = arith.constant 0 : i32
    return %arg0, %c0_i32 : i32, i32
  }
}

</mosaic_0001>

<sc_bundles>
// kernel: pool.3.cloned.1.call-start
scs
__scs_entry_jumppad:
0x0: {  	(pc) =	sbr.rel $0x88, $3  }
0x1: {  	(tag) =	ssettag $0x0;
	lr =	simm.s32 $0x1  }
0x2: {  	[smem:$0x3F93] =	sst lr;
	_ =	strace $0xD0000000  }
0x3: {  	_ = 	snop  }
0x4: {  	_ = 	snop  }
0x5: {  	_ = 	snop  }
0x6: {  	_ = 	snop  }
0x7: {  	_ = 	snop  }
__scs_overlays_trampoline_lowered:
0x8: {  	[smem:$0x3FA2] =	sst s0  }
0x9: {  	[smem:$0x3FA3] =	sst s1  }
0xa: {  	[smem:$0x3FA4] =	sst s2  }
0xb: {  	[smem:$0x3FA5] =	sst s3  }
0xc: {  	[smem:$0x3FA6] =	sst s4  }
0xd: {  	[smem:$0x3FA7] =	sst s5  }
0xe: {  	[smem:$0x3FA8] =	sst s6  }
0xf: {  	[smem:$0x3FA9] =	sst s7  }
0x10: {  	[smem:$0x3FAA] =	sst s8  }
0x11: {  	[smem:$0x3FAB] =	sst s9;
	s0 =	simm.s32 @!p0 $0x0  }
0x12: {  	s1 =	sld [smem:$0x3F91];
	s0 =	simm.s32 @p0 $0x1  }
0x13: {  	[smem:$0x3FAC] =	sst s0;
	s0 =	simm.s32 @!p1 $0x0  }
0x14: {  	s2 =	sld [smem:$0x3F90];
	s0 =	simm.s32 @p1 $0x1  }
0x15: {  	[smem:$0x3FAD] =	sst s0;
	s0 =	simm.s32 @!p2 $0x0  }
0x16: {  	s3 =	sld [smem:$0x3FDB];
	s0 =	simm.s32 @p2 $0x1  }
0x17: {  	s4 =	simm.s32 $0x1BF5;
	[smem:$0x3FAF] =	sst s0  }
0x18: {  	s0 =	sld [smem:$0x3F92];
	_ =	swait.ge [sflag:s4], $0x0  }
0x19: {  	s7 =	sld [smem:$0x3F93]  }
0x1a: {  	s8 =	sadd.s32 $0xFFFFE003, lr  }
0x1b: {  	s9 =	sadd.s32 $0xFFFFFEF7, lr;
	s5 =	simm.s32 $0xFFFFFFFF;
	p2 =	slt.u32 s8, $0xFFFFF086  }
0x1c: {  	p1 =	slt.u32 s9, $0xF7A;
	s5 =	simm.s32 @!p2 $0x0  }
0x1d: {  	s5 =	simm.s32 @p1 $0x1;
	p0 =	seq.s32 s7, s2  }
0x1e: {  	s7 =	smul.u32 @!p0 $0xF7A, s2;
	p2 =	seq.s32 @!p0 s5, $0x0  }
0x1f: {  	s9 =	smul.u32 $0xF7A, s1;
	s8 =	simm.s32 @!p0 $0x1BF5;
	p2 =	por !p2, p0  }
0x20: {  	[sflag:s8] =	ssyncset.s32 @!p0 $0xFFFFF086;
	s6 =	sadd.s32 @!p0 s3, s7;
	s7 =	simm.s32 @!p0 $0x108  }
0x21: {  	s3 =	sadd.s32 s3, s9;
	s6 =	sadd.s32 @!p0 $0x88, s6;
	s7 =	simm.s32 @p2 $0x1082  }
0x22: {  	[simem:s7], [sflag:s8] =	dma.local @!p0 [hbm:s6], $0xF7A  }
0x23: {  	s9 =	sor.u32 $0xD0000000, s2;
	s6 =	simm.s32 $0x108;
	_ =	swait.ge @!p0 [sflag:s8], $0x0  }
0x24: {  	s3 =	sadd.s32 $0x88, s3;
	s6 =	simm.s32 @!p1 $0x1082;
	[sflag:s4] =	ssyncset.s32 $0xFFFFF086  }
0x25: {  	[simem:s6], [sflag:s4] =	dma.local [hbm:s3], $0xF7A  }
0x26: {  	[smem:$0x3F93] =	sst s1;
	(tag) =	ssettag s2;
	_ =	strace s9  }
0x27: {  	s1 =	sld [smem:$0x3FA3]  }
0x28: {  	s2 =	sld [smem:$0x3FA4]  }
0x29: {  	s4 =	sld [smem:$0x3FA6]  }
0x2a: {  	p0 =	seq.s32 s5, $0x0;
	s5 =	sld [smem:$0x3FA7]  }
0x2b: {  	s6 =	sld [smem:$0x3FA8]  }
0x2c: {  	s7 =	sld [smem:$0x3FA9]  }
0x2d: {  	s3 =	simm.s32 $0x108;
	s8 =	sld [smem:$0x3FAA]  }
0x2e: {  	s3 =	simm.s32 @!p0 $0x1082;
	s9 =	sld [smem:$0x3FAB]  }
0x2f: {  	lr =	sadd.s32 s0, s3;
	s0 =	sld [smem:$0x3FA2]  }
0x30: {  	s3 =	sld [smem:$0x3FA5]  }
0x31: {  	[smem:$0x3FAE] =	sst s10  }
0x32: {  	s10 =	sld [smem:$0x3FAC];
	_ =	sdelay $0x3  }
0x33: {  	p0 =	seq.s32 s10, $0x1;
	s10 =	sld [smem:$0x3FAE];
	_ =	sdelay $0x3  }
0x34: {  	[smem:$0x3FAE] =	sst s10  }
0x35: {  	s10 =	sld [smem:$0x3FAD];
	_ =	sdelay $0x3  }
0x36: {  	p1 =	seq.s32 s10, $0x1;
	s10 =	sld [smem:$0x3FAE];
	_ =	sdelay $0x3  }
0x37: {  	[smem:$0x3FAE] =	sst s10  }
0x38: {  	s10 =	sld [smem:$0x3FAF]  }
0x39: {  	_ = 	snop;
	(pc) =	sbr.ind lr, $3  }
0x3a: {  	_ = 	snop  }
0x3b: {  	_ = 	snop  }
0x3c: {  	p2 =	seq.s32 s10, $0x1;
	s10 =	sld [smem:$0x3FAE]  }
0x3d: {  	_ =	shalt  }
0x3e: {  	_ =	shalt  }
0x3f: {  	_ =	shalt  }
0x40: {  	_ =	shalt  }
0x41: {  	_ =	shalt  }
0x42: {  	_ =	shalt  }
0x43: {  	_ =	shalt  }
0x44: {  	_ =	shalt  }
0x45: {  	_ =	shalt  }
0x46: {  	_ =	shalt  }
0x47: {  	_ =	shalt  }
0x48: {  	_ =	shalt  }
0x49: {  	_ =	shalt  }
0x4a: {  	_ =	shalt  }
0x4b: {  	_ =	shalt  }
0x4c: {  	_ =	shalt  }
0x4d: {  	_ =	shalt  }
0x4e: {  	_ =	shalt  }
0x4f: {  	_ =	shalt  }
0x50: {  	_ =	shalt  }
0x51: {  	_ =	shalt  }
0x52: {  	_ =	shalt  }
0x53: {  	_ =	shalt  }
0x54: {  	_ =	shalt  }
0x55: {  	_ =	shalt  }
0x56: {  	_ =	shalt  }
0x57: {  	_ =	shalt  }
0x58: {  	_ =	shalt  }
0x59: {  	_ =	shalt  }
0x5a: {  	_ =	shalt  }
0x5b: {  	_ =	shalt  }
0x5c: {  	_ =	shalt  }
0x5d: {  	_ =	shalt  }
0x5e: {  	_ =	shalt  }
0x5f: {  	_ =	shalt  }
0x60: {  	_ =	shalt  }
0x61: {  	_ =	shalt  }
0x62: {  	_ =	shalt  }
0x63: {  	_ =	shalt  }
0x64: {  	_ =	shalt  }
0x65: {  	_ =	shalt  }
0x66: {  	_ =	shalt  }
0x67: {  	_ =	shalt  }
0x68: {  	_ =	shalt  }
0x69: {  	_ =	shalt  }
0x6a: {  	_ =	shalt  }
0x6b: {  	_ =	shalt  }
0x6c: {  	_ =	shalt  }
0x6d: {  	_ =	shalt  }
0x6e: {  	_ =	shalt  }
0x6f: {  	_ =	shalt  }
0x70: {  	_ =	shalt  }
0x71: {  	_ =	shalt  }
0x72: {  	_ =	shalt  }
0x73: {  	_ =	shalt  }
0x74: {  	_ =	shalt  }
0x75: {  	_ =	shalt  }
0x76: {  	_ =	shalt  }
0x77: {  	_ =	shalt  }
0x78: {  	_ =	shalt  }
0x79: {  	_ =	shalt  }
0x7a: {  	_ =	shalt  }
0x7b: {  	_ =	shalt  }
0x7c: {  	_ =	shalt  }
0x7d: {  	_ =	shalt  }
0x7e: {  	_ =	shalt  }
0x7f: {  	_ =	shalt  }
0x80: {  	_ =	shalt  }
0x81: {  	_ =	shalt  }
0x82: {  	_ =	shalt  }
0x83: {  	_ =	shalt  }
0x84: {  	_ =	shalt  }
0x85: {  	_ =	shalt  }
0x86: {  	_ =	shalt  }
0x87: {  	_ =	shalt  }
.Lfunc_end0:
.L_simem_size_0:
called_computation.2_lowered:
.L_overlay_start_0:
0x88: {  	s2 =	sld [smem:$0x3FD9]  }
0x89: {  	s3 =	sld [smem:$0x3FFE];
	_ =	sdelay $0x1  }
0x8a: {  	s1 =	srdreg.scid  }
0x8b: {  	s0 =	sand.u32 $0x1, s1  }
0x8c: {  	s17 =	sshll.u32 s0, $0xA;
	s2 =	sadd.s32 s3, s2  }
0x8d: {  	s2 =	sadd.s32 s2, s17  }
0x8e: {  	[smem:$0x3FBA] =	sst s2  }
0x8f: {  	_ = 	snop  }
0x90: {  	s2 =	sld [smem:$0x3FD0];
	(tm) =	ssettm $0x1  }
0x91: {  	s18 =	sld [smem:$0x3FFB];
	_ =	sdelay $0x3  }
0x92: {  	_ =	strace s18  }
0x93: {  	s3 =	sld [smem:$0x3FFC];
	_ =	sdelay $0x3  }
0x94: {  	_ =	strace s3  }
0x95: {  	s3 =	sld [smem:$0x3FFD];
	_ =	sdelay $0x3  }
0x96: {  	_ =	strace s3  }
0x97: {  	_ =	strace $0x8FFFFFFF  }
0x98: {  	s19 =	sld [smem:$0x3FDB];
	_ =	sdelay $0x1  }
0x99: {  	s4 =	simm.s32 $_scs_section_size  }
0x9a: {  	s5 =	simm.s32 $_size__tile_overlayer_lowered;
	s6 =	simm.s32 $_tile_overlayer_lowered  }
0x9b: {  	s22 =	simm.s32 $0x1BFF;
	s21 =	sshll.u32 s6, $0x1;
	s3 =	sadd.s32 s4, s19  }
0x9c: {  	s7 =	simm.s32 $0x0;
	s20 =	sshll.u32 s5, $0x1;
	s5 =	sadd.s32 s21, s3  }
0x9d: {  	[timem:s7], [sflag:s22] =	dma.local [hbm:s5], s20  }
0x9e: {  	_ =	swait.ge [sflag:s22], s20  }
0x9f: {  	s4 =	ssub.s32 $0x0, s20;
	[sflag:s22] =	ssyncset.done $0x0  }
0xa0: {  	[sflag:s22] =	ssyncadd.s32 s4;
	_ =	sdelay $0x1  }
0xa1: {  	s23 =	simm.s32 $0x1B8B  }
0xa2: {  	_ =	swait.ge [sflag:s23], $0x1  }
0xa3: {  	[sflag:s23] =	ssyncset.done $0x0  }
0xa4: {  	s25 =	simm.s32 $0x1B8E;
	s24 =	sld [smem:$0x3FFE];
	[sflag:s23] =	ssyncadd.s32 $0xFFFFFFFF  }
0xa5: {  	s26 =	simm.s32 $execute0_lowered;
	[smem:$0x3FD2] =	sst s25  }
0xa6: {  	s5 =	sshll.u32 s26, $0x1;
	_ =	strace $0x8000004C;
	[dreg:$0x1] =	wrdreg $0xFFFFFFFF  }
0xa7: {  	s28 =	simm.s32 $_size_execute0_lowered;
	s3 =	sadd.s32 s3, s5;
	[dreg:$0x0] =	wrdreg $0x0  }
0xa8: {  	s5 =	sshll.u32 s28, $0x1;
	[dreg:$0x2] =	wrdreg s3  }
0xa9: {  	[dreg:$0x3] =	wrdreg s5  }
0xaa: {  	[dreg:$0x4] =	wrdreg $0xC0  }
0xab: {  	_ =	task [dreg:s7], $0x5FFFF  }
0xac: {  	[dreg:$0x1] =	wrdreg $0xFFFFFFFF  }
0xad: {  	[dreg:$0x0] =	wrdreg $0x60  }
0xae: {  	[dreg:$0x2] =	wrdreg s24  }
0xaf: {  	[dreg:$0x3] =	wrdreg s2  }
0xb0: {  	[dreg:$0x4] =	wrdreg $0x4B500  }
0xb1: {  	[dreg:$0x5] =	wrdreg $0x9  }
0xb2: {  	_ =	task.clear_ibuf [dreg:s7], $0x6FFFF;
	_ =	strace $0x9000004C  }
0xb3: {  	s29 =	simm.s32 $0x9;
	_ =	strace $0x8000004E  }
0xb4: {  	_ =	swait.ge [sflag:s29], $0x1  }
0xb5: {  	[sflag:s29] =	ssyncadd.s32 $0xFFFFFFFF  }
0xb6: {  	_ =	strace $0x9000004E  }
0xb7: {  	_ =	sfence  }
0xb8: {  	s30 =	sld [smem:$0x0];
	_ =	sdelay $0x2  }
0xb9: {  	s31 =	sshll.u32 s1, $0xD;
	s1 =	sshrl.u32 s1, $0x2  }
0xba: {  	s3 =	sand.u32 $0x4000, s31;
	s1 =	sadd.s32 s1, s30  }
0xbb: {  	s0 =	sor.u32 s3, s0;
	s1 =	sshll.u32 s1, $0x11  }
0xbc: {  	s0 =	sor.u32 s1, s0  }
0xbd: {  	s0 =	sadd.s32 $0x8F2B, s0  }
0xbe: {  	[sflag:s0] =	ssyncadd.remote.s32 $0x1  }
0xbf: {  	_ =	sfence.sel $0xFFFF  }
0xc0: {  	[dreg:$0x0] =	wrdreg $0xFFFFFFFF;
	(pc) =	sbr.abs _section_cstart, $3  }
0xc1: {  	[dreg:$0x1] =	wrdreg $0xFFFFFFFF  }
0xc2: {  	_ =	task.clear_ibuf [dreg:s7], $0x2FFFF;
	_ =	strace $0x9FFFFFFF  }
0xc3: {  	(tm) =	ssettm $0x7FFFFFFF  }
tec
execute0_lowered:
.L_overlay_start_1:
0x0: {  	(tag) =	ssettag $0x1  }
0x1: {  	s1 =	srdreg.scid  }
0x2: {  	s1 =	sand.u32 $0x1, s1  }
0x3: {  	p0 =	seq.s32 s1, $0x1  }
.Ltmp0:
0x4: {  	s4 =	rddreg [dreg:$0x0];
	(pc) =	sbr.rel @p0 .LBB2_8-.Ltmp0, $4  }
0x5: {  	s2 =	rddreg [dreg:$0x1]  }
0x6: {  	s3 =	rddreg [dreg:$0x2];
	s5 =	simm.s32 $0x0  }
0x7: {  	[smem:$0x7FF] =	sst s5  }
0x8: {  	s0 =	rddreg [dreg:$0x3];
	_ =	strace $0x8000004D;
	s1 =	stileid.u32  }
0x9: {  	s6 =	smul.u32 $0x50, s1  }
0xa: {  	s7 =	sadd.s32 $0x8DE00, s4  }
0xb: {  	s26 =	simm.s32 $0x2;
	s7 =	sadd.s32 s7, s6  }
0xc: {  	[tilespmem:s5], [sflag:$0x2] =	stream.linear.gather [hbm4b:s7+s5], $0x280, $0x38;
	[tilespmem:$0x9B50] =	vst v63  }
0xd: {  	_ =	swait.ge [sflag:s26], $0x280  }
0xe: {  	s8 =	sadd.s32 $0x8D800, s4;
	[sflag:s26] =	ssyncset.done $0x0  }
0xf: {  	s28 =	simm.s32 $0x280;
	s6 =	sadd.s32 s8, s6;
	[sflag:s26] =	ssyncadd.s32 $0xFFFFFD80  }
0x10: {  	[tilespmem:s28], [sflag:$0x2] =	stream.linear.gather [hbm4b:s6+s5], $0x280, $0x38;
	[tilespmem:$0x9B50] =	vst v63  }
0x11: {  	_ =	swait.ge [sflag:s26], $0x280  }
0x12: {  	[sflag:s26] =	ssyncset.done $0x0  }
0x13: {  	s10 =	simm.s32 $0xD50;
	v0 =	vimm.f32 $0.0e+00;
	[sflag:s26] =	ssyncadd.s32 $0xFFFFFD80  }
0x14: {  	[tilespmem:s10+$0xFFFFFF80] =	vst v0  }
0x15: {  	[tilespmem:s10+$0x70] =	vst v0  }
0x16: {  	[tilespmem:s10+$0x60] =	vst v0  }
0x17: {  	[tilespmem:s10+$0x50] =	vst v0  }
0x18: {  	[tilespmem:s10+$0x40] =	vst v0  }
0x19: {  	[tilespmem:s10+$0x30] =	vst v0  }
0x1a: {  	[tilespmem:s10+$0x20] =	vst v0  }
0x1b: {  	[tilespmem:s10+$0x10] =	vst v0  }
0x1c: {  	[tilespmem:s10+$0x0] =	vst v0  }
0x1d: {  	[tilespmem:s10+$0xFFFFFFF0] =	vst v0  }
0x1e: {  	s29 =	smul.u32 $0x14000, s1;
	s30 =	sshll.u32 s1, $0xC;
	[tilespmem:s10+$0xFFFFFFE0] =	vst v0  }
0x1f: {  	s9 =	smul.u32 $0x2710, s1;
	s13 =	sshll.u32 s1, $0xF;
	s31 =	sadd.s32 s30, s4;
	[tilespmem:s10+$0xFFFFFFD0] =	vst v0  }
0x20: {  	s8 =	sadd.s32 $0x48000, s3;
	s7 =	sadd.s32 $0x33E00, s4;
	s5 =	sshrl.u32 s29, $0x2;
	[tilespmem:s10+$0xFFFFFFC0] =	vst v0  }
0x21: {  	s6 =	sadd.s32 $0x3C00, s4;
	s4 =	sadd.s32 $0x2AE00, s31;
	s11 =	sadd.s32 s5, s3;
	[tilespmem:s10+$0xFFFFFFB0] =	vst v0  }
0x22: {  	s5 =	sadd.s32 s13, s3;
	s13 =	simm.s32 $0x0;
	s12 =	sadd.s32 $0x2800, s11;
	[tilespmem:s10+$0xFFFFFFA0] =	vst v0  }
.LBB2_2:
0x23: {  	s13 =	sadd.s32 $0x2, s13;
	[tilespmem:s10+$0xFFFFFF90] =	vst v0;
	s10 =	sadd.s32 $0x100, s10  }
0x24: {  	[tilespmem:s10+$0xFFFFFF80] =	vst v0;
	p0 =	slt.u32 s13, $0x7A  }
0x25: {  	[tilespmem:s10+$0x70] =	vst v0  }
0x26: {  	[tilespmem:s10+$0x60] =	vst v0  }
0x27: {  	[tilespmem:s10+$0x50] =	vst v0  }
0x28: {  	[tilespmem:s10+$0x40] =	vst v0  }
0x29: {  	[tilespmem:s10+$0x30] =	vst v0  }
0x2a: {  	[tilespmem:s10+$0x20] =	vst v0  }
0x2b: {  	[tilespmem:s10+$0x10] =	vst v0  }
0x2c: {  	[tilespmem:s10+$0x0] =	vst v0  }
0x2d: {  	[tilespmem:s10+$0xFFFFFFF0] =	vst v0  }
.Ltmp1:
0x2e: {  	[tilespmem:s10+$0xFFFFFFE0] =	vst v0;
	(pc) =	sbr.rel @p0 .LBB2_2-.Ltmp1, $4  }
0x2f: {  	[tilespmem:s10+$0xFFFFFFD0] =	vst v0  }
0x30: {  	[tilespmem:s10+$0xFFFFFFC0] =	vst v0  }
0x31: {  	[tilespmem:s10+$0xFFFFFFB0] =	vst v0  }
0x32: {  	[tilespmem:s10+$0xFFFFFFA0] =	vst v0  }
0x33: {  	[tilespmem:s10+$0xFFFFFF90] =	vst v0;
	v63 =	vimm.f32 $0.0e+00  }
0x34: {  	[tilespmem:$0x4AD0] =	vst v63  }
0x35: {  	[tilespmem:$0x4AE0] =	vst v63  }
0x36: {  	[tilespmem:$0x4AF0] =	vst v63  }
0x37: {  	[tilespmem:$0x4B00] =	vst v63  }
0x38: {  	[tilespmem:$0x4B10] =	vst v63  }
0x39: {  	[tilespmem:$0x4B20] =	vst v63  }
0x3a: {  	[tilespmem:$0x4B30] =	vst v63  }
0x3b: {  	s10 =	simm.s32 $0xCD0;
	[tilespmem:$0x4B40] =	vst v63  }
0x3c: {  	[spmem:s11] =	stream.linear.scatter [tilespmem:s10], [sflag:$0x2], $0x2800, $0x38;
	[tilespmem:$0x9B50] =	vst v63  }
0x3d: {  	s11 =	simm.s32 $0x2  }
0x3e: {  	_ =	swait.ge [sflag:s11], $0x2800  }
0x3f: {  	[sflag:s11] =	ssyncset.done $0x0  }
0x40: {  	[sflag:s11] =	ssyncadd.s32 $0xFFFFD800  }
0x41: {  	[spmem:s12] =	stream.linear.scatter [tilespmem:s10], [sflag:$0x2], $0x2800, $0x38;
	[tilespmem:$0x9B50] =	vst v63  }
0x42: {  	_ =	swait.ge [sflag:s11], $0x2800  }
0x43: {  	s13 =	simm.s32 $0x7D;
	[sflag:s11] =	ssyncset.done $0x0  }
0x44: {  	s14 =	simm.s32 $0x500;
	s15 =	simm.s32 $0x1;
	[sflag:s11] =	ssyncadd.s32 $0xFFFFD800  }
0x45: {  	s16 =	simm.s32 $0x0;
	s12 =	simm.s32 $0x0;
	[bflag:$0x0] =	sbarrier.arrive $0xFFFF  }
.LBB2_4:
0x46: {  	s17 =	sshll.u32 s16, $0x7;
	s18 =	smul.u32 $0x7D0, s16  }
0x47: {  	[tilespmem:s10], [sflag:$0x1] =	stream.indirect.gather [hbm4b:s6+s13], $0x80, s17, s13, $0xb8;
	[tilespmem:$0x9B50] =	vst v63  }
0x48: {  	s18 =	sadd.s32 s9, s18  }
0x49: {  	s18 =	sshrl.u32 s18, $0x3  }
0x4a: {  	s18 =	sadd.s32 s2, s18  }
0x4b: {  	[tilespmem:s14], [sflag:$0x2] =	stream.linear.gather [hbm4b:s18+s12], $0x7D0, $0x38;
	[tilespmem:$0x9B50] =	vst v63  }
0x4c: {  	_ =	swait.ge [sflag:s11], $0x7D0  }
0x4d: {  	[sflag:s11] =	ssyncset.done $0x0  }
0x4e: {  	[sflag:s11] =	ssyncadd.s32 $0xFFFFF830  }
0x4f: {  	_ =	swait.ge [sflag:s15], $0x3E80  }
0x50: {  	[sflag:s15] =	ssyncset.done $0x0  }
0x51: {  	s18 =	simm.s32 $0xD50;
	[sflag:s15] =	ssyncadd.s32 $0xFFFFC180  }
0x52: {  	s19 =	simm.s32 $0x510;
	v0 =	vld [tilespmem:s18+$0xFFFFFFC0]  }
0x53: {  	v2 =	vld [tilespmem:s19+$0xFFFFFFF0]  }
0x54: {  	v1 =	vld [tilespmem:s18+$0xFFFFFFB0]  }
0x55: {  	v3 =	vld [tilespmem:s18+$0xFFFFFFA0]  }
0x56: {  	v4 =	vld [tilespmem:s18+$0xFFFFFFD0]  }
0x57: {  	v5 =	vld [tilespmem:s18+$0xFFFFFFE0]  }
0x58: {  	v6 =	vld [tilespmem:s18+$0xFFFFFF90];
	v0 =	vmul.f32 v0, v2  }
0x59: {  	v7 =	vld [tilespmem:s18+$0xFFFFFFF0];
	v1 =	vmul.f32 v1, v2  }
0x5a: {  	v8 =	vld [tilespmem:s18+$0xFFFFFF80];
	v3 =	vmul.f32 v3, v2;
	[tilespmem:s18+$0xFFFFFFC0] =	vst v0  }
0x5b: {  	v4 =	vmul.f32 v4, v2;
	[tilespmem:s18+$0xFFFFFFB0] =	vst v1  }
0x5c: {  	v5 =	vmul.f32 v5, v2;
	v0 =	vld [tilespmem:s18+$0x70];
	[tilespmem:s18+$0xFFFFFFA0] =	vst v3  }
0x5d: {  	v1 =	vld [tilespmem:s18+$0x60];
	v3 =	vmul.f32 v6, v2;
	[tilespmem:s18+$0xFFFFFFD0] =	vst v4  }
0x5e: {  	v6 =	vmul.f32 v7, v2;
	[tilespmem:s18+$0xFFFFFFE0] =	vst v5;
	v4 =	vld [tilespmem:s18+$0x20]  }
0x5f: {  	v5 =	vmul.f32 v8, v2;
	v7 =	vld [tilespmem:s18+$0x0];
	[tilespmem:s18+$0xFFFFFF90] =	vst v3  }
0x60: {  	v2 =	vld [tilespmem:s18+$0x40];
	[tilespmem:s18+$0xFFFFFFF0] =	vst v6  }
0x61: {  	[tilespmem:s18+$0xFFFFFF80] =	vst v5;
	v5 =	vld [tilespmem:s18+$0x10]  }
0x62: {  	v3 =	vld [tilespmem:s19+$0x0]  }
0x63: {  	v6 =	vld [tilespmem:s18+$0x30]  }
0x64: {  	s21 =	simm.s32 $0x0;
	s20 =	simm.s32 $0xD50;
	v8 =	vld [tilespmem:s18+$0x50]  }
.LBB2_5:
0x65: {  	s21 =	sadd.s32 $0x2, s21;
	s19 =	sadd.s32 $0x20, s19;
	s18 =	sadd.s32 $0x100, s18  }
0x66: {  	p0 =	slt.u32 s21, $0x7A  }
0x67: {  	v7 =	vmul.f32 v7, v3;
	v5 =	vmul.f32 v5, v3  }
0x68: {  	v4 =	vmul.f32 v4, v3;
	v6 =	vmul.f32 v6, v3  }
0x69: {  	v2 =	vmul.f32 v2, v3;
	[tilespmem:s20+$0x0] =	vst v7;
	v7 =	vmul.f32 v8, v3  }
0x6a: {  	v1 =	vmul.f32 v1, v3;
	v0 =	vmul.f32 v0, v3;
	[tilespmem:s20+$0x20] =	vst v4  }
0x6b: {  	[tilespmem:s20+$0x40] =	vst v2  }
0x6c: {  	v2 =	vld [tilespmem:s18+$0xFFFFFFF0];
	[tilespmem:s20+$0x60] =	vst v1  }
0x6d: {  	v3 =	vld [tilespmem:s18+$0xFFFFFFE0];
	[tilespmem:s20+$0x50] =	vst v7  }
0x6e: {  	v4 =	vld [tilespmem:s18+$0xFFFFFFD0];
	[tilespmem:s20+$0x70] =	vst v0  }
0x6f: {  	v1 =	vld [tilespmem:s18+$0xFFFFFFC0];
	[tilespmem:s20+$0x10] =	vst v5  }
0x70: {  	v5 =	vld [tilespmem:s18+$0xFFFFFFB0];
	[tilespmem:s20+$0x30] =	vst v6;
	s20 =	smov.u32 s18  }
0x71: {  	v6 =	vld [tilespmem:s19+$0xFFFFFFF0]  }
0x72: {  	v7 =	vld [tilespmem:s18+$0xFFFFFFA0]  }
0x73: {  	v8 =	vld [tilespmem:s18+$0xFFFFFF90]  }
0x74: {  	v9 =	vld [tilespmem:s18+$0xFFFFFF80]  }
0x75: {  	v0 =	vld [tilespmem:s18+$0x70]  }
0x76: {  	v5 =	vmul.f32 v5, v6;
	v10 =	vmul.f32 v1, v6;
	v1 =	vld [tilespmem:s18+$0x60]  }
0x77: {  	v4 =	vmul.f32 v4, v6;
	v7 =	vmul.f32 v7, v6  }
0x78: {  	v3 =	vmul.f32 v3, v6;
	v8 =	vmul.f32 v8, v6;
	[tilespmem:s18+$0xFFFFFFC0] =	vst v10  }
0x79: {  	v9 =	vmul.f32 v9, v6;
	[tilespmem:s18+$0xFFFFFFB0] =	vst v5;
	v5 =	vmul.f32 v2, v6  }
0x7a: {  	[tilespmem:s18+$0xFFFFFFA0] =	vst v7  }
0x7b: {  	[tilespmem:s18+$0xFFFFFFD0] =	vst v4  }
0x7c: {  	[tilespmem:s18+$0xFFFFFF90] =	vst v8;
	v2 =	vld [tilespmem:s18+$0x40]  }
0x7d: {  	[tilespmem:s18+$0xFFFFFFE0] =	vst v3;
	v4 =	vld [tilespmem:s18+$0x20]  }
.Ltmp2:
0x7e: {  	[tilespmem:s18+$0xFFFFFF80] =	vst v9;
	v7 =	vld [tilespmem:s18+$0x0];
	(pc) =	sbr.rel @p0 .LBB2_5-.Ltmp2, $4  }
0x7f: {  	[tilespmem:s18+$0xFFFFFFF0] =	vst v5;
	v5 =	vld [tilespmem:s18+$0x10]  }
0x80: {  	v3 =	vld [tilespmem:s19+$0x0]  }
0x81: {  	v6 =	vld [tilespmem:s18+$0x30]  }
0x82: {  	v8 =	vld [tilespmem:s18+$0x50]  }
0x83: {  	_ =	sdelay $0x1  }
0x84: {  	v7 =	vmul.f32 v7, v3  }
0x85: {  	v4 =	vmul.f32 v4, v3  }
0x86: {  	v2 =	vmul.f32 v2, v3;
	[tilespmem:s20+$0x0] =	vst v7  }
0x87: {  	v1 =	vmul.f32 v1, v3;
	[tilespmem:s20+$0x20] =	vst v4  }
0x88: {  	v0 =	vmul.f32 v0, v3;
	[tilespmem:s20+$0x40] =	vst v2  }
0x89: {  	v53 =	vmul.f32 v5, v3;
	[tilespmem:s20+$0x60] =	vst v1  }
0x8a: {  	v54 =	vmul.f32 v6, v3;
	[tilespmem:s20+$0x70] =	vst v0  }
0x8b: {  	v52 =	vmul.f32 v8, v3;
	[tilespmem:s20+$0x10] =	vst v53  }
0x8c: {  	[tilespmem:s20+$0x30] =	vst v54  }
0x8d: {  	[tilespmem:s20+$0x50] =	vst v52  }
0x8e: {  	v0 =	vld [tilespmem:$0xCC0]  }
0x8f: {  	v1 =	vld [tilespmem:$0x4AD0]  }
0x90: {  	v2 =	vld [tilespmem:$0x4AE0]  }
0x91: {  	v55 =	vld [tilespmem:$0x4AF0]  }
0x92: {  	v4 =	vld [tilespmem:$0x4B00]  }
0x93: {  	v56 =	vld [tilespmem:$0x4B10]  }
0x94: {  	v57 =	vld [tilespmem:$0x4B20];
	v1 =	vmul.f32 v1, v0  }
0x95: {  	v7 =	vld [tilespmem:$0x4B30];
	v2 =	vmul.f32 v2, v0  }
0x96: {  	v59 =	vld [tilespmem:$0x4B40];
	v58 =	vmul.f32 v55, v0;
	[tilespmem:$0x4AD0] =	vst v1  }
0x97: {  	v60 =	vmul.f32 v4, v0;
	[tilespmem:$0x4AE0] =	vst v2  }
0x98: {  	v61 =	vmul.f32 v56, v0;
	[tilespmem:$0x4AF0] =	vst v58  }
0x99: {  	v62 =	vmul.f32 v57, v0;
	[tilespmem:$0x4B00] =	vst v60  }
0x9a: {  	v63 =	vmul.f32 v7, v0;
	[tilespmem:$0x4B10] =	vst v61  }
0x9b: {  	s16 =	sadd.s32 $0x1, s16;
	v0 =	vmul.f32 v59, v0;
	[tilespmem:$0x4B20] =	vst v62  }
0x9c: {  	p0 =	sne.s32 s16, $0x5;
	[tilespmem:$0x4B30] =	vst v63  }
.Ltmp3:
0x9d: {  	s17 =	sadd.s32 $0x280, s17;
	[tilespmem:$0x4B40] =	vst v0;
	(pc) =	sbr.rel @p0 .LBB2_4-.Ltmp3, $4  }
0x9e: {  	[spmem:s3] =	stream.indirect.scatter.add.f32 [tilespmem:s10], [sflag:$0x2], $0x80, s17, s13, $0xb8;
	[tilespmem:$0x9B50] =	vst v63  }
0x9f: {  	_ =	swait.ge [sflag:s11], $0x3E80  }
0xa0: {  	[sflag:s11] =	ssyncset.done $0x0  }
0xa1: {  	[sflag:s11] =	ssyncadd.s32 $0xFFFFC180  }
0xa2: {  	p0 =	sgt.u32 s1, $0x8  }
0xa3: {  	p1 =	sne.s32 @p0 s1, $0x9  }
0xa4: {  	p1 =	por p1, !p0  }
0xa5: {  	[bflag:$0x0] =	sbarrier.arrive $0xFFFF;
	s2 =	sshrl.u32 @!p1 s8, $0x3;
	s3 =	simm.s32 @!p1 $0x1E42  }
0xa6: {  	[hbm:s7], [sflag:s3] =	dma.local @!p1 [spmem:s2], $0xC40  }
0xa7: {  	s2 =	simm.s32 @!p1 $0x2  }
0xa8: {  	_ =	swait.ge @!p1 [sflag:s2], $0xC40  }
0xa9: {  	s3 =	sshll.u32 @!p0 s1, $0x6;
	[sflag:s2] =	ssyncset.done @!p1 $0x0  }
0xaa: {  	[sflag:s2] =	ssyncadd.s32 @!p1 $0xFFFFF3C0;
	s2 =	sor.u32 @!p0 $0x1C02, s3;
	s3 =	sshrl.u32 @!p0 s5, $0x3  }
0xab: {  	[hbm:s4], [sflag:s2] =	dma.local @!p0 [spmem:s3], $0x1000  }
0xac: {  	s2 =	simm.s32 @!p0 $0x2  }
0xad: {  	_ =	swait.ge @!p0 [sflag:s2], $0x1000  }
0xae: {  	[sflag:s2] =	ssyncset.done @!p0 $0x0  }
0xaf: {  	[sflag:s2] =	ssyncadd.s32 @!p0 $0xFFFFF000  }
.LBB2_8:
0xb0: {  	_ =	sfence.sel $0x180000  }
0xb1: {  	[bflag:$0x0] =	sbarrier.arrive $0xFFFF  }
0xb2: {  	p0 =	sne.s32 s1, $0x0;
	_ =	strace $0x9000004D  }
0xb3: {  	s0 =	sadd.s32 @!p0 $0x100000, s0;
	[bflag:$0x2] =	sbarrier.arrive $0xFFFF  }
0xb4: {  	[sflag:s0] =	ssyncadd.tile.s32 @!p0 $0x1;
	_ =	shalt  }
.Lfunc_end2:
_tile_overlayer_lowered:
.L_overlay_start_2:
0xb5: {  	(tag) =	ssettag $0x2  }
0xb6: {  	s0 =	rddreg [dreg:$0x0];
	s2 =	stileid.u32  }
0xb7: {  	s1 =	rddreg [dreg:$0x1];
	p0 =	sne.s32 s2, $0x0  }
0xb8: {  	s3 =	rddreg [dreg:$0x2];
	[bflag:$0x3] =	sbarrier.arrive $0xFFFF;
	s2 =	simm.s32 @!p0 $0x1C02  }
0xb9: {  	[timem:s3], [sflag:s2] =	dma.local @!p0 [hbm:s0], s1  }
0xba: {  	s0 =	simm.s32 @!p0 $0x2  }
0xbb: {  	_ =	swait.ge @!p0 [sflag:s0], s1  }
0xbc: {  	s1 =	ssub.s32 @!p0 $0x0, s1;
	[sflag:s0] =	ssyncset.done @!p0 $0x0  }
0xbd: {  	[sflag:s0] =	ssyncadd.s32 @!p0 s1  }
0xbe: {  	[bflag:$0x3] =	sbarrier.arrive $0xFFFF  }
0xbf: {  	_ =	shalt  }

// kernel: spmm.3.cloned.1.call-start
scs
__scs_entry_jumppad:
0x0: {  	(pc) =	sbr.rel $0x88, $3  }
0x1: {  	(tag) =	ssettag $0x0;
	lr =	simm.s32 $0x1  }
0x2: {  	[smem:$0x3F93] =	sst lr;
	_ =	strace $0xD0000000  }
0x3: {  	_ = 	snop  }
0x4: {  	_ = 	snop  }
0x5: {  	_ = 	snop  }
0x6: {  	_ = 	snop  }
0x7: {  	_ = 	snop  }
__scs_overlays_trampoline_lowered:
0x8: {  	[smem:$0x3FA2] =	sst s0  }
0x9: {  	[smem:$0x3FA3] =	sst s1  }
0xa: {  	[smem:$0x3FA4] =	sst s2  }
0xb: {  	[smem:$0x3FA5] =	sst s3  }
0xc: {  	[smem:$0x3FA6] =	sst s4  }
0xd: {  	[smem:$0x3FA7] =	sst s5  }
0xe: {  	[smem:$0x3FA8] =	sst s6  }
0xf: {  	[smem:$0x3FA9] =	sst s7  }
0x10: {  	[smem:$0x3FAA] =	sst s8  }
0x11: {  	[smem:$0x3FAB] =	sst s9;
	s0 =	simm.s32 @!p0 $0x0  }
0x12: {  	s1 =	sld [smem:$0x3F91];
	s0 =	simm.s32 @p0 $0x1  }
0x13: {  	[smem:$0x3FAC] =	sst s0;
	s0 =	simm.s32 @!p1 $0x0  }
0x14: {  	s2 =	sld [smem:$0x3F90];
	s0 =	simm.s32 @p1 $0x1  }
0x15: {  	[smem:$0x3FAD] =	sst s0;
	s0 =	simm.s32 @!p2 $0x0  }
0x16: {  	s3 =	sld [smem:$0x3FDB];
	s0 =	simm.s32 @p2 $0x1  }
0x17: {  	s4 =	simm.s32 $0x1BF5;
	[smem:$0x3FAF] =	sst s0  }
0x18: {  	s0 =	sld [smem:$0x3F92];
	_ =	swait.ge [sflag:s4], $0x0  }
0x19: {  	s7 =	sld [smem:$0x3F93]  }
0x1a: {  	s8 =	sadd.s32 $0xFFFFE003, lr  }
0x1b: {  	s9 =	sadd.s32 $0xFFFFFEF7, lr;
	s5 =	simm.s32 $0xFFFFFFFF;
	p2 =	slt.u32 s8, $0xFFFFF086  }
0x1c: {  	p1 =	slt.u32 s9, $0xF7A;
	s5 =	simm.s32 @!p2 $0x0  }
0x1d: {  	s5 =	simm.s32 @p1 $0x1;
	p0 =	seq.s32 s7, s2  }
0x1e: {  	s7 =	smul.u32 @!p0 $0xF7A, s2;
	p2 =	seq.s32 @!p0 s5, $0x0  }
0x1f: {  	s9 =	smul.u32 $0xF7A, s1;
	s8 =	simm.s32 @!p0 $0x1BF5;
	p2 =	por !p2, p0  }
0x20: {  	[sflag:s8] =	ssyncset.s32 @!p0 $0xFFFFF086;
	s6 =	sadd.s32 @!p0 s3, s7;
	s7 =	simm.s32 @!p0 $0x108  }
0x21: {  	s3 =	sadd.s32 s3, s9;
	s6 =	sadd.s32 @!p0 $0x88, s6;
	s7 =	simm.s32 @p2 $0x1082  }
0x22: {  	[simem:s7], [sflag:s8] =	dma.local @!p0 [hbm:s6], $0xF7A  }
0x23: {  	s9 =	sor.u32 $0xD0000000, s2;
	s6 =	simm.s32 $0x108;
	_ =	swait.ge @!p0 [sflag:s8], $0x0  }
0x24: {  	s3 =	sadd.s32 $0x88, s3;
	s6 =	simm.s32 @!p1 $0x1082;
	[sflag:s4] =	ssyncset.s32 $0xFFFFF086  }
0x25: {  	[simem:s6], [sflag:s4] =	dma.local [hbm:s3], $0xF7A  }
0x26: {  	[smem:$0x3F93] =	sst s1;
	(tag) =	ssettag s2;
	_ =	strace s9  }
0x27: {  	s1 =	sld [smem:$0x3FA3]  }
0x28: {  	s2 =	sld [smem:$0x3FA4]  }
0x29: {  	s4 =	sld [smem:$0x3FA6]  }
0x2a: {  	p0 =	seq.s32 s5, $0x0;
	s5 =	sld [smem:$0x3FA7]  }
0x2b: {  	s6 =	sld [smem:$0x3FA8]  }
0x2c: {  	s7 =	sld [smem:$0x3FA9]  }
0x2d: {  	s3 =	simm.s32 $0x108;
	s8 =	sld [smem:$0x3FAA]  }
0x2e: {  	s3 =	simm.s32 @!p0 $0x1082;
	s9 =	sld [smem:$0x3FAB]  }
0x2f: {  	lr =	sadd.s32 s0, s3;
	s0 =	sld [smem:$0x3FA2]  }
0x30: {  	s3 =	sld [smem:$0x3FA5]  }
0x31: {  	[smem:$0x3FAE] =	sst s10  }
0x32: {  	s10 =	sld [smem:$0x3FAC];
	_ =	sdelay $0x3  }
0x33: {  	p0 =	seq.s32 s10, $0x1;
	s10 =	sld [smem:$0x3FAE];
	_ =	sdelay $0x3  }
0x34: {  	[smem:$0x3FAE] =	sst s10  }
0x35: {  	s10 =	sld [smem:$0x3FAD];
	_ =	sdelay $0x3  }
0x36: {  	p1 =	seq.s32 s10, $0x1;
	s10 =	sld [smem:$0x3FAE];
	_ =	sdelay $0x3  }
0x37: {  	[smem:$0x3FAE] =	sst s10  }
0x38: {  	s10 =	sld [smem:$0x3FAF]  }
0x39: {  	_ = 	snop;
	(pc) =	sbr.ind lr, $3  }
0x3a: {  	_ = 	snop  }
0x3b: {  	_ = 	snop  }
0x3c: {  	p2 =	seq.s32 s10, $0x1;
	s10 =	sld [smem:$0x3FAE]  }
0x3d: {  	_ =	shalt  }
0x3e: {  	_ =	shalt  }
0x3f: {  	_ =	shalt  }
0x40: {  	_ =	shalt  }
0x41: {  	_ =	shalt  }
0x42: {  	_ =	shalt  }
0x43: {  	_ =	shalt  }
0x44: {  	_ =	shalt  }
0x45: {  	_ =	shalt  }
0x46: {  	_ =	shalt  }
0x47: {  	_ =	shalt  }
0x48: {  	_ =	shalt  }
0x49: {  	_ =	shalt  }
0x4a: {  	_ =	shalt  }
0x4b: {  	_ =	shalt  }
0x4c: {  	_ =	shalt  }
0x4d: {  	_ =	shalt  }
0x4e: {  	_ =	shalt  }
0x4f: {  	_ =	shalt  }
0x50: {  	_ =	shalt  }
0x51: {  	_ =	shalt  }
0x52: {  	_ =	shalt  }
0x53: {  	_ =	shalt  }
0x54: {  	_ =	shalt  }
0x55: {  	_ =	shalt  }
0x56: {  	_ =	shalt  }
0x57: {  	_ =	shalt  }
0x58: {  	_ =	shalt  }
0x59: {  	_ =	shalt  }
0x5a: {  	_ =	shalt  }
0x5b: {  	_ =	shalt  }
0x5c: {  	_ =	shalt  }
0x5d: {  	_ =	shalt  }
0x5e: {  	_ =	shalt  }
0x5f: {  	_ =	shalt  }
0x60: {  	_ =	shalt  }
0x61: {  	_ =	shalt  }
0x62: {  	_ =	shalt  }
0x63: {  	_ =	shalt  }
0x64: {  	_ =	shalt  }
0x65: {  	_ =	shalt  }
0x66: {  	_ =	shalt  }
0x67: {  	_ =	shalt  }
0x68: {  	_ =	shalt  }
0x69: {  	_ =	shalt  }
0x6a: {  	_ =	shalt  }
0x6b: {  	_ =	shalt  }
0x6c: {  	_ =	shalt  }
0x6d: {  	_ =	shalt  }
0x6e: {  	_ =	shalt  }
0x6f: {  	_ =	shalt  }
0x70: {  	_ =	shalt  }
0x71: {  	_ =	shalt  }
0x72: {  	_ =	shalt  }
0x73: {  	_ =	shalt  }
0x74: {  	_ =	shalt  }
0x75: {  	_ =	shalt  }
0x76: {  	_ =	shalt  }
0x77: {  	_ =	shalt  }
0x78: {  	_ =	shalt  }
0x79: {  	_ =	shalt  }
0x7a: {  	_ =	shalt  }
0x7b: {  	_ =	shalt  }
0x7c: {  	_ =	shalt  }
0x7d: {  	_ =	shalt  }
0x7e: {  	_ =	shalt  }
0x7f: {  	_ =	shalt  }
0x80: {  	_ =	shalt  }
0x81: {  	_ =	shalt  }
0x82: {  	_ =	shalt  }
0x83: {  	_ =	shalt  }
0x84: {  	_ =	shalt  }
0x85: {  	_ =	shalt  }
0x86: {  	_ =	shalt  }
0x87: {  	_ =	shalt  }
.Lfunc_end0:
.L_simem_size_0:
called_computation.1_lowered:
.L_overlay_start_0:
0x88: {  	s2 =	sld [smem:$0x3FD9]  }
0x89: {  	s3 =	sld [smem:$0x3FFE];
	_ =	sdelay $0x1  }
0x8a: {  	s1 =	srdreg.scid  }
0x8b: {  	s0 =	sand.u32 $0x1, s1  }
0x8c: {  	s16 =	sshll.u32 s0, $0xA;
	s2 =	sadd.s32 s3, s2  }
0x8d: {  	s2 =	sadd.s32 s2, s16  }
0x8e: {  	[smem:$0x3FBA] =	sst s2  }
0x8f: {  	_ = 	snop  }
0x90: {  	(tm) =	ssettm $0x1  }
0x91: {  	s17 =	sld [smem:$0x3FFB];
	_ =	sdelay $0x3  }
0x92: {  	_ =	strace s17  }
0x93: {  	s2 =	sld [smem:$0x3FFC];
	_ =	sdelay $0x3  }
0x94: {  	_ =	strace s2  }
0x95: {  	s2 =	sld [smem:$0x3FFD];
	_ =	sdelay $0x3  }
0x96: {  	_ =	strace s2  }
0x97: {  	_ =	strace $0x8FFFFFFF  }
0x98: {  	s18 =	sld [smem:$0x3FDB];
	_ =	sdelay $0x1  }
0x99: {  	s19 =	simm.s32 $_scs_section_size  }
0x9a: {  	s4 =	simm.s32 $_size__tile_overlayer_lowered;
	s5 =	simm.s32 $_tile_overlayer_lowered  }
0x9b: {  	s22 =	simm.s32 $0x1BFF;
	s21 =	sshll.u32 s5, $0x1;
	s2 =	sadd.s32 s19, s18  }
0x9c: {  	s6 =	simm.s32 $0x0;
	s20 =	sshll.u32 s4, $0x1;
	s4 =	sadd.s32 s21, s2  }
0x9d: {  	[timem:s6], [sflag:s22] =	dma.local [hbm:s4], s20  }
0x9e: {  	_ =	swait.ge [sflag:s22], s20  }
0x9f: {  	s3 =	ssub.s32 $0x0, s20;
	[sflag:s22] =	ssyncset.done $0x0  }
0xa0: {  	[sflag:s22] =	ssyncadd.s32 s3;
	_ =	sdelay $0x1  }
0xa1: {  	s23 =	simm.s32 $0x1B8B  }
0xa2: {  	_ =	swait.ge [sflag:s23], $0x1  }
0xa3: {  	[sflag:s23] =	ssyncset.done $0x0  }
0xa4: {  	s25 =	simm.s32 $0x1B8E;
	s24 =	sld [smem:$0x3FFE];
	[sflag:s23] =	ssyncadd.s32 $0xFFFFFFFF  }
0xa5: {  	s26 =	simm.s32 $execute0_lowered;
	[smem:$0x3FD2] =	sst s25  }
0xa6: {  	s4 =	sshll.u32 s26, $0x1;
	_ =	strace $0x80000049;
	[dreg:$0x1] =	wrdreg $0xFFFFFFFF  }
0xa7: {  	s28 =	simm.s32 $_size_execute0_lowered;
	s2 =	sadd.s32 s2, s4;
	[dreg:$0x0] =	wrdreg $0x0  }
0xa8: {  	s4 =	sshll.u32 s28, $0x1;
	[dreg:$0x2] =	wrdreg s2  }
0xa9: {  	[dreg:$0x3] =	wrdreg s4  }
0xaa: {  	[dreg:$0x4] =	wrdreg $0xC0  }
0xab: {  	_ =	task [dreg:s6], $0x5FFFF  }
0xac: {  	[dreg:$0x1] =	wrdreg $0xFFFFFFFF  }
0xad: {  	[dreg:$0x0] =	wrdreg $0x60  }
0xae: {  	[dreg:$0x2] =	wrdreg s24  }
0xaf: {  	[dreg:$0x3] =	wrdreg $0xF0000  }
0xb0: {  	[dreg:$0x4] =	wrdreg $0x9  }
0xb1: {  	_ =	task.clear_ibuf [dreg:s6], $0x5FFFF;
	_ =	strace $0x90000049  }
0xb2: {  	s29 =	simm.s32 $0x9;
	_ =	strace $0x8000004B  }
0xb3: {  	_ =	swait.ge [sflag:s29], $0x1  }
0xb4: {  	[sflag:s29] =	ssyncadd.s32 $0xFFFFFFFF  }
0xb5: {  	_ =	strace $0x9000004B  }
0xb6: {  	_ =	sfence  }
0xb7: {  	s30 =	sld [smem:$0x0];
	_ =	sdelay $0x2  }
0xb8: {  	s31 =	sshll.u32 s1, $0xD;
	s1 =	sshrl.u32 s1, $0x2  }
0xb9: {  	s3 =	sand.u32 $0x4000, s31;
	s1 =	sadd.s32 s1, s30  }
0xba: {  	s0 =	sor.u32 s3, s0;
	s1 =	sshll.u32 s1, $0x11  }
0xbb: {  	s0 =	sor.u32 s1, s0  }
0xbc: {  	s0 =	sadd.s32 $0x8F2B, s0  }
0xbd: {  	[sflag:s0] =	ssyncadd.remote.s32 $0x1  }
0xbe: {  	_ =	sfence.sel $0xFFFF  }
0xbf: {  	[dreg:$0x0] =	wrdreg $0xFFFFFFFF;
	(pc) =	sbr.abs _section_cstart, $3  }
0xc0: {  	[dreg:$0x1] =	wrdreg $0xFFFFFFFF  }
0xc1: {  	_ =	task.clear_ibuf [dreg:s6], $0x2FFFF;
	_ =	strace $0x9FFFFFFF  }
0xc2: {  	(tm) =	ssettm $0x7FFFFFFF  }
0xc3: {  	_ =	shalt  }
tec
execute0_lowered:
.L_overlay_start_1:
0x0: {  	(tag) =	ssettag $0x1  }
0x1: {  	s0 =	rddreg [dreg:$0x0]  }
0x2: {  	s1 =	rddreg [dreg:$0x1];
	s3 =	simm.s32 $0x0;
	s18 =	stileid.u32  }
0x3: {  	s6 =	srdreg.scid;
	s29 =	simm.s32 $0xD000;
	s30 =	simm.s32 $0xA800  }
0x4: {  	s31 =	simm.s32 $0x1;
	[smem:$0x7FF] =	sst s3;
	s2 =	smul.u32 $0xA00, s18  }
0x5: {  	s4 =	sadd.s32 $0x52A00, s0;
	s5 =	sadd.s32 $0x3F000, s0;
	s8 =	smul.u32 $0xA000, s18  }
0x6: {  	s9 =	sand.u32 $0x1, s6;
	s6 =	sadd.s32 $0x52B000, s0;
	s12 =	smul.u32 $0x28000, s18  }
0x7: {  	s26 =	sadd.s32 $0x79000, s0;
	s19 =	sadd.s32 $0x96000, s1;
	p1 =	seq.s32 s18, $0xF  }
0x8: {  	_ =	strace $0x8000004A;
	s7 =	ssub.s32 $0x2, s9;
	[dreg:$0x8] =	wrdreg s26  }
0x9: {  	p0 =	sne.s32 s9, $0x0;
	s26 =	simm.s32 $0x80;
	s2 =	sadd.s32 s2, s0  }
0xa: {  	s10 =	sshrl.u32 s8, $0x3;
	s11 =	sshrl.u32 s7, $0x1;
	s21 =	sshrl.u32 s12, $0x2  }
0xb: {  	s17 =	sadd.s32 s10, s0;
	s11 =	ssub.s32 s7, s11;
	s20 =	sadd.s32 $0x35000, s2  }
0xc: {  	s7 =	smul.u32 $0x50000, s18;
	s2 =	sadd.s32 $0x2B000, s2;
	[dreg:$0x3] =	wrdreg s20  }
0xd: {  	s10 =	sadd.s32 s8, s1;
	s0 =	sadd.s32 $0x8CA00, s0;
	[dreg:$0x4] =	wrdreg s2  }
0xe: {  	s2 =	sadd.s32 s21, s1;
	s25 =	sadd.s32 $0x66400, s17;
	s28 =	sadd.s32 $0x79E00, s17  }
0xf: {  	[dreg:$0xa] =	wrdreg s0;
	s0 =	simm.s32 $0x2;
	s22 =	sshrl.u32 s7, $0x3  }
.Ltmp0:
0x10: {  	s23 =	sadd.s32 $0x2000, s2;
	[dreg:$0x7] =	wrdreg s25;
	(pc) =	sbr.rel .LBB2_1-.Ltmp0, $4  }
0x11: {  	s24 =	sadd.s32 $0x4000, s2;
	s14 =	sadd.s32 $0x6000, s2;
	[dreg:$0x9] =	wrdreg s28  }
0x12: {  	s15 =	sadd.s32 $0x8000, s2;
	s25 =	simm.s32 $0xB000;
	[dreg:$0x5] =	wrdreg s23  }
0x13: {  	[dreg:$0x6] =	wrdreg s24;
	s13 =	sadd.s32 s6, s22;
	s22 =	smax.u32 s11, $0x1  }
0x14: {  	v0 =	vimm.f32 $0.0e+00;
	s23 =	simm.s32 $0x3;
	s24 =	simm.s32 $0x0;
	s16 =	sadd.s32 $0x100, s13  }
.LBB2_19:
0x15: {  	[bflag:$0x0] =	sbarrier.arrive $0xFFFF  }
0x16: {  	s2 =	simm.s32 @p1 $0x1FC3;
	s8 =	rddreg [dreg:$0x8]  }
0x17: {  	[hbm:s8], [sflag:s2] =	dma.local @p1 [spmem:s18], $0xC80  }
0x18: {  	s2 =	simm.s32 @p1 $0x3  }
0x19: {  	_ =	swait.ge @p1 [sflag:s2], $0xC80  }
0x1a: {  	[sflag:s2] =	ssyncset.done @p1 $0x0  }
0x1b: {  	[sflag:s2] =	ssyncadd.s32 @p1 $0xFFFFF380;
	s2 =	rddreg [dreg:$0x7]  }
0x1c: {  	[hbm:s2], [sflag:s17] =	dma.local @!p1 [spmem:s28], $0x1400  }
0x1d: {  	s2 =	simm.s32 @!p1 $0x3  }
0x1e: {  	_ =	swait.ge @!p1 [sflag:s2], $0x1400  }
0x1f: {  	[sflag:s2] =	ssyncset.done @!p1 $0x0  }
0x20: {  	[sflag:s2] =	ssyncadd.s32 @!p1 $0xFFFFEC00  }
.LBB2_20:
0x21: {  	s24 =	sadd.s32 $0x1, s24  }
0x22: {  	p2 =	sne.s32 s24, s22  }
.Ltmp1:
0x23: {  	_ = 	snop;
	(pc) =	sbr.rel @!p2 .LBB2_21-.Ltmp1, $1  }
0x24: {  	_ =	sdelay $0x3  }
.LBB2_1:
0x25: {  	s2 =	rddreg [dreg:$0x3]  }
0x26: {  	[tilespmem:s3], [sflag:$0x3] =	stream.linear.gather [hbm4b:s2+s3], $0x5000, $0x38;
	[tilespmem:$0x19000] =	vst v63  }
0x27: {  	_ =	swait.ge [sflag:s23], $0x5000  }
0x28: {  	[sflag:s23] =	ssyncset.done $0x0  }
0x29: {  	s8 =	simm.s32 $0x5000;
	s28 =	rddreg [dreg:$0x4];
	[sflag:s23] =	ssyncadd.s32 $0xFFFFB000  }
0x2a: {  	[tilespmem:s8], [sflag:$0x3] =	stream.linear.gather [hbm4b:s28+s3], $0x5000, $0x38;
	[tilespmem:$0x19000] =	vst v63  }
0x2b: {  	_ =	swait.ge [sflag:s23], $0x5000  }
0x2c: {  	[sflag:s23] =	ssyncset.done $0x0  }
0x2d: {  	s2 =	simm.s32 $0xB040;
	[sflag:s23] =	ssyncadd.s32 $0xFFFFB000  }
0x2e: {  	[tilespmem:s2+$0xFFFFFFC0] =	vst v0  }
0x2f: {  	[tilespmem:s2+$0x30] =	vst v0  }
0x30: {  	[tilespmem:s2+$0x20] =	vst v0  }
0x31: {  	[tilespmem:s2+$0x10] =	vst v0  }
0x32: {  	[tilespmem:s2+$0x0] =	vst v0  }
0x33: {  	[tilespmem:s2+$0xFFFFFFF0] =	vst v0  }
0x34: {  	s8 =	simm.s32 $0x0;
	[tilespmem:s2+$0xFFFFFFE0] =	vst v0  }
.LBB2_2:
0x35: {  	s8 =	sadd.s32 $0x2, s8;
	[tilespmem:s2+$0xFFFFFFD0] =	vst v0;
	s2 =	sadd.s32 $0x80, s2  }
0x36: {  	[tilespmem:s2+$0xFFFFFFC0] =	vst v0;
	p2 =	slt.u32 s8, $0x7E  }
0x37: {  	[tilespmem:s2+$0x30] =	vst v0  }
.Ltmp2:
0x38: {  	[tilespmem:s2+$0x20] =	vst v0;
	(pc) =	sbr.rel @p2 .LBB2_2-.Ltmp2, $4  }
0x39: {  	[tilespmem:s2+$0x10] =	vst v0  }
0x3a: {  	[tilespmem:s2+$0x0] =	vst v0  }
0x3b: {  	[tilespmem:s2+$0xFFFFFFF0] =	vst v0  }
0x3c: {  	[tilespmem:s2+$0xFFFFFFE0] =	vst v0  }
0x3d: {  	[tilespmem:s2+$0xFFFFFFD0] =	vst v0  }
0x3e: {  	[spmem:s10] =	stream.linear.scatter [tilespmem:s25], [sflag:$0x3], $0x2000, $0x38;
	[tilespmem:$0x19000] =	vst v63  }
0x3f: {  	_ =	swait.ge [sflag:s23], $0x2000  }
0x40: {  	[sflag:s23] =	ssyncset.done $0x0  }
0x41: {  	s20 =	rddreg [dreg:$0x5];
	[sflag:s23] =	ssyncadd.s32 $0xFFFFE000  }
0x42: {  	[spmem:s20] =	stream.linear.scatter [tilespmem:s25], [sflag:$0x3], $0x2000, $0x38;
	[tilespmem:$0x19000] =	vst v63  }
0x43: {  	_ =	swait.ge [sflag:s23], $0x2000  }
0x44: {  	[sflag:s23] =	ssyncset.done $0x0  }
0x45: {  	s21 =	rddreg [dreg:$0x6];
	[sflag:s23] =	ssyncadd.s32 $0xFFFFE000  }
0x46: {  	[spmem:s21] =	stream.linear.scatter [tilespmem:s25], [sflag:$0x3], $0x2000, $0x38;
	[tilespmem:$0x19000] =	vst v63  }
0x47: {  	_ =	swait.ge [sflag:s23], $0x2000  }
0x48: {  	[sflag:s23] =	ssyncset.done $0x0  }
0x49: {  	[sflag:s23] =	ssyncadd.s32 $0xFFFFE000  }
0x4a: {  	[spmem:s14] =	stream.linear.scatter [tilespmem:s25], [sflag:$0x3], $0x2000, $0x38;
	[tilespmem:$0x19000] =	vst v63  }
0x4b: {  	_ =	swait.ge [sflag:s23], $0x2000  }
0x4c: {  	[sflag:s23] =	ssyncset.done $0x0  }
0x4d: {  	[sflag:s23] =	ssyncadd.s32 $0xFFFFE000  }
0x4e: {  	[spmem:s15] =	stream.linear.scatter [tilespmem:s25], [sflag:$0x3], $0x2000, $0x38;
	[tilespmem:$0x19000] =	vst v63  }
.Ltmp3:
0x4f: {  	_ =	swait.ge [sflag:s23], $0x2000;
	(pc) =	sbr.rel @p0 .LBB2_12-.Ltmp3, $4  }
0x50: {  	[sflag:s23] =	ssyncset.done $0x0  }
0x51: {  	s2 =	stileid.u32;
	[sflag:s23] =	ssyncadd.s32 $0xFFFFE000  }
0x52: {  	s18 =	sshrl.u32 @p1 s19, $0x3;
	s2 =	sshll.u32 @!p1 s2, $0x6;
	[bflag:$0x0] =	sbarrier.arrive $0xFFFF  }
0x53: {  	s28 =	sshrl.u32 @!p1 s10, $0x3;
	s17 =	sor.u32 @!p1 $0x1C03, s2;
	s20 =	simm.s32 $0x0  }
0x54: {  	[tilespmem:s25], [sflag:$0x1] =	stream.indirect.gather [hbm4b:s4+s26], $0x40, s20, s26, $0xb8;
	[tilespmem:$0x19000] =	vst v63  }
0x55: {  	s2 =	simm.s32 $0xA000  }
0x56: {  	[tilespmem:s2], [sflag:$0x1] =	stream.linear.gather [hbm4b:s13+s20], $0x800, $0x38;
	[tilespmem:$0x19000] =	vst v63  }
0x57: {  	_ = 	snop  }
0x58: {  	[tilespmem:s29], [sflag:$0x2] =	stream.indirect.gather [hbm4b:s4+s26], $0x40, s26, s26, $0xb8;
	[tilespmem:$0x19000] =	vst v63  }
0x59: {  	_ = 	snop  }
0x5a: {  	[tilespmem:s30], [sflag:$0x2] =	stream.linear.gather [hbm4b:s16+s20], $0x800, $0x38;
	[tilespmem:$0x19000] =	vst v63  }
.LBB2_5:
0x5b: {  	_ =	swait.ge [sflag:s31], $0x2000  }
0x5c: {  	[sflag:s31] =	ssyncset.done $0x0  }
0x5d: {  	[sflag:s31] =	ssyncadd.s32 $0xFFFFE000  }
0x5e: {  	_ =	swait.ge [sflag:s31], $0x800  }
0x5f: {  	[sflag:s31] =	ssyncset.done $0x0  }
0x60: {  	s2 =	simm.s32 $0xB040;
	[sflag:s31] =	ssyncadd.s32 $0xFFFFF800  }
0x61: {  	s8 =	simm.s32 $0xA010;
	v1 =	vld [tilespmem:s2+$0xFFFFFFD0]  }
0x62: {  	v3 =	vld [tilespmem:s8+$0xFFFFFFF0]  }
0x63: {  	v2 =	vld [tilespmem:s2+$0xFFFFFFE0]  }
0x64: {  	v4 =	vld [tilespmem:s2+$0xFFFFFFF0]  }
0x65: {  	v5 =	vld [tilespmem:s2+$0xFFFFFFC0];
	_ =	sdelay $0x1  }
0x66: {  	v1 =	vmul.f32 v1, v3  }
0x67: {  	v2 =	vmul.f32 v2, v3  }
0x68: {  	v4 =	vmul.f32 v4, v3;
	[tilespmem:s2+$0xFFFFFFD0] =	vst v1  }
0x69: {  	v3 =	vmul.f32 v5, v3;
	v5 =	vld [tilespmem:s2+$0x30];
	[tilespmem:s2+$0xFFFFFFE0] =	vst v2  }
0x6a: {  	v2 =	vld [tilespmem:s2+$0x20];
	[tilespmem:s2+$0xFFFFFFF0] =	vst v4  }
0x6b: {  	v1 =	vld [tilespmem:s2+$0x0];
	[tilespmem:s2+$0xFFFFFFC0] =	vst v3  }
0x6c: {  	v3 =	vld [tilespmem:s8+$0x0]  }
0x6d: {  	s11 =	simm.s32 $0x0;
	s9 =	simm.s32 $0xB040;
	v4 =	vld [tilespmem:s2+$0x10]  }
.LBB2_6:
0x6e: {  	_ =	sdelay $0x2  }
0x6f: {  	s11 =	sadd.s32 $0x2, s11;
	s8 =	sadd.s32 $0x20, s8;
	s2 =	sadd.s32 $0x80, s2;
	v2 =	vmul.f32 v2, v3;
	v5 =	vmul.f32 v5, v3  }
0x70: {  	p2 =	slt.u32 s11, $0x7E;
	v1 =	vmul.f32 v1, v3;
	v3 =	vmul.f32 v4, v3  }
0x71: {  	[tilespmem:s9+$0x20] =	vst v2  }
0x72: {  	v2 =	vld [tilespmem:s2+$0xFFFFFFF0];
	[tilespmem:s9+$0x30] =	vst v5  }
0x73: {  	v4 =	vld [tilespmem:s2+$0xFFFFFFE0];
	[tilespmem:s9+$0x0] =	vst v1  }
0x74: {  	v1 =	vld [tilespmem:s2+$0xFFFFFFD0];
	[tilespmem:s9+$0x10] =	vst v3;
	s9 =	smov.u32 s2  }
0x75: {  	v3 =	vld [tilespmem:s8+$0xFFFFFFF0]  }
0x76: {  	v5 =	vld [tilespmem:s2+$0xFFFFFFC0];
	_ =	sdelay $0x3  }
0x77: {  	v1 =	vmul.f32 v1, v3;
	v4 =	vmul.f32 v4, v3  }
0x78: {  	v5 =	vmul.f32 v5, v3;
	v3 =	vmul.f32 v2, v3  }
0x79: {  	[tilespmem:s2+$0xFFFFFFD0] =	vst v1  }
.Ltmp4:
0x7a: {  	[tilespmem:s2+$0xFFFFFFE0] =	vst v4;
	v2 =	vld [tilespmem:s2+$0x20];
	(pc) =	sbr.rel @p2 .LBB2_6-.Ltmp4, $4  }
0x7b: {  	[tilespmem:s2+$0xFFFFFFF0] =	vst v3;
	v1 =	vld [tilespmem:s2+$0x0]  }
0x7c: {  	[tilespmem:s2+$0xFFFFFFC0] =	vst v5;
	v5 =	vld [tilespmem:s2+$0x30]  }
0x7d: {  	v3 =	vld [tilespmem:s8+$0x0]  }
0x7e: {  	v4 =	vld [tilespmem:s2+$0x10]  }
0x7f: {  	_ =	sdelay $0x2  }
0x80: {  	v2 =	vmul.f32 v2, v3  }
0x81: {  	v5 =	vmul.f32 v5, v3  }
0x82: {  	v1 =	vmul.f32 v1, v3;
	[tilespmem:s9+$0x20] =	vst v2  }
0x83: {  	s2 =	sshll.u32 s20, $0x8;
	v2 =	vmul.f32 v4, v3;
	[tilespmem:s9+$0x30] =	vst v5  }
0x84: {  	s2 =	sand.u32 $0x3FFFFF00, s2;
	[tilespmem:s9+$0x0] =	vst v1  }
0x85: {  	s21 =	sshll.u32 s20, $0x1;
	p2 =	seq.s32 s20, $0x4F;
	s8 =	sadd.s32 $0x5000, s2;
	[tilespmem:s9+$0x10] =	vst v2  }
0x86: {  	[spmem:s1] =	stream.indirect.scatter.add.f32 [tilespmem:s25], [sflag:$0x3], $0x40, s8, s26, $0xb8;
	[tilespmem:$0x19000] =	vst v63  }
0x87: {  	s11 =	simm.s32 @!p2 $0x80;
	s8 =	sadd.s32 @!p2 $0x2, s21  }
0x88: {  	_ =	swait.ge [sflag:s23], $0x2000;
	s9 =	sshll.u32 @!p2 s8, $0x7;
	s8 =	sshll.u32 @!p2 s8, $0xB  }
0x89: {  	s12 =	simm.s32 @!p2 $0xB000;
	[sflag:s23] =	ssyncset.done $0x0;
	s8 =	sadd.s32 @!p2 s7, s8  }
0x8a: {  	s9 =	sand.u32 @!p2 $0x3FFFFF80, s9;
	[sflag:s23] =	ssyncadd.s32 $0xFFFFE000;
	s8 =	sshrl.u32 @!p2 s8, $0x3  }
0x8b: {  	[tilespmem:s12], [sflag:$0x1] =	stream.indirect.gather @!p2 [hbm4b:s4+s11], $0x40, s9, s11, $0xb8;
	[tilespmem:$0x19000] =	vst v63  }
0x8c: {  	s8 =	sadd.s32 @!p2 s6, s8;
	s9 =	simm.s32 @!p2 $0x0;
	s11 =	simm.s32 @!p2 $0xA000  }
0x8d: {  	[tilespmem:s11], [sflag:$0x1] =	stream.linear.gather @!p2 [hbm4b:s8+s9], $0x800, $0x38;
	[tilespmem:$0x19000] =	vst v63  }
0x8e: {  	_ =	swait.ge [sflag:s0], $0x2000  }
0x8f: {  	[sflag:s0] =	ssyncset.done $0x0  }
0x90: {  	[sflag:s0] =	ssyncadd.s32 $0xFFFFE000  }
0x91: {  	_ =	swait.ge [sflag:s0], $0x800  }
0x92: {  	[sflag:s0] =	ssyncset.done $0x0  }
0x93: {  	s8 =	simm.s32 $0xD070;
	[sflag:s0] =	ssyncadd.s32 $0xFFFFF800  }
0x94: {  	s9 =	simm.s32 $0xA810;
	v1 =	vld [tilespmem:s8+$0xFFFFFFA0]  }
0x95: {  	v3 =	vld [tilespmem:s9+$0xFFFFFFF0]  }
0x96: {  	v2 =	vld [tilespmem:s8+$0xFFFFFFB0]  }
0x97: {  	v4 =	vld [tilespmem:s8+$0xFFFFFFC0]  }
0x98: {  	v5 =	vld [tilespmem:s8+$0xFFFFFF90];
	_ =	sdelay $0x1  }
0x99: {  	v1 =	vmul.f32 v1, v3  }
0x9a: {  	v2 =	vmul.f32 v2, v3  }
0x9b: {  	v4 =	vmul.f32 v4, v3;
	[tilespmem:s8+$0xFFFFFFA0] =	vst v1  }
0x9c: {  	v3 =	vmul.f32 v5, v3;
	v5 =	vld [tilespmem:s8+$0x0];
	[tilespmem:s8+$0xFFFFFFB0] =	vst v2  }
0x9d: {  	v2 =	vld [tilespmem:s8+$0xFFFFFFF0];
	[tilespmem:s8+$0xFFFFFFC0] =	vst v4  }
0x9e: {  	v1 =	vld [tilespmem:s8+$0xFFFFFFD0];
	[tilespmem:s8+$0xFFFFFF90] =	vst v3  }
0x9f: {  	v3 =	vld [tilespmem:s9+$0x0]  }
0xa0: {  	s12 =	simm.s32 $0x0;
	s11 =	simm.s32 $0xD070;
	v4 =	vld [tilespmem:s8+$0xFFFFFFE0]  }
.LBB2_8:
0xa1: {  	_ =	sdelay $0x2  }
0xa2: {  	s12 =	sadd.s32 $0x2, s12;
	s9 =	sadd.s32 $0x20, s9;
	s8 =	sadd.s32 $0x80, s8;
	v2 =	vmul.f32 v2, v3;
	v5 =	vmul.f32 v5, v3  }
0xa3: {  	p3 =	slt.u32 s12, $0x7E;
	v1 =	vmul.f32 v1, v3;
	v3 =	vmul.f32 v4, v3  }
0xa4: {  	[tilespmem:s11+$0xFFFFFFF0] =	vst v2  }
0xa5: {  	v2 =	vld [tilespmem:s8+$0xFFFFFFC0];
	[tilespmem:s11+$0x0] =	vst v5  }
0xa6: {  	v4 =	vld [tilespmem:s8+$0xFFFFFFB0];
	[tilespmem:s11+$0xFFFFFFD0] =	vst v1  }
0xa7: {  	v1 =	vld [tilespmem:s8+$0xFFFFFFA0];
	[tilespmem:s11+$0xFFFFFFE0] =	vst v3;
	s11 =	smov.u32 s8  }
0xa8: {  	v3 =	vld [tilespmem:s9+$0xFFFFFFF0]  }
0xa9: {  	v5 =	vld [tilespmem:s8+$0xFFFFFF90];
	_ =	sdelay $0x3  }
0xaa: {  	v1 =	vmul.f32 v1, v3;
	v4 =	vmul.f32 v4, v3  }
0xab: {  	v5 =	vmul.f32 v5, v3;
	v3 =	vmul.f32 v2, v3  }
0xac: {  	[tilespmem:s8+$0xFFFFFFA0] =	vst v1  }
.Ltmp5:
0xad: {  	[tilespmem:s8+$0xFFFFFFB0] =	vst v4;
	v2 =	vld [tilespmem:s8+$0xFFFFFFF0];
	(pc) =	sbr.rel @p3 .LBB2_8-.Ltmp5, $4  }
0xae: {  	[tilespmem:s8+$0xFFFFFFC0] =	vst v3;
	v1 =	vld [tilespmem:s8+$0xFFFFFFD0]  }
0xaf: {  	[tilespmem:s8+$0xFFFFFF90] =	vst v5;
	v5 =	vld [tilespmem:s8+$0x0]  }
0xb0: {  	v3 =	vld [tilespmem:s9+$0x0]  }
0xb1: {  	v4 =	vld [tilespmem:s8+$0xFFFFFFE0]  }
0xb2: {  	_ =	sdelay $0x2  }
0xb3: {  	v2 =	vmul.f32 v2, v3  }
0xb4: {  	v5 =	vmul.f32 v5, v3  }
0xb5: {  	v1 =	vmul.f32 v1, v3;
	[tilespmem:s11+$0xFFFFFFF0] =	vst v2  }
0xb6: {  	v2 =	vmul.f32 v4, v3;
	[tilespmem:s11+$0x0] =	vst v5  }
0xb7: {  	[tilespmem:s11+$0xFFFFFFD0] =	vst v1  }
.Ltmp6:
0xb8: {  	s2 =	sadd.s32 $0x5080, s2;
	[tilespmem:s11+$0xFFFFFFE0] =	vst v2;
	(pc) =	sbr.rel @p2 .LBB2_11-.Ltmp6, $4  }
0xb9: {  	[spmem:s1] =	stream.indirect.scatter.add.f32 [tilespmem:s29], [sflag:$0x3], $0x40, s2, s26, $0xb8;
	[tilespmem:$0x19000] =	vst v63  }
0xba: {  	_ =	swait.ge [sflag:s23], $0x2000  }
0xbb: {  	[sflag:s23] =	ssyncset.done $0x0  }
0xbc: {  	[sflag:s23] =	ssyncadd.s32 $0xFFFFE000  }
0xbd: {  	s2 =	sadd.s32 $0x3, s21  }
0xbe: {  	s8 =	sshll.u32 s2, $0x7;
	s2 =	sshll.u32 s2, $0xB  }
.Ltmp7:
0xbf: {  	s8 =	sand.u32 $0x3FFFFF80, s8;
	s2 =	sadd.s32 s7, s2;
	(pc) =	sbr.rel .LBB2_5-.Ltmp7, $4  }
0xc0: {  	[tilespmem:s29], [sflag:$0x2] =	stream.indirect.gather [hbm4b:s4+s26], $0x40, s8, s26, $0xb8;
	[tilespmem:$0x19000] =	vst v63  }
0xc1: {  	s2 =	sshrl.u32 s2, $0x3  }
0xc2: {  	s20 =	sadd.s32 $0x1, s20;
	s2 =	sadd.s32 s6, s2  }
0xc3: {  	[tilespmem:s30], [sflag:$0x2] =	stream.linear.gather [hbm4b:s2+s3], $0x800, $0x38;
	[tilespmem:$0x19000] =	vst v63  }
.LBB2_12:
0xc4: {  	[tilespmem:s25], [sflag:$0x1] =	stream.indirect.gather [hbm4b:s5+s26], $0x40, s20, s26, $0xb8;
	[tilespmem:$0x19000] =	vst v63  }
0xc5: {  	s2 =	simm.s32 $0xA000  }
0xc6: {  	[tilespmem:s2], [sflag:$0x1] =	stream.linear.gather [hbm4b:s13+s20], $0x800, $0x38;
	[tilespmem:$0x19000] =	vst v63  }
0xc7: {  	_ = 	snop  }
0xc8: {  	[tilespmem:s29], [sflag:$0x2] =	stream.indirect.gather [hbm4b:s5+s26], $0x40, s26, s26, $0xb8;
	[tilespmem:$0x19000] =	vst v63  }
0xc9: {  	_ = 	snop  }
0xca: {  	[tilespmem:s30], [sflag:$0x2] =	stream.linear.gather [hbm4b:s16+s20], $0x800, $0x38;
	[tilespmem:$0x19000] =	vst v63  }
.LBB2_13:
0xcb: {  	_ =	swait.ge [sflag:s31], $0x2000  }
0xcc: {  	[sflag:s31] =	ssyncset.done $0x0  }
0xcd: {  	[sflag:s31] =	ssyncadd.s32 $0xFFFFE000  }
0xce: {  	_ =	swait.ge [sflag:s31], $0x800  }
0xcf: {  	[sflag:s31] =	ssyncset.done $0x0  }
0xd0: {  	s2 =	simm.s32 $0xB040;
	[sflag:s31] =	ssyncadd.s32 $0xFFFFF800  }
0xd1: {  	s8 =	simm.s32 $0xA010;
	v1 =	vld [tilespmem:s2+$0xFFFFFFD0]  }
0xd2: {  	v3 =	vld [tilespmem:s8+$0xFFFFFFF0]  }
0xd3: {  	v2 =	vld [tilespmem:s2+$0xFFFFFFE0]  }
0xd4: {  	v4 =	vld [tilespmem:s2+$0xFFFFFFF0]  }
0xd5: {  	v5 =	vld [tilespmem:s2+$0xFFFFFFC0];
	_ =	sdelay $0x1  }
0xd6: {  	v1 =	vmul.f32 v1, v3  }
0xd7: {  	v2 =	vmul.f32 v2, v3  }
0xd8: {  	v4 =	vmul.f32 v4, v3;
	[tilespmem:s2+$0xFFFFFFD0] =	vst v1  }
0xd9: {  	v3 =	vmul.f32 v5, v3;
	v5 =	vld [tilespmem:s2+$0x30];
	[tilespmem:s2+$0xFFFFFFE0] =	vst v2  }
0xda: {  	v2 =	vld [tilespmem:s2+$0x20];
	[tilespmem:s2+$0xFFFFFFF0] =	vst v4  }
0xdb: {  	v1 =	vld [tilespmem:s2+$0x0];
	[tilespmem:s2+$0xFFFFFFC0] =	vst v3  }
0xdc: {  	v3 =	vld [tilespmem:s8+$0x0]  }
0xdd: {  	s11 =	simm.s32 $0x0;
	s9 =	simm.s32 $0xB040;
	v4 =	vld [tilespmem:s2+$0x10]  }
.LBB2_14:
0xde: {  	_ =	sdelay $0x2  }
0xdf: {  	s11 =	sadd.s32 $0x2, s11;
	s8 =	sadd.s32 $0x20, s8;
	s2 =	sadd.s32 $0x80, s2;
	v2 =	vmul.f32 v2, v3;
	v5 =	vmul.f32 v5, v3  }
0xe0: {  	p2 =	slt.u32 s11, $0x7E;
	v1 =	vmul.f32 v1, v3;
	v3 =	vmul.f32 v4, v3  }
0xe1: {  	[tilespmem:s9+$0x20] =	vst v2  }
0xe2: {  	v2 =	vld [tilespmem:s2+$0xFFFFFFF0];
	[tilespmem:s9+$0x30] =	vst v5  }
0xe3: {  	v4 =	vld [tilespmem:s2+$0xFFFFFFE0];
	[tilespmem:s9+$0x0] =	vst v1  }
0xe4: {  	v1 =	vld [tilespmem:s2+$0xFFFFFFD0];
	[tilespmem:s9+$0x10] =	vst v3;
	s9 =	smov.u32 s2  }
0xe5: {  	v3 =	vld [tilespmem:s8+$0xFFFFFFF0]  }
0xe6: {  	v5 =	vld [tilespmem:s2+$0xFFFFFFC0];
	_ =	sdelay $0x3  }
0xe7: {  	v1 =	vmul.f32 v1, v3;
	v4 =	vmul.f32 v4, v3  }
0xe8: {  	v5 =	vmul.f32 v5, v3;
	v3 =	vmul.f32 v2, v3  }
0xe9: {  	[tilespmem:s2+$0xFFFFFFD0] =	vst v1  }
.Ltmp8:
0xea: {  	[tilespmem:s2+$0xFFFFFFE0] =	vst v4;
	v2 =	vld [tilespmem:s2+$0x20];
	(pc) =	sbr.rel @p2 .LBB2_14-.Ltmp8, $4  }
0xeb: {  	[tilespmem:s2+$0xFFFFFFF0] =	vst v3;
	v1 =	vld [tilespmem:s2+$0x0]  }
0xec: {  	[tilespmem:s2+$0xFFFFFFC0] =	vst v5;
	v5 =	vld [tilespmem:s2+$0x30]  }
0xed: {  	v3 =	vld [tilespmem:s8+$0x0]  }
0xee: {  	v4 =	vld [tilespmem:s2+$0x10]  }
0xef: {  	_ =	sdelay $0x2  }
0xf0: {  	v2 =	vmul.f32 v2, v3  }
0xf1: {  	v5 =	vmul.f32 v5, v3  }
0xf2: {  	v1 =	vmul.f32 v1, v3;
	[tilespmem:s9+$0x20] =	vst v2  }
0xf3: {  	s2 =	sshll.u32 s20, $0x8;
	v2 =	vmul.f32 v4, v3;
	[tilespmem:s9+$0x30] =	vst v5  }
0xf4: {  	s2 =	sand.u32 $0x3FFFFF00, s2;
	[tilespmem:s9+$0x0] =	vst v1  }
0xf5: {  	s21 =	sshll.u32 s20, $0x1;
	p2 =	seq.s32 s20, $0x4F;
	s8 =	sadd.s32 $0x5000, s2;
	[tilespmem:s9+$0x10] =	vst v2  }
0xf6: {  	[spmem:s1] =	stream.indirect.scatter.add.f32 [tilespmem:s25], [sflag:$0x3], $0x40, s8, s26, $0xb8;
	[tilespmem:$0x19000] =	vst v63  }
0xf7: {  	s11 =	simm.s32 @!p2 $0x80;
	s8 =	sadd.s32 @!p2 $0x2, s21  }
0xf8: {  	_ =	swait.ge [sflag:s23], $0x2000;
	s9 =	sshll.u32 @!p2 s8, $0x7;
	s8 =	sshll.u32 @!p2 s8, $0xB  }
0xf9: {  	s12 =	simm.s32 @!p2 $0xB000;
	[sflag:s23] =	ssyncset.done $0x0;
	s8 =	sadd.s32 @!p2 s7, s8  }
0xfa: {  	s9 =	sand.u32 @!p2 $0x3FFFFF80, s9;
	[sflag:s23] =	ssyncadd.s32 $0xFFFFE000;
	s8 =	sshrl.u32 @!p2 s8, $0x3  }
0xfb: {  	[tilespmem:s12], [sflag:$0x1] =	stream.indirect.gather @!p2 [hbm4b:s5+s11], $0x40, s9, s11, $0xb8;
	[tilespmem:$0x19000] =	vst v63  }
0xfc: {  	s8 =	sadd.s32 @!p2 s6, s8;
	s9 =	simm.s32 @!p2 $0x0;
	s11 =	simm.s32 @!p2 $0xA000  }
0xfd: {  	[tilespmem:s11], [sflag:$0x1] =	stream.linear.gather @!p2 [hbm4b:s8+s9], $0x800, $0x38;
	[tilespmem:$0x19000] =	vst v63  }
0xfe: {  	_ =	swait.ge [sflag:s0], $0x2000  }
0xff: {  	[sflag:s0] =	ssyncset.done $0x0  }
0x100: {  	[sflag:s0] =	ssyncadd.s32 $0xFFFFE000  }
0x101: {  	_ =	swait.ge [sflag:s0], $0x800  }
0x102: {  	[sflag:s0] =	ssyncset.done $0x0  }
0x103: {  	s8 =	simm.s32 $0xD070;
	[sflag:s0] =	ssyncadd.s32 $0xFFFFF800  }
0x104: {  	s9 =	simm.s32 $0xA810;
	v1 =	vld [tilespmem:s8+$0xFFFFFFA0]  }
0x105: {  	v3 =	vld [tilespmem:s9+$0xFFFFFFF0]  }
0x106: {  	v2 =	vld [tilespmem:s8+$0xFFFFFFB0]  }
0x107: {  	v4 =	vld [tilespmem:s8+$0xFFFFFFC0]  }
0x108: {  	v5 =	vld [tilespmem:s8+$0xFFFFFF90];
	_ =	sdelay $0x1  }
0x109: {  	v1 =	vmul.f32 v1, v3  }
0x10a: {  	v2 =	vmul.f32 v2, v3  }
0x10b: {  	v4 =	vmul.f32 v4, v3;
	[tilespmem:s8+$0xFFFFFFA0] =	vst v1  }
0x10c: {  	v3 =	vmul.f32 v5, v3;
	v5 =	vld [tilespmem:s8+$0x0];
	[tilespmem:s8+$0xFFFFFFB0] =	vst v2  }
0x10d: {  	v2 =	vld [tilespmem:s8+$0xFFFFFFF0];
	[tilespmem:s8+$0xFFFFFFC0] =	vst v4  }
0x10e: {  	v1 =	vld [tilespmem:s8+$0xFFFFFFD0];
	[tilespmem:s8+$0xFFFFFF90] =	vst v3  }
0x10f: {  	v3 =	vld [tilespmem:s9+$0x0]  }
0x110: {  	s12 =	simm.s32 $0x0;
	s11 =	simm.s32 $0xD070;
	v4 =	vld [tilespmem:s8+$0xFFFFFFE0]  }
.LBB2_16:
0x111: {  	_ =	sdelay $0x2  }
0x112: {  	s12 =	sadd.s32 $0x2, s12;
	s9 =	sadd.s32 $0x20, s9;
	s8 =	sadd.s32 $0x80, s8;
	v2 =	vmul.f32 v2, v3;
	v5 =	vmul.f32 v5, v3  }
0x113: {  	p3 =	slt.u32 s12, $0x7E;
	v1 =	vmul.f32 v1, v3;
	v3 =	vmul.f32 v4, v3  }
0x114: {  	[tilespmem:s11+$0xFFFFFFF0] =	vst v2  }
0x115: {  	v2 =	vld [tilespmem:s8+$0xFFFFFFC0];
	[tilespmem:s11+$0x0] =	vst v5  }
0x116: {  	v4 =	vld [tilespmem:s8+$0xFFFFFFB0];
	[tilespmem:s11+$0xFFFFFFD0] =	vst v1  }
0x117: {  	v1 =	vld [tilespmem:s8+$0xFFFFFFA0];
	[tilespmem:s11+$0xFFFFFFE0] =	vst v3;
	s11 =	smov.u32 s8  }
0x118: {  	v3 =	vld [tilespmem:s9+$0xFFFFFFF0]  }
0x119: {  	v5 =	vld [tilespmem:s8+$0xFFFFFF90];
	_ =	sdelay $0x3  }
0x11a: {  	v1 =	vmul.f32 v1, v3;
	v4 =	vmul.f32 v4, v3  }
0x11b: {  	v5 =	vmul.f32 v5, v3;
	v3 =	vmul.f32 v2, v3  }
0x11c: {  	[tilespmem:s8+$0xFFFFFFA0] =	vst v1  }
.Ltmp9:
0x11d: {  	[tilespmem:s8+$0xFFFFFFB0] =	vst v4;
	v2 =	vld [tilespmem:s8+$0xFFFFFFF0];
	(pc) =	sbr.rel @p3 .LBB2_16-.Ltmp9, $4  }
0x11e: {  	[tilespmem:s8+$0xFFFFFFC0] =	vst v3;
	v1 =	vld [tilespmem:s8+$0xFFFFFFD0]  }
0x11f: {  	[tilespmem:s8+$0xFFFFFF90] =	vst v5;
	v5 =	vld [tilespmem:s8+$0x0]  }
0x120: {  	v3 =	vld [tilespmem:s9+$0x0]  }
0x121: {  	v4 =	vld [tilespmem:s8+$0xFFFFFFE0]  }
0x122: {  	_ =	sdelay $0x2  }
0x123: {  	v2 =	vmul.f32 v2, v3  }
0x124: {  	v5 =	vmul.f32 v5, v3  }
0x125: {  	v1 =	vmul.f32 v1, v3;
	[tilespmem:s11+$0xFFFFFFF0] =	vst v2  }
0x126: {  	v2 =	vmul.f32 v4, v3;
	[tilespmem:s11+$0x0] =	vst v5  }
0x127: {  	[tilespmem:s11+$0xFFFFFFD0] =	vst v1  }
.Ltmp10:
0x128: {  	s2 =	sadd.s32 $0x5080, s2;
	[tilespmem:s11+$0xFFFFFFE0] =	vst v2;
	(pc) =	sbr.rel @p2 .LBB2_19-.Ltmp10, $4  }
0x129: {  	[spmem:s1] =	stream.indirect.scatter.add.f32 [tilespmem:s29], [sflag:$0x3], $0x40, s2, s26, $0xb8;
	[tilespmem:$0x19000] =	vst v63  }
0x12a: {  	_ =	swait.ge [sflag:s23], $0x2000  }
0x12b: {  	[sflag:s23] =	ssyncset.done $0x0  }
0x12c: {  	[sflag:s23] =	ssyncadd.s32 $0xFFFFE000  }
0x12d: {  	s2 =	sadd.s32 $0x3, s21  }
0x12e: {  	s8 =	sshll.u32 s2, $0x7;
	s2 =	sshll.u32 s2, $0xB  }
.Ltmp11:
0x12f: {  	s8 =	sand.u32 $0x3FFFFF80, s8;
	s2 =	sadd.s32 s7, s2;
	(pc) =	sbr.rel .LBB2_13-.Ltmp11, $4  }
0x130: {  	[tilespmem:s29], [sflag:$0x2] =	stream.indirect.gather [hbm4b:s5+s26], $0x40, s8, s26, $0xb8;
	[tilespmem:$0x19000] =	vst v63  }
0x131: {  	s2 =	sshrl.u32 s2, $0x3  }
0x132: {  	s20 =	sadd.s32 $0x1, s20;
	s2 =	sadd.s32 s6, s2  }
0x133: {  	[tilespmem:s30], [sflag:$0x2] =	stream.linear.gather [hbm4b:s2+s3], $0x800, $0x38;
	[tilespmem:$0x19000] =	vst v63  }
.LBB2_11:
0x134: {  	[bflag:$0x0] =	sbarrier.arrive $0xFFFF  }
0x135: {  	s2 =	simm.s32 @p1 $0x1FC3;
	s8 =	rddreg [dreg:$0xa]  }
0x136: {  	[hbm:s8], [sflag:s2] =	dma.local @p1 [spmem:s18], $0xC80  }
0x137: {  	s2 =	simm.s32 @p1 $0x3  }
0x138: {  	_ =	swait.ge @p1 [sflag:s2], $0xC80  }
0x139: {  	[sflag:s2] =	ssyncset.done @p1 $0x0  }
0x13a: {  	[sflag:s2] =	ssyncadd.s32 @p1 $0xFFFFF380;
	s2 =	rddreg [dreg:$0x9]  }
0x13b: {  	[hbm:s2], [sflag:s17] =	dma.local @!p1 [spmem:s28], $0x1400  }
.Ltmp12:
0x13c: {  	_ = 	snop;
	(pc) =	sbr.rel .LBB2_20-.Ltmp12, $4  }
0x13d: {  	s2 =	simm.s32 @!p1 $0x3  }
0x13e: {  	_ =	swait.ge @!p1 [sflag:s2], $0x1400  }
0x13f: {  	[sflag:s2] =	ssyncset.done @!p1 $0x0  }
0x140: {  	[sflag:s2] =	ssyncadd.s32 @!p1 $0xFFFFEC00  }
.LBB2_21:
0x141: {  	_ =	sfence.sel $0x180000  }
0x142: {  	[bflag:$0x0] =	sbarrier.arrive $0xFFFF  }
0x143: {  	_ =	strace $0x9000004A  }
0x144: {  	s0 =	stileid.u32;
	[bflag:$0x2] =	sbarrier.arrive $0xFFFF  }
0x145: {  	p0 =	sne.s32 s0, $0x0;
	s0 =	rddreg [dreg:$0x2]  }
0x146: {  	s0 =	sadd.s32 @!p0 $0x100000, s0  }
0x147: {  	[sflag:s0] =	ssyncadd.tile.s32 @!p0 $0x1;
	_ =	shalt  }
.Lfunc_end2:
_tile_overlayer_lowered:
.L_overlay_start_2:
0x148: {  	(tag) =	ssettag $0x2  }
0x149: {  	s0 =	rddreg [dreg:$0x0];
	s2 =	stileid.u32  }
0x14a: {  	s1 =	rddreg [dreg:$0x1];
	p0 =	sne.s32 s2, $0x0  }
0x14b: {  	s3 =	rddreg [dreg:$0x2];
	[bflag:$0x3] =	sbarrier.arrive $0xFFFF;
	s2 =	simm.s32 @!p0 $0x1C03  }
0x14c: {  	[timem:s3], [sflag:s2] =	dma.local @!p0 [hbm:s0], s1  }
0x14d: {  	s0 =	simm.s32 @!p0 $0x3  }
0x14e: {  	_ =	swait.ge @!p0 [sflag:s0], s1  }
0x14f: {  	s1 =	ssub.s32 @!p0 $0x0, s1;
	[sflag:s0] =	ssyncset.done @!p0 $0x0  }
0x150: {  	[sflag:s0] =	ssyncadd.s32 @!p0 s1  }
0x151: {  	[bflag:$0x3] =	sbarrier.arrive $0xFFFF  }
0x152: {  	_ =	shalt  }

// kernel: spmm_deg.3.cloned.1.call-start
scs
__scs_entry_jumppad:
0x0: {  	(pc) =	sbr.rel $0x88, $3  }
0x1: {  	(tag) =	ssettag $0x0;
	lr =	simm.s32 $0x1  }
0x2: {  	[smem:$0x3F93] =	sst lr;
	_ =	strace $0xD0000000  }
0x3: {  	_ = 	snop  }
0x4: {  	_ = 	snop  }
0x5: {  	_ = 	snop  }
0x6: {  	_ = 	snop  }
0x7: {  	_ = 	snop  }
__scs_overlays_trampoline_lowered:
0x8: {  	[smem:$0x3FA2] =	sst s0  }
0x9: {  	[smem:$0x3FA3] =	sst s1  }
0xa: {  	[smem:$0x3FA4] =	sst s2  }
0xb: {  	[smem:$0x3FA5] =	sst s3  }
0xc: {  	[smem:$0x3FA6] =	sst s4  }
0xd: {  	[smem:$0x3FA7] =	sst s5  }
0xe: {  	[smem:$0x3FA8] =	sst s6  }
0xf: {  	[smem:$0x3FA9] =	sst s7  }
0x10: {  	[smem:$0x3FAA] =	sst s8  }
0x11: {  	[smem:$0x3FAB] =	sst s9;
	s0 =	simm.s32 @!p0 $0x0  }
0x12: {  	s1 =	sld [smem:$0x3F91];
	s0 =	simm.s32 @p0 $0x1  }
0x13: {  	[smem:$0x3FAC] =	sst s0;
	s0 =	simm.s32 @!p1 $0x0  }
0x14: {  	s2 =	sld [smem:$0x3F90];
	s0 =	simm.s32 @p1 $0x1  }
0x15: {  	[smem:$0x3FAD] =	sst s0;
	s0 =	simm.s32 @!p2 $0x0  }
0x16: {  	s3 =	sld [smem:$0x3FDB];
	s0 =	simm.s32 @p2 $0x1  }
0x17: {  	s4 =	simm.s32 $0x1BF5;
	[smem:$0x3FAF] =	sst s0  }
0x18: {  	s0 =	sld [smem:$0x3F92];
	_ =	swait.ge [sflag:s4], $0x0  }
0x19: {  	s7 =	sld [smem:$0x3F93]  }
0x1a: {  	s8 =	sadd.s32 $0xFFFFE003, lr  }
0x1b: {  	s9 =	sadd.s32 $0xFFFFFEF7, lr;
	s5 =	simm.s32 $0xFFFFFFFF;
	p2 =	slt.u32 s8, $0xFFFFF086  }
0x1c: {  	p1 =	slt.u32 s9, $0xF7A;
	s5 =	simm.s32 @!p2 $0x0  }
0x1d: {  	s5 =	simm.s32 @p1 $0x1;
	p0 =	seq.s32 s7, s2  }
0x1e: {  	s7 =	smul.u32 @!p0 $0xF7A, s2;
	p2 =	seq.s32 @!p0 s5, $0x0  }
0x1f: {  	s9 =	smul.u32 $0xF7A, s1;
	s8 =	simm.s32 @!p0 $0x1BF5;
	p2 =	por !p2, p0  }
0x20: {  	[sflag:s8] =	ssyncset.s32 @!p0 $0xFFFFF086;
	s6 =	sadd.s32 @!p0 s3, s7;
	s7 =	simm.s32 @!p0 $0x108  }
0x21: {  	s3 =	sadd.s32 s3, s9;
	s6 =	sadd.s32 @!p0 $0x88, s6;
	s7 =	simm.s32 @p2 $0x1082  }
0x22: {  	[simem:s7], [sflag:s8] =	dma.local @!p0 [hbm:s6], $0xF7A  }
0x23: {  	s9 =	sor.u32 $0xD0000000, s2;
	s6 =	simm.s32 $0x108;
	_ =	swait.ge @!p0 [sflag:s8], $0x0  }
0x24: {  	s3 =	sadd.s32 $0x88, s3;
	s6 =	simm.s32 @!p1 $0x1082;
	[sflag:s4] =	ssyncset.s32 $0xFFFFF086  }
0x25: {  	[simem:s6], [sflag:s4] =	dma.local [hbm:s3], $0xF7A  }
0x26: {  	[smem:$0x3F93] =	sst s1;
	(tag) =	ssettag s2;
	_ =	strace s9  }
0x27: {  	s1 =	sld [smem:$0x3FA3]  }
0x28: {  	s2 =	sld [smem:$0x3FA4]  }
0x29: {  	s4 =	sld [smem:$0x3FA6]  }
0x2a: {  	p0 =	seq.s32 s5, $0x0;
	s5 =	sld [smem:$0x3FA7]  }
0x2b: {  	s6 =	sld [smem:$0x3FA8]  }
0x2c: {  	s7 =	sld [smem:$0x3FA9]  }
0x2d: {  	s3 =	simm.s32 $0x108;
	s8 =	sld [smem:$0x3FAA]  }
0x2e: {  	s3 =	simm.s32 @!p0 $0x1082;
	s9 =	sld [smem:$0x3FAB]  }
0x2f: {  	lr =	sadd.s32 s0, s3;
	s0 =	sld [smem:$0x3FA2]  }
0x30: {  	s3 =	sld [smem:$0x3FA5]  }
0x31: {  	[smem:$0x3FAE] =	sst s10  }
0x32: {  	s10 =	sld [smem:$0x3FAC];
	_ =	sdelay $0x3  }
0x33: {  	p0 =	seq.s32 s10, $0x1;
	s10 =	sld [smem:$0x3FAE];
	_ =	sdelay $0x3  }
0x34: {  	[smem:$0x3FAE] =	sst s10  }
0x35: {  	s10 =	sld [smem:$0x3FAD];
	_ =	sdelay $0x3  }
0x36: {  	p1 =	seq.s32 s10, $0x1;
	s10 =	sld [smem:$0x3FAE];
	_ =	sdelay $0x3  }
0x37: {  	[smem:$0x3FAE] =	sst s10  }
0x38: {  	s10 =	sld [smem:$0x3FAF]  }
0x39: {  	_ = 	snop;
	(pc) =	sbr.ind lr, $3  }
0x3a: {  	_ = 	snop  }
0x3b: {  	_ = 	snop  }
0x3c: {  	p2 =	seq.s32 s10, $0x1;
	s10 =	sld [smem:$0x3FAE]  }
0x3d: {  	_ =	shalt  }
0x3e: {  	_ =	shalt  }
0x3f: {  	_ =	shalt  }
0x40: {  	_ =	shalt  }
0x41: {  	_ =	shalt  }
0x42: {  	_ =	shalt  }
0x43: {  	_ =	shalt  }
0x44: {  	_ =	shalt  }
0x45: {  	_ =	shalt  }
0x46: {  	_ =	shalt  }
0x47: {  	_ =	shalt  }
0x48: {  	_ =	shalt  }
0x49: {  	_ =	shalt  }
0x4a: {  	_ =	shalt  }
0x4b: {  	_ =	shalt  }
0x4c: {  	_ =	shalt  }
0x4d: {  	_ =	shalt  }
0x4e: {  	_ =	shalt  }
0x4f: {  	_ =	shalt  }
0x50: {  	_ =	shalt  }
0x51: {  	_ =	shalt  }
0x52: {  	_ =	shalt  }
0x53: {  	_ =	shalt  }
0x54: {  	_ =	shalt  }
0x55: {  	_ =	shalt  }
0x56: {  	_ =	shalt  }
0x57: {  	_ =	shalt  }
0x58: {  	_ =	shalt  }
0x59: {  	_ =	shalt  }
0x5a: {  	_ =	shalt  }
0x5b: {  	_ =	shalt  }
0x5c: {  	_ =	shalt  }
0x5d: {  	_ =	shalt  }
0x5e: {  	_ =	shalt  }
0x5f: {  	_ =	shalt  }
0x60: {  	_ =	shalt  }
0x61: {  	_ =	shalt  }
0x62: {  	_ =	shalt  }
0x63: {  	_ =	shalt  }
0x64: {  	_ =	shalt  }
0x65: {  	_ =	shalt  }
0x66: {  	_ =	shalt  }
0x67: {  	_ =	shalt  }
0x68: {  	_ =	shalt  }
0x69: {  	_ =	shalt  }
0x6a: {  	_ =	shalt  }
0x6b: {  	_ =	shalt  }
0x6c: {  	_ =	shalt  }
0x6d: {  	_ =	shalt  }
0x6e: {  	_ =	shalt  }
0x6f: {  	_ =	shalt  }
0x70: {  	_ =	shalt  }
0x71: {  	_ =	shalt  }
0x72: {  	_ =	shalt  }
0x73: {  	_ =	shalt  }
0x74: {  	_ =	shalt  }
0x75: {  	_ =	shalt  }
0x76: {  	_ =	shalt  }
0x77: {  	_ =	shalt  }
0x78: {  	_ =	shalt  }
0x79: {  	_ =	shalt  }
0x7a: {  	_ =	shalt  }
0x7b: {  	_ =	shalt  }
0x7c: {  	_ =	shalt  }
0x7d: {  	_ =	shalt  }
0x7e: {  	_ =	shalt  }
0x7f: {  	_ =	shalt  }
0x80: {  	_ =	shalt  }
0x81: {  	_ =	shalt  }
0x82: {  	_ =	shalt  }
0x83: {  	_ =	shalt  }
0x84: {  	_ =	shalt  }
0x85: {  	_ =	shalt  }
0x86: {  	_ =	shalt  }
0x87: {  	_ =	shalt  }
.Lfunc_end0:
.L_simem_size_0:
called_computation_lowered:
.L_overlay_start_0:
0x88: {  	s2 =	sld [smem:$0x3FD9]  }
0x89: {  	s3 =	sld [smem:$0x3FFE];
	_ =	sdelay $0x1  }
0x8a: {  	s1 =	srdreg.scid  }
0x8b: {  	s0 =	sand.u32 $0x1, s1  }
0x8c: {  	s17 =	sshll.u32 s0, $0xA;
	s2 =	sadd.s32 s3, s2  }
0x8d: {  	s2 =	sadd.s32 s2, s17  }
0x8e: {  	[smem:$0x3FBA] =	sst s2  }
0x8f: {  	_ = 	snop  }
0x90: {  	s2 =	sld [smem:$0x3FD0];
	(tm) =	ssettm $0x1  }
0x91: {  	s18 =	sld [smem:$0x3FFB];
	_ =	sdelay $0x3  }
0x92: {  	_ =	strace s18  }
0x93: {  	s3 =	sld [smem:$0x3FFC];
	_ =	sdelay $0x3  }
0x94: {  	_ =	strace s3  }
0x95: {  	s3 =	sld [smem:$0x3FFD];
	_ =	sdelay $0x3  }
0x96: {  	_ =	strace s3  }
0x97: {  	_ =	strace $0x8FFFFFFF  }
0x98: {  	s19 =	sld [smem:$0x3FDB];
	_ =	sdelay $0x1  }
0x99: {  	s4 =	simm.s32 $_scs_section_size  }
0x9a: {  	s5 =	simm.s32 $_size__tile_overlayer_lowered;
	s6 =	simm.s32 $_tile_overlayer_lowered  }
0x9b: {  	s22 =	simm.s32 $0x1BFF;
	s21 =	sshll.u32 s6, $0x1;
	s3 =	sadd.s32 s4, s19  }
0x9c: {  	s7 =	simm.s32 $0x0;
	s20 =	sshll.u32 s5, $0x1;
	s5 =	sadd.s32 s21, s3  }
0x9d: {  	[timem:s7], [sflag:s22] =	dma.local [hbm:s5], s20  }
0x9e: {  	_ =	swait.ge [sflag:s22], s20  }
0x9f: {  	s4 =	ssub.s32 $0x0, s20;
	[sflag:s22] =	ssyncset.done $0x0  }
0xa0: {  	[sflag:s22] =	ssyncadd.s32 s4;
	_ =	sdelay $0x1  }
0xa1: {  	s23 =	simm.s32 $0x1B8B  }
0xa2: {  	_ =	swait.ge [sflag:s23], $0x1  }
0xa3: {  	[sflag:s23] =	ssyncset.done $0x0  }
0xa4: {  	s25 =	simm.s32 $0x1B8E;
	s24 =	sld [smem:$0x3FFE];
	[sflag:s23] =	ssyncadd.s32 $0xFFFFFFFF  }
0xa5: {  	s26 =	simm.s32 $execute0_lowered;
	[smem:$0x3FD2] =	sst s25  }
0xa6: {  	s5 =	sshll.u32 s26, $0x1;
	_ =	strace $0x80000046;
	[dreg:$0x1] =	wrdreg $0xFFFFFFFF  }
0xa7: {  	s28 =	simm.s32 $_size_execute0_lowered;
	s3 =	sadd.s32 s3, s5;
	[dreg:$0x0] =	wrdreg $0x0  }
0xa8: {  	s5 =	sshll.u32 s28, $0x1;
	[dreg:$0x2] =	wrdreg s3  }
0xa9: {  	[dreg:$0x3] =	wrdreg s5  }
0xaa: {  	[dreg:$0x4] =	wrdreg $0xC0  }
0xab: {  	_ =	task [dreg:s7], $0x5FFFF  }
0xac: {  	[dreg:$0x1] =	wrdreg $0xFFFFFFFF  }
0xad: {  	[dreg:$0x0] =	wrdreg $0x60  }
0xae: {  	[dreg:$0x2] =	wrdreg s24  }
0xaf: {  	[dreg:$0x3] =	wrdreg s2  }
0xb0: {  	[dreg:$0x4] =	wrdreg $0xF8000  }
0xb1: {  	[dreg:$0x5] =	wrdreg $0x198000  }
0xb2: {  	[dreg:$0x6] =	wrdreg $0x9  }
0xb3: {  	_ =	task.clear_ibuf [dreg:s7], $0x7FFFF;
	_ =	strace $0x90000046  }
0xb4: {  	s29 =	simm.s32 $0x9;
	_ =	strace $0x80000048  }
0xb5: {  	_ =	swait.ge [sflag:s29], $0x1  }
0xb6: {  	[sflag:s29] =	ssyncadd.s32 $0xFFFFFFFF  }
0xb7: {  	_ =	strace $0x90000048  }
0xb8: {  	_ =	sfence  }
0xb9: {  	s30 =	sld [smem:$0x0];
	_ =	sdelay $0x2  }
0xba: {  	s31 =	sshll.u32 s1, $0xD;
	s1 =	sshrl.u32 s1, $0x2  }
0xbb: {  	s3 =	sand.u32 $0x4000, s31;
	s1 =	sadd.s32 s1, s30  }
0xbc: {  	s0 =	sor.u32 s3, s0;
	s1 =	sshll.u32 s1, $0x11  }
0xbd: {  	s0 =	sor.u32 s1, s0  }
0xbe: {  	s0 =	sadd.s32 $0x8F2B, s0  }
0xbf: {  	[sflag:s0] =	ssyncadd.remote.s32 $0x1  }
0xc0: {  	_ =	sfence.sel $0xFFFF  }
0xc1: {  	[dreg:$0x0] =	wrdreg $0xFFFFFFFF;
	(pc) =	sbr.abs _section_cstart, $3  }
0xc2: {  	[dreg:$0x1] =	wrdreg $0xFFFFFFFF  }
0xc3: {  	_ =	task.clear_ibuf [dreg:s7], $0x2FFFF;
	_ =	strace $0x9FFFFFFF  }
0xc4: {  	(tm) =	ssettm $0x7FFFFFFF  }
0xc5: {  	_ =	shalt  }
tec
execute0_lowered:
.L_overlay_start_1:
0x0: {  	(tag) =	ssettag $0x1  }
0x1: {  	s0 =	rddreg [dreg:$0x0]  }
0x2: {  	s2 =	rddreg [dreg:$0x1]  }
0x3: {  	s1 =	rddreg [dreg:$0x2];
	s19 =	stileid.u32  }
0x4: {  	s3 =	rddreg [dreg:$0x3];
	s5 =	smul.u32 $0xA00, s19  }
0x5: {  	s4 =	simm.s32 $0x0;
	s6 =	srdreg.scid;
	s7 =	smul.u32 $0xA000, s19  }
0x6: {  	[smem:$0x7FF] =	sst s4;
	s6 =	sand.u32 $0x1, s6;
	s10 =	smul.u32 $0x280, s19  }
0x7: {  	s22 =	smul.u32 $0x2800, s19;
	p1 =	seq.s32 s19, $0xF;
	_ =	strace $0x80000047  }
0x8: {  	s9 =	ssub.s32 $0x2, s6;
	p0 =	sne.s32 s6, $0x0;
	s8 =	sadd.s32 s5, s0  }
0x9: {  	s5 =	sadd.s32 $0x52B000, s0;
	s11 =	sshrl.u32 s7, $0x3;
	s12 =	sshrl.u32 s9, $0x1  }
0xa: {  	s25 =	sadd.s32 $0x80, s10;
	s28 =	sadd.s32 $0x100, s10;
	s15 =	sadd.s32 $0x180, s10  }
0xb: {  	s16 =	sadd.s32 $0x200, s10;
	s10 =	smul.u32 $0x50000, s19;
	s19 =	simm.s32 $0x80  }
0xc: {  	s11 =	sadd.s32 s11, s0;
	s9 =	ssub.s32 s9, s12;
	s13 =	sadd.s32 $0x35000, s8  }
0xd: {  	s8 =	sadd.s32 $0x2B000, s8;
	s26 =	sshll.u32 s25, $0x6;
	s14 =	sshll.u32 s28, $0x6  }
0xe: {  	s17 =	sshll.u32 s15, $0x6;
	s18 =	sshll.u32 s16, $0x6;
	s12 =	sshll.u32 s25, $0x4  }
0xf: {  	s20 =	sshll.u32 s28, $0x4;
	s21 =	sshll.u32 s15, $0x4;
	[dreg:$0x5] =	wrdreg s13  }
0x10: {  	s24 =	sshll.u32 s16, $0x4;
	[dreg:$0x6] =	wrdreg s8;
	s13 =	sadd.s32 s26, s1  }
0x11: {  	s25 =	sshrl.u32 s22, $0x3;
	s14 =	sadd.s32 s14, s1;
	[dreg:$0x7] =	wrdreg s13  }
0x12: {  	s15 =	sadd.s32 $0x96000, s1;
	s30 =	sadd.s32 s17, s1;
	[dreg:$0x8] =	wrdreg s14  }
0x13: {  	s16 =	simm.s32 $0x3;
	s31 =	sadd.s32 s18, s1;
	[dreg:$0x9] =	wrdreg s30  }
0x14: {  	s8 =	sadd.s32 s7, s1;
	s18 =	sadd.s32 s12, s3;
	[dreg:$0xa] =	wrdreg s31  }
0x15: {  	s17 =	sshrl.u32 s10, $0x3;
	s23 =	sadd.s32 s21, s3;
	[dreg:$0xc] =	wrdreg s18  }
0x16: {  	s7 =	sshrl.u32 s7, $0x2;
	s26 =	sadd.s32 $0x3F000, s11;
	[dreg:$0xe] =	wrdreg s23  }
0x17: {  	s28 =	sadd.s32 $0x52A00, s11;
	s6 =	sadd.s32 s2, s25;
	[dreg:$0x10] =	wrdreg s26  }
0x18: {  	s29 =	smax.u32 s9, $0x1;
	s21 =	simm.s32 $0xA800;
	[dreg:$0x11] =	wrdreg s28  }
0x19: {  	s25 =	simm.s32 $0x2;
	s7 =	sadd.s32 s7, s3;
	[dreg:$0x12] =	wrdreg s6  }
0x1a: {  	s14 =	sadd.s32 s5, s17;
	s30 =	sadd.s32 $0x51C00, s0;
	[dreg:$0xb] =	wrdreg s7  }
0x1b: {  	s6 =	sadd.s32 s22, s3;
	s31 =	sadd.s32 $0x4B00, s2;
	[dreg:$0x13] =	wrdreg s30  }
0x1c: {  	s23 =	sadd.s32 $0x17600, s0;
	s7 =	sadd.s32 s20, s3;
	[dreg:$0x15] =	wrdreg s31  }
0x1d: {  	s18 =	simm.s32 $0xB000;
	[dreg:$0xd] =	wrdreg s7;
	s7 =	sadd.s32 s24, s3  }
.Ltmp0:
0x1e: {  	s24 =	sadd.s32 $0x3C00, s0;
	s0 =	sadd.s32 $0x65600, s0;
	(pc) =	sbr.rel .LBB2_1-.Ltmp0, $4  }
0x1f: {  	s17 =	simm.s32 $0xF000;
	[dreg:$0x14] =	wrdreg s0;
	s0 =	sadd.s32 $0x25800, s3  }
0x20: {  	s22 =	simm.s32 $0x1;
	[dreg:$0xf] =	wrdreg s7;
	s0 =	sshrl.u32 @p1 s0, $0x3  }
0x21: {  	s26 =	simm.s32 $0x0;
	[dreg:$0x16] =	wrdreg s0;
	s0 =	sshrl.u32 @!p1 s6, $0x3  }
0x22: {  	v0 =	vimm.f32 $0.0e+00;
	v1 =	vimm.f32 $1.000000000e+00;
	s20 =	simm.s32 $0xD000;
	[dreg:$0x17] =	wrdreg s0;
	s0 =	sadd.s32 $0x100, s14  }
.LBB2_23:
0x23: {  	[bflag:$0x0] =	sbarrier.arrive $0xFFFF  }
0x24: {  	s2 =	simm.s32 @p1 $0x1FC3;
	s6 =	rddreg [dreg:$0x13]  }
0x25: {  	[hbm:s6], [sflag:s2] =	dma.local @p1 [spmem:s31], $0xC80  }
0x26: {  	s2 =	simm.s32 @p1 $0x3  }
0x27: {  	_ =	swait.ge @p1 [sflag:s2], $0xC80  }
0x28: {  	[sflag:s2] =	ssyncset.done @p1 $0x0  }
0x29: {  	[sflag:s2] =	ssyncadd.s32 @p1 $0xFFFFF380;
	s2 =	rddreg [dreg:$0x10]  }
0x2a: {  	[hbm:s2], [sflag:s28] =	dma.local @!p1 [spmem:s30], $0x1400  }
0x2b: {  	s2 =	simm.s32 @!p1 $0x3  }
0x2c: {  	_ =	swait.ge @!p1 [sflag:s2], $0x1400  }
0x2d: {  	[sflag:s2] =	ssyncset.done @!p1 $0x0  }
0x2e: {  	[sflag:s2] =	ssyncadd.s32 @!p1 $0xFFFFEC00  }
.LBB2_24:
0x2f: {  	s26 =	sadd.s32 $0x1, s26  }
0x30: {  	p2 =	sne.s32 s26, s29  }
.Ltmp1:
0x31: {  	_ = 	snop;
	(pc) =	sbr.rel @!p2 .LBB2_25-.Ltmp1, $1  }
0x32: {  	_ =	sdelay $0x3  }
.LBB2_1:
0x33: {  	s2 =	rddreg [dreg:$0x5]  }
0x34: {  	[tilespmem:s4], [sflag:$0x3] =	stream.linear.gather [hbm4b:s2+s4], $0x5000, $0x38;
	[tilespmem:$0x1C000] =	vst v63  }
0x35: {  	_ =	swait.ge [sflag:s16], $0x5000  }
0x36: {  	[sflag:s16] =	ssyncset.done $0x0  }
0x37: {  	s6 =	simm.s32 $0x5000;
	s31 =	rddreg [dreg:$0x6];
	[sflag:s16] =	ssyncadd.s32 $0xFFFFB000  }
0x38: {  	[tilespmem:s6], [sflag:$0x3] =	stream.linear.gather [hbm4b:s31+s4], $0x5000, $0x38;
	[tilespmem:$0x1C000] =	vst v63  }
0x39: {  	_ =	swait.ge [sflag:s16], $0x5000  }
0x3a: {  	[sflag:s16] =	ssyncset.done $0x0  }
0x3b: {  	s2 =	simm.s32 $0xB040;
	[sflag:s16] =	ssyncadd.s32 $0xFFFFB000  }
0x3c: {  	[tilespmem:s2+$0xFFFFFFC0] =	vst v0  }
0x3d: {  	[tilespmem:s2+$0x30] =	vst v0  }
0x3e: {  	[tilespmem:s2+$0x20] =	vst v0  }
0x3f: {  	[tilespmem:s2+$0x10] =	vst v0  }
0x40: {  	[tilespmem:s2+$0x0] =	vst v0  }
0x41: {  	[tilespmem:s2+$0xFFFFFFF0] =	vst v0  }
0x42: {  	s6 =	simm.s32 $0x0;
	[tilespmem:s2+$0xFFFFFFE0] =	vst v0  }
.LBB2_2:
0x43: {  	s6 =	sadd.s32 $0x2, s6;
	[tilespmem:s2+$0xFFFFFFD0] =	vst v0;
	s2 =	sadd.s32 $0x80, s2  }
0x44: {  	[tilespmem:s2+$0xFFFFFFC0] =	vst v0;
	p2 =	slt.u32 s6, $0x7E  }
0x45: {  	[tilespmem:s2+$0x30] =	vst v0  }
.Ltmp2:
0x46: {  	[tilespmem:s2+$0x20] =	vst v0;
	(pc) =	sbr.rel @p2 .LBB2_2-.Ltmp2, $4  }
0x47: {  	[tilespmem:s2+$0x10] =	vst v0  }
0x48: {  	[tilespmem:s2+$0x0] =	vst v0  }
0x49: {  	[tilespmem:s2+$0xFFFFFFF0] =	vst v0  }
0x4a: {  	[tilespmem:s2+$0xFFFFFFE0] =	vst v0  }
0x4b: {  	[tilespmem:s2+$0xFFFFFFD0] =	vst v0  }
0x4c: {  	[spmem:s8] =	stream.linear.scatter [tilespmem:s18], [sflag:$0x3], $0x2000, $0x38;
	[tilespmem:$0x1C000] =	vst v63  }
0x4d: {  	_ =	swait.ge [sflag:s16], $0x2000  }
0x4e: {  	[sflag:s16] =	ssyncset.done $0x0  }
0x4f: {  	s9 =	rddreg [dreg:$0x7];
	[sflag:s16] =	ssyncadd.s32 $0xFFFFE000  }
0x50: {  	[spmem:s9] =	stream.linear.scatter [tilespmem:s18], [sflag:$0x3], $0x2000, $0x38;
	[tilespmem:$0x1C000] =	vst v63  }
0x51: {  	_ =	swait.ge [sflag:s16], $0x2000  }
0x52: {  	[sflag:s16] =	ssyncset.done $0x0  }
0x53: {  	s11 =	rddreg [dreg:$0x8];
	[sflag:s16] =	ssyncadd.s32 $0xFFFFE000  }
0x54: {  	[spmem:s11] =	stream.linear.scatter [tilespmem:s18], [sflag:$0x3], $0x2000, $0x38;
	[tilespmem:$0x1C000] =	vst v63  }
0x55: {  	_ =	swait.ge [sflag:s16], $0x2000  }
0x56: {  	[sflag:s16] =	ssyncset.done $0x0  }
0x57: {  	s12 =	rddreg [dreg:$0x9];
	[sflag:s16] =	ssyncadd.s32 $0xFFFFE000  }
0x58: {  	[spmem:s12] =	stream.linear.scatter [tilespmem:s18], [sflag:$0x3], $0x2000, $0x38;
	[tilespmem:$0x1C000] =	vst v63  }
0x59: {  	_ =	swait.ge [sflag:s16], $0x2000  }
0x5a: {  	[sflag:s16] =	ssyncset.done $0x0  }
.Ltmp3:
0x5b: {  	s13 =	rddreg [dreg:$0xa];
	[sflag:s16] =	ssyncadd.s32 $0xFFFFE000;
	(pc) =	sbr.rel @p0 .LBB2_16-.Ltmp3, $4  }
0x5c: {  	[spmem:s13] =	stream.linear.scatter [tilespmem:s18], [sflag:$0x3], $0x2000, $0x38;
	[tilespmem:$0x1C000] =	vst v63  }
0x5d: {  	s2 =	stileid.u32;
	_ =	swait.ge [sflag:s16], $0x2000  }
0x5e: {  	s31 =	sshrl.u32 @p1 s15, $0x3;
	s2 =	sshll.u32 @!p1 s2, $0x6;
	[sflag:s16] =	ssyncset.done $0x0  }
0x5f: {  	s30 =	sshrl.u32 @!p1 s8, $0x3;
	s28 =	sor.u32 @!p1 $0x1C03, s2;
	[sflag:s16] =	ssyncadd.s32 $0xFFFFE000  }
0x60: {  	s2 =	simm.s32 $0xF010  }
0x61: {  	s6 =	simm.s32 $0x0;
	[tilespmem:s2+$0xFFFFFFF0] =	vst v0  }
.LBB2_5:
0x62: {  	s6 =	sadd.s32 $0x2, s6  }
0x63: {  	p2 =	slt.u32 s6, $0x7E  }
.Ltmp4:
0x64: {  	_ = 	snop;
	(pc) =	sbr.rel @p2 .LBB2_5-.Ltmp4, $3  }
0x65: {  	_ =	sdelay $0x1  }
0x66: {  	[tilespmem:s2+$0x0] =	vst v0;
	s2 =	sadd.s32 $0x20, s2  }
0x67: {  	[tilespmem:s2+$0xFFFFFFF0] =	vst v0  }
0x68: {  	[tilespmem:s2+$0x0] =	vst v0;
	s7 =	rddreg [dreg:$0xb]  }
0x69: {  	[spmem:s7] =	stream.linear.scatter [tilespmem:s17], [sflag:$0x3], $0x800, $0x38;
	[tilespmem:$0x1C000] =	vst v63  }
0x6a: {  	_ =	swait.ge [sflag:s16], $0x800  }
0x6b: {  	[sflag:s16] =	ssyncset.done $0x0  }
0x6c: {  	s9 =	rddreg [dreg:$0xc];
	[sflag:s16] =	ssyncadd.s32 $0xFFFFF800  }
0x6d: {  	[spmem:s9] =	stream.linear.scatter [tilespmem:s17], [sflag:$0x3], $0x800, $0x38;
	[tilespmem:$0x1C000] =	vst v63  }
0x6e: {  	_ =	swait.ge [sflag:s16], $0x800  }
0x6f: {  	[sflag:s16] =	ssyncset.done $0x0  }
0x70: {  	s11 =	rddreg [dreg:$0xd];
	[sflag:s16] =	ssyncadd.s32 $0xFFFFF800  }
0x71: {  	[spmem:s11] =	stream.linear.scatter [tilespmem:s17], [sflag:$0x3], $0x800, $0x38;
	[tilespmem:$0x1C000] =	vst v63  }
0x72: {  	_ =	swait.ge [sflag:s16], $0x800  }
0x73: {  	[sflag:s16] =	ssyncset.done $0x0  }
0x74: {  	s12 =	rddreg [dreg:$0xe];
	[sflag:s16] =	ssyncadd.s32 $0xFFFFF800  }
0x75: {  	[spmem:s12] =	stream.linear.scatter [tilespmem:s17], [sflag:$0x3], $0x800, $0x38;
	[tilespmem:$0x1C000] =	vst v63  }
0x76: {  	_ =	swait.ge [sflag:s16], $0x800  }
0x77: {  	[sflag:s16] =	ssyncset.done $0x0  }
0x78: {  	s13 =	rddreg [dreg:$0xf];
	[sflag:s16] =	ssyncadd.s32 $0xFFFFF800  }
0x79: {  	[spmem:s13] =	stream.linear.scatter [tilespmem:s17], [sflag:$0x3], $0x800, $0x38;
	[tilespmem:$0x1C000] =	vst v63  }
0x7a: {  	_ =	swait.ge [sflag:s16], $0x800  }
0x7b: {  	[sflag:s16] =	ssyncset.done $0x0  }
0x7c: {  	s2 =	simm.s32 $0xF020;
	[sflag:s16] =	ssyncadd.s32 $0xFFFFF800  }
0x7d: {  	[tilespmem:s2+$0xFFFFFFE0] =	vst v1  }
0x7e: {  	[tilespmem:s2+$0x10] =	vst v1  }
0x7f: {  	s6 =	simm.s32 $0x0;
	[tilespmem:s2+$0x0] =	vst v1  }
.LBB2_7:
0x80: {  	s6 =	sadd.s32 $0x4, s6  }
0x81: {  	[tilespmem:s2+$0xFFFFFFF0] =	vst v1;
	s2 =	sadd.s32 $0x40, s2;
	p2 =	slt.u32 s6, $0x7C  }
.Ltmp5:
0x82: {  	[tilespmem:s2+$0xFFFFFFE0] =	vst v1;
	(pc) =	sbr.rel @p2 .LBB2_7-.Ltmp5, $3  }
0x83: {  	_ =	sdelay $0x1  }
0x84: {  	[tilespmem:s2+$0x10] =	vst v1  }
0x85: {  	[tilespmem:s2+$0x0] =	vst v1  }
0x86: {  	[tilespmem:s2+$0xFFFFFFF0] =	vst v1  }
0x87: {  	s2 =	simm.s32 $0x0;
	[bflag:$0x0] =	sbarrier.arrive $0xFFFF  }
0x88: {  	[tilespmem:s18], [sflag:$0x1] =	stream.indirect.gather [hbm4b:s23+s19], $0x40, s2, s19, $0xb8;
	[tilespmem:$0x1C000] =	vst v63  }
0x89: {  	s6 =	simm.s32 $0xA000  }
0x8a: {  	[tilespmem:s6], [sflag:$0x1] =	stream.linear.gather [hbm4b:s14+s2], $0x800, $0x38;
	[tilespmem:$0x1C000] =	vst v63  }
0x8b: {  	_ = 	snop  }
0x8c: {  	[tilespmem:s20], [sflag:$0x2] =	stream.indirect.gather [hbm4b:s23+s19], $0x40, s19, s19, $0xb8;
	[tilespmem:$0x1C000] =	vst v63  }
0x8d: {  	_ = 	snop  }
0x8e: {  	[tilespmem:s21], [sflag:$0x2] =	stream.linear.gather [hbm4b:s0+s2], $0x800, $0x38;
	[tilespmem:$0x1C000] =	vst v63  }
.LBB2_9:
0x8f: {  	_ =	swait.ge [sflag:s22], $0x2000  }
0x90: {  	[sflag:s22] =	ssyncset.done $0x0  }
0x91: {  	[sflag:s22] =	ssyncadd.s32 $0xFFFFE000  }
0x92: {  	_ =	swait.ge [sflag:s22], $0x800  }
0x93: {  	[sflag:s22] =	ssyncset.done $0x0  }
0x94: {  	s6 =	simm.s32 $0xB040;
	[sflag:s22] =	ssyncadd.s32 $0xFFFFF800  }
0x95: {  	s7 =	simm.s32 $0xA010;
	v2 =	vld [tilespmem:s6+$0xFFFFFFD0]  }
0x96: {  	v4 =	vld [tilespmem:s7+$0xFFFFFFF0]  }
0x97: {  	v3 =	vld [tilespmem:s6+$0xFFFFFFE0]  }
0x98: {  	v5 =	vld [tilespmem:s6+$0xFFFFFFF0]  }
0x99: {  	v6 =	vld [tilespmem:s6+$0xFFFFFFC0];
	_ =	sdelay $0x1  }
0x9a: {  	v2 =	vmul.f32 v2, v4  }
0x9b: {  	v3 =	vmul.f32 v3, v4  }
0x9c: {  	v5 =	vmul.f32 v5, v4;
	[tilespmem:s6+$0xFFFFFFD0] =	vst v2  }
0x9d: {  	v4 =	vmul.f32 v6, v4;
	v6 =	vld [tilespmem:s6+$0x30];
	[tilespmem:s6+$0xFFFFFFE0] =	vst v3  }
0x9e: {  	v3 =	vld [tilespmem:s6+$0x20];
	[tilespmem:s6+$0xFFFFFFF0] =	vst v5  }
0x9f: {  	v2 =	vld [tilespmem:s6+$0x0];
	[tilespmem:s6+$0xFFFFFFC0] =	vst v4  }
0xa0: {  	v4 =	vld [tilespmem:s7+$0x0]  }
0xa1: {  	s11 =	simm.s32 $0x0;
	s9 =	simm.s32 $0xB040;
	v5 =	vld [tilespmem:s6+$0x10]  }
.LBB2_10:
0xa2: {  	_ =	sdelay $0x2  }
0xa3: {  	s11 =	sadd.s32 $0x2, s11;
	s7 =	sadd.s32 $0x20, s7;
	s6 =	sadd.s32 $0x80, s6;
	v3 =	vmul.f32 v3, v4;
	v6 =	vmul.f32 v6, v4  }
0xa4: {  	p2 =	slt.u32 s11, $0x7E;
	v2 =	vmul.f32 v2, v4;
	v4 =	vmul.f32 v5, v4  }
0xa5: {  	[tilespmem:s9+$0x20] =	vst v3  }
0xa6: {  	v3 =	vld [tilespmem:s6+$0xFFFFFFF0];
	[tilespmem:s9+$0x30] =	vst v6  }
0xa7: {  	v5 =	vld [tilespmem:s6+$0xFFFFFFE0];
	[tilespmem:s9+$0x0] =	vst v2  }
0xa8: {  	v2 =	vld [tilespmem:s6+$0xFFFFFFD0];
	[tilespmem:s9+$0x10] =	vst v4;
	s9 =	smov.u32 s6  }
0xa9: {  	v4 =	vld [tilespmem:s7+$0xFFFFFFF0]  }
0xaa: {  	v6 =	vld [tilespmem:s6+$0xFFFFFFC0];
	_ =	sdelay $0x3  }
0xab: {  	v2 =	vmul.f32 v2, v4;
	v5 =	vmul.f32 v5, v4  }
0xac: {  	v6 =	vmul.f32 v6, v4;
	v4 =	vmul.f32 v3, v4  }
0xad: {  	[tilespmem:s6+$0xFFFFFFD0] =	vst v2  }
.Ltmp6:
0xae: {  	[tilespmem:s6+$0xFFFFFFE0] =	vst v5;
	v3 =	vld [tilespmem:s6+$0x20];
	(pc) =	sbr.rel @p2 .LBB2_10-.Ltmp6, $4  }
0xaf: {  	[tilespmem:s6+$0xFFFFFFF0] =	vst v4;
	v2 =	vld [tilespmem:s6+$0x0]  }
0xb0: {  	[tilespmem:s6+$0xFFFFFFC0] =	vst v6;
	v6 =	vld [tilespmem:s6+$0x30]  }
0xb1: {  	v4 =	vld [tilespmem:s7+$0x0]  }
0xb2: {  	v5 =	vld [tilespmem:s6+$0x10]  }
0xb3: {  	_ =	sdelay $0x2  }
0xb4: {  	v3 =	vmul.f32 v3, v4  }
0xb5: {  	v6 =	vmul.f32 v6, v4  }
0xb6: {  	v2 =	vmul.f32 v2, v4;
	[tilespmem:s9+$0x20] =	vst v3  }
0xb7: {  	s6 =	sshll.u32 s2, $0x8;
	v3 =	vmul.f32 v5, v4;
	[tilespmem:s9+$0x30] =	vst v6  }
0xb8: {  	s7 =	sand.u32 $0x3FFFFF00, s6;
	[tilespmem:s9+$0x0] =	vst v2  }
0xb9: {  	s6 =	sadd.s32 $0x5000, s7;
	[tilespmem:s9+$0x10] =	vst v3  }
0xba: {  	[spmem:s1] =	stream.indirect.scatter.add.f32 [tilespmem:s18], [sflag:$0x3], $0x40, s6, s19, $0xb8;
	[tilespmem:$0x1C000] =	vst v63  }
0xbb: {  	_ =	swait.ge [sflag:s16], $0x2000  }
0xbc: {  	[sflag:s16] =	ssyncset.done $0x0  }
0xbd: {  	p2 =	seq.s32 s2, $0x4F;
	[sflag:s16] =	ssyncadd.s32 $0xFFFFE000  }
0xbe: {  	[spmem:s3] =	stream.indirect.scatter.add.f32 [tilespmem:s17], [sflag:$0x3], $0x10, s6, s19, $0xb8;
	[tilespmem:$0x1C000] =	vst v63  }
0xbf: {  	s12 =	simm.s32 @!p2 $0x80;
	s6 =	sshll.u32 s2, $0x1  }
0xc0: {  	s13 =	simm.s32 @!p2 $0xB000;
	_ =	swait.ge [sflag:s16], $0x800;
	s9 =	sadd.s32 @!p2 $0x2, s6  }
0xc1: {  	[sflag:s16] =	ssyncset.done $0x0;
	s11 =	sshll.u32 @!p2 s9, $0x7;
	s9 =	sshll.u32 @!p2 s9, $0xB  }
0xc2: {  	[sflag:s16] =	ssyncadd.s32 $0xFFFFF800;
	s11 =	sand.u32 @!p2 $0x3FFFFF80, s11;
	s9 =	sadd.s32 @!p2 s10, s9  }
0xc3: {  	[tilespmem:s13], [sflag:$0x1] =	stream.indirect.gather @!p2 [hbm4b:s23+s12], $0x40, s11, s12, $0xb8;
	[tilespmem:$0x1C000] =	vst v63  }
0xc4: {  	s9 =	sshrl.u32 @!p2 s9, $0x3  }
0xc5: {  	s11 =	simm.s32 @!p2 $0x0;
	s12 =	simm.s32 @!p2 $0xA000;
	s9 =	sadd.s32 @!p2 s5, s9  }
0xc6: {  	[tilespmem:s12], [sflag:$0x1] =	stream.linear.gather @!p2 [hbm4b:s9+s11], $0x800, $0x38;
	[tilespmem:$0x1C000] =	vst v63  }
0xc7: {  	_ =	swait.ge [sflag:s25], $0x2000  }
0xc8: {  	[sflag:s25] =	ssyncset.done $0x0  }
0xc9: {  	[sflag:s25] =	ssyncadd.s32 $0xFFFFE000  }
0xca: {  	_ =	swait.ge [sflag:s25], $0x800  }
0xcb: {  	[sflag:s25] =	ssyncset.done $0x0  }
0xcc: {  	s9 =	simm.s32 $0xD070;
	[sflag:s25] =	ssyncadd.s32 $0xFFFFF800  }
0xcd: {  	s11 =	simm.s32 $0xA810;
	v2 =	vld [tilespmem:s9+$0xFFFFFFA0]  }
0xce: {  	v4 =	vld [tilespmem:s11+$0xFFFFFFF0]  }
0xcf: {  	v3 =	vld [tilespmem:s9+$0xFFFFFFB0]  }
0xd0: {  	v5 =	vld [tilespmem:s9+$0xFFFFFFC0]  }
0xd1: {  	v6 =	vld [tilespmem:s9+$0xFFFFFF90];
	_ =	sdelay $0x1  }
0xd2: {  	v2 =	vmul.f32 v2, v4  }
0xd3: {  	v3 =	vmul.f32 v3, v4  }
0xd4: {  	v5 =	vmul.f32 v5, v4;
	[tilespmem:s9+$0xFFFFFFA0] =	vst v2  }
0xd5: {  	v4 =	vmul.f32 v6, v4;
	v6 =	vld [tilespmem:s9+$0x0];
	[tilespmem:s9+$0xFFFFFFB0] =	vst v3  }
0xd6: {  	v3 =	vld [tilespmem:s9+$0xFFFFFFF0];
	[tilespmem:s9+$0xFFFFFFC0] =	vst v5  }
0xd7: {  	v2 =	vld [tilespmem:s9+$0xFFFFFFD0];
	[tilespmem:s9+$0xFFFFFF90] =	vst v4  }
0xd8: {  	v4 =	vld [tilespmem:s11+$0x0]  }
0xd9: {  	s13 =	simm.s32 $0x0;
	s12 =	simm.s32 $0xD070;
	v5 =	vld [tilespmem:s9+$0xFFFFFFE0]  }
.LBB2_12:
0xda: {  	_ =	sdelay $0x2  }
0xdb: {  	s13 =	sadd.s32 $0x2, s13;
	s11 =	sadd.s32 $0x20, s11;
	s9 =	sadd.s32 $0x80, s9;
	v3 =	vmul.f32 v3, v4;
	v6 =	vmul.f32 v6, v4  }
0xdc: {  	p3 =	slt.u32 s13, $0x7E;
	v2 =	vmul.f32 v2, v4;
	v4 =	vmul.f32 v5, v4  }
0xdd: {  	[tilespmem:s12+$0xFFFFFFF0] =	vst v3  }
0xde: {  	v3 =	vld [tilespmem:s9+$0xFFFFFFC0];
	[tilespmem:s12+$0x0] =	vst v6  }
0xdf: {  	v5 =	vld [tilespmem:s9+$0xFFFFFFB0];
	[tilespmem:s12+$0xFFFFFFD0] =	vst v2  }
0xe0: {  	v2 =	vld [tilespmem:s9+$0xFFFFFFA0];
	[tilespmem:s12+$0xFFFFFFE0] =	vst v4;
	s12 =	smov.u32 s9  }
0xe1: {  	v4 =	vld [tilespmem:s11+$0xFFFFFFF0]  }
0xe2: {  	v6 =	vld [tilespmem:s9+$0xFFFFFF90];
	_ =	sdelay $0x3  }
0xe3: {  	v2 =	vmul.f32 v2, v4;
	v5 =	vmul.f32 v5, v4  }
0xe4: {  	v6 =	vmul.f32 v6, v4;
	v4 =	vmul.f32 v3, v4  }
0xe5: {  	[tilespmem:s9+$0xFFFFFFA0] =	vst v2  }
.Ltmp7:
0xe6: {  	[tilespmem:s9+$0xFFFFFFB0] =	vst v5;
	v3 =	vld [tilespmem:s9+$0xFFFFFFF0];
	(pc) =	sbr.rel @p3 .LBB2_12-.Ltmp7, $4  }
0xe7: {  	[tilespmem:s9+$0xFFFFFFC0] =	vst v4;
	v2 =	vld [tilespmem:s9+$0xFFFFFFD0]  }
0xe8: {  	[tilespmem:s9+$0xFFFFFF90] =	vst v6;
	v6 =	vld [tilespmem:s9+$0x0]  }
0xe9: {  	v4 =	vld [tilespmem:s11+$0x0]  }
0xea: {  	v5 =	vld [tilespmem:s9+$0xFFFFFFE0]  }
0xeb: {  	_ =	sdelay $0x2  }
0xec: {  	v3 =	vmul.f32 v3, v4  }
0xed: {  	v6 =	vmul.f32 v6, v4  }
0xee: {  	v2 =	vmul.f32 v2, v4;
	[tilespmem:s12+$0xFFFFFFF0] =	vst v3  }
0xef: {  	v3 =	vmul.f32 v5, v4;
	[tilespmem:s12+$0x0] =	vst v6  }
0xf0: {  	[tilespmem:s12+$0xFFFFFFD0] =	vst v2  }
0xf1: {  	s7 =	sadd.s32 $0x5080, s7;
	[tilespmem:s12+$0xFFFFFFE0] =	vst v3  }
0xf2: {  	[spmem:s1] =	stream.indirect.scatter.add.f32 [tilespmem:s20], [sflag:$0x3], $0x40, s7, s19, $0xb8;
	[tilespmem:$0x1C000] =	vst v63  }
0xf3: {  	_ =	swait.ge [sflag:s16], $0x2000  }
0xf4: {  	[sflag:s16] =	ssyncset.done $0x0  }
.Ltmp8:
0xf5: {  	[sflag:s16] =	ssyncadd.s32 $0xFFFFE000;
	(pc) =	sbr.rel @p2 .LBB2_15-.Ltmp8, $4  }
0xf6: {  	[spmem:s3] =	stream.indirect.scatter.add.f32 [tilespmem:s17], [sflag:$0x3], $0x10, s7, s19, $0xb8;
	[tilespmem:$0x1C000] =	vst v63  }
0xf7: {  	_ =	swait.ge [sflag:s16], $0x800  }
0xf8: {  	[sflag:s16] =	ssyncset.done $0x0  }
0xf9: {  	[sflag:s16] =	ssyncadd.s32 $0xFFFFF800  }
0xfa: {  	s6 =	sadd.s32 $0x3, s6  }
0xfb: {  	s7 =	sshll.u32 s6, $0x7;
	s6 =	sshll.u32 s6, $0xB  }
.Ltmp9:
0xfc: {  	s7 =	sand.u32 $0x3FFFFF80, s7;
	s6 =	sadd.s32 s10, s6;
	(pc) =	sbr.rel .LBB2_9-.Ltmp9, $4  }
0xfd: {  	[tilespmem:s20], [sflag:$0x2] =	stream.indirect.gather [hbm4b:s23+s19], $0x40, s7, s19, $0xb8;
	[tilespmem:$0x1C000] =	vst v63  }
0xfe: {  	s6 =	sshrl.u32 s6, $0x3  }
0xff: {  	s2 =	sadd.s32 $0x1, s2;
	s6 =	sadd.s32 s5, s6  }
0x100: {  	[tilespmem:s21], [sflag:$0x2] =	stream.linear.gather [hbm4b:s6+s4], $0x800, $0x38;
	[tilespmem:$0x1C000] =	vst v63  }
.LBB2_16:
0x101: {  	[bflag:$0x0] =	sbarrier.arrive $0xFFFF;
	s2 =	simm.s32 $0x0  }
0x102: {  	[tilespmem:s18], [sflag:$0x1] =	stream.indirect.gather [hbm4b:s24+s19], $0x40, s2, s19, $0xb8;
	[tilespmem:$0x1C000] =	vst v63  }
0x103: {  	s6 =	simm.s32 $0xA000  }
0x104: {  	[tilespmem:s6], [sflag:$0x1] =	stream.linear.gather [hbm4b:s14+s2], $0x800, $0x38;
	[tilespmem:$0x1C000] =	vst v63  }
0x105: {  	_ = 	snop  }
0x106: {  	[tilespmem:s20], [sflag:$0x2] =	stream.indirect.gather [hbm4b:s24+s19], $0x40, s19, s19, $0xb8;
	[tilespmem:$0x1C000] =	vst v63  }
0x107: {  	_ = 	snop  }
0x108: {  	[tilespmem:s21], [sflag:$0x2] =	stream.linear.gather [hbm4b:s0+s2], $0x800, $0x38;
	[tilespmem:$0x1C000] =	vst v63  }
.LBB2_17:
0x109: {  	_ =	swait.ge [sflag:s22], $0x2000  }
0x10a: {  	[sflag:s22] =	ssyncset.done $0x0  }
0x10b: {  	[sflag:s22] =	ssyncadd.s32 $0xFFFFE000  }
0x10c: {  	_ =	swait.ge [sflag:s22], $0x800  }
0x10d: {  	[sflag:s22] =	ssyncset.done $0x0  }
0x10e: {  	s6 =	simm.s32 $0xB040;
	[sflag:s22] =	ssyncadd.s32 $0xFFFFF800  }
0x10f: {  	s7 =	simm.s32 $0xA010;
	v2 =	vld [tilespmem:s6+$0xFFFFFFD0]  }
0x110: {  	v4 =	vld [tilespmem:s7+$0xFFFFFFF0]  }
0x111: {  	v3 =	vld [tilespmem:s6+$0xFFFFFFE0]  }
0x112: {  	v5 =	vld [tilespmem:s6+$0xFFFFFFF0]  }
0x113: {  	v6 =	vld [tilespmem:s6+$0xFFFFFFC0];
	_ =	sdelay $0x1  }
0x114: {  	v2 =	vmul.f32 v2, v4  }
0x115: {  	v3 =	vmul.f32 v3, v4  }
0x116: {  	v5 =	vmul.f32 v5, v4;
	[tilespmem:s6+$0xFFFFFFD0] =	vst v2  }
0x117: {  	v4 =	vmul.f32 v6, v4;
	v6 =	vld [tilespmem:s6+$0x30];
	[tilespmem:s6+$0xFFFFFFE0] =	vst v3  }
0x118: {  	v3 =	vld [tilespmem:s6+$0x20];
	[tilespmem:s6+$0xFFFFFFF0] =	vst v5  }
0x119: {  	v2 =	vld [tilespmem:s6+$0x0];
	[tilespmem:s6+$0xFFFFFFC0] =	vst v4  }
0x11a: {  	v4 =	vld [tilespmem:s7+$0x0]  }
0x11b: {  	s11 =	simm.s32 $0x0;
	s9 =	simm.s32 $0xB040;
	v5 =	vld [tilespmem:s6+$0x10]  }
.LBB2_18:
0x11c: {  	_ =	sdelay $0x2  }
0x11d: {  	s11 =	sadd.s32 $0x2, s11;
	s7 =	sadd.s32 $0x20, s7;
	s6 =	sadd.s32 $0x80, s6;
	v3 =	vmul.f32 v3, v4;
	v6 =	vmul.f32 v6, v4  }
0x11e: {  	p2 =	slt.u32 s11, $0x7E;
	v2 =	vmul.f32 v2, v4;
	v4 =	vmul.f32 v5, v4  }
0x11f: {  	[tilespmem:s9+$0x20] =	vst v3  }
0x120: {  	v3 =	vld [tilespmem:s6+$0xFFFFFFF0];
	[tilespmem:s9+$0x30] =	vst v6  }
0x121: {  	v5 =	vld [tilespmem:s6+$0xFFFFFFE0];
	[tilespmem:s9+$0x0] =	vst v2  }
0x122: {  	v2 =	vld [tilespmem:s6+$0xFFFFFFD0];
	[tilespmem:s9+$0x10] =	vst v4;
	s9 =	smov.u32 s6  }
0x123: {  	v4 =	vld [tilespmem:s7+$0xFFFFFFF0]  }
0x124: {  	v6 =	vld [tilespmem:s6+$0xFFFFFFC0];
	_ =	sdelay $0x3  }
0x125: {  	v2 =	vmul.f32 v2, v4;
	v5 =	vmul.f32 v5, v4  }
0x126: {  	v6 =	vmul.f32 v6, v4;
	v4 =	vmul.f32 v3, v4  }
0x127: {  	[tilespmem:s6+$0xFFFFFFD0] =	vst v2  }
.Ltmp10:
0x128: {  	[tilespmem:s6+$0xFFFFFFE0] =	vst v5;
	v3 =	vld [tilespmem:s6+$0x20];
	(pc) =	sbr.rel @p2 .LBB2_18-.Ltmp10, $4  }
0x129: {  	[tilespmem:s6+$0xFFFFFFF0] =	vst v4;
	v2 =	vld [tilespmem:s6+$0x0]  }
0x12a: {  	[tilespmem:s6+$0xFFFFFFC0] =	vst v6;
	v6 =	vld [tilespmem:s6+$0x30]  }
0x12b: {  	v4 =	vld [tilespmem:s7+$0x0]  }
0x12c: {  	v5 =	vld [tilespmem:s6+$0x10]  }
0x12d: {  	_ =	sdelay $0x2  }
0x12e: {  	v3 =	vmul.f32 v3, v4  }
0x12f: {  	v6 =	vmul.f32 v6, v4  }
0x130: {  	v2 =	vmul.f32 v2, v4;
	[tilespmem:s9+$0x20] =	vst v3  }
0x131: {  	s6 =	sshll.u32 s2, $0x8;
	v3 =	vmul.f32 v5, v4;
	[tilespmem:s9+$0x30] =	vst v6  }
0x132: {  	s7 =	sand.u32 $0x3FFFFF00, s6;
	[tilespmem:s9+$0x0] =	vst v2  }
0x133: {  	p2 =	seq.s32 s2, $0x4F;
	s6 =	sadd.s32 $0x5000, s7;
	[tilespmem:s9+$0x10] =	vst v3  }
0x134: {  	[spmem:s1] =	stream.indirect.scatter.add.f32 [tilespmem:s18], [sflag:$0x3], $0x40, s6, s19, $0xb8;
	[tilespmem:$0x1C000] =	vst v63  }
0x135: {  	s12 =	simm.s32 @!p2 $0x80;
	s6 =	sshll.u32 s2, $0x1  }
0x136: {  	s13 =	simm.s32 @!p2 $0xB000;
	_ =	swait.ge [sflag:s16], $0x2000;
	s9 =	sadd.s32 @!p2 $0x2, s6  }
0x137: {  	[sflag:s16] =	ssyncset.done $0x0;
	s11 =	sshll.u32 @!p2 s9, $0x7;
	s9 =	sshll.u32 @!p2 s9, $0xB  }
0x138: {  	[sflag:s16] =	ssyncadd.s32 $0xFFFFE000;
	s11 =	sand.u32 @!p2 $0x3FFFFF80, s11;
	s9 =	sadd.s32 @!p2 s10, s9  }
0x139: {  	[tilespmem:s13], [sflag:$0x1] =	stream.indirect.gather @!p2 [hbm4b:s24+s12], $0x40, s11, s12, $0xb8;
	[tilespmem:$0x1C000] =	vst v63  }
0x13a: {  	s9 =	sshrl.u32 @!p2 s9, $0x3  }
0x13b: {  	s11 =	simm.s32 @!p2 $0x0;
	s12 =	simm.s32 @!p2 $0xA000;
	s9 =	sadd.s32 @!p2 s5, s9  }
0x13c: {  	[tilespmem:s12], [sflag:$0x1] =	stream.linear.gather @!p2 [hbm4b:s9+s11], $0x800, $0x38;
	[tilespmem:$0x1C000] =	vst v63  }
0x13d: {  	_ =	swait.ge [sflag:s25], $0x2000  }
0x13e: {  	[sflag:s25] =	ssyncset.done $0x0  }
0x13f: {  	[sflag:s25] =	ssyncadd.s32 $0xFFFFE000  }
0x140: {  	_ =	swait.ge [sflag:s25], $0x800  }
0x141: {  	[sflag:s25] =	ssyncset.done $0x0  }
0x142: {  	s9 =	simm.s32 $0xD070;
	[sflag:s25] =	ssyncadd.s32 $0xFFFFF800  }
0x143: {  	s11 =	simm.s32 $0xA810;
	v2 =	vld [tilespmem:s9+$0xFFFFFFA0]  }
0x144: {  	v4 =	vld [tilespmem:s11+$0xFFFFFFF0]  }
0x145: {  	v3 =	vld [tilespmem:s9+$0xFFFFFFB0]  }
0x146: {  	v5 =	vld [tilespmem:s9+$0xFFFFFFC0]  }
0x147: {  	v6 =	vld [tilespmem:s9+$0xFFFFFF90];
	_ =	sdelay $0x1  }
0x148: {  	v2 =	vmul.f32 v2, v4  }
0x149: {  	v3 =	vmul.f32 v3, v4  }
0x14a: {  	v5 =	vmul.f32 v5, v4;
	[tilespmem:s9+$0xFFFFFFA0] =	vst v2  }
0x14b: {  	v4 =	vmul.f32 v6, v4;
	v6 =	vld [tilespmem:s9+$0x0];
	[tilespmem:s9+$0xFFFFFFB0] =	vst v3  }
0x14c: {  	v3 =	vld [tilespmem:s9+$0xFFFFFFF0];
	[tilespmem:s9+$0xFFFFFFC0] =	vst v5  }
0x14d: {  	v2 =	vld [tilespmem:s9+$0xFFFFFFD0];
	[tilespmem:s9+$0xFFFFFF90] =	vst v4  }
0x14e: {  	v4 =	vld [tilespmem:s11+$0x0]  }
0x14f: {  	s13 =	simm.s32 $0x0;
	s12 =	simm.s32 $0xD070;
	v5 =	vld [tilespmem:s9+$0xFFFFFFE0]  }
.LBB2_20:
0x150: {  	_ =	sdelay $0x2  }
0x151: {  	s13 =	sadd.s32 $0x2, s13;
	s11 =	sadd.s32 $0x20, s11;
	s9 =	sadd.s32 $0x80, s9;
	v3 =	vmul.f32 v3, v4;
	v6 =	vmul.f32 v6, v4  }
0x152: {  	p3 =	slt.u32 s13, $0x7E;
	v2 =	vmul.f32 v2, v4;
	v4 =	vmul.f32 v5, v4  }
0x153: {  	[tilespmem:s12+$0xFFFFFFF0] =	vst v3  }
0x154: {  	v3 =	vld [tilespmem:s9+$0xFFFFFFC0];
	[tilespmem:s12+$0x0] =	vst v6  }
0x155: {  	v5 =	vld [tilespmem:s9+$0xFFFFFFB0];
	[tilespmem:s12+$0xFFFFFFD0] =	vst v2  }
0x156: {  	v2 =	vld [tilespmem:s9+$0xFFFFFFA0];
	[tilespmem:s12+$0xFFFFFFE0] =	vst v4;
	s12 =	smov.u32 s9  }
0x157: {  	v4 =	vld [tilespmem:s11+$0xFFFFFFF0]  }
0x158: {  	v6 =	vld [tilespmem:s9+$0xFFFFFF90];
	_ =	sdelay $0x3  }
0x159: {  	v2 =	vmul.f32 v2, v4;
	v5 =	vmul.f32 v5, v4  }
0x15a: {  	v6 =	vmul.f32 v6, v4;
	v4 =	vmul.f32 v3, v4  }
0x15b: {  	[tilespmem:s9+$0xFFFFFFA0] =	vst v2  }
.Ltmp11:
0x15c: {  	[tilespmem:s9+$0xFFFFFFB0] =	vst v5;
	v3 =	vld [tilespmem:s9+$0xFFFFFFF0];
	(pc) =	sbr.rel @p3 .LBB2_20-.Ltmp11, $4  }
0x15d: {  	[tilespmem:s9+$0xFFFFFFC0] =	vst v4;
	v2 =	vld [tilespmem:s9+$0xFFFFFFD0]  }
0x15e: {  	[tilespmem:s9+$0xFFFFFF90] =	vst v6;
	v6 =	vld [tilespmem:s9+$0x0]  }
0x15f: {  	v4 =	vld [tilespmem:s11+$0x0]  }
0x160: {  	v5 =	vld [tilespmem:s9+$0xFFFFFFE0]  }
0x161: {  	_ =	sdelay $0x2  }
0x162: {  	v3 =	vmul.f32 v3, v4  }
0x163: {  	v6 =	vmul.f32 v6, v4  }
0x164: {  	v2 =	vmul.f32 v2, v4;
	[tilespmem:s12+$0xFFFFFFF0] =	vst v3  }
0x165: {  	v3 =	vmul.f32 v5, v4;
	[tilespmem:s12+$0x0] =	vst v6  }
0x166: {  	[tilespmem:s12+$0xFFFFFFD0] =	vst v2  }
.Ltmp12:
0x167: {  	s7 =	sadd.s32 $0x5080, s7;
	[tilespmem:s12+$0xFFFFFFE0] =	vst v3;
	(pc) =	sbr.rel @p2 .LBB2_23-.Ltmp12, $4  }
0x168: {  	[spmem:s1] =	stream.indirect.scatter.add.f32 [tilespmem:s20], [sflag:$0x3], $0x40, s7, s19, $0xb8;
	[tilespmem:$0x1C000] =	vst v63  }
0x169: {  	_ =	swait.ge [sflag:s16], $0x2000  }
0x16a: {  	[sflag:s16] =	ssyncset.done $0x0  }
0x16b: {  	[sflag:s16] =	ssyncadd.s32 $0xFFFFE000  }
0x16c: {  	s6 =	sadd.s32 $0x3, s6  }
0x16d: {  	s7 =	sshll.u32 s6, $0x7;
	s6 =	sshll.u32 s6, $0xB  }
.Ltmp13:
0x16e: {  	s7 =	sand.u32 $0x3FFFFF80, s7;
	s6 =	sadd.s32 s10, s6;
	(pc) =	sbr.rel .LBB2_17-.Ltmp13, $4  }
0x16f: {  	[tilespmem:s20], [sflag:$0x2] =	stream.indirect.gather [hbm4b:s24+s19], $0x40, s7, s19, $0xb8;
	[tilespmem:$0x1C000] =	vst v63  }
0x170: {  	s6 =	sshrl.u32 s6, $0x3  }
0x171: {  	s2 =	sadd.s32 $0x1, s2;
	s6 =	sadd.s32 s5, s6  }
0x172: {  	[tilespmem:s21], [sflag:$0x2] =	stream.linear.gather [hbm4b:s6+s4], $0x800, $0x38;
	[tilespmem:$0x1C000] =	vst v63  }
.LBB2_15:
0x173: {  	[bflag:$0x0] =	sbarrier.arrive $0xFFFF  }
0x174: {  	s2 =	simm.s32 @p1 $0x1FC3;
	s6 =	rddreg [dreg:$0x14]  }
0x175: {  	[hbm:s6], [sflag:s2] =	dma.local @p1 [spmem:s31], $0xC80  }
0x176: {  	s6 =	simm.s32 @p1 $0x3  }
0x177: {  	_ =	swait.ge @p1 [sflag:s6], $0xC80  }
0x178: {  	[sflag:s6] =	ssyncset.done @p1 $0x0;
	s7 =	rddreg [dreg:$0x15]  }
0x179: {  	s9 =	rddreg [dreg:$0x16];
	[sflag:s6] =	ssyncadd.s32 @p1 $0xFFFFF380  }
0x17a: {  	[hbm:s7], [sflag:s2] =	dma.local @p1 [spmem:s9], $0x320  }
0x17b: {  	_ =	swait.ge @p1 [sflag:s6], $0x320  }
0x17c: {  	[sflag:s6] =	ssyncset.done @p1 $0x0  }
0x17d: {  	s2 =	rddreg [dreg:$0x11];
	[sflag:s6] =	ssyncadd.s32 @p1 $0xFFFFFCE0  }
0x17e: {  	[hbm:s2], [sflag:s28] =	dma.local @!p1 [spmem:s30], $0x1400  }
0x17f: {  	s2 =	simm.s32 @!p1 $0x3  }
0x180: {  	_ =	swait.ge @!p1 [sflag:s2], $0x1400  }
0x181: {  	[sflag:s2] =	ssyncset.done @!p1 $0x0;
	s6 =	rddreg [dreg:$0x12]  }
.Ltmp14:
0x182: {  	s7 =	rddreg [dreg:$0x17];
	[sflag:s2] =	ssyncadd.s32 @!p1 $0xFFFFEC00;
	(pc) =	sbr.rel .LBB2_24-.Ltmp14, $4  }
0x183: {  	[hbm:s6], [sflag:s28] =	dma.local @!p1 [spmem:s7], $0x500  }
0x184: {  	_ =	swait.ge @!p1 [sflag:s2], $0x500  }
0x185: {  	[sflag:s2] =	ssyncset.done @!p1 $0x0  }
0x186: {  	[sflag:s2] =	ssyncadd.s32 @!p1 $0xFFFFFB00  }
.LBB2_25:
0x187: {  	_ =	sfence.sel $0x180000  }
0x188: {  	[bflag:$0x0] =	sbarrier.arrive $0xFFFF  }
0x189: {  	_ =	strace $0x90000047  }
0x18a: {  	s0 =	stileid.u32;
	[bflag:$0x2] =	sbarrier.arrive $0xFFFF  }
0x18b: {  	p0 =	sne.s32 s0, $0x0;
	s0 =	rddreg [dreg:$0x4]  }
0x18c: {  	s0 =	sadd.s32 @!p0 $0x100000, s0  }
0x18d: {  	[sflag:s0] =	ssyncadd.tile.s32 @!p0 $0x1;
	_ =	shalt  }
.Lfunc_end2:
_tile_overlayer_lowered:
.L_overlay_start_2:
0x18e: {  	(tag) =	ssettag $0x2  }
0x18f: {  	s0 =	rddreg [dreg:$0x0];
	s2 =	stileid.u32  }
0x190: {  	s1 =	rddreg [dreg:$0x1];
	p0 =	sne.s32 s2, $0x0  }
0x191: {  	s3 =	rddreg [dreg:$0x2];
	[bflag:$0x3] =	sbarrier.arrive $0xFFFF;
	s2 =	simm.s32 @!p0 $0x1C03  }
0x192: {  	[timem:s3], [sflag:s2] =	dma.local @!p0 [hbm:s0], s1  }
0x193: {  	s0 =	simm.s32 @!p0 $0x3  }
0x194: {  	_ =	swait.ge @!p0 [sflag:s0], s1  }
0x195: {  	s1 =	ssub.s32 @!p0 $0x0, s1;
	[sflag:s0] =	ssyncset.done @!p0 $0x0  }
0x196: {  	[sflag:s0] =	ssyncadd.s32 @!p0 s1  }
0x197: {  	[bflag:$0x3] =	sbarrier.arrive $0xFFFF  }
0x198: {  	_ =	shalt  }

</sc_bundles>
